<compile_context>
chip_gen: v7x
topology: tpu7x:2x2x1
jax: 0.10.2.dev20260603
libtpu: 0.0.44.dev20260713+nightly
codegen_flags: <defaults>
</compile_context>

<pallas_src>
import functools

import jax
import jax.numpy as jnp
from jax import lax
from jax.experimental import pallas as pl
from jax.experimental.pallas import tpu as pltpu
from jax.experimental.pallas import tpu_sc as plsc

_NUM_EMB = 100000
_D = 128
_B = 16384
_BLK = 2048

_NC = 2
_NS = 16
_NW = _NC * _NS
_EPW = _NUM_EMB // _NW
_WTBL = 3136
_LROWS = 28
_CH = 128


def _dense_body(ctx_ref, emb_ref, wc_ref, bc_ref, wd_ref, bd_ref, out_ref):
    ctx = ctx_ref[...]
    emb = emb_ref[...]
    ct = lax.dot_general(ctx, wc_ref[...], (((1,), (1,)), ((), ())),
                         preferred_element_type=jnp.float32) + bc_ref[...]
    ct = 1.0 / (1.0 + jnp.exp(-ct))
    dl = lax.dot_general(emb, wd_ref[...], (((1,), (1,)), ((), ())),
                         preferred_element_type=jnp.float32) + bd_ref[...]
    dl = dl * ct
    dl = 1.0 / (1.0 + jnp.exp(-dl))
    u = dl * emb + (1.0 - dl) * ct
    nrm = jnp.sqrt(jnp.sum(u * u, axis=1, keepdims=True))
    out_ref[...] = u / jnp.maximum(nrm, 1e-12)


_dense = pl.pallas_call(
    _dense_body,
    grid=(_B // _BLK,),
    in_specs=[
        pl.BlockSpec((_BLK, _D), lambda i: (i, 0)),
        pl.BlockSpec((_BLK, _D), lambda i: (i, 0)),
        pl.BlockSpec((_D, _D), lambda i: (0, 0)),
        pl.BlockSpec((1, _D), lambda i: (0, 0)),
        pl.BlockSpec((_D, _D), lambda i: (0, 0)),
        pl.BlockSpec((1, _D), lambda i: (0, 0)),
    ],
    out_specs=pl.BlockSpec((_BLK, _D), lambda i: (i, 0)),
    out_shape=jax.ShapeDtypeStruct((_B, _D), jnp.float32),
)


@functools.partial(
    pl.kernel,
    mesh=plsc.VectorSubcoreMesh(core_axis_name="c", subcore_axis_name="s"),
    out_type=(
        jax.ShapeDtypeStruct((_NW, _LROWS, _CH), jnp.int32),
        jax.ShapeDtypeStruct((_NW, _LROWS, _CH), jnp.int32),
        jax.ShapeDtypeStruct((_NW, 128), jnp.int32),
    ),
    scratch_types=[
        pltpu.VMEM((_B,), jnp.int32),
        pltpu.VMEM((_WTBL,), jnp.int32),
        pltpu.VMEM((_LROWS, _CH), jnp.int32),
        pltpu.VMEM((_LROWS, _CH), jnp.int32),
        pltpu.VMEM((128,), jnp.int32),
    ],
    compiler_params=pltpu.CompilerParams(needs_layout_passes=False),
)
def _winner_k(idx_hbm, el_hbm, bl_hbm, cnt_hbm,
              idx_v, wtbl, el2, bl2, cnt_v):
    wid = lax.axis_index("s") * _NC + lax.axis_index("c")
    lo = wid * _EPW
    iot = lax.iota(jnp.int32, 16)

    pltpu.sync_copy(idx_hbm, idx_v)

    zero = jnp.zeros((16,), jnp.int32)

    def _clear(i, c):
        wtbl[pl.ds(i * 16, 16)] = zero
        return c
    lax.fori_loop(0, _WTBL // 16, _clear, 0)

    def _scan(c4, carry):
        for u in range(4):
            c = c4 * 4 + u
            iv = idx_v[pl.ds(c * 16, 16)]
            _, lastm = plsc.scan_count(iv)
            own = (iv >= lo) & (iv < lo + _EPW) & lastm
            loc = jnp.where(own, iv - lo, _EPW)
            bv = c * 16 + iot + 1
            plsc.store_scatter(wtbl, [loc], bv, mask=own)
        return carry
    lax.fori_loop(0, _B // 64, _scan, 0)

    def _compact(c, n):
        wv = wtbl[pl.ds(c * 16, 16)]
        m = wv > 0
        mi = m.astype(jnp.int32)
        ev = lo + c * 16 + iot
        incl = plsc.cumsum(mi)
        pos = n + incl - 1
        r = lax.shift_right_logical(pos, 7)
        col = pos & 127
        plsc.store_scatter(el2, [r, col], ev, mask=m)
        plsc.store_scatter(bl2, [r, col], wv - 1, mask=m)
        return n + lax.reduce_sum(mi, (0,))
    n = lax.fori_loop(0, _WTBL // 16, _compact, jnp.int32(0))

    last = jnp.maximum(n - 1, 0)
    lr = jnp.full((16,), lax.shift_right_logical(last, 7), jnp.int32)
    lc = jnp.full((16,), last & 127, jnp.int32)
    e0 = plsc.load_gather(el2, [lr, lc])
    b0 = plsc.load_gather(bl2, [lr, lc])
    for k in range(8):
        posv = n + k * 16 + iot
        pr = lax.shift_right_logical(posv, 7)
        pc = posv & 127
        plsc.store_scatter(el2, [pr, pc], e0)
        plsc.store_scatter(bl2, [pr, pc], b0)

    cnt_v[pl.ds(0, 16)] = jnp.full((16,), n, jnp.int32)
    pltpu.sync_copy(el2, el_hbm.at[wid])
    pltpu.sync_copy(bl2, bl_hbm.at[wid])
    pltpu.sync_copy(cnt_v, cnt_hbm.at[wid])


@functools.partial(
    pl.kernel,
    mesh=plsc.VectorSubcoreMesh(core_axis_name="c", subcore_axis_name="s"),
    out_type=(),
    scratch_types=[
        pltpu.VMEM((_LROWS, _CH), jnp.int32),
        pltpu.VMEM((_LROWS, _CH), jnp.int32),
        pltpu.VMEM((128,), jnp.int32),
        pltpu.VMEM((4, _CH, _D), jnp.float32),
        pltpu.SemaphoreType.DMA,
        pltpu.SemaphoreType.DMA,
    ],
    compiler_params=pltpu.CompilerParams(needs_layout_passes=False),
)
def _emit_k(el_hbm, bl_hbm, cnt_hbm, rows_hbm, out_hbm,
            el2, bl2, cnt_v, rowbuf, sem_g, sem_s):
    wid = lax.axis_index("s") * _NC + lax.axis_index("c")
    pltpu.sync_copy(el_hbm.at[wid], el2)
    pltpu.sync_copy(bl_hbm.at[wid], bl2)
    pltpu.sync_copy(cnt_hbm.at[wid], cnt_v)
    zv = jnp.zeros((16,), jnp.int32)
    n = lax.reduce_max(plsc.load_gather(cnt_v, [zv]), (0,))
    nch = lax.shift_right_logical(n + 127, 7)

    gh = [None] * _LROWS
    sh = [None] * _LROWS
    for c in range(_LROWS + 1):
        if c >= 4 and sh[c - 4] is not None:
            @pl.when(c - 4 < nch)
            def _(c=c):
                sh[c - 4].wait()
        if c < _LROWS:
            gh[c] = pltpu.make_async_copy(
                rows_hbm.at[bl2.at[c]], rowbuf.at[c % 4], sem_g)

            @pl.when(c < nch)
            def _(c=c):
                gh[c].start()
        if c >= 1:
            sh[c - 1] = pltpu.make_async_copy(
                rowbuf.at[(c - 1) % 4], out_hbm.at[el2.at[c - 1]], sem_s)

            @pl.when(c - 1 < nch)
            def _(c=c):
                gh[c - 1].wait()
                sh[c - 1].start()
    for c in range(max(_LROWS - 3, 0), _LROWS):
        @pl.when(c < nch)
        def _(c=c):
            sh[c].wait()


def kernel(inputs, context, table, W_ctx, b_ctx, W_delta, b_delta):
    emb = jnp.take(table, inputs, axis=0)
    rows = _dense(context, emb, W_ctx, b_ctx.reshape(1, _D),
                  W_delta, b_delta.reshape(1, _D))
    el, bl, cnt = _winner_k(inputs)
    tbl = jax.new_ref(table)
    _emit_k(el, bl, cnt, rows, tbl)
    new_table = jax.freeze(tbl)
    return rows, new_table

# --- scband reference (transcript-rebuilt; emitter-appended) ---
"""Pipeline reference for scband-dynamic-entity-70489003262613 (READ-ONLY COPY).

The authoritative reference and input builder live on the scoring server;
editing this copy changes nothing except your own understanding.
"""

import jax, jax.numpy as jnp
import numpy as np

NUM_EMB = 100000
D = 128
B = 16384


def setup_inputs(seed: int = 0) -> dict:
    key = jax.random.key(seed)
    ks = jax.random.split(key, 6)
    inputs = jax.random.randint(ks[0], (B,), 0, NUM_EMB, dtype=jnp.int64 if jax.config.jax_enable_x64 else jnp.int32).astype(jnp.int32)
    context = jax.random.normal(ks[1], (B, D), dtype=jnp.float32)
    table = jax.random.normal(ks[2], (NUM_EMB, D), dtype=jnp.float32) * 0.02
    W_ctx = jax.random.normal(ks[3], (D, D), dtype=jnp.float32) * (1.0 / np.sqrt(D))
    b_ctx = jnp.zeros((D,), dtype=jnp.float32)
    W_delta = jax.random.normal(ks[4], (D, D), dtype=jnp.float32) * (1.0 / np.sqrt(D))
    b_delta = jnp.zeros((D,), dtype=jnp.float32)
    return {"inputs": inputs, "context": context, "table": table,
            "W_ctx": W_ctx, "b_ctx": b_ctx, "W_delta": W_delta, "b_delta": b_delta}


def reference(inputs, context, table, W_ctx, b_ctx, W_delta, b_delta):
    # embedded = embedder(inputs)  -> gather rows from entity memory table
    embedded = jnp.take(table, inputs, axis=0)  # [B, D]
    # context_transformed = FeedForward(1 layer, sigmoid activation, dropout=0)
    context_transformed = jax.nn.sigmoid(context @ W_ctx.T + b_ctx)  # [B, D]
    # entity_delta = sigmoid(Linear(embedded) * context_transformed)
    entity_delta = jax.nn.sigmoid((embedded @ W_delta.T + b_delta) * context_transformed)
    entity_updated = entity_delta * embedded + (1.0 - entity_delta) * context_transformed
    # F.normalize(p=2, dim=-1) with torch eps=1e-12
    nrm = jnp.linalg.norm(entity_updated, ord=2, axis=-1, keepdims=True)
    norm_entity_delta = entity_updated / jnp.maximum(nrm, 1e-12)
    # embedder.update(inputs, norm_entity_delta): scatter-overwrite into memory table
    new_table = table.at[inputs].set(norm_entity_delta)
    return norm_entity_delta, new_table

if __name__ == "__main__":
    import jax
    _d = setup_inputs()
    print(jax.jit(kernel)(*tuple(_d.values())))

</pallas_src>

<mosaic_0001>
#map = affine_map<(d0, d1) -> (0)>
#map1 = affine_map<(d0, d1) -> (0, 0, 0)>
#map2 = affine_map<(d0, d1) -> (0, 0)>
module attributes {stable_mosaic.version = 14 : i64} {
  func.func @_winner_k(%arg0: i32, %arg1: i32, %arg2: memref<16384xi32, #tpu.memory_space<hbm>>, %arg3: memref<32x28x128xi32, #tpu.memory_space<hbm>>, %arg4: memref<32x28x128xi32, #tpu.memory_space<hbm>>, %arg5: memref<32x128xi32, #tpu.memory_space<hbm>>, %arg6: memref<16384xi32, #tpu.memory_space<vmem>>, %arg7: memref<3136xi32, #tpu.memory_space<vmem>>, %arg8: memref<28x128xi32, #tpu.memory_space<vmem>>, %arg9: memref<28x128xi32, #tpu.memory_space<vmem>>, %arg10: memref<128xi32, #tpu.memory_space<vmem>>) attributes {dimension_semantics = [#tpu.dimension_semantics<core_parallel>, #tpu.dimension_semantics<subcore_parallel>], iteration_bounds = array<i64: 2, 16>, scalar_prefetch = 0 : i64, scratch_operands = 5 : i64, tpu.core_type = #tpu.core_type<sc_vector_subcore>, window_params = [{transform_indices = #map}, {transform_indices = #map1}, {transform_indices = #map1}, {transform_indices = #map2}]} {
    %mul3A = arith.constant 2 : i32
    %mul3A_0 = arith.muli %arg1, %mul3A : i32
    %add3A = arith.addi %mul3A_0, %arg0 : i32
    %mul3A_1 = arith.constant 3125 : i32
    %mul3A_2 = arith.muli %add3A, %mul3A_1 : i32
    %iota3A = tpu.iota {dimensions = array<i32: 0>} : vector<16xi32>
    "tpu.region"() ({
      %run_scoped3A = tpu.sem_alloc : memref<!tpu.dma_semaphore, #tpu.memory_space<semaphore_mem>>
      tpu.enqueue_dma source(%arg2 : memref<16384xi32, #tpu.memory_space<hbm>>) target(%arg6 : memref<16384xi32, #tpu.memory_space<vmem>>) target_semaphore(%run_scoped3A : memref<!tpu.dma_semaphore, #tpu.memory_space<semaphore_mem>>)
      tpu.wait_dma2 semaphore(%run_scoped3A : memref<!tpu.dma_semaphore, #tpu.memory_space<semaphore_mem>>) src(%arg2 : memref<16384xi32, #tpu.memory_space<hbm>>) dst(%arg6 : memref<16384xi32, #tpu.memory_space<vmem>>)
      tpu.yield
    }) : () -> ()
    %broadcast_in_dim3A = arith.constant 0 : i32
    %broadcast_in_dim3A_3 = vector.broadcast %broadcast_in_dim3A : i32 to vector<16xi32>
    %scan3A = arith.constant 0 : i32
    %scan3A_4 = arith.constant 0 : i32
    %scan3A_5 = arith.constant 196 : i32
    %scan3A_6 = arith.addi %scan3A_4, %scan3A_5 : i32
    %scan3A_7 = arith.constant 1 : i32
    scf.for %scan3A_111 = %scan3A_4 to %scan3A_6 step %scan3A_7  : i32 {
      %mul3A_112 = arith.constant 16 : i32
      %mul3A_113 = arith.muli %scan3A_111, %mul3A_112 : i32
      %swap3A_114 = arith.index_cast %mul3A_113 : i32 to index
      %swap3A_115 = tpu.vector_load %arg7[%swap3A_114] {strides = array<i32>} : memref<3136xi32, #tpu.memory_space<vmem>>, vector<16xi32>,
      tpu.vector_store %arg7[%swap3A_114], %broadcast_in_dim3A_3 {strides = array<i32>} : memref<3136xi32, #tpu.memory_space<vmem>>, vector<16xi32>,
    }
    %scan3A_8 = arith.constant 196 : i32
    %scan3A_9 = arith.constant 0 : i32
    %scan3A_10 = arith.constant 0 : i32
    %scan3A_11 = arith.constant 256 : i32
    %scan3A_12 = arith.addi %scan3A_10, %scan3A_11 : i32
    %scan3A_13 = arith.constant 1 : i32
    scf.for %scan3A_111 = %scan3A_10 to %scan3A_12 step %scan3A_13  : i32 {
      %mul3A_112 = arith.constant 4 : i32
      %mul3A_113 = arith.muli %scan3A_111, %mul3A_112 : i32
      %add3A_114 = arith.constant 0 : i32
      %add3A_115 = arith.addi %mul3A_113, %add3A_114 : i32
      %mul3A_116 = arith.constant 16 : i32
      %mul3A_117 = arith.muli %add3A_115, %mul3A_116 : i32
      %get3A = arith.index_cast %mul3A_117 : i32 to index
      %get3A_118 = tpu.vector_load %arg6[%get3A] {strides = array<i32>} : memref<16384xi32, #tpu.memory_space<vmem>>, vector<16xi32>,
      %broadcast_in_dim3A_119 = arith.constant true
      %broadcast_in_dim3A_120 = vector.broadcast %broadcast_in_dim3A_119 : i1 to vector<16xi1>
      %unique3A, %unique3A_121 = tpu.scan_count mask(%broadcast_in_dim3A_120 : vector<16xi1>) value(%get3A_118 : vector<16xi32>) : vector<16xi1>, vector<16xi32>
      %ge3A = vector.broadcast %mul3A_2 : i32 to vector<16xi32>
      %ge3A_122 = arith.cmpi sge, %get3A_118, %ge3A : vector<16xi32>
      %add3A_123 = arith.constant 3125 : i32
      %add3A_124 = arith.addi %mul3A_2, %add3A_123 : i32
      %lt3A = vector.broadcast %add3A_124 : i32 to vector<16xi32>
      %lt3A_125 = arith.cmpi slt, %get3A_118, %lt3A : vector<16xi32>
      %and3A_126 = arith.andi %ge3A_122, %lt3A_125 : vector<16xi1>
      %and3A_127 = arith.andi %and3A_126, %unique3A : vector<16xi1>
      %sub3A_128 = vector.broadcast %mul3A_2 : i32 to vector<16xi32>
      %sub3A_129 = arith.subi %get3A_118, %sub3A_128 : vector<16xi32>
      %jit3A = arith.constant 3125 : i32
      %broadcast_in_dim3A_130 = vector.broadcast %jit3A : i32 to vector<16xi32>
      %select_n3A = arith.select %and3A_127, %sub3A_129, %broadcast_in_dim3A_130 : vector<16xi1>, vector<16xi32>
      %mul3A_131 = arith.constant 16 : i32
      %mul3A_132 = arith.muli %add3A_115, %mul3A_131 : i32
      %add3A_133 = vector.broadcast %mul3A_132 : i32 to vector<16xi32>
      %add3A_134 = arith.addi %add3A_133, %iota3A : vector<16xi32>
      %add3A_135 = arith.constant 1 : i32
      %add3A_136 = vector.broadcast %add3A_135 : i32 to vector<16xi32>
      %add3A_137 = arith.addi %add3A_134, %add3A_136 : vector<16xi32>
      tpu.vector_store_idx %arg7[%select_n3A], %add3A_137 masked %and3A_127 : memref<3136xi32, #tpu.memory_space<vmem>>[vector<16xi32>], vector<16xi32>, vector<16xi1>
      %mul3A_138 = arith.constant 4 : i32
      %mul3A_139 = arith.muli %scan3A_111, %mul3A_138 : i32
      %add3A_140 = arith.constant 1 : i32
      %add3A_141 = arith.addi %mul3A_139, %add3A_140 : i32
      %mul3A_142 = arith.constant 16 : i32
      %mul3A_143 = arith.muli %add3A_141, %mul3A_142 : i32
      %get3A_144 = arith.index_cast %mul3A_143 : i32 to index
      %get3A_145 = tpu.vector_load %arg6[%get3A_144] {strides = array<i32>} : memref<16384xi32, #tpu.memory_space<vmem>>, vector<16xi32>,
      %broadcast_in_dim3A_146 = arith.constant true
      %broadcast_in_dim3A_147 = vector.broadcast %broadcast_in_dim3A_146 : i1 to vector<16xi1>
      %unique3A_148, %unique3A_149 = tpu.scan_count mask(%broadcast_in_dim3A_147 : vector<16xi1>) value(%get3A_145 : vector<16xi32>) : vector<16xi1>, vector<16xi32>
      %ge3A_150 = vector.broadcast %mul3A_2 : i32 to vector<16xi32>
      %ge3A_151 = arith.cmpi sge, %get3A_145, %ge3A_150 : vector<16xi32>
      %add3A_152 = arith.constant 3125 : i32
      %add3A_153 = arith.addi %mul3A_2, %add3A_152 : i32
      %lt3A_154 = vector.broadcast %add3A_153 : i32 to vector<16xi32>
      %lt3A_155 = arith.cmpi slt, %get3A_145, %lt3A_154 : vector<16xi32>
      %and3A_156 = arith.andi %ge3A_151, %lt3A_155 : vector<16xi1>
      %and3A_157 = arith.andi %and3A_156, %unique3A_148 : vector<16xi1>
      %sub3A_158 = vector.broadcast %mul3A_2 : i32 to vector<16xi32>
      %sub3A_159 = arith.subi %get3A_145, %sub3A_158 : vector<16xi32>
      %jit3A_160 = arith.constant 3125 : i32
      %broadcast_in_dim3A_161 = vector.broadcast %jit3A_160 : i32 to vector<16xi32>
      %select_n3A_162 = arith.select %and3A_157, %sub3A_159, %broadcast_in_dim3A_161 : vector<16xi1>, vector<16xi32>
      %mul3A_163 = arith.constant 16 : i32
      %mul3A_164 = arith.muli %add3A_141, %mul3A_163 : i32
      %add3A_165 = vector.broadcast %mul3A_164 : i32 to vector<16xi32>
      %add3A_166 = arith.addi %add3A_165, %iota3A : vector<16xi32>
      %add3A_167 = arith.constant 1 : i32
      %add3A_168 = vector.broadcast %add3A_167 : i32 to vector<16xi32>
      %add3A_169 = arith.addi %add3A_166, %add3A_168 : vector<16xi32>
      tpu.vector_store_idx %arg7[%select_n3A_162], %add3A_169 masked %and3A_157 : memref<3136xi32, #tpu.memory_space<vmem>>[vector<16xi32>], vector<16xi32>, vector<16xi1>
      %mul3A_170 = arith.constant 4 : i32
      %mul3A_171 = arith.muli %scan3A_111, %mul3A_170 : i32
      %add3A_172 = arith.constant 2 : i32
      %add3A_173 = arith.addi %mul3A_171, %add3A_172 : i32
      %mul3A_174 = arith.constant 16 : i32
      %mul3A_175 = arith.muli %add3A_173, %mul3A_174 : i32
      %get3A_176 = arith.index_cast %mul3A_175 : i32 to index
      %get3A_177 = tpu.vector_load %arg6[%get3A_176] {strides = array<i32>} : memref<16384xi32, #tpu.memory_space<vmem>>, vector<16xi32>,
      %broadcast_in_dim3A_178 = arith.constant true
      %broadcast_in_dim3A_179 = vector.broadcast %broadcast_in_dim3A_178 : i1 to vector<16xi1>
      %unique3A_180, %unique3A_181 = tpu.scan_count mask(%broadcast_in_dim3A_179 : vector<16xi1>) value(%get3A_177 : vector<16xi32>) : vector<16xi1>, vector<16xi32>
      %ge3A_182 = vector.broadcast %mul3A_2 : i32 to vector<16xi32>
      %ge3A_183 = arith.cmpi sge, %get3A_177, %ge3A_182 : vector<16xi32>
      %add3A_184 = arith.constant 3125 : i32
      %add3A_185 = arith.addi %mul3A_2, %add3A_184 : i32
      %lt3A_186 = vector.broadcast %add3A_185 : i32 to vector<16xi32>
      %lt3A_187 = arith.cmpi slt, %get3A_177, %lt3A_186 : vector<16xi32>
      %and3A_188 = arith.andi %ge3A_183, %lt3A_187 : vector<16xi1>
      %and3A_189 = arith.andi %and3A_188, %unique3A_180 : vector<16xi1>
      %sub3A_190 = vector.broadcast %mul3A_2 : i32 to vector<16xi32>
      %sub3A_191 = arith.subi %get3A_177, %sub3A_190 : vector<16xi32>
      %jit3A_192 = arith.constant 3125 : i32
      %broadcast_in_dim3A_193 = vector.broadcast %jit3A_192 : i32 to vector<16xi32>
      %select_n3A_194 = arith.select %and3A_189, %sub3A_191, %broadcast_in_dim3A_193 : vector<16xi1>, vector<16xi32>
      %mul3A_195 = arith.constant 16 : i32
      %mul3A_196 = arith.muli %add3A_173, %mul3A_195 : i32
      %add3A_197 = vector.broadcast %mul3A_196 : i32 to vector<16xi32>
      %add3A_198 = arith.addi %add3A_197, %iota3A : vector<16xi32>
      %add3A_199 = arith.constant 1 : i32
      %add3A_200 = vector.broadcast %add3A_199 : i32 to vector<16xi32>
      %add3A_201 = arith.addi %add3A_198, %add3A_200 : vector<16xi32>
      tpu.vector_store_idx %arg7[%select_n3A_194], %add3A_201 masked %and3A_189 : memref<3136xi32, #tpu.memory_space<vmem>>[vector<16xi32>], vector<16xi32>, vector<16xi1>
      %mul3A_202 = arith.constant 4 : i32
      %mul3A_203 = arith.muli %scan3A_111, %mul3A_202 : i32
      %add3A_204 = arith.constant 3 : i32
      %add3A_205 = arith.addi %mul3A_203, %add3A_204 : i32
      %mul3A_206 = arith.constant 16 : i32
      %mul3A_207 = arith.muli %add3A_205, %mul3A_206 : i32
      %get3A_208 = arith.index_cast %mul3A_207 : i32 to index
      %get3A_209 = tpu.vector_load %arg6[%get3A_208] {strides = array<i32>} : memref<16384xi32, #tpu.memory_space<vmem>>, vector<16xi32>,
      %broadcast_in_dim3A_210 = arith.constant true
      %broadcast_in_dim3A_211 = vector.broadcast %broadcast_in_dim3A_210 : i1 to vector<16xi1>
      %unique3A_212, %unique3A_213 = tpu.scan_count mask(%broadcast_in_dim3A_211 : vector<16xi1>) value(%get3A_209 : vector<16xi32>) : vector<16xi1>, vector<16xi32>
      %ge3A_214 = vector.broadcast %mul3A_2 : i32 to vector<16xi32>
      %ge3A_215 = arith.cmpi sge, %get3A_209, %ge3A_214 : vector<16xi32>
      %add3A_216 = arith.constant 3125 : i32
      %add3A_217 = arith.addi %mul3A_2, %add3A_216 : i32
      %lt3A_218 = vector.broadcast %add3A_217 : i32 to vector<16xi32>
      %lt3A_219 = arith.cmpi slt, %get3A_209, %lt3A_218 : vector<16xi32>
      %and3A_220 = arith.andi %ge3A_215, %lt3A_219 : vector<16xi1>
      %and3A_221 = arith.andi %and3A_220, %unique3A_212 : vector<16xi1>
      %sub3A_222 = vector.broadcast %mul3A_2 : i32 to vector<16xi32>
      %sub3A_223 = arith.subi %get3A_209, %sub3A_222 : vector<16xi32>
      %jit3A_224 = arith.constant 3125 : i32
      %broadcast_in_dim3A_225 = vector.broadcast %jit3A_224 : i32 to vector<16xi32>
      %select_n3A_226 = arith.select %and3A_221, %sub3A_223, %broadcast_in_dim3A_225 : vector<16xi1>, vector<16xi32>
      %mul3A_227 = arith.constant 16 : i32
      %mul3A_228 = arith.muli %add3A_205, %mul3A_227 : i32
      %add3A_229 = vector.broadcast %mul3A_228 : i32 to vector<16xi32>
      %add3A_230 = arith.addi %add3A_229, %iota3A : vector<16xi32>
      %add3A_231 = arith.constant 1 : i32
      %add3A_232 = vector.broadcast %add3A_231 : i32 to vector<16xi32>
      %add3A_233 = arith.addi %add3A_230, %add3A_232 : vector<16xi32>
      tpu.vector_store_idx %arg7[%select_n3A_226], %add3A_233 masked %and3A_221 : memref<3136xi32, #tpu.memory_space<vmem>>[vector<16xi32>], vector<16xi32>, vector<16xi1>
    }
    %scan3A_14 = arith.constant 256 : i32
    %scan3A_15 = arith.constant 0 : i32
    %scan3A_16 = arith.constant 0 : i32
    %scan3A_17 = arith.constant 196 : i32
    %scan3A_18 = arith.addi %scan3A_16, %scan3A_17 : i32
    %scan3A_19 = arith.constant 1 : i32
    %scan3A_20 = scf.for %scan3A_111 = %scan3A_16 to %scan3A_18 step %scan3A_19 iter_args(%scan3A_112 = %scan3A_15) -> (i32)  : i32 {
      %mul3A_113 = arith.constant 16 : i32
      %mul3A_114 = arith.muli %scan3A_111, %mul3A_113 : i32
      %get3A = arith.index_cast %mul3A_114 : i32 to index
      %get3A_115 = tpu.vector_load %arg7[%get3A] {strides = array<i32>} : memref<3136xi32, #tpu.memory_space<vmem>>, vector<16xi32>,
      %gt3A = arith.constant 0 : i32
      %gt3A_116 = vector.broadcast %gt3A : i32 to vector<16xi32>
      %gt3A_117 = arith.cmpi sgt, %get3A_115, %gt3A_116 : vector<16xi32>
      %convert_element_type3A = arith.extui %gt3A_117 : vector<16xi1> to vector<16xi32>
      %mul3A_118 = arith.constant 16 : i32
      %mul3A_119 = arith.muli %scan3A_111, %mul3A_118 : i32
      %add3A_120 = arith.addi %mul3A_2, %mul3A_119 : i32
      %add3A_121 = vector.broadcast %add3A_120 : i32 to vector<16xi32>
      %add3A_122 = arith.addi %add3A_121, %iota3A : vector<16xi32>
      %broadcast_in_dim3A_123 = arith.constant true
      %broadcast_in_dim3A_124 = vector.broadcast %broadcast_in_dim3A_123 : i1 to vector<16xi1>
      %masked_cumsum3A = tpu.scan <sum>, %convert_element_type3A masked %broadcast_in_dim3A_124 : vector<16xi32>, vector<16xi1> -> vector<16xi32>
      %add3A_125 = vector.broadcast %scan3A_112 : i32 to vector<16xi32>
      %add3A_126 = arith.addi %add3A_125, %masked_cumsum3A : vector<16xi32>
      %sub3A_127 = arith.constant 1 : i32
      %sub3A_128 = vector.broadcast %sub3A_127 : i32 to vector<16xi32>
      %sub3A_129 = arith.subi %add3A_126, %sub3A_128 : vector<16xi32>
      %shift_right_logical3A_130 = arith.constant 7 : i32
      %shift_right_logical3A_131 = vector.broadcast %shift_right_logical3A_130 : i32 to vector<16xi32>
      %shift_right_logical3A_132 = arith.shrui %sub3A_129, %shift_right_logical3A_131 : vector<16xi32>
      %and3A_133 = arith.constant 127 : i32
      %and3A_134 = vector.broadcast %and3A_133 : i32 to vector<16xi32>
      %and3A_135 = arith.andi %sub3A_129, %and3A_134 : vector<16xi32>
      tpu.vector_store_idx %arg8[%shift_right_logical3A_132, %and3A_135], %add3A_122 masked %gt3A_117 : memref<28x128xi32, #tpu.memory_space<vmem>>[vector<16xi32>, vector<16xi32>], vector<16xi32>, vector<16xi1>
      %sub3A_136 = arith.constant 1 : i32
      %sub3A_137 = vector.broadcast %sub3A_136 : i32 to vector<16xi32>
      %sub3A_138 = arith.subi %get3A_115, %sub3A_137 : vector<16xi32>
      tpu.vector_store_idx %arg9[%shift_right_logical3A_132, %and3A_135], %sub3A_138 masked %gt3A_117 : memref<28x128xi32, #tpu.memory_space<vmem>>[vector<16xi32>, vector<16xi32>], vector<16xi32>, vector<16xi1>
      %reduce_sum3A = arith.constant true
      %reduce_sum3A_139 = vector.broadcast %reduce_sum3A : i1 to vector<16xi1>
      %reduce_sum3A_140 = tpu.scan <sum>, %convert_element_type3A masked %reduce_sum3A_139 : vector<16xi32>, vector<16xi1> -> vector<16xi32>
      %reduce_sum3A_141 = vector.extract %reduce_sum3A_140[15] : i32 from vector<16xi32>
      %add3A_142 = arith.addi %scan3A_112, %reduce_sum3A_141 : i32
      scf.yield %add3A_142 : i32
    }
    %scan3A_21 = arith.constant 196 : i32
    %sub3A = arith.constant 1 : i32
    %sub3A_22 = arith.subi %scan3A_20, %sub3A : i32
    %max3A = arith.constant 0 : i32
    %max3A_23 = arith.maxsi %sub3A_22, %max3A : i32
    %shift_right_logical3A = arith.constant 7 : i32
    %shift_right_logical3A_24 = arith.shrui %max3A_23, %shift_right_logical3A : i32
    %broadcast_in_dim3A_25 = vector.broadcast %shift_right_logical3A_24 : i32 to vector<16xi32>
    %and3A = arith.constant 127 : i32
    %and3A_26 = arith.andi %max3A_23, %and3A : i32
    %broadcast_in_dim3A_27 = vector.broadcast %and3A_26 : i32 to vector<16xi32>
    %gather3A = tpu.vector_load_idx %arg8[%broadcast_in_dim3A_25, %broadcast_in_dim3A_27] : memref<28x128xi32, #tpu.memory_space<vmem>>[vector<16xi32>, vector<16xi32>], vector<16xi32>,
    %gather3A_28 = tpu.vector_load_idx %arg9[%broadcast_in_dim3A_25, %broadcast_in_dim3A_27] : memref<28x128xi32, #tpu.memory_space<vmem>>[vector<16xi32>, vector<16xi32>], vector<16xi32>,
    %add3A_29 = arith.constant 0 : i32
    %add3A_30 = arith.addi %scan3A_20, %add3A_29 : i32
    %add3A_31 = vector.broadcast %add3A_30 : i32 to vector<16xi32>
    %add3A_32 = arith.addi %add3A_31, %iota3A : vector<16xi32>
    %shift_right_logical3A_33 = arith.constant 7 : i32
    %shift_right_logical3A_34 = vector.broadcast %shift_right_logical3A_33 : i32 to vector<16xi32>
    %shift_right_logical3A_35 = arith.shrui %add3A_32, %shift_right_logical3A_34 : vector<16xi32>
    %and3A_36 = arith.constant 127 : i32
    %and3A_37 = vector.broadcast %and3A_36 : i32 to vector<16xi32>
    %and3A_38 = arith.andi %add3A_32, %and3A_37 : vector<16xi32>
    tpu.vector_store_idx %arg8[%shift_right_logical3A_35, %and3A_38], %gather3A : memref<28x128xi32, #tpu.memory_space<vmem>>[vector<16xi32>, vector<16xi32>], vector<16xi32>,
    tpu.vector_store_idx %arg9[%shift_right_logical3A_35, %and3A_38], %gather3A_28 : memref<28x128xi32, #tpu.memory_space<vmem>>[vector<16xi32>, vector<16xi32>], vector<16xi32>,
    %add3A_39 = arith.constant 16 : i32
    %add3A_40 = arith.addi %scan3A_20, %add3A_39 : i32
    %add3A_41 = vector.broadcast %add3A_40 : i32 to vector<16xi32>
    %add3A_42 = arith.addi %add3A_41, %iota3A : vector<16xi32>
    %shift_right_logical3A_43 = arith.constant 7 : i32
    %shift_right_logical3A_44 = vector.broadcast %shift_right_logical3A_43 : i32 to vector<16xi32>
    %shift_right_logical3A_45 = arith.shrui %add3A_42, %shift_right_logical3A_44 : vector<16xi32>
    %and3A_46 = arith.constant 127 : i32
    %and3A_47 = vector.broadcast %and3A_46 : i32 to vector<16xi32>
    %and3A_48 = arith.andi %add3A_42, %and3A_47 : vector<16xi32>
    tpu.vector_store_idx %arg8[%shift_right_logical3A_45, %and3A_48], %gather3A : memref<28x128xi32, #tpu.memory_space<vmem>>[vector<16xi32>, vector<16xi32>], vector<16xi32>,
    tpu.vector_store_idx %arg9[%shift_right_logical3A_45, %and3A_48], %gather3A_28 : memref<28x128xi32, #tpu.memory_space<vmem>>[vector<16xi32>, vector<16xi32>], vector<16xi32>,
    %add3A_49 = arith.constant 32 : i32
    %add3A_50 = arith.addi %scan3A_20, %add3A_49 : i32
    %add3A_51 = vector.broadcast %add3A_50 : i32 to vector<16xi32>
    %add3A_52 = arith.addi %add3A_51, %iota3A : vector<16xi32>
    %shift_right_logical3A_53 = arith.constant 7 : i32
    %shift_right_logical3A_54 = vector.broadcast %shift_right_logical3A_53 : i32 to vector<16xi32>
    %shift_right_logical3A_55 = arith.shrui %add3A_52, %shift_right_logical3A_54 : vector<16xi32>
    %and3A_56 = arith.constant 127 : i32
    %and3A_57 = vector.broadcast %and3A_56 : i32 to vector<16xi32>
    %and3A_58 = arith.andi %add3A_52, %and3A_57 : vector<16xi32>
    tpu.vector_store_idx %arg8[%shift_right_logical3A_55, %and3A_58], %gather3A : memref<28x128xi32, #tpu.memory_space<vmem>>[vector<16xi32>, vector<16xi32>], vector<16xi32>,
    tpu.vector_store_idx %arg9[%shift_right_logical3A_55, %and3A_58], %gather3A_28 : memref<28x128xi32, #tpu.memory_space<vmem>>[vector<16xi32>, vector<16xi32>], vector<16xi32>,
    %add3A_59 = arith.constant 48 : i32
    %add3A_60 = arith.addi %scan3A_20, %add3A_59 : i32
    %add3A_61 = vector.broadcast %add3A_60 : i32 to vector<16xi32>
    %add3A_62 = arith.addi %add3A_61, %iota3A : vector<16xi32>
    %shift_right_logical3A_63 = arith.constant 7 : i32
    %shift_right_logical3A_64 = vector.broadcast %shift_right_logical3A_63 : i32 to vector<16xi32>
    %shift_right_logical3A_65 = arith.shrui %add3A_62, %shift_right_logical3A_64 : vector<16xi32>
    %and3A_66 = arith.constant 127 : i32
    %and3A_67 = vector.broadcast %and3A_66 : i32 to vector<16xi32>
    %and3A_68 = arith.andi %add3A_62, %and3A_67 : vector<16xi32>
    tpu.vector_store_idx %arg8[%shift_right_logical3A_65, %and3A_68], %gather3A : memref<28x128xi32, #tpu.memory_space<vmem>>[vector<16xi32>, vector<16xi32>], vector<16xi32>,
    tpu.vector_store_idx %arg9[%shift_right_logical3A_65, %and3A_68], %gather3A_28 : memref<28x128xi32, #tpu.memory_space<vmem>>[vector<16xi32>, vector<16xi32>], vector<16xi32>,
    %add3A_69 = arith.constant 64 : i32
    %add3A_70 = arith.addi %scan3A_20, %add3A_69 : i32
    %add3A_71 = vector.broadcast %add3A_70 : i32 to vector<16xi32>
    %add3A_72 = arith.addi %add3A_71, %iota3A : vector<16xi32>
    %shift_right_logical3A_73 = arith.constant 7 : i32
    %shift_right_logical3A_74 = vector.broadcast %shift_right_logical3A_73 : i32 to vector<16xi32>
    %shift_right_logical3A_75 = arith.shrui %add3A_72, %shift_right_logical3A_74 : vector<16xi32>
    %and3A_76 = arith.constant 127 : i32
    %and3A_77 = vector.broadcast %and3A_76 : i32 to vector<16xi32>
    %and3A_78 = arith.andi %add3A_72, %and3A_77 : vector<16xi32>
    tpu.vector_store_idx %arg8[%shift_right_logical3A_75, %and3A_78], %gather3A : memref<28x128xi32, #tpu.memory_space<vmem>>[vector<16xi32>, vector<16xi32>], vector<16xi32>,
    tpu.vector_store_idx %arg9[%shift_right_logical3A_75, %and3A_78], %gather3A_28 : memref<28x128xi32, #tpu.memory_space<vmem>>[vector<16xi32>, vector<16xi32>], vector<16xi32>,
    %add3A_79 = arith.constant 80 : i32
    %add3A_80 = arith.addi %scan3A_20, %add3A_79 : i32
    %add3A_81 = vector.broadcast %add3A_80 : i32 to vector<16xi32>
    %add3A_82 = arith.addi %add3A_81, %iota3A : vector<16xi32>
    %shift_right_logical3A_83 = arith.constant 7 : i32
    %shift_right_logical3A_84 = vector.broadcast %shift_right_logical3A_83 : i32 to vector<16xi32>
    %shift_right_logical3A_85 = arith.shrui %add3A_82, %shift_right_logical3A_84 : vector<16xi32>
    %and3A_86 = arith.constant 127 : i32
    %and3A_87 = vector.broadcast %and3A_86 : i32 to vector<16xi32>
    %and3A_88 = arith.andi %add3A_82, %and3A_87 : vector<16xi32>
    tpu.vector_store_idx %arg8[%shift_right_logical3A_85, %and3A_88], %gather3A : memref<28x128xi32, #tpu.memory_space<vmem>>[vector<16xi32>, vector<16xi32>], vector<16xi32>,
    tpu.vector_store_idx %arg9[%shift_right_logical3A_85, %and3A_88], %gather3A_28 : memref<28x128xi32, #tpu.memory_space<vmem>>[vector<16xi32>, vector<16xi32>], vector<16xi32>,
    %add3A_89 = arith.constant 96 : i32
    %add3A_90 = arith.addi %scan3A_20, %add3A_89 : i32
    %add3A_91 = vector.broadcast %add3A_90 : i32 to vector<16xi32>
    %add3A_92 = arith.addi %add3A_91, %iota3A : vector<16xi32>
    %shift_right_logical3A_93 = arith.constant 7 : i32
    %shift_right_logical3A_94 = vector.broadcast %shift_right_logical3A_93 : i32 to vector<16xi32>
    %shift_right_logical3A_95 = arith.shrui %add3A_92, %shift_right_logical3A_94 : vector<16xi32>
    %and3A_96 = arith.constant 127 : i32
    %and3A_97 = vector.broadcast %and3A_96 : i32 to vector<16xi32>
    %and3A_98 = arith.andi %add3A_92, %and3A_97 : vector<16xi32>
    tpu.vector_store_idx %arg8[%shift_right_logical3A_95, %and3A_98], %gather3A : memref<28x128xi32, #tpu.memory_space<vmem>>[vector<16xi32>, vector<16xi32>], vector<16xi32>,
    tpu.vector_store_idx %arg9[%shift_right_logical3A_95, %and3A_98], %gather3A_28 : memref<28x128xi32, #tpu.memory_space<vmem>>[vector<16xi32>, vector<16xi32>], vector<16xi32>,
    %add3A_99 = arith.constant 112 : i32
    %add3A_100 = arith.addi %scan3A_20, %add3A_99 : i32
    %add3A_101 = vector.broadcast %add3A_100 : i32 to vector<16xi32>
    %add3A_102 = arith.addi %add3A_101, %iota3A : vector<16xi32>
    %shift_right_logical3A_103 = arith.constant 7 : i32
    %shift_right_logical3A_104 = vector.broadcast %shift_right_logical3A_103 : i32 to vector<16xi32>
    %shift_right_logical3A_105 = arith.shrui %add3A_102, %shift_right_logical3A_104 : vector<16xi32>
    %and3A_106 = arith.constant 127 : i32
    %and3A_107 = vector.broadcast %and3A_106 : i32 to vector<16xi32>
    %and3A_108 = arith.andi %add3A_102, %and3A_107 : vector<16xi32>
    tpu.vector_store_idx %arg8[%shift_right_logical3A_105, %and3A_108], %gather3A : memref<28x128xi32, #tpu.memory_space<vmem>>[vector<16xi32>, vector<16xi32>], vector<16xi32>,
    tpu.vector_store_idx %arg9[%shift_right_logical3A_105, %and3A_108], %gather3A_28 : memref<28x128xi32, #tpu.memory_space<vmem>>[vector<16xi32>, vector<16xi32>], vector<16xi32>,
    %broadcast_in_dim3A_109 = vector.broadcast %scan3A_20 : i32 to vector<16xi32>
    %swap3A = arith.constant 0 : index
    %swap3A_110 = tpu.vector_load %arg10[%swap3A] {strides = array<i32>} : memref<128xi32, #tpu.memory_space<vmem>>, vector<16xi32>,
    tpu.vector_store %arg10[%swap3A], %broadcast_in_dim3A_109 {strides = array<i32>} : memref<128xi32, #tpu.memory_space<vmem>>, vector<16xi32>,
    "tpu.region"() ({
      %run_scoped3A = tpu.sem_alloc : memref<!tpu.dma_semaphore, #tpu.memory_space<semaphore_mem>>
      %dma_start3A = arith.constant 0 : i32
      %dma_start3A_111 = arith.constant 0 : i32
      %dma_start3A_112 = tpu.memref_slice %arg3[%add3A, %dma_start3A, %dma_start3A_111] : memref<32x28x128xi32, #tpu.memory_space<hbm>> -> memref<1x28x128xi32, #tpu.memory_space<hbm>>
      %dma_start3A_113 = tpu.memref_squeeze %dma_start3A_112 : memref<1x28x128xi32, #tpu.memory_space<hbm>> -> memref<28x128xi32, #tpu.memory_space<hbm>>
      %dma_start3A_114 = arith.constant 0 : i32
      %dma_start3A_115 = arith.constant 0 : i32
      %dma_start3A_116 = tpu.memref_slice %arg3[%add3A, %dma_start3A_114, %dma_start3A_115] : memref<32x28x128xi32, #tpu.memory_space<hbm>> -> memref<1x28x128xi32, #tpu.memory_space<hbm>>
      %dma_start3A_117 = tpu.memref_squeeze %dma_start3A_116 : memref<1x28x128xi32, #tpu.memory_space<hbm>> -> memref<28x128xi32, #tpu.memory_space<hbm>>
      tpu.enqueue_dma source(%arg8 : memref<28x128xi32, #tpu.memory_space<vmem>>) target(%dma_start3A_117 : memref<28x128xi32, #tpu.memory_space<hbm>>) target_semaphore(%run_scoped3A : memref<!tpu.dma_semaphore, #tpu.memory_space<semaphore_mem>>)
      %dma_wait3A = arith.constant 0 : i32
      %dma_wait3A_118 = arith.constant 0 : i32
      %dma_wait3A_119 = tpu.memref_slice %arg3[%add3A, %dma_wait3A, %dma_wait3A_118] : memref<32x28x128xi32, #tpu.memory_space<hbm>> -> memref<1x28x128xi32, #tpu.memory_space<hbm>>
      %dma_wait3A_120 = tpu.memref_squeeze %dma_wait3A_119 : memref<1x28x128xi32, #tpu.memory_space<hbm>> -> memref<28x128xi32, #tpu.memory_space<hbm>>
      %dma_wait3A_121 = arith.constant 0 : i32
      %dma_wait3A_122 = arith.constant 0 : i32
      %dma_wait3A_123 = tpu.memref_slice %arg3[%add3A, %dma_wait3A_121, %dma_wait3A_122] : memref<32x28x128xi32, #tpu.memory_space<hbm>> -> memref<1x28x128xi32, #tpu.memory_space<hbm>>
      %dma_wait3A_124 = tpu.memref_squeeze %dma_wait3A_123 : memref<1x28x128xi32, #tpu.memory_space<hbm>> -> memref<28x128xi32, #tpu.memory_space<hbm>>
      tpu.wait_dma2 semaphore(%run_scoped3A : memref<!tpu.dma_semaphore, #tpu.memory_space<semaphore_mem>>) src(%arg8 : memref<28x128xi32, #tpu.memory_space<vmem>>) dst(%dma_wait3A_124 : memref<28x128xi32, #tpu.memory_space<hbm>>)
      tpu.yield
    }) : () -> ()
    "tpu.region"() ({
      %run_scoped3A = tpu.sem_alloc : memref<!tpu.dma_semaphore, #tpu.memory_space<semaphore_mem>>
      %dma_start3A = arith.constant 0 : i32
      %dma_start3A_111 = arith.constant 0 : i32
      %dma_start3A_112 = tpu.memref_slice %arg4[%add3A, %dma_start3A, %dma_start3A_111] : memref<32x28x128xi32, #tpu.memory_space<hbm>> -> memref<1x28x128xi32, #tpu.memory_space<hbm>>
      %dma_start3A_113 = tpu.memref_squeeze %dma_start3A_112 : memref<1x28x128xi32, #tpu.memory_space<hbm>> -> memref<28x128xi32, #tpu.memory_space<hbm>>
      %dma_start3A_114 = arith.constant 0 : i32
      %dma_start3A_115 = arith.constant 0 : i32
      %dma_start3A_116 = tpu.memref_slice %arg4[%add3A, %dma_start3A_114, %dma_start3A_115] : memref<32x28x128xi32, #tpu.memory_space<hbm>> -> memref<1x28x128xi32, #tpu.memory_space<hbm>>
      %dma_start3A_117 = tpu.memref_squeeze %dma_start3A_116 : memref<1x28x128xi32, #tpu.memory_space<hbm>> -> memref<28x128xi32, #tpu.memory_space<hbm>>
      tpu.enqueue_dma source(%arg9 : memref<28x128xi32, #tpu.memory_space<vmem>>) target(%dma_start3A_117 : memref<28x128xi32, #tpu.memory_space<hbm>>) target_semaphore(%run_scoped3A : memref<!tpu.dma_semaphore, #tpu.memory_space<semaphore_mem>>)
      %dma_wait3A = arith.constant 0 : i32
      %dma_wait3A_118 = arith.constant 0 : i32
      %dma_wait3A_119 = tpu.memref_slice %arg4[%add3A, %dma_wait3A, %dma_wait3A_118] : memref<32x28x128xi32, #tpu.memory_space<hbm>> -> memref<1x28x128xi32, #tpu.memory_space<hbm>>
      %dma_wait3A_120 = tpu.memref_squeeze %dma_wait3A_119 : memref<1x28x128xi32, #tpu.memory_space<hbm>> -> memref<28x128xi32, #tpu.memory_space<hbm>>
      %dma_wait3A_121 = arith.constant 0 : i32
      %dma_wait3A_122 = arith.constant 0 : i32
      %dma_wait3A_123 = tpu.memref_slice %arg4[%add3A, %dma_wait3A_121, %dma_wait3A_122] : memref<32x28x128xi32, #tpu.memory_space<hbm>> -> memref<1x28x128xi32, #tpu.memory_space<hbm>>
      %dma_wait3A_124 = tpu.memref_squeeze %dma_wait3A_123 : memref<1x28x128xi32, #tpu.memory_space<hbm>> -> memref<28x128xi32, #tpu.memory_space<hbm>>
      tpu.wait_dma2 semaphore(%run_scoped3A : memref<!tpu.dma_semaphore, #tpu.memory_space<semaphore_mem>>) src(%arg9 : memref<28x128xi32, #tpu.memory_space<vmem>>) dst(%dma_wait3A_124 : memref<28x128xi32, #tpu.memory_space<hbm>>)
      tpu.yield
    }) : () -> ()
    "tpu.region"() ({
      %run_scoped3A = tpu.sem_alloc : memref<!tpu.dma_semaphore, #tpu.memory_space<semaphore_mem>>
      %dma_start3A = arith.constant 0 : i32
      %dma_start3A_111 = tpu.memref_slice %arg5[%add3A, %dma_start3A] : memref<32x128xi32, #tpu.memory_space<hbm>> -> memref<1x128xi32, #tpu.memory_space<hbm>>
      %dma_start3A_112 = tpu.memref_squeeze %dma_start3A_111 : memref<1x128xi32, #tpu.memory_space<hbm>> -> memref<128xi32, #tpu.memory_space<hbm>>
      %dma_start3A_113 = arith.constant 0 : i32
      %dma_start3A_114 = tpu.memref_slice %arg5[%add3A, %dma_start3A_113] : memref<32x128xi32, #tpu.memory_space<hbm>> -> memref<1x128xi32, #tpu.memory_space<hbm>>
      %dma_start3A_115 = tpu.memref_squeeze %dma_start3A_114 : memref<1x128xi32, #tpu.memory_space<hbm>> -> memref<128xi32, #tpu.memory_space<hbm>>
      tpu.enqueue_dma source(%arg10 : memref<128xi32, #tpu.memory_space<vmem>>) target(%dma_start3A_115 : memref<128xi32, #tpu.memory_space<hbm>>) target_semaphore(%run_scoped3A : memref<!tpu.dma_semaphore, #tpu.memory_space<semaphore_mem>>)
      %dma_wait3A = arith.constant 0 : i32
      %dma_wait3A_116 = tpu.memref_slice %arg5[%add3A, %dma_wait3A] : memref<32x128xi32, #tpu.memory_space<hbm>> -> memref<1x128xi32, #tpu.memory_space<hbm>>
      %dma_wait3A_117 = tpu.memref_squeeze %dma_wait3A_116 : memref<1x128xi32, #tpu.memory_space<hbm>> -> memref<128xi32, #tpu.memory_space<hbm>>
      %dma_wait3A_118 = arith.constant 0 : i32
      %dma_wait3A_119 = tpu.memref_slice %arg5[%add3A, %dma_wait3A_118] : memref<32x128xi32, #tpu.memory_space<hbm>> -> memref<1x128xi32, #tpu.memory_space<hbm>>
      %dma_wait3A_120 = tpu.memref_squeeze %dma_wait3A_119 : memref<1x128xi32, #tpu.memory_space<hbm>> -> memref<128xi32, #tpu.memory_space<hbm>>
      tpu.wait_dma2 semaphore(%run_scoped3A : memref<!tpu.dma_semaphore, #tpu.memory_space<semaphore_mem>>) src(%arg10 : memref<128xi32, #tpu.memory_space<vmem>>) dst(%dma_wait3A_120 : memref<128xi32, #tpu.memory_space<hbm>>)
      tpu.yield
    }) : () -> ()
    return
  }
}

#map = affine_map<(d0, d1) -> (0, 0, 0)>
#map1 = affine_map<(d0, d1) -> (0, 0)>
module attributes {stable_mosaic.version = 14 : i64} {
  func.func @new_body(%arg0: i32, %arg1: i32, %arg2: memref<32x28x128xi32, #tpu.memory_space<hbm>>, %arg3: memref<32x28x128xi32, #tpu.memory_space<hbm>>, %arg4: memref<32x128xi32, #tpu.memory_space<hbm>>, %arg5: memref<16384x128xf32, #tpu.memory_space<hbm>>, %arg6: memref<100000x128xf32, #tpu.memory_space<hbm>>, %arg7: memref<100000x128xf32, #tpu.memory_space<hbm>>, %arg8: memref<28x128xi32, #tpu.memory_space<vmem>>, %arg9: memref<28x128xi32, #tpu.memory_space<vmem>>, %arg10: memref<128xi32, #tpu.memory_space<vmem>>, %arg11: memref<4x128x128xf32, #tpu.memory_space<vmem>>, %arg12: memref<!tpu.dma_semaphore, #tpu.memory_space<semaphore_mem>>, %arg13: memref<!tpu.dma_semaphore, #tpu.memory_space<semaphore_mem>>) attributes {dimension_semantics = [#tpu.dimension_semantics<core_parallel>, #tpu.dimension_semantics<subcore_parallel>], iteration_bounds = array<i64: 2, 16>, scalar_prefetch = 0 : i64, scratch_operands = 6 : i64, tpu.core_type = #tpu.core_type<sc_vector_subcore>, window_params = [{transform_indices = #map}, {transform_indices = #map}, {transform_indices = #map1}, {transform_indices = #map1}, {transform_indices = #map1}, {transform_indices = #map1}]} {
    %mul3A = arith.constant 2 : i32
    %mul3A_0 = arith.muli %arg1, %mul3A : i32
    %add3A = arith.addi %mul3A_0, %arg0 : i32
    "tpu.region"() ({
      %run_scoped3A = tpu.sem_alloc : memref<!tpu.dma_semaphore, #tpu.memory_space<semaphore_mem>>
      %dma_start3A = arith.constant 0 : i32
      %dma_start3A_653 = arith.constant 0 : i32
      %dma_start3A_654 = tpu.memref_slice %arg2[%add3A, %dma_start3A, %dma_start3A_653] : memref<32x28x128xi32, #tpu.memory_space<hbm>> -> memref<1x28x128xi32, #tpu.memory_space<hbm>>
      %dma_start3A_655 = tpu.memref_squeeze %dma_start3A_654 : memref<1x28x128xi32, #tpu.memory_space<hbm>> -> memref<28x128xi32, #tpu.memory_space<hbm>>
      %dma_start3A_656 = arith.constant 0 : i32
      %dma_start3A_657 = arith.constant 0 : i32
      %dma_start3A_658 = tpu.memref_slice %arg2[%add3A, %dma_start3A_656, %dma_start3A_657] : memref<32x28x128xi32, #tpu.memory_space<hbm>> -> memref<1x28x128xi32, #tpu.memory_space<hbm>>
      %dma_start3A_659 = tpu.memref_squeeze %dma_start3A_658 : memref<1x28x128xi32, #tpu.memory_space<hbm>> -> memref<28x128xi32, #tpu.memory_space<hbm>>
      tpu.enqueue_dma source(%dma_start3A_659 : memref<28x128xi32, #tpu.memory_space<hbm>>) target(%arg8 : memref<28x128xi32, #tpu.memory_space<vmem>>) target_semaphore(%run_scoped3A : memref<!tpu.dma_semaphore, #tpu.memory_space<semaphore_mem>>)
      %dma_wait3A = arith.constant 0 : i32
      %dma_wait3A_660 = arith.constant 0 : i32
      %dma_wait3A_661 = tpu.memref_slice %arg2[%add3A, %dma_wait3A, %dma_wait3A_660] : memref<32x28x128xi32, #tpu.memory_space<hbm>> -> memref<1x28x128xi32, #tpu.memory_space<hbm>>
      %dma_wait3A_662 = tpu.memref_squeeze %dma_wait3A_661 : memref<1x28x128xi32, #tpu.memory_space<hbm>> -> memref<28x128xi32, #tpu.memory_space<hbm>>
      %dma_wait3A_663 = arith.constant 0 : i32
      %dma_wait3A_664 = arith.constant 0 : i32
      %dma_wait3A_665 = tpu.memref_slice %arg2[%add3A, %dma_wait3A_663, %dma_wait3A_664] : memref<32x28x128xi32, #tpu.memory_space<hbm>> -> memref<1x28x128xi32, #tpu.memory_space<hbm>>
      %dma_wait3A_666 = tpu.memref_squeeze %dma_wait3A_665 : memref<1x28x128xi32, #tpu.memory_space<hbm>> -> memref<28x128xi32, #tpu.memory_space<hbm>>
      tpu.wait_dma2 semaphore(%run_scoped3A : memref<!tpu.dma_semaphore, #tpu.memory_space<semaphore_mem>>) src(%dma_wait3A_666 : memref<28x128xi32, #tpu.memory_space<hbm>>) dst(%arg8 : memref<28x128xi32, #tpu.memory_space<vmem>>)
      tpu.yield
    }) : () -> ()
    "tpu.region"() ({
      %run_scoped3A = tpu.sem_alloc : memref<!tpu.dma_semaphore, #tpu.memory_space<semaphore_mem>>
      %dma_start3A = arith.constant 0 : i32
      %dma_start3A_653 = arith.constant 0 : i32
      %dma_start3A_654 = tpu.memref_slice %arg3[%add3A, %dma_start3A, %dma_start3A_653] : memref<32x28x128xi32, #tpu.memory_space<hbm>> -> memref<1x28x128xi32, #tpu.memory_space<hbm>>
      %dma_start3A_655 = tpu.memref_squeeze %dma_start3A_654 : memref<1x28x128xi32, #tpu.memory_space<hbm>> -> memref<28x128xi32, #tpu.memory_space<hbm>>
      %dma_start3A_656 = arith.constant 0 : i32
      %dma_start3A_657 = arith.constant 0 : i32
      %dma_start3A_658 = tpu.memref_slice %arg3[%add3A, %dma_start3A_656, %dma_start3A_657] : memref<32x28x128xi32, #tpu.memory_space<hbm>> -> memref<1x28x128xi32, #tpu.memory_space<hbm>>
      %dma_start3A_659 = tpu.memref_squeeze %dma_start3A_658 : memref<1x28x128xi32, #tpu.memory_space<hbm>> -> memref<28x128xi32, #tpu.memory_space<hbm>>
      tpu.enqueue_dma source(%dma_start3A_659 : memref<28x128xi32, #tpu.memory_space<hbm>>) target(%arg9 : memref<28x128xi32, #tpu.memory_space<vmem>>) target_semaphore(%run_scoped3A : memref<!tpu.dma_semaphore, #tpu.memory_space<semaphore_mem>>)
      %dma_wait3A = arith.constant 0 : i32
      %dma_wait3A_660 = arith.constant 0 : i32
      %dma_wait3A_661 = tpu.memref_slice %arg3[%add3A, %dma_wait3A, %dma_wait3A_660] : memref<32x28x128xi32, #tpu.memory_space<hbm>> -> memref<1x28x128xi32, #tpu.memory_space<hbm>>
      %dma_wait3A_662 = tpu.memref_squeeze %dma_wait3A_661 : memref<1x28x128xi32, #tpu.memory_space<hbm>> -> memref<28x128xi32, #tpu.memory_space<hbm>>
      %dma_wait3A_663 = arith.constant 0 : i32
      %dma_wait3A_664 = arith.constant 0 : i32
      %dma_wait3A_665 = tpu.memref_slice %arg3[%add3A, %dma_wait3A_663, %dma_wait3A_664] : memref<32x28x128xi32, #tpu.memory_space<hbm>> -> memref<1x28x128xi32, #tpu.memory_space<hbm>>
      %dma_wait3A_666 = tpu.memref_squeeze %dma_wait3A_665 : memref<1x28x128xi32, #tpu.memory_space<hbm>> -> memref<28x128xi32, #tpu.memory_space<hbm>>
      tpu.wait_dma2 semaphore(%run_scoped3A : memref<!tpu.dma_semaphore, #tpu.memory_space<semaphore_mem>>) src(%dma_wait3A_666 : memref<28x128xi32, #tpu.memory_space<hbm>>) dst(%arg9 : memref<28x128xi32, #tpu.memory_space<vmem>>)
      tpu.yield
    }) : () -> ()
    "tpu.region"() ({
      %run_scoped3A = tpu.sem_alloc : memref<!tpu.dma_semaphore, #tpu.memory_space<semaphore_mem>>
      %dma_start3A = arith.constant 0 : i32
      %dma_start3A_653 = tpu.memref_slice %arg4[%add3A, %dma_start3A] : memref<32x128xi32, #tpu.memory_space<hbm>> -> memref<1x128xi32, #tpu.memory_space<hbm>>
      %dma_start3A_654 = tpu.memref_squeeze %dma_start3A_653 : memref<1x128xi32, #tpu.memory_space<hbm>> -> memref<128xi32, #tpu.memory_space<hbm>>
      %dma_start3A_655 = arith.constant 0 : i32
      %dma_start3A_656 = tpu.memref_slice %arg4[%add3A, %dma_start3A_655] : memref<32x128xi32, #tpu.memory_space<hbm>> -> memref<1x128xi32, #tpu.memory_space<hbm>>
      %dma_start3A_657 = tpu.memref_squeeze %dma_start3A_656 : memref<1x128xi32, #tpu.memory_space<hbm>> -> memref<128xi32, #tpu.memory_space<hbm>>
      tpu.enqueue_dma source(%dma_start3A_657 : memref<128xi32, #tpu.memory_space<hbm>>) target(%arg10 : memref<128xi32, #tpu.memory_space<vmem>>) target_semaphore(%run_scoped3A : memref<!tpu.dma_semaphore, #tpu.memory_space<semaphore_mem>>)
      %dma_wait3A = arith.constant 0 : i32
      %dma_wait3A_658 = tpu.memref_slice %arg4[%add3A, %dma_wait3A] : memref<32x128xi32, #tpu.memory_space<hbm>> -> memref<1x128xi32, #tpu.memory_space<hbm>>
      %dma_wait3A_659 = tpu.memref_squeeze %dma_wait3A_658 : memref<1x128xi32, #tpu.memory_space<hbm>> -> memref<128xi32, #tpu.memory_space<hbm>>
      %dma_wait3A_660 = arith.constant 0 : i32
      %dma_wait3A_661 = tpu.memref_slice %arg4[%add3A, %dma_wait3A_660] : memref<32x128xi32, #tpu.memory_space<hbm>> -> memref<1x128xi32, #tpu.memory_space<hbm>>
      %dma_wait3A_662 = tpu.memref_squeeze %dma_wait3A_661 : memref<1x128xi32, #tpu.memory_space<hbm>> -> memref<128xi32, #tpu.memory_space<hbm>>
      tpu.wait_dma2 semaphore(%run_scoped3A : memref<!tpu.dma_semaphore, #tpu.memory_space<semaphore_mem>>) src(%dma_wait3A_662 : memref<128xi32, #tpu.memory_space<hbm>>) dst(%arg10 : memref<128xi32, #tpu.memory_space<vmem>>)
      tpu.yield
    }) : () -> ()
    %broadcast_in_dim3A = arith.constant 0 : i32
    %broadcast_in_dim3A_1 = vector.broadcast %broadcast_in_dim3A : i32 to vector<16xi32>
    %gather3A = tpu.vector_load_idx %arg10[%broadcast_in_dim3A_1] : memref<128xi32, #tpu.memory_space<vmem>>[vector<16xi32>], vector<16xi32>,
    %reduce_max3A = arith.constant true
    %reduce_max3A_2 = vector.broadcast %reduce_max3A : i1 to vector<16xi1>
    %reduce_max3A_3 = arith.constant -2147483648 : i32
    %reduce_max3A_4 = vector.broadcast %reduce_max3A_3 : i32 to vector<16xi32>
    %reduce_max3A_5 = arith.xori %gather3A, %reduce_max3A_4 : vector<16xi32>
    %reduce_max3A_6 = tpu.scan <max>, %reduce_max3A_5 masked %reduce_max3A_2 : vector<16xi32>, vector<16xi1> -> vector<16xi32>
    %reduce_max3A_7 = arith.xori %reduce_max3A_6, %reduce_max3A_4 : vector<16xi32>
    %reduce_max3A_8 = vector.extract %reduce_max3A_7[15] : i32 from vector<16xi32>
    %add3A_9 = arith.constant 127 : i32
    %add3A_10 = arith.addi %reduce_max3A_8, %add3A_9 : i32
    %shift_right_logical3A = arith.constant 7 : i32
    %shift_right_logical3A_11 = arith.shrui %add3A_10, %shift_right_logical3A : i32
    %gt3A = arith.constant 0 : i32
    %gt3A_12 = arith.cmpi sgt, %shift_right_logical3A_11, %gt3A : i32
    %convert_element_type3A = arith.extui %gt3A_12 : i1 to i32
    %cond3A = arith.constant 0 : i32
    %cond3A_13 = arith.constant 0 : i32
    %cond3A_14 = arith.constant 0 : i32
    %cond3A_15 = arith.cmpi ne, %convert_element_type3A, %cond3A_14 : i32
    scf.if %cond3A_15 {
      %dma_start3A = arith.constant 0 : i32
      %dma_start3A_653 = arith.constant 0 : i32
      %dma_start3A_654 = tpu.memref_slice %arg11[%cond3A_13, %dma_start3A, %dma_start3A_653] : memref<4x128x128xf32, #tpu.memory_space<vmem>> -> memref<1x128x128xf32, #tpu.memory_space<vmem>>
      %dma_start3A_655 = tpu.memref_squeeze %dma_start3A_654 : memref<1x128x128xf32, #tpu.memory_space<vmem>> -> memref<128x128xf32, #tpu.memory_space<vmem>>
      %dma_start3A_656 = arith.constant 0 : i32
      %dma_start3A_657 = tpu.memref_slice %arg9[%cond3A, %dma_start3A_656] : memref<28x128xi32, #tpu.memory_space<vmem>> -> memref<1x128xi32, #tpu.memory_space<vmem>>
      %dma_start3A_658 = tpu.memref_squeeze %dma_start3A_657 : memref<1x128xi32, #tpu.memory_space<vmem>> -> memref<128xi32, #tpu.memory_space<vmem>>
      %dma_start3A_659 = arith.constant 0 : i32
      %dma_start3A_660 = arith.constant 0 : i32
      %dma_start3A_661 = tpu.memref_slice %arg5[%dma_start3A_659, %dma_start3A_660] : memref<16384x128xf32, #tpu.memory_space<hbm>> -> memref<16384x128xf32, #tpu.memory_space<hbm>>
      tpu.enqueue_indirect_dma source(%dma_start3A_661 : memref<16384x128xf32, #tpu.memory_space<hbm>>) target(%dma_start3A_655 : memref<128x128xf32, #tpu.memory_space<vmem>>) offsets(%dma_start3A_658 : memref<128xi32, #tpu.memory_space<vmem>>) semaphore(%arg12 : memref<!tpu.dma_semaphore, #tpu.memory_space<semaphore_mem>>)
    } else {
    }
    %gt3A_16 = arith.constant 1 : i32
    %gt3A_17 = arith.cmpi sgt, %shift_right_logical3A_11, %gt3A_16 : i32
    %convert_element_type3A_18 = arith.extui %gt3A_17 : i1 to i32
    %cond3A_19 = arith.constant 1 : i32
    %cond3A_20 = arith.constant 1 : i32
    %cond3A_21 = arith.constant 0 : i32
    %cond3A_22 = arith.cmpi ne, %convert_element_type3A_18, %cond3A_21 : i32
    scf.if %cond3A_22 {
      %dma_start3A = arith.constant 0 : i32
      %dma_start3A_653 = arith.constant 0 : i32
      %dma_start3A_654 = tpu.memref_slice %arg11[%cond3A_20, %dma_start3A, %dma_start3A_653] : memref<4x128x128xf32, #tpu.memory_space<vmem>> -> memref<1x128x128xf32, #tpu.memory_space<vmem>>
      %dma_start3A_655 = tpu.memref_squeeze %dma_start3A_654 : memref<1x128x128xf32, #tpu.memory_space<vmem>> -> memref<128x128xf32, #tpu.memory_space<vmem>>
      %dma_start3A_656 = arith.constant 0 : i32
      %dma_start3A_657 = tpu.memref_slice %arg9[%cond3A_19, %dma_start3A_656] : memref<28x128xi32, #tpu.memory_space<vmem>> -> memref<1x128xi32, #tpu.memory_space<vmem>>
      %dma_start3A_658 = tpu.memref_squeeze %dma_start3A_657 : memref<1x128xi32, #tpu.memory_space<vmem>> -> memref<128xi32, #tpu.memory_space<vmem>>
      %dma_start3A_659 = arith.constant 0 : i32
      %dma_start3A_660 = arith.constant 0 : i32
      %dma_start3A_661 = tpu.memref_slice %arg5[%dma_start3A_659, %dma_start3A_660] : memref<16384x128xf32, #tpu.memory_space<hbm>> -> memref<16384x128xf32, #tpu.memory_space<hbm>>
      tpu.enqueue_indirect_dma source(%dma_start3A_661 : memref<16384x128xf32, #tpu.memory_space<hbm>>) target(%dma_start3A_655 : memref<128x128xf32, #tpu.memory_space<vmem>>) offsets(%dma_start3A_658 : memref<128xi32, #tpu.memory_space<vmem>>) semaphore(%arg12 : memref<!tpu.dma_semaphore, #tpu.memory_space<semaphore_mem>>)
    } else {
    }
    %gt3A_23 = arith.constant 0 : i32
    %gt3A_24 = arith.cmpi sgt, %shift_right_logical3A_11, %gt3A_23 : i32
    %convert_element_type3A_25 = arith.extui %gt3A_24 : i1 to i32
    %cond3A_26 = arith.constant 0 : i32
    %cond3A_27 = arith.constant 0 : i32
    %cond3A_28 = arith.constant 0 : i32
    %cond3A_29 = arith.constant 0 : i32
    %cond3A_30 = arith.constant 0 : i32
    %cond3A_31 = arith.cmpi ne, %convert_element_type3A_25, %cond3A_30 : i32
    scf.if %cond3A_31 {
      %dma_wait3A = arith.constant 0 : i32
      %dma_wait3A_653 = arith.constant 0 : i32
      %dma_wait3A_654 = tpu.memref_slice %arg11[%cond3A_27, %dma_wait3A, %dma_wait3A_653] : memref<4x128x128xf32, #tpu.memory_space<vmem>> -> memref<1x128x128xf32, #tpu.memory_space<vmem>>
      %dma_wait3A_655 = tpu.memref_squeeze %dma_wait3A_654 : memref<1x128x128xf32, #tpu.memory_space<vmem>> -> memref<128x128xf32, #tpu.memory_space<vmem>>
      %dma_wait3A_656 = arith.constant 0 : i32
      %dma_wait3A_657 = tpu.memref_slice %arg9[%cond3A_26, %dma_wait3A_656] : memref<28x128xi32, #tpu.memory_space<vmem>> -> memref<1x128xi32, #tpu.memory_space<vmem>>
      %dma_wait3A_658 = tpu.memref_squeeze %dma_wait3A_657 : memref<1x128xi32, #tpu.memory_space<vmem>> -> memref<128xi32, #tpu.memory_space<vmem>>
      %dma_wait3A_659 = arith.constant 0 : i32
      %dma_wait3A_660 = arith.constant 0 : i32
      %dma_wait3A_661 = tpu.memref_slice %arg5[%dma_wait3A_659, %dma_wait3A_660] : memref<16384x128xf32, #tpu.memory_space<hbm>> -> memref<16384x128xf32, #tpu.memory_space<hbm>>
      tpu.wait_indirect_dma semaphore(%arg12 : memref<!tpu.dma_semaphore, #tpu.memory_space<semaphore_mem>>) src(%dma_wait3A_661 : memref<16384x128xf32, #tpu.memory_space<hbm>>) dst(%dma_wait3A_655 : memref<128x128xf32, #tpu.memory_space<vmem>>)
      %dma_start3A = arith.constant 0 : i32
      %dma_start3A_662 = arith.constant 0 : i32
      %dma_start3A_663 = tpu.memref_slice %arg11[%cond3A_28, %dma_start3A, %dma_start3A_662] : memref<4x128x128xf32, #tpu.memory_space<vmem>> -> memref<1x128x128xf32, #tpu.memory_space<vmem>>
      %dma_start3A_664 = tpu.memref_squeeze %dma_start3A_663 : memref<1x128x128xf32, #tpu.memory_space<vmem>> -> memref<128x128xf32, #tpu.memory_space<vmem>>
      %dma_start3A_665 = arith.constant 0 : i32
      %dma_start3A_666 = tpu.memref_slice %arg8[%cond3A_29, %dma_start3A_665] : memref<28x128xi32, #tpu.memory_space<vmem>> -> memref<1x128xi32, #tpu.memory_space<vmem>>
      %dma_start3A_667 = tpu.memref_squeeze %dma_start3A_666 : memref<1x128xi32, #tpu.memory_space<vmem>> -> memref<128xi32, #tpu.memory_space<vmem>>
      %dma_start3A_668 = arith.constant 0 : i32
      %dma_start3A_669 = arith.constant 0 : i32
      %dma_start3A_670 = tpu.memref_slice %arg6[%dma_start3A_668, %dma_start3A_669] : memref<100000x128xf32, #tpu.memory_space<hbm>> -> memref<100000x128xf32, #tpu.memory_space<hbm>>
      tpu.enqueue_indirect_dma source(%dma_start3A_664 : memref<128x128xf32, #tpu.memory_space<vmem>>) target(%dma_start3A_670 : memref<100000x128xf32, #tpu.memory_space<hbm>>) offsets(%dma_start3A_667 : memref<128xi32, #tpu.memory_space<vmem>>) semaphore(%arg13 : memref<!tpu.dma_semaphore, #tpu.memory_space<semaphore_mem>>)
    } else {
    }
    %gt3A_32 = arith.constant 2 : i32
    %gt3A_33 = arith.cmpi sgt, %shift_right_logical3A_11, %gt3A_32 : i32
    %convert_element_type3A_34 = arith.extui %gt3A_33 : i1 to i32
    %cond3A_35 = arith.constant 2 : i32
    %cond3A_36 = arith.constant 2 : i32
    %cond3A_37 = arith.constant 0 : i32
    %cond3A_38 = arith.cmpi ne, %convert_element_type3A_34, %cond3A_37 : i32
    scf.if %cond3A_38 {
      %dma_start3A = arith.constant 0 : i32
      %dma_start3A_653 = arith.constant 0 : i32
      %dma_start3A_654 = tpu.memref_slice %arg11[%cond3A_36, %dma_start3A, %dma_start3A_653] : memref<4x128x128xf32, #tpu.memory_space<vmem>> -> memref<1x128x128xf32, #tpu.memory_space<vmem>>
      %dma_start3A_655 = tpu.memref_squeeze %dma_start3A_654 : memref<1x128x128xf32, #tpu.memory_space<vmem>> -> memref<128x128xf32, #tpu.memory_space<vmem>>
      %dma_start3A_656 = arith.constant 0 : i32
      %dma_start3A_657 = tpu.memref_slice %arg9[%cond3A_35, %dma_start3A_656] : memref<28x128xi32, #tpu.memory_space<vmem>> -> memref<1x128xi32, #tpu.memory_space<vmem>>
      %dma_start3A_658 = tpu.memref_squeeze %dma_start3A_657 : memref<1x128xi32, #tpu.memory_space<vmem>> -> memref<128xi32, #tpu.memory_space<vmem>>
      %dma_start3A_659 = arith.constant 0 : i32
      %dma_start3A_660 = arith.constant 0 : i32
      %dma_start3A_661 = tpu.memref_slice %arg5[%dma_start3A_659, %dma_start3A_660] : memref<16384x128xf32, #tpu.memory_space<hbm>> -> memref<16384x128xf32, #tpu.memory_space<hbm>>
      tpu.enqueue_indirect_dma source(%dma_start3A_661 : memref<16384x128xf32, #tpu.memory_space<hbm>>) target(%dma_start3A_655 : memref<128x128xf32, #tpu.memory_space<vmem>>) offsets(%dma_start3A_658 : memref<128xi32, #tpu.memory_space<vmem>>) semaphore(%arg12 : memref<!tpu.dma_semaphore, #tpu.memory_space<semaphore_mem>>)
    } else {
    }
    %gt3A_39 = arith.constant 1 : i32
    %gt3A_40 = arith.cmpi sgt, %shift_right_logical3A_11, %gt3A_39 : i32
    %convert_element_type3A_41 = arith.extui %gt3A_40 : i1 to i32
    %cond3A_42 = arith.constant 1 : i32
    %cond3A_43 = arith.constant 1 : i32
    %cond3A_44 = arith.constant 1 : i32
    %cond3A_45 = arith.constant 1 : i32
    %cond3A_46 = arith.constant 0 : i32
    %cond3A_47 = arith.cmpi ne, %convert_element_type3A_41, %cond3A_46 : i32
    scf.if %cond3A_47 {
      %dma_wait3A = arith.constant 0 : i32
      %dma_wait3A_653 = arith.constant 0 : i32
      %dma_wait3A_654 = tpu.memref_slice %arg11[%cond3A_43, %dma_wait3A, %dma_wait3A_653] : memref<4x128x128xf32, #tpu.memory_space<vmem>> -> memref<1x128x128xf32, #tpu.memory_space<vmem>>
      %dma_wait3A_655 = tpu.memref_squeeze %dma_wait3A_654 : memref<1x128x128xf32, #tpu.memory_space<vmem>> -> memref<128x128xf32, #tpu.memory_space<vmem>>
      %dma_wait3A_656 = arith.constant 0 : i32
      %dma_wait3A_657 = tpu.memref_slice %arg9[%cond3A_42, %dma_wait3A_656] : memref<28x128xi32, #tpu.memory_space<vmem>> -> memref<1x128xi32, #tpu.memory_space<vmem>>
      %dma_wait3A_658 = tpu.memref_squeeze %dma_wait3A_657 : memref<1x128xi32, #tpu.memory_space<vmem>> -> memref<128xi32, #tpu.memory_space<vmem>>
      %dma_wait3A_659 = arith.constant 0 : i32
      %dma_wait3A_660 = arith.constant 0 : i32
      %dma_wait3A_661 = tpu.memref_slice %arg5[%dma_wait3A_659, %dma_wait3A_660] : memref<16384x128xf32, #tpu.memory_space<hbm>> -> memref<16384x128xf32, #tpu.memory_space<hbm>>
      tpu.wait_indirect_dma semaphore(%arg12 : memref<!tpu.dma_semaphore, #tpu.memory_space<semaphore_mem>>) src(%dma_wait3A_661 : memref<16384x128xf32, #tpu.memory_space<hbm>>) dst(%dma_wait3A_655 : memref<128x128xf32, #tpu.memory_space<vmem>>)
      %dma_start3A = arith.constant 0 : i32
      %dma_start3A_662 = arith.constant 0 : i32
      %dma_start3A_663 = tpu.memref_slice %arg11[%cond3A_44, %dma_start3A, %dma_start3A_662] : memref<4x128x128xf32, #tpu.memory_space<vmem>> -> memref<1x128x128xf32, #tpu.memory_space<vmem>>
      %dma_start3A_664 = tpu.memref_squeeze %dma_start3A_663 : memref<1x128x128xf32, #tpu.memory_space<vmem>> -> memref<128x128xf32, #tpu.memory_space<vmem>>
      %dma_start3A_665 = arith.constant 0 : i32
      %dma_start3A_666 = tpu.memref_slice %arg8[%cond3A_45, %dma_start3A_665] : memref<28x128xi32, #tpu.memory_space<vmem>> -> memref<1x128xi32, #tpu.memory_space<vmem>>
      %dma_start3A_667 = tpu.memref_squeeze %dma_start3A_666 : memref<1x128xi32, #tpu.memory_space<vmem>> -> memref<128xi32, #tpu.memory_space<vmem>>
      %dma_start3A_668 = arith.constant 0 : i32
      %dma_start3A_669 = arith.constant 0 : i32
      %dma_start3A_670 = tpu.memref_slice %arg6[%dma_start3A_668, %dma_start3A_669] : memref<100000x128xf32, #tpu.memory_space<hbm>> -> memref<100000x128xf32, #tpu.memory_space<hbm>>
      tpu.enqueue_indirect_dma source(%dma_start3A_664 : memref<128x128xf32, #tpu.memory_space<vmem>>) target(%dma_start3A_670 : memref<100000x128xf32, #tpu.memory_space<hbm>>) offsets(%dma_start3A_667 : memref<128xi32, #tpu.memory_space<vmem>>) semaphore(%arg13 : memref<!tpu.dma_semaphore, #tpu.memory_space<semaphore_mem>>)
    } else {
    }
    %gt3A_48 = arith.constant 3 : i32
    %gt3A_49 = arith.cmpi sgt, %shift_right_logical3A_11, %gt3A_48 : i32
    %convert_element_type3A_50 = arith.extui %gt3A_49 : i1 to i32
    %cond3A_51 = arith.constant 3 : i32
    %cond3A_52 = arith.constant 3 : i32
    %cond3A_53 = arith.constant 0 : i32
    %cond3A_54 = arith.cmpi ne, %convert_element_type3A_50, %cond3A_53 : i32
    scf.if %cond3A_54 {
      %dma_start3A = arith.constant 0 : i32
      %dma_start3A_653 = arith.constant 0 : i32
      %dma_start3A_654 = tpu.memref_slice %arg11[%cond3A_52, %dma_start3A, %dma_start3A_653] : memref<4x128x128xf32, #tpu.memory_space<vmem>> -> memref<1x128x128xf32, #tpu.memory_space<vmem>>
      %dma_start3A_655 = tpu.memref_squeeze %dma_start3A_654 : memref<1x128x128xf32, #tpu.memory_space<vmem>> -> memref<128x128xf32, #tpu.memory_space<vmem>>
      %dma_start3A_656 = arith.constant 0 : i32
      %dma_start3A_657 = tpu.memref_slice %arg9[%cond3A_51, %dma_start3A_656] : memref<28x128xi32, #tpu.memory_space<vmem>> -> memref<1x128xi32, #tpu.memory_space<vmem>>
      %dma_start3A_658 = tpu.memref_squeeze %dma_start3A_657 : memref<1x128xi32, #tpu.memory_space<vmem>> -> memref<128xi32, #tpu.memory_space<vmem>>
      %dma_start3A_659 = arith.constant 0 : i32
      %dma_start3A_660 = arith.constant 0 : i32
      %dma_start3A_661 = tpu.memref_slice %arg5[%dma_start3A_659, %dma_start3A_660] : memref<16384x128xf32, #tpu.memory_space<hbm>> -> memref<16384x128xf32, #tpu.memory_space<hbm>>
      tpu.enqueue_indirect_dma source(%dma_start3A_661 : memref<16384x128xf32, #tpu.memory_space<hbm>>) target(%dma_start3A_655 : memref<128x128xf32, #tpu.memory_space<vmem>>) offsets(%dma_start3A_658 : memref<128xi32, #tpu.memory_space<vmem>>) semaphore(%arg12 : memref<!tpu.dma_semaphore, #tpu.memory_space<semaphore_mem>>)
    } else {
    }
    %gt3A_55 = arith.constant 2 : i32
    %gt3A_56 = arith.cmpi sgt, %shift_right_logical3A_11, %gt3A_55 : i32
    %convert_element_type3A_57 = arith.extui %gt3A_56 : i1 to i32
    %cond3A_58 = arith.constant 2 : i32
    %cond3A_59 = arith.constant 2 : i32
    %cond3A_60 = arith.constant 2 : i32
    %cond3A_61 = arith.constant 2 : i32
    %cond3A_62 = arith.constant 0 : i32
    %cond3A_63 = arith.cmpi ne, %convert_element_type3A_57, %cond3A_62 : i32
    scf.if %cond3A_63 {
      %dma_wait3A = arith.constant 0 : i32
      %dma_wait3A_653 = arith.constant 0 : i32
      %dma_wait3A_654 = tpu.memref_slice %arg11[%cond3A_59, %dma_wait3A, %dma_wait3A_653] : memref<4x128x128xf32, #tpu.memory_space<vmem>> -> memref<1x128x128xf32, #tpu.memory_space<vmem>>
      %dma_wait3A_655 = tpu.memref_squeeze %dma_wait3A_654 : memref<1x128x128xf32, #tpu.memory_space<vmem>> -> memref<128x128xf32, #tpu.memory_space<vmem>>
      %dma_wait3A_656 = arith.constant 0 : i32
      %dma_wait3A_657 = tpu.memref_slice %arg9[%cond3A_58, %dma_wait3A_656] : memref<28x128xi32, #tpu.memory_space<vmem>> -> memref<1x128xi32, #tpu.memory_space<vmem>>
      %dma_wait3A_658 = tpu.memref_squeeze %dma_wait3A_657 : memref<1x128xi32, #tpu.memory_space<vmem>> -> memref<128xi32, #tpu.memory_space<vmem>>
      %dma_wait3A_659 = arith.constant 0 : i32
      %dma_wait3A_660 = arith.constant 0 : i32
      %dma_wait3A_661 = tpu.memref_slice %arg5[%dma_wait3A_659, %dma_wait3A_660] : memref<16384x128xf32, #tpu.memory_space<hbm>> -> memref<16384x128xf32, #tpu.memory_space<hbm>>
      tpu.wait_indirect_dma semaphore(%arg12 : memref<!tpu.dma_semaphore, #tpu.memory_space<semaphore_mem>>) src(%dma_wait3A_661 : memref<16384x128xf32, #tpu.memory_space<hbm>>) dst(%dma_wait3A_655 : memref<128x128xf32, #tpu.memory_space<vmem>>)
      %dma_start3A = arith.constant 0 : i32
      %dma_start3A_662 = arith.constant 0 : i32
      %dma_start3A_663 = tpu.memref_slice %arg11[%cond3A_60, %dma_start3A, %dma_start3A_662] : memref<4x128x128xf32, #tpu.memory_space<vmem>> -> memref<1x128x128xf32, #tpu.memory_space<vmem>>
      %dma_start3A_664 = tpu.memref_squeeze %dma_start3A_663 : memref<1x128x128xf32, #tpu.memory_space<vmem>> -> memref<128x128xf32, #tpu.memory_space<vmem>>
      %dma_start3A_665 = arith.constant 0 : i32
      %dma_start3A_666 = tpu.memref_slice %arg8[%cond3A_61, %dma_start3A_665] : memref<28x128xi32, #tpu.memory_space<vmem>> -> memref<1x128xi32, #tpu.memory_space<vmem>>
      %dma_start3A_667 = tpu.memref_squeeze %dma_start3A_666 : memref<1x128xi32, #tpu.memory_space<vmem>> -> memref<128xi32, #tpu.memory_space<vmem>>
      %dma_start3A_668 = arith.constant 0 : i32
      %dma_start3A_669 = arith.constant 0 : i32
      %dma_start3A_670 = tpu.memref_slice %arg6[%dma_start3A_668, %dma_start3A_669] : memref<100000x128xf32, #tpu.memory_space<hbm>> -> memref<100000x128xf32, #tpu.memory_space<hbm>>
      tpu.enqueue_indirect_dma source(%dma_start3A_664 : memref<128x128xf32, #tpu.memory_space<vmem>>) target(%dma_start3A_670 : memref<100000x128xf32, #tpu.memory_space<hbm>>) offsets(%dma_start3A_667 : memref<128xi32, #tpu.memory_space<vmem>>) semaphore(%arg13 : memref<!tpu.dma_semaphore, #tpu.memory_space<semaphore_mem>>)
    } else {
    }
    %gt3A_64 = arith.constant 0 : i32
    %gt3A_65 = arith.cmpi sgt, %shift_right_logical3A_11, %gt3A_64 : i32
    %convert_element_type3A_66 = arith.extui %gt3A_65 : i1 to i32
    %cond3A_67 = arith.constant 0 : i32
    %cond3A_68 = arith.constant 0 : i32
    %cond3A_69 = arith.constant 0 : i32
    %cond3A_70 = arith.cmpi ne, %convert_element_type3A_66, %cond3A_69 : i32
    scf.if %cond3A_70 {
      %dma_wait3A = arith.constant 0 : i32
      %dma_wait3A_653 = arith.constant 0 : i32
      %dma_wait3A_654 = tpu.memref_slice %arg11[%cond3A_67, %dma_wait3A, %dma_wait3A_653] : memref<4x128x128xf32, #tpu.memory_space<vmem>> -> memref<1x128x128xf32, #tpu.memory_space<vmem>>
      %dma_wait3A_655 = tpu.memref_squeeze %dma_wait3A_654 : memref<1x128x128xf32, #tpu.memory_space<vmem>> -> memref<128x128xf32, #tpu.memory_space<vmem>>
      %dma_wait3A_656 = arith.constant 0 : i32
      %dma_wait3A_657 = tpu.memref_slice %arg8[%cond3A_68, %dma_wait3A_656] : memref<28x128xi32, #tpu.memory_space<vmem>> -> memref<1x128xi32, #tpu.memory_space<vmem>>
      %dma_wait3A_658 = tpu.memref_squeeze %dma_wait3A_657 : memref<1x128xi32, #tpu.memory_space<vmem>> -> memref<128xi32, #tpu.memory_space<vmem>>
      %dma_wait3A_659 = arith.constant 0 : i32
      %dma_wait3A_660 = arith.constant 0 : i32
      %dma_wait3A_661 = tpu.memref_slice %arg6[%dma_wait3A_659, %dma_wait3A_660] : memref<100000x128xf32, #tpu.memory_space<hbm>> -> memref<100000x128xf32, #tpu.memory_space<hbm>>
      tpu.wait_indirect_dma semaphore(%arg13 : memref<!tpu.dma_semaphore, #tpu.memory_space<semaphore_mem>>) src(%dma_wait3A_655 : memref<128x128xf32, #tpu.memory_space<vmem>>) dst(%dma_wait3A_661 : memref<100000x128xf32, #tpu.memory_space<hbm>>)
    } else {
    }
    %gt3A_71 = arith.constant 4 : i32
    %gt3A_72 = arith.cmpi sgt, %shift_right_logical3A_11, %gt3A_71 : i32
    %convert_element_type3A_73 = arith.extui %gt3A_72 : i1 to i32
    %cond3A_74 = arith.constant 4 : i32
    %cond3A_75 = arith.constant 0 : i32
    %cond3A_76 = arith.constant 0 : i32
    %cond3A_77 = arith.cmpi ne, %convert_element_type3A_73, %cond3A_76 : i32
    scf.if %cond3A_77 {
      %dma_start3A = arith.constant 0 : i32
      %dma_start3A_653 = arith.constant 0 : i32
      %dma_start3A_654 = tpu.memref_slice %arg11[%cond3A_75, %dma_start3A, %dma_start3A_653] : memref<4x128x128xf32, #tpu.memory_space<vmem>> -> memref<1x128x128xf32, #tpu.memory_space<vmem>>
      %dma_start3A_655 = tpu.memref_squeeze %dma_start3A_654 : memref<1x128x128xf32, #tpu.memory_space<vmem>> -> memref<128x128xf32, #tpu.memory_space<vmem>>
      %dma_start3A_656 = arith.constant 0 : i32
      %dma_start3A_657 = tpu.memref_slice %arg9[%cond3A_74, %dma_start3A_656] : memref<28x128xi32, #tpu.memory_space<vmem>> -> memref<1x128xi32, #tpu.memory_space<vmem>>
      %dma_start3A_658 = tpu.memref_squeeze %dma_start3A_657 : memref<1x128xi32, #tpu.memory_space<vmem>> -> memref<128xi32, #tpu.memory_space<vmem>>
      %dma_start3A_659 = arith.constant 0 : i32
      %dma_start3A_660 = arith.constant 0 : i32
      %dma_start3A_661 = tpu.memref_slice %arg5[%dma_start3A_659, %dma_start3A_660] : memref<16384x128xf32, #tpu.memory_space<hbm>> -> memref<16384x128xf32, #tpu.memory_space<hbm>>
      tpu.enqueue_indirect_dma source(%dma_start3A_661 : memref<16384x128xf32, #tpu.memory_space<hbm>>) target(%dma_start3A_655 : memref<128x128xf32, #tpu.memory_space<vmem>>) offsets(%dma_start3A_658 : memref<128xi32, #tpu.memory_space<vmem>>) semaphore(%arg12 : memref<!tpu.dma_semaphore, #tpu.memory_space<semaphore_mem>>)
    } else {
    }
    %gt3A_78 = arith.constant 3 : i32
    %gt3A_79 = arith.cmpi sgt, %shift_right_logical3A_11, %gt3A_78 : i32
    %convert_element_type3A_80 = arith.extui %gt3A_79 : i1 to i32
    %cond3A_81 = arith.constant 3 : i32
    %cond3A_82 = arith.constant 3 : i32
    %cond3A_83 = arith.constant 3 : i32
    %cond3A_84 = arith.constant 3 : i32
    %cond3A_85 = arith.constant 0 : i32
    %cond3A_86 = arith.cmpi ne, %convert_element_type3A_80, %cond3A_85 : i32
    scf.if %cond3A_86 {
      %dma_wait3A = arith.constant 0 : i32
      %dma_wait3A_653 = arith.constant 0 : i32
      %dma_wait3A_654 = tpu.memref_slice %arg11[%cond3A_82, %dma_wait3A, %dma_wait3A_653] : memref<4x128x128xf32, #tpu.memory_space<vmem>> -> memref<1x128x128xf32, #tpu.memory_space<vmem>>
      %dma_wait3A_655 = tpu.memref_squeeze %dma_wait3A_654 : memref<1x128x128xf32, #tpu.memory_space<vmem>> -> memref<128x128xf32, #tpu.memory_space<vmem>>
      %dma_wait3A_656 = arith.constant 0 : i32
      %dma_wait3A_657 = tpu.memref_slice %arg9[%cond3A_81, %dma_wait3A_656] : memref<28x128xi32, #tpu.memory_space<vmem>> -> memref<1x128xi32, #tpu.memory_space<vmem>>
      %dma_wait3A_658 = tpu.memref_squeeze %dma_wait3A_657 : memref<1x128xi32, #tpu.memory_space<vmem>> -> memref<128xi32, #tpu.memory_space<vmem>>
      %dma_wait3A_659 = arith.constant 0 : i32
      %dma_wait3A_660 = arith.constant 0 : i32
      %dma_wait3A_661 = tpu.memref_slice %arg5[%dma_wait3A_659, %dma_wait3A_660] : memref<16384x128xf32, #tpu.memory_space<hbm>> -> memref<16384x128xf32, #tpu.memory_space<hbm>>
      tpu.wait_indirect_dma semaphore(%arg12 : memref<!tpu.dma_semaphore, #tpu.memory_space<semaphore_mem>>) src(%dma_wait3A_661 : memref<16384x128xf32, #tpu.memory_space<hbm>>) dst(%dma_wait3A_655 : memref<128x128xf32, #tpu.memory_space<vmem>>)
      %dma_start3A = arith.constant 0 : i32
      %dma_start3A_662 = arith.constant 0 : i32
      %dma_start3A_663 = tpu.memref_slice %arg11[%cond3A_83, %dma_start3A, %dma_start3A_662] : memref<4x128x128xf32, #tpu.memory_space<vmem>> -> memref<1x128x128xf32, #tpu.memory_space<vmem>>
      %dma_start3A_664 = tpu.memref_squeeze %dma_start3A_663 : memref<1x128x128xf32, #tpu.memory_space<vmem>> -> memref<128x128xf32, #tpu.memory_space<vmem>>
      %dma_start3A_665 = arith.constant 0 : i32
      %dma_start3A_666 = tpu.memref_slice %arg8[%cond3A_84, %dma_start3A_665] : memref<28x128xi32, #tpu.memory_space<vmem>> -> memref<1x128xi32, #tpu.memory_space<vmem>>
      %dma_start3A_667 = tpu.memref_squeeze %dma_start3A_666 : memref<1x128xi32, #tpu.memory_space<vmem>> -> memref<128xi32, #tpu.memory_space<vmem>>
      %dma_start3A_668 = arith.constant 0 : i32
      %dma_start3A_669 = arith.constant 0 : i32
      %dma_start3A_670 = tpu.memref_slice %arg6[%dma_start3A_668, %dma_start3A_669] : memref<100000x128xf32, #tpu.memory_space<hbm>> -> memref<100000x128xf32, #tpu.memory_space<hbm>>
      tpu.enqueue_indirect_dma source(%dma_start3A_664 : memref<128x128xf32, #tpu.memory_space<vmem>>) target(%dma_start3A_670 : memref<100000x128xf32, #tpu.memory_space<hbm>>) offsets(%dma_start3A_667 : memref<128xi32, #tpu.memory_space<vmem>>) semaphore(%arg13 : memref<!tpu.dma_semaphore, #tpu.memory_space<semaphore_mem>>)
    } else {
    }
    %gt3A_87 = arith.constant 1 : i32
    %gt3A_88 = arith.cmpi sgt, %shift_right_logical3A_11, %gt3A_87 : i32
    %convert_element_type3A_89 = arith.extui %gt3A_88 : i1 to i32
    %cond3A_90 = arith.constant 1 : i32
    %cond3A_91 = arith.constant 1 : i32
    %cond3A_92 = arith.constant 0 : i32
    %cond3A_93 = arith.cmpi ne, %convert_element_type3A_89, %cond3A_92 : i32
    scf.if %cond3A_93 {
      %dma_wait3A = arith.constant 0 : i32
      %dma_wait3A_653 = arith.constant 0 : i32
      %dma_wait3A_654 = tpu.memref_slice %arg11[%cond3A_90, %dma_wait3A, %dma_wait3A_653] : memref<4x128x128xf32, #tpu.memory_space<vmem>> -> memref<1x128x128xf32, #tpu.memory_space<vmem>>
      %dma_wait3A_655 = tpu.memref_squeeze %dma_wait3A_654 : memref<1x128x128xf32, #tpu.memory_space<vmem>> -> memref<128x128xf32, #tpu.memory_space<vmem>>
      %dma_wait3A_656 = arith.constant 0 : i32
      %dma_wait3A_657 = tpu.memref_slice %arg8[%cond3A_91, %dma_wait3A_656] : memref<28x128xi32, #tpu.memory_space<vmem>> -> memref<1x128xi32, #tpu.memory_space<vmem>>
      %dma_wait3A_658 = tpu.memref_squeeze %dma_wait3A_657 : memref<1x128xi32, #tpu.memory_space<vmem>> -> memref<128xi32, #tpu.memory_space<vmem>>
      %dma_wait3A_659 = arith.constant 0 : i32
      %dma_wait3A_660 = arith.constant 0 : i32
      %dma_wait3A_661 = tpu.memref_slice %arg6[%dma_wait3A_659, %dma_wait3A_660] : memref<100000x128xf32, #tpu.memory_space<hbm>> -> memref<100000x128xf32, #tpu.memory_space<hbm>>
      tpu.wait_indirect_dma semaphore(%arg13 : memref<!tpu.dma_semaphore, #tpu.memory_space<semaphore_mem>>) src(%dma_wait3A_655 : memref<128x128xf32, #tpu.memory_space<vmem>>) dst(%dma_wait3A_661 : memref<100000x128xf32, #tpu.memory_space<hbm>>)
    } else {
    }
    %gt3A_94 = arith.constant 5 : i32
    %gt3A_95 = arith.cmpi sgt, %shift_right_logical3A_11, %gt3A_94 : i32
    %convert_element_type3A_96 = arith.extui %gt3A_95 : i1 to i32
    %cond3A_97 = arith.constant 5 : i32
    %cond3A_98 = arith.constant 1 : i32
    %cond3A_99 = arith.constant 0 : i32
    %cond3A_100 = arith.cmpi ne, %convert_element_type3A_96, %cond3A_99 : i32
    scf.if %cond3A_100 {
      %dma_start3A = arith.constant 0 : i32
      %dma_start3A_653 = arith.constant 0 : i32
      %dma_start3A_654 = tpu.memref_slice %arg11[%cond3A_98, %dma_start3A, %dma_start3A_653] : memref<4x128x128xf32, #tpu.memory_space<vmem>> -> memref<1x128x128xf32, #tpu.memory_space<vmem>>
      %dma_start3A_655 = tpu.memref_squeeze %dma_start3A_654 : memref<1x128x128xf32, #tpu.memory_space<vmem>> -> memref<128x128xf32, #tpu.memory_space<vmem>>
      %dma_start3A_656 = arith.constant 0 : i32
      %dma_start3A_657 = tpu.memref_slice %arg9[%cond3A_97, %dma_start3A_656] : memref<28x128xi32, #tpu.memory_space<vmem>> -> memref<1x128xi32, #tpu.memory_space<vmem>>
      %dma_start3A_658 = tpu.memref_squeeze %dma_start3A_657 : memref<1x128xi32, #tpu.memory_space<vmem>> -> memref<128xi32, #tpu.memory_space<vmem>>
      %dma_start3A_659 = arith.constant 0 : i32
      %dma_start3A_660 = arith.constant 0 : i32
      %dma_start3A_661 = tpu.memref_slice %arg5[%dma_start3A_659, %dma_start3A_660] : memref<16384x128xf32, #tpu.memory_space<hbm>> -> memref<16384x128xf32, #tpu.memory_space<hbm>>
      tpu.enqueue_indirect_dma source(%dma_start3A_661 : memref<16384x128xf32, #tpu.memory_space<hbm>>) target(%dma_start3A_655 : memref<128x128xf32, #tpu.memory_space<vmem>>) offsets(%dma_start3A_658 : memref<128xi32, #tpu.memory_space<vmem>>) semaphore(%arg12 : memref<!tpu.dma_semaphore, #tpu.memory_space<semaphore_mem>>)
    } else {
    }
    %gt3A_101 = arith.constant 4 : i32
    %gt3A_102 = arith.cmpi sgt, %shift_right_logical3A_11, %gt3A_101 : i32
    %convert_element_type3A_103 = arith.extui %gt3A_102 : i1 to i32
    %cond3A_104 = arith.constant 4 : i32
    %cond3A_105 = arith.constant 0 : i32
    %cond3A_106 = arith.constant 0 : i32
    %cond3A_107 = arith.constant 4 : i32
    %cond3A_108 = arith.constant 0 : i32
    %cond3A_109 = arith.cmpi ne, %convert_element_type3A_103, %cond3A_108 : i32
    scf.if %cond3A_109 {
      %dma_wait3A = arith.constant 0 : i32
      %dma_wait3A_653 = arith.constant 0 : i32
      %dma_wait3A_654 = tpu.memref_slice %arg11[%cond3A_105, %dma_wait3A, %dma_wait3A_653] : memref<4x128x128xf32, #tpu.memory_space<vmem>> -> memref<1x128x128xf32, #tpu.memory_space<vmem>>
      %dma_wait3A_655 = tpu.memref_squeeze %dma_wait3A_654 : memref<1x128x128xf32, #tpu.memory_space<vmem>> -> memref<128x128xf32, #tpu.memory_space<vmem>>
      %dma_wait3A_656 = arith.constant 0 : i32
      %dma_wait3A_657 = tpu.memref_slice %arg9[%cond3A_104, %dma_wait3A_656] : memref<28x128xi32, #tpu.memory_space<vmem>> -> memref<1x128xi32, #tpu.memory_space<vmem>>
      %dma_wait3A_658 = tpu.memref_squeeze %dma_wait3A_657 : memref<1x128xi32, #tpu.memory_space<vmem>> -> memref<128xi32, #tpu.memory_space<vmem>>
      %dma_wait3A_659 = arith.constant 0 : i32
      %dma_wait3A_660 = arith.constant 0 : i32
      %dma_wait3A_661 = tpu.memref_slice %arg5[%dma_wait3A_659, %dma_wait3A_660] : memref<16384x128xf32, #tpu.memory_space<hbm>> -> memref<16384x128xf32, #tpu.memory_space<hbm>>
      tpu.wait_indirect_dma semaphore(%arg12 : memref<!tpu.dma_semaphore, #tpu.memory_space<semaphore_mem>>) src(%dma_wait3A_661 : memref<16384x128xf32, #tpu.memory_space<hbm>>) dst(%dma_wait3A_655 : memref<128x128xf32, #tpu.memory_space<vmem>>)
      %dma_start3A = arith.constant 0 : i32
      %dma_start3A_662 = arith.constant 0 : i32
      %dma_start3A_663 = tpu.memref_slice %arg11[%cond3A_106, %dma_start3A, %dma_start3A_662] : memref<4x128x128xf32, #tpu.memory_space<vmem>> -> memref<1x128x128xf32, #tpu.memory_space<vmem>>
      %dma_start3A_664 = tpu.memref_squeeze %dma_start3A_663 : memref<1x128x128xf32, #tpu.memory_space<vmem>> -> memref<128x128xf32, #tpu.memory_space<vmem>>
      %dma_start3A_665 = arith.constant 0 : i32
      %dma_start3A_666 = tpu.memref_slice %arg8[%cond3A_107, %dma_start3A_665] : memref<28x128xi32, #tpu.memory_space<vmem>> -> memref<1x128xi32, #tpu.memory_space<vmem>>
      %dma_start3A_667 = tpu.memref_squeeze %dma_start3A_666 : memref<1x128xi32, #tpu.memory_space<vmem>> -> memref<128xi32, #tpu.memory_space<vmem>>
      %dma_start3A_668 = arith.constant 0 : i32
      %dma_start3A_669 = arith.constant 0 : i32
      %dma_start3A_670 = tpu.memref_slice %arg6[%dma_start3A_668, %dma_start3A_669] : memref<100000x128xf32, #tpu.memory_space<hbm>> -> memref<100000x128xf32, #tpu.memory_space<hbm>>
      tpu.enqueue_indirect_dma source(%dma_start3A_664 : memref<128x128xf32, #tpu.memory_space<vmem>>) target(%dma_start3A_670 : memref<100000x128xf32, #tpu.memory_space<hbm>>) offsets(%dma_start3A_667 : memref<128xi32, #tpu.memory_space<vmem>>) semaphore(%arg13 : memref<!tpu.dma_semaphore, #tpu.memory_space<semaphore_mem>>)
    } else {
    }
    %gt3A_110 = arith.constant 2 : i32
    %gt3A_111 = arith.cmpi sgt, %shift_right_logical3A_11, %gt3A_110 : i32
    %convert_element_type3A_112 = arith.extui %gt3A_111 : i1 to i32
    %cond3A_113 = arith.constant 2 : i32
    %cond3A_114 = arith.constant 2 : i32
    %cond3A_115 = arith.constant 0 : i32
    %cond3A_116 = arith.cmpi ne, %convert_element_type3A_112, %cond3A_115 : i32
    scf.if %cond3A_116 {
      %dma_wait3A = arith.constant 0 : i32
      %dma_wait3A_653 = arith.constant 0 : i32
      %dma_wait3A_654 = tpu.memref_slice %arg11[%cond3A_113, %dma_wait3A, %dma_wait3A_653] : memref<4x128x128xf32, #tpu.memory_space<vmem>> -> memref<1x128x128xf32, #tpu.memory_space<vmem>>
      %dma_wait3A_655 = tpu.memref_squeeze %dma_wait3A_654 : memref<1x128x128xf32, #tpu.memory_space<vmem>> -> memref<128x128xf32, #tpu.memory_space<vmem>>
      %dma_wait3A_656 = arith.constant 0 : i32
      %dma_wait3A_657 = tpu.memref_slice %arg8[%cond3A_114, %dma_wait3A_656] : memref<28x128xi32, #tpu.memory_space<vmem>> -> memref<1x128xi32, #tpu.memory_space<vmem>>
      %dma_wait3A_658 = tpu.memref_squeeze %dma_wait3A_657 : memref<1x128xi32, #tpu.memory_space<vmem>> -> memref<128xi32, #tpu.memory_space<vmem>>
      %dma_wait3A_659 = arith.constant 0 : i32
      %dma_wait3A_660 = arith.constant 0 : i32
      %dma_wait3A_661 = tpu.memref_slice %arg6[%dma_wait3A_659, %dma_wait3A_660] : memref<100000x128xf32, #tpu.memory_space<hbm>> -> memref<100000x128xf32, #tpu.memory_space<hbm>>
      tpu.wait_indirect_dma semaphore(%arg13 : memref<!tpu.dma_semaphore, #tpu.memory_space<semaphore_mem>>) src(%dma_wait3A_655 : memref<128x128xf32, #tpu.memory_space<vmem>>) dst(%dma_wait3A_661 : memref<100000x128xf32, #tpu.memory_space<hbm>>)
    } else {
    }
    %gt3A_117 = arith.constant 6 : i32
    %gt3A_118 = arith.cmpi sgt, %shift_right_logical3A_11, %gt3A_117 : i32
    %convert_element_type3A_119 = arith.extui %gt3A_118 : i1 to i32
    %cond3A_120 = arith.constant 6 : i32
    %cond3A_121 = arith.constant 2 : i32
    %cond3A_122 = arith.constant 0 : i32
    %cond3A_123 = arith.cmpi ne, %convert_element_type3A_119, %cond3A_122 : i32
    scf.if %cond3A_123 {
      %dma_start3A = arith.constant 0 : i32
      %dma_start3A_653 = arith.constant 0 : i32
      %dma_start3A_654 = tpu.memref_slice %arg11[%cond3A_121, %dma_start3A, %dma_start3A_653] : memref<4x128x128xf32, #tpu.memory_space<vmem>> -> memref<1x128x128xf32, #tpu.memory_space<vmem>>
      %dma_start3A_655 = tpu.memref_squeeze %dma_start3A_654 : memref<1x128x128xf32, #tpu.memory_space<vmem>> -> memref<128x128xf32, #tpu.memory_space<vmem>>
      %dma_start3A_656 = arith.constant 0 : i32
      %dma_start3A_657 = tpu.memref_slice %arg9[%cond3A_120, %dma_start3A_656] : memref<28x128xi32, #tpu.memory_space<vmem>> -> memref<1x128xi32, #tpu.memory_space<vmem>>
      %dma_start3A_658 = tpu.memref_squeeze %dma_start3A_657 : memref<1x128xi32, #tpu.memory_space<vmem>> -> memref<128xi32, #tpu.memory_space<vmem>>
      %dma_start3A_659 = arith.constant 0 : i32
      %dma_start3A_660 = arith.constant 0 : i32
      %dma_start3A_661 = tpu.memref_slice %arg5[%dma_start3A_659, %dma_start3A_660] : memref<16384x128xf32, #tpu.memory_space<hbm>> -> memref<16384x128xf32, #tpu.memory_space<hbm>>
      tpu.enqueue_indirect_dma source(%dma_start3A_661 : memref<16384x128xf32, #tpu.memory_space<hbm>>) target(%dma_start3A_655 : memref<128x128xf32, #tpu.memory_space<vmem>>) offsets(%dma_start3A_658 : memref<128xi32, #tpu.memory_space<vmem>>) semaphore(%arg12 : memref<!tpu.dma_semaphore, #tpu.memory_space<semaphore_mem>>)
    } else {
    }
    %gt3A_124 = arith.constant 5 : i32
    %gt3A_125 = arith.cmpi sgt, %shift_right_logical3A_11, %gt3A_124 : i32
    %convert_element_type3A_126 = arith.extui %gt3A_125 : i1 to i32
    %cond3A_127 = arith.constant 5 : i32
    %cond3A_128 = arith.constant 1 : i32
    %cond3A_129 = arith.constant 1 : i32
    %cond3A_130 = arith.constant 5 : i32
    %cond3A_131 = arith.constant 0 : i32
    %cond3A_132 = arith.cmpi ne, %convert_element_type3A_126, %cond3A_131 : i32
    scf.if %cond3A_132 {
      %dma_wait3A = arith.constant 0 : i32
      %dma_wait3A_653 = arith.constant 0 : i32
      %dma_wait3A_654 = tpu.memref_slice %arg11[%cond3A_128, %dma_wait3A, %dma_wait3A_653] : memref<4x128x128xf32, #tpu.memory_space<vmem>> -> memref<1x128x128xf32, #tpu.memory_space<vmem>>
      %dma_wait3A_655 = tpu.memref_squeeze %dma_wait3A_654 : memref<1x128x128xf32, #tpu.memory_space<vmem>> -> memref<128x128xf32, #tpu.memory_space<vmem>>
      %dma_wait3A_656 = arith.constant 0 : i32
      %dma_wait3A_657 = tpu.memref_slice %arg9[%cond3A_127, %dma_wait3A_656] : memref<28x128xi32, #tpu.memory_space<vmem>> -> memref<1x128xi32, #tpu.memory_space<vmem>>
      %dma_wait3A_658 = tpu.memref_squeeze %dma_wait3A_657 : memref<1x128xi32, #tpu.memory_space<vmem>> -> memref<128xi32, #tpu.memory_space<vmem>>
      %dma_wait3A_659 = arith.constant 0 : i32
      %dma_wait3A_660 = arith.constant 0 : i32
      %dma_wait3A_661 = tpu.memref_slice %arg5[%dma_wait3A_659, %dma_wait3A_660] : memref<16384x128xf32, #tpu.memory_space<hbm>> -> memref<16384x128xf32, #tpu.memory_space<hbm>>
      tpu.wait_indirect_dma semaphore(%arg12 : memref<!tpu.dma_semaphore, #tpu.memory_space<semaphore_mem>>) src(%dma_wait3A_661 : memref<16384x128xf32, #tpu.memory_space<hbm>>) dst(%dma_wait3A_655 : memref<128x128xf32, #tpu.memory_space<vmem>>)
      %dma_start3A = arith.constant 0 : i32
      %dma_start3A_662 = arith.constant 0 : i32
      %dma_start3A_663 = tpu.memref_slice %arg11[%cond3A_129, %dma_start3A, %dma_start3A_662] : memref<4x128x128xf32, #tpu.memory_space<vmem>> -> memref<1x128x128xf32, #tpu.memory_space<vmem>>
      %dma_start3A_664 = tpu.memref_squeeze %dma_start3A_663 : memref<1x128x128xf32, #tpu.memory_space<vmem>> -> memref<128x128xf32, #tpu.memory_space<vmem>>
      %dma_start3A_665 = arith.constant 0 : i32
      %dma_start3A_666 = tpu.memref_slice %arg8[%cond3A_130, %dma_start3A_665] : memref<28x128xi32, #tpu.memory_space<vmem>> -> memref<1x128xi32, #tpu.memory_space<vmem>>
      %dma_start3A_667 = tpu.memref_squeeze %dma_start3A_666 : memref<1x128xi32, #tpu.memory_space<vmem>> -> memref<128xi32, #tpu.memory_space<vmem>>
      %dma_start3A_668 = arith.constant 0 : i32
      %dma_start3A_669 = arith.constant 0 : i32
      %dma_start3A_670 = tpu.memref_slice %arg6[%dma_start3A_668, %dma_start3A_669] : memref<100000x128xf32, #tpu.memory_space<hbm>> -> memref<100000x128xf32, #tpu.memory_space<hbm>>
      tpu.enqueue_indirect_dma source(%dma_start3A_664 : memref<128x128xf32, #tpu.memory_space<vmem>>) target(%dma_start3A_670 : memref<100000x128xf32, #tpu.memory_space<hbm>>) offsets(%dma_start3A_667 : memref<128xi32, #tpu.memory_space<vmem>>) semaphore(%arg13 : memref<!tpu.dma_semaphore, #tpu.memory_space<semaphore_mem>>)
    } else {
    }
    %gt3A_133 = arith.constant 3 : i32
    %gt3A_134 = arith.cmpi sgt, %shift_right_logical3A_11, %gt3A_133 : i32
    %convert_element_type3A_135 = arith.extui %gt3A_134 : i1 to i32
    %cond3A_136 = arith.constant 3 : i32
    %cond3A_137 = arith.constant 3 : i32
    %cond3A_138 = arith.constant 0 : i32
    %cond3A_139 = arith.cmpi ne, %convert_element_type3A_135, %cond3A_138 : i32
    scf.if %cond3A_139 {
      %dma_wait3A = arith.constant 0 : i32
      %dma_wait3A_653 = arith.constant 0 : i32
      %dma_wait3A_654 = tpu.memref_slice %arg11[%cond3A_136, %dma_wait3A, %dma_wait3A_653] : memref<4x128x128xf32, #tpu.memory_space<vmem>> -> memref<1x128x128xf32, #tpu.memory_space<vmem>>
      %dma_wait3A_655 = tpu.memref_squeeze %dma_wait3A_654 : memref<1x128x128xf32, #tpu.memory_space<vmem>> -> memref<128x128xf32, #tpu.memory_space<vmem>>
      %dma_wait3A_656 = arith.constant 0 : i32
      %dma_wait3A_657 = tpu.memref_slice %arg8[%cond3A_137, %dma_wait3A_656] : memref<28x128xi32, #tpu.memory_space<vmem>> -> memref<1x128xi32, #tpu.memory_space<vmem>>
      %dma_wait3A_658 = tpu.memref_squeeze %dma_wait3A_657 : memref<1x128xi32, #tpu.memory_space<vmem>> -> memref<128xi32, #tpu.memory_space<vmem>>
      %dma_wait3A_659 = arith.constant 0 : i32
      %dma_wait3A_660 = arith.constant 0 : i32
      %dma_wait3A_661 = tpu.memref_slice %arg6[%dma_wait3A_659, %dma_wait3A_660] : memref<100000x128xf32, #tpu.memory_space<hbm>> -> memref<100000x128xf32, #tpu.memory_space<hbm>>
      tpu.wait_indirect_dma semaphore(%arg13 : memref<!tpu.dma_semaphore, #tpu.memory_space<semaphore_mem>>) src(%dma_wait3A_655 : memref<128x128xf32, #tpu.memory_space<vmem>>) dst(%dma_wait3A_661 : memref<100000x128xf32, #tpu.memory_space<hbm>>)
    } else {
    }
    %gt3A_140 = arith.constant 7 : i32
    %gt3A_141 = arith.cmpi sgt, %shift_right_logical3A_11, %gt3A_140 : i32
    %convert_element_type3A_142 = arith.extui %gt3A_141 : i1 to i32
    %cond3A_143 = arith.constant 7 : i32
    %cond3A_144 = arith.constant 3 : i32
    %cond3A_145 = arith.constant 0 : i32
    %cond3A_146 = arith.cmpi ne, %convert_element_type3A_142, %cond3A_145 : i32
    scf.if %cond3A_146 {
      %dma_start3A = arith.constant 0 : i32
      %dma_start3A_653 = arith.constant 0 : i32
      %dma_start3A_654 = tpu.memref_slice %arg11[%cond3A_144, %dma_start3A, %dma_start3A_653] : memref<4x128x128xf32, #tpu.memory_space<vmem>> -> memref<1x128x128xf32, #tpu.memory_space<vmem>>
      %dma_start3A_655 = tpu.memref_squeeze %dma_start3A_654 : memref<1x128x128xf32, #tpu.memory_space<vmem>> -> memref<128x128xf32, #tpu.memory_space<vmem>>
      %dma_start3A_656 = arith.constant 0 : i32
      %dma_start3A_657 = tpu.memref_slice %arg9[%cond3A_143, %dma_start3A_656] : memref<28x128xi32, #tpu.memory_space<vmem>> -> memref<1x128xi32, #tpu.memory_space<vmem>>
      %dma_start3A_658 = tpu.memref_squeeze %dma_start3A_657 : memref<1x128xi32, #tpu.memory_space<vmem>> -> memref<128xi32, #tpu.memory_space<vmem>>
      %dma_start3A_659 = arith.constant 0 : i32
      %dma_start3A_660 = arith.constant 0 : i32
      %dma_start3A_661 = tpu.memref_slice %arg5[%dma_start3A_659, %dma_start3A_660] : memref<16384x128xf32, #tpu.memory_space<hbm>> -> memref<16384x128xf32, #tpu.memory_space<hbm>>
      tpu.enqueue_indirect_dma source(%dma_start3A_661 : memref<16384x128xf32, #tpu.memory_space<hbm>>) target(%dma_start3A_655 : memref<128x128xf32, #tpu.memory_space<vmem>>) offsets(%dma_start3A_658 : memref<128xi32, #tpu.memory_space<vmem>>) semaphore(%arg12 : memref<!tpu.dma_semaphore, #tpu.memory_space<semaphore_mem>>)
    } else {
    }
    %gt3A_147 = arith.constant 6 : i32
    %gt3A_148 = arith.cmpi sgt, %shift_right_logical3A_11, %gt3A_147 : i32
    %convert_element_type3A_149 = arith.extui %gt3A_148 : i1 to i32
    %cond3A_150 = arith.constant 6 : i32
    %cond3A_151 = arith.constant 2 : i32
    %cond3A_152 = arith.constant 2 : i32
    %cond3A_153 = arith.constant 6 : i32
    %cond3A_154 = arith.constant 0 : i32
    %cond3A_155 = arith.cmpi ne, %convert_element_type3A_149, %cond3A_154 : i32
    scf.if %cond3A_155 {
      %dma_wait3A = arith.constant 0 : i32
      %dma_wait3A_653 = arith.constant 0 : i32
      %dma_wait3A_654 = tpu.memref_slice %arg11[%cond3A_151, %dma_wait3A, %dma_wait3A_653] : memref<4x128x128xf32, #tpu.memory_space<vmem>> -> memref<1x128x128xf32, #tpu.memory_space<vmem>>
      %dma_wait3A_655 = tpu.memref_squeeze %dma_wait3A_654 : memref<1x128x128xf32, #tpu.memory_space<vmem>> -> memref<128x128xf32, #tpu.memory_space<vmem>>
      %dma_wait3A_656 = arith.constant 0 : i32
      %dma_wait3A_657 = tpu.memref_slice %arg9[%cond3A_150, %dma_wait3A_656] : memref<28x128xi32, #tpu.memory_space<vmem>> -> memref<1x128xi32, #tpu.memory_space<vmem>>
      %dma_wait3A_658 = tpu.memref_squeeze %dma_wait3A_657 : memref<1x128xi32, #tpu.memory_space<vmem>> -> memref<128xi32, #tpu.memory_space<vmem>>
      %dma_wait3A_659 = arith.constant 0 : i32
      %dma_wait3A_660 = arith.constant 0 : i32
      %dma_wait3A_661 = tpu.memref_slice %arg5[%dma_wait3A_659, %dma_wait3A_660] : memref<16384x128xf32, #tpu.memory_space<hbm>> -> memref<16384x128xf32, #tpu.memory_space<hbm>>
      tpu.wait_indirect_dma semaphore(%arg12 : memref<!tpu.dma_semaphore, #tpu.memory_space<semaphore_mem>>) src(%dma_wait3A_661 : memref<16384x128xf32, #tpu.memory_space<hbm>>) dst(%dma_wait3A_655 : memref<128x128xf32, #tpu.memory_space<vmem>>)
      %dma_start3A = arith.constant 0 : i32
      %dma_start3A_662 = arith.constant 0 : i32
      %dma_start3A_663 = tpu.memref_slice %arg11[%cond3A_152, %dma_start3A, %dma_start3A_662] : memref<4x128x128xf32, #tpu.memory_space<vmem>> -> memref<1x128x128xf32, #tpu.memory_space<vmem>>
      %dma_start3A_664 = tpu.memref_squeeze %dma_start3A_663 : memref<1x128x128xf32, #tpu.memory_space<vmem>> -> memref<128x128xf32, #tpu.memory_space<vmem>>
      %dma_start3A_665 = arith.constant 0 : i32
      %dma_start3A_666 = tpu.memref_slice %arg8[%cond3A_153, %dma_start3A_665] : memref<28x128xi32, #tpu.memory_space<vmem>> -> memref<1x128xi32, #tpu.memory_space<vmem>>
      %dma_start3A_667 = tpu.memref_squeeze %dma_start3A_666 : memref<1x128xi32, #tpu.memory_space<vmem>> -> memref<128xi32, #tpu.memory_space<vmem>>
      %dma_start3A_668 = arith.constant 0 : i32
      %dma_start3A_669 = arith.constant 0 : i32
      %dma_start3A_670 = tpu.memref_slice %arg6[%dma_start3A_668, %dma_start3A_669] : memref<100000x128xf32, #tpu.memory_space<hbm>> -> memref<100000x128xf32, #tpu.memory_space<hbm>>
      tpu.enqueue_indirect_dma source(%dma_start3A_664 : memref<128x128xf32, #tpu.memory_space<vmem>>) target(%dma_start3A_670 : memref<100000x128xf32, #tpu.memory_space<hbm>>) offsets(%dma_start3A_667 : memref<128xi32, #tpu.memory_space<vmem>>) semaphore(%arg13 : memref<!tpu.dma_semaphore, #tpu.memory_space<semaphore_mem>>)
    } else {
    }
    %gt3A_156 = arith.constant 4 : i32
    %gt3A_157 = arith.cmpi sgt, %shift_right_logical3A_11, %gt3A_156 : i32
    %convert_element_type3A_158 = arith.extui %gt3A_157 : i1 to i32
    %cond3A_159 = arith.constant 0 : i32
    %cond3A_160 = arith.constant 4 : i32
    %cond3A_161 = arith.constant 0 : i32
    %cond3A_162 = arith.cmpi ne, %convert_element_type3A_158, %cond3A_161 : i32
    scf.if %cond3A_162 {
      %dma_wait3A = arith.constant 0 : i32
      %dma_wait3A_653 = arith.constant 0 : i32
      %dma_wait3A_654 = tpu.memref_slice %arg11[%cond3A_159, %dma_wait3A, %dma_wait3A_653] : memref<4x128x128xf32, #tpu.memory_space<vmem>> -> memref<1x128x128xf32, #tpu.memory_space<vmem>>
      %dma_wait3A_655 = tpu.memref_squeeze %dma_wait3A_654 : memref<1x128x128xf32, #tpu.memory_space<vmem>> -> memref<128x128xf32, #tpu.memory_space<vmem>>
      %dma_wait3A_656 = arith.constant 0 : i32
      %dma_wait3A_657 = tpu.memref_slice %arg8[%cond3A_160, %dma_wait3A_656] : memref<28x128xi32, #tpu.memory_space<vmem>> -> memref<1x128xi32, #tpu.memory_space<vmem>>
      %dma_wait3A_658 = tpu.memref_squeeze %dma_wait3A_657 : memref<1x128xi32, #tpu.memory_space<vmem>> -> memref<128xi32, #tpu.memory_space<vmem>>
      %dma_wait3A_659 = arith.constant 0 : i32
      %dma_wait3A_660 = arith.constant 0 : i32
      %dma_wait3A_661 = tpu.memref_slice %arg6[%dma_wait3A_659, %dma_wait3A_660] : memref<100000x128xf32, #tpu.memory_space<hbm>> -> memref<100000x128xf32, #tpu.memory_space<hbm>>
      tpu.wait_indirect_dma semaphore(%arg13 : memref<!tpu.dma_semaphore, #tpu.memory_space<semaphore_mem>>) src(%dma_wait3A_655 : memref<128x128xf32, #tpu.memory_space<vmem>>) dst(%dma_wait3A_661 : memref<100000x128xf32, #tpu.memory_space<hbm>>)
    } else {
    }
    %gt3A_163 = arith.constant 8 : i32
    %gt3A_164 = arith.cmpi sgt, %shift_right_logical3A_11, %gt3A_163 : i32
    %convert_element_type3A_165 = arith.extui %gt3A_164 : i1 to i32
    %cond3A_166 = arith.constant 8 : i32
    %cond3A_167 = arith.constant 0 : i32
    %cond3A_168 = arith.constant 0 : i32
    %cond3A_169 = arith.cmpi ne, %convert_element_type3A_165, %cond3A_168 : i32
    scf.if %cond3A_169 {
      %dma_start3A = arith.constant 0 : i32
      %dma_start3A_653 = arith.constant 0 : i32
      %dma_start3A_654 = tpu.memref_slice %arg11[%cond3A_167, %dma_start3A, %dma_start3A_653] : memref<4x128x128xf32, #tpu.memory_space<vmem>> -> memref<1x128x128xf32, #tpu.memory_space<vmem>>
      %dma_start3A_655 = tpu.memref_squeeze %dma_start3A_654 : memref<1x128x128xf32, #tpu.memory_space<vmem>> -> memref<128x128xf32, #tpu.memory_space<vmem>>
      %dma_start3A_656 = arith.constant 0 : i32
      %dma_start3A_657 = tpu.memref_slice %arg9[%cond3A_166, %dma_start3A_656] : memref<28x128xi32, #tpu.memory_space<vmem>> -> memref<1x128xi32, #tpu.memory_space<vmem>>
      %dma_start3A_658 = tpu.memref_squeeze %dma_start3A_657 : memref<1x128xi32, #tpu.memory_space<vmem>> -> memref<128xi32, #tpu.memory_space<vmem>>
      %dma_start3A_659 = arith.constant 0 : i32
      %dma_start3A_660 = arith.constant 0 : i32
      %dma_start3A_661 = tpu.memref_slice %arg5[%dma_start3A_659, %dma_start3A_660] : memref<16384x128xf32, #tpu.memory_space<hbm>> -> memref<16384x128xf32, #tpu.memory_space<hbm>>
      tpu.enqueue_indirect_dma source(%dma_start3A_661 : memref<16384x128xf32, #tpu.memory_space<hbm>>) target(%dma_start3A_655 : memref<128x128xf32, #tpu.memory_space<vmem>>) offsets(%dma_start3A_658 : memref<128xi32, #tpu.memory_space<vmem>>) semaphore(%arg12 : memref<!tpu.dma_semaphore, #tpu.memory_space<semaphore_mem>>)
    } else {
    }
    %gt3A_170 = arith.constant 7 : i32
    %gt3A_171 = arith.cmpi sgt, %shift_right_logical3A_11, %gt3A_170 : i32
    %convert_element_type3A_172 = arith.extui %gt3A_171 : i1 to i32
    %cond3A_173 = arith.constant 7 : i32
    %cond3A_174 = arith.constant 3 : i32
    %cond3A_175 = arith.constant 3 : i32
    %cond3A_176 = arith.constant 7 : i32
    %cond3A_177 = arith.constant 0 : i32
    %cond3A_178 = arith.cmpi ne, %convert_element_type3A_172, %cond3A_177 : i32
    scf.if %cond3A_178 {
      %dma_wait3A = arith.constant 0 : i32
      %dma_wait3A_653 = arith.constant 0 : i32
      %dma_wait3A_654 = tpu.memref_slice %arg11[%cond3A_174, %dma_wait3A, %dma_wait3A_653] : memref<4x128x128xf32, #tpu.memory_space<vmem>> -> memref<1x128x128xf32, #tpu.memory_space<vmem>>
      %dma_wait3A_655 = tpu.memref_squeeze %dma_wait3A_654 : memref<1x128x128xf32, #tpu.memory_space<vmem>> -> memref<128x128xf32, #tpu.memory_space<vmem>>
      %dma_wait3A_656 = arith.constant 0 : i32
      %dma_wait3A_657 = tpu.memref_slice %arg9[%cond3A_173, %dma_wait3A_656] : memref<28x128xi32, #tpu.memory_space<vmem>> -> memref<1x128xi32, #tpu.memory_space<vmem>>
      %dma_wait3A_658 = tpu.memref_squeeze %dma_wait3A_657 : memref<1x128xi32, #tpu.memory_space<vmem>> -> memref<128xi32, #tpu.memory_space<vmem>>
      %dma_wait3A_659 = arith.constant 0 : i32
      %dma_wait3A_660 = arith.constant 0 : i32
      %dma_wait3A_661 = tpu.memref_slice %arg5[%dma_wait3A_659, %dma_wait3A_660] : memref<16384x128xf32, #tpu.memory_space<hbm>> -> memref<16384x128xf32, #tpu.memory_space<hbm>>
      tpu.wait_indirect_dma semaphore(%arg12 : memref<!tpu.dma_semaphore, #tpu.memory_space<semaphore_mem>>) src(%dma_wait3A_661 : memref<16384x128xf32, #tpu.memory_space<hbm>>) dst(%dma_wait3A_655 : memref<128x128xf32, #tpu.memory_space<vmem>>)
      %dma_start3A = arith.constant 0 : i32
      %dma_start3A_662 = arith.constant 0 : i32
      %dma_start3A_663 = tpu.memref_slice %arg11[%cond3A_175, %dma_start3A, %dma_start3A_662] : memref<4x128x128xf32, #tpu.memory_space<vmem>> -> memref<1x128x128xf32, #tpu.memory_space<vmem>>
      %dma_start3A_664 = tpu.memref_squeeze %dma_start3A_663 : memref<1x128x128xf32, #tpu.memory_space<vmem>> -> memref<128x128xf32, #tpu.memory_space<vmem>>
      %dma_start3A_665 = arith.constant 0 : i32
      %dma_start3A_666 = tpu.memref_slice %arg8[%cond3A_176, %dma_start3A_665] : memref<28x128xi32, #tpu.memory_space<vmem>> -> memref<1x128xi32, #tpu.memory_space<vmem>>
      %dma_start3A_667 = tpu.memref_squeeze %dma_start3A_666 : memref<1x128xi32, #tpu.memory_space<vmem>> -> memref<128xi32, #tpu.memory_space<vmem>>
      %dma_start3A_668 = arith.constant 0 : i32
      %dma_start3A_669 = arith.constant 0 : i32
      %dma_start3A_670 = tpu.memref_slice %arg6[%dma_start3A_668, %dma_start3A_669] : memref<100000x128xf32, #tpu.memory_space<hbm>> -> memref<100000x128xf32, #tpu.memory_space<hbm>>
      tpu.enqueue_indirect_dma source(%dma_start3A_664 : memref<128x128xf32, #tpu.memory_space<vmem>>) target(%dma_start3A_670 : memref<100000x128xf32, #tpu.memory_space<hbm>>) offsets(%dma_start3A_667 : memref<128xi32, #tpu.memory_space<vmem>>) semaphore(%arg13 : memref<!tpu.dma_semaphore, #tpu.memory_space<semaphore_mem>>)
    } else {
    }
    %gt3A_179 = arith.constant 5 : i32
    %gt3A_180 = arith.cmpi sgt, %shift_right_logical3A_11, %gt3A_179 : i32
    %convert_element_type3A_181 = arith.extui %gt3A_180 : i1 to i32
    %cond3A_182 = arith.constant 1 : i32
    %cond3A_183 = arith.constant 5 : i32
    %cond3A_184 = arith.constant 0 : i32
    %cond3A_185 = arith.cmpi ne, %convert_element_type3A_181, %cond3A_184 : i32
    scf.if %cond3A_185 {
      %dma_wait3A = arith.constant 0 : i32
      %dma_wait3A_653 = arith.constant 0 : i32
      %dma_wait3A_654 = tpu.memref_slice %arg11[%cond3A_182, %dma_wait3A, %dma_wait3A_653] : memref<4x128x128xf32, #tpu.memory_space<vmem>> -> memref<1x128x128xf32, #tpu.memory_space<vmem>>
      %dma_wait3A_655 = tpu.memref_squeeze %dma_wait3A_654 : memref<1x128x128xf32, #tpu.memory_space<vmem>> -> memref<128x128xf32, #tpu.memory_space<vmem>>
      %dma_wait3A_656 = arith.constant 0 : i32
      %dma_wait3A_657 = tpu.memref_slice %arg8[%cond3A_183, %dma_wait3A_656] : memref<28x128xi32, #tpu.memory_space<vmem>> -> memref<1x128xi32, #tpu.memory_space<vmem>>
      %dma_wait3A_658 = tpu.memref_squeeze %dma_wait3A_657 : memref<1x128xi32, #tpu.memory_space<vmem>> -> memref<128xi32, #tpu.memory_space<vmem>>
      %dma_wait3A_659 = arith.constant 0 : i32
      %dma_wait3A_660 = arith.constant 0 : i32
      %dma_wait3A_661 = tpu.memref_slice %arg6[%dma_wait3A_659, %dma_wait3A_660] : memref<100000x128xf32, #tpu.memory_space<hbm>> -> memref<100000x128xf32, #tpu.memory_space<hbm>>
      tpu.wait_indirect_dma semaphore(%arg13 : memref<!tpu.dma_semaphore, #tpu.memory_space<semaphore_mem>>) src(%dma_wait3A_655 : memref<128x128xf32, #tpu.memory_space<vmem>>) dst(%dma_wait3A_661 : memref<100000x128xf32, #tpu.memory_space<hbm>>)
    } else {
    }
    %gt3A_186 = arith.constant 9 : i32
    %gt3A_187 = arith.cmpi sgt, %shift_right_logical3A_11, %gt3A_186 : i32
    %convert_element_type3A_188 = arith.extui %gt3A_187 : i1 to i32
    %cond3A_189 = arith.constant 9 : i32
    %cond3A_190 = arith.constant 1 : i32
    %cond3A_191 = arith.constant 0 : i32
    %cond3A_192 = arith.cmpi ne, %convert_element_type3A_188, %cond3A_191 : i32
    scf.if %cond3A_192 {
      %dma_start3A = arith.constant 0 : i32
      %dma_start3A_653 = arith.constant 0 : i32
      %dma_start3A_654 = tpu.memref_slice %arg11[%cond3A_190, %dma_start3A, %dma_start3A_653] : memref<4x128x128xf32, #tpu.memory_space<vmem>> -> memref<1x128x128xf32, #tpu.memory_space<vmem>>
      %dma_start3A_655 = tpu.memref_squeeze %dma_start3A_654 : memref<1x128x128xf32, #tpu.memory_space<vmem>> -> memref<128x128xf32, #tpu.memory_space<vmem>>
      %dma_start3A_656 = arith.constant 0 : i32
      %dma_start3A_657 = tpu.memref_slice %arg9[%cond3A_189, %dma_start3A_656] : memref<28x128xi32, #tpu.memory_space<vmem>> -> memref<1x128xi32, #tpu.memory_space<vmem>>
      %dma_start3A_658 = tpu.memref_squeeze %dma_start3A_657 : memref<1x128xi32, #tpu.memory_space<vmem>> -> memref<128xi32, #tpu.memory_space<vmem>>
      %dma_start3A_659 = arith.constant 0 : i32
      %dma_start3A_660 = arith.constant 0 : i32
      %dma_start3A_661 = tpu.memref_slice %arg5[%dma_start3A_659, %dma_start3A_660] : memref<16384x128xf32, #tpu.memory_space<hbm>> -> memref<16384x128xf32, #tpu.memory_space<hbm>>
      tpu.enqueue_indirect_dma source(%dma_start3A_661 : memref<16384x128xf32, #tpu.memory_space<hbm>>) target(%dma_start3A_655 : memref<128x128xf32, #tpu.memory_space<vmem>>) offsets(%dma_start3A_658 : memref<128xi32, #tpu.memory_space<vmem>>) semaphore(%arg12 : memref<!tpu.dma_semaphore, #tpu.memory_space<semaphore_mem>>)
    } else {
    }
    %gt3A_193 = arith.constant 8 : i32
    %gt3A_194 = arith.cmpi sgt, %shift_right_logical3A_11, %gt3A_193 : i32
    %convert_element_type3A_195 = arith.extui %gt3A_194 : i1 to i32
    %cond3A_196 = arith.constant 8 : i32
    %cond3A_197 = arith.constant 0 : i32
    %cond3A_198 = arith.constant 0 : i32
    %cond3A_199 = arith.constant 8 : i32
    %cond3A_200 = arith.constant 0 : i32
    %cond3A_201 = arith.cmpi ne, %convert_element_type3A_195, %cond3A_200 : i32
    scf.if %cond3A_201 {
      %dma_wait3A = arith.constant 0 : i32
      %dma_wait3A_653 = arith.constant 0 : i32
      %dma_wait3A_654 = tpu.memref_slice %arg11[%cond3A_197, %dma_wait3A, %dma_wait3A_653] : memref<4x128x128xf32, #tpu.memory_space<vmem>> -> memref<1x128x128xf32, #tpu.memory_space<vmem>>
      %dma_wait3A_655 = tpu.memref_squeeze %dma_wait3A_654 : memref<1x128x128xf32, #tpu.memory_space<vmem>> -> memref<128x128xf32, #tpu.memory_space<vmem>>
      %dma_wait3A_656 = arith.constant 0 : i32
      %dma_wait3A_657 = tpu.memref_slice %arg9[%cond3A_196, %dma_wait3A_656] : memref<28x128xi32, #tpu.memory_space<vmem>> -> memref<1x128xi32, #tpu.memory_space<vmem>>
      %dma_wait3A_658 = tpu.memref_squeeze %dma_wait3A_657 : memref<1x128xi32, #tpu.memory_space<vmem>> -> memref<128xi32, #tpu.memory_space<vmem>>
      %dma_wait3A_659 = arith.constant 0 : i32
      %dma_wait3A_660 = arith.constant 0 : i32
      %dma_wait3A_661 = tpu.memref_slice %arg5[%dma_wait3A_659, %dma_wait3A_660] : memref<16384x128xf32, #tpu.memory_space<hbm>> -> memref<16384x128xf32, #tpu.memory_space<hbm>>
      tpu.wait_indirect_dma semaphore(%arg12 : memref<!tpu.dma_semaphore, #tpu.memory_space<semaphore_mem>>) src(%dma_wait3A_661 : memref<16384x128xf32, #tpu.memory_space<hbm>>) dst(%dma_wait3A_655 : memref<128x128xf32, #tpu.memory_space<vmem>>)
      %dma_start3A = arith.constant 0 : i32
      %dma_start3A_662 = arith.constant 0 : i32
      %dma_start3A_663 = tpu.memref_slice %arg11[%cond3A_198, %dma_start3A, %dma_start3A_662] : memref<4x128x128xf32, #tpu.memory_space<vmem>> -> memref<1x128x128xf32, #tpu.memory_space<vmem>>
      %dma_start3A_664 = tpu.memref_squeeze %dma_start3A_663 : memref<1x128x128xf32, #tpu.memory_space<vmem>> -> memref<128x128xf32, #tpu.memory_space<vmem>>
      %dma_start3A_665 = arith.constant 0 : i32
      %dma_start3A_666 = tpu.memref_slice %arg8[%cond3A_199, %dma_start3A_665] : memref<28x128xi32, #tpu.memory_space<vmem>> -> memref<1x128xi32, #tpu.memory_space<vmem>>
      %dma_start3A_667 = tpu.memref_squeeze %dma_start3A_666 : memref<1x128xi32, #tpu.memory_space<vmem>> -> memref<128xi32, #tpu.memory_space<vmem>>
      %dma_start3A_668 = arith.constant 0 : i32
      %dma_start3A_669 = arith.constant 0 : i32
      %dma_start3A_670 = tpu.memref_slice %arg6[%dma_start3A_668, %dma_start3A_669] : memref<100000x128xf32, #tpu.memory_space<hbm>> -> memref<100000x128xf32, #tpu.memory_space<hbm>>
      tpu.enqueue_indirect_dma source(%dma_start3A_664 : memref<128x128xf32, #tpu.memory_space<vmem>>) target(%dma_start3A_670 : memref<100000x128xf32, #tpu.memory_space<hbm>>) offsets(%dma_start3A_667 : memref<128xi32, #tpu.memory_space<vmem>>) semaphore(%arg13 : memref<!tpu.dma_semaphore, #tpu.memory_space<semaphore_mem>>)
    } else {
    }
    %gt3A_202 = arith.constant 6 : i32
    %gt3A_203 = arith.cmpi sgt, %shift_right_logical3A_11, %gt3A_202 : i32
    %convert_element_type3A_204 = arith.extui %gt3A_203 : i1 to i32
    %cond3A_205 = arith.constant 2 : i32
    %cond3A_206 = arith.constant 6 : i32
    %cond3A_207 = arith.constant 0 : i32
    %cond3A_208 = arith.cmpi ne, %convert_element_type3A_204, %cond3A_207 : i32
    scf.if %cond3A_208 {
      %dma_wait3A = arith.constant 0 : i32
      %dma_wait3A_653 = arith.constant 0 : i32
      %dma_wait3A_654 = tpu.memref_slice %arg11[%cond3A_205, %dma_wait3A, %dma_wait3A_653] : memref<4x128x128xf32, #tpu.memory_space<vmem>> -> memref<1x128x128xf32, #tpu.memory_space<vmem>>
      %dma_wait3A_655 = tpu.memref_squeeze %dma_wait3A_654 : memref<1x128x128xf32, #tpu.memory_space<vmem>> -> memref<128x128xf32, #tpu.memory_space<vmem>>
      %dma_wait3A_656 = arith.constant 0 : i32
      %dma_wait3A_657 = tpu.memref_slice %arg8[%cond3A_206, %dma_wait3A_656] : memref<28x128xi32, #tpu.memory_space<vmem>> -> memref<1x128xi32, #tpu.memory_space<vmem>>
      %dma_wait3A_658 = tpu.memref_squeeze %dma_wait3A_657 : memref<1x128xi32, #tpu.memory_space<vmem>> -> memref<128xi32, #tpu.memory_space<vmem>>
      %dma_wait3A_659 = arith.constant 0 : i32
      %dma_wait3A_660 = arith.constant 0 : i32
      %dma_wait3A_661 = tpu.memref_slice %arg6[%dma_wait3A_659, %dma_wait3A_660] : memref<100000x128xf32, #tpu.memory_space<hbm>> -> memref<100000x128xf32, #tpu.memory_space<hbm>>
      tpu.wait_indirect_dma semaphore(%arg13 : memref<!tpu.dma_semaphore, #tpu.memory_space<semaphore_mem>>) src(%dma_wait3A_655 : memref<128x128xf32, #tpu.memory_space<vmem>>) dst(%dma_wait3A_661 : memref<100000x128xf32, #tpu.memory_space<hbm>>)
    } else {
    }
    %gt3A_209 = arith.constant 10 : i32
    %gt3A_210 = arith.cmpi sgt, %shift_right_logical3A_11, %gt3A_209 : i32
    %convert_element_type3A_211 = arith.extui %gt3A_210 : i1 to i32
    %cond3A_212 = arith.constant 10 : i32
    %cond3A_213 = arith.constant 2 : i32
    %cond3A_214 = arith.constant 0 : i32
    %cond3A_215 = arith.cmpi ne, %convert_element_type3A_211, %cond3A_214 : i32
    scf.if %cond3A_215 {
      %dma_start3A = arith.constant 0 : i32
      %dma_start3A_653 = arith.constant 0 : i32
      %dma_start3A_654 = tpu.memref_slice %arg11[%cond3A_213, %dma_start3A, %dma_start3A_653] : memref<4x128x128xf32, #tpu.memory_space<vmem>> -> memref<1x128x128xf32, #tpu.memory_space<vmem>>
      %dma_start3A_655 = tpu.memref_squeeze %dma_start3A_654 : memref<1x128x128xf32, #tpu.memory_space<vmem>> -> memref<128x128xf32, #tpu.memory_space<vmem>>
      %dma_start3A_656 = arith.constant 0 : i32
      %dma_start3A_657 = tpu.memref_slice %arg9[%cond3A_212, %dma_start3A_656] : memref<28x128xi32, #tpu.memory_space<vmem>> -> memref<1x128xi32, #tpu.memory_space<vmem>>
      %dma_start3A_658 = tpu.memref_squeeze %dma_start3A_657 : memref<1x128xi32, #tpu.memory_space<vmem>> -> memref<128xi32, #tpu.memory_space<vmem>>
      %dma_start3A_659 = arith.constant 0 : i32
      %dma_start3A_660 = arith.constant 0 : i32
      %dma_start3A_661 = tpu.memref_slice %arg5[%dma_start3A_659, %dma_start3A_660] : memref<16384x128xf32, #tpu.memory_space<hbm>> -> memref<16384x128xf32, #tpu.memory_space<hbm>>
      tpu.enqueue_indirect_dma source(%dma_start3A_661 : memref<16384x128xf32, #tpu.memory_space<hbm>>) target(%dma_start3A_655 : memref<128x128xf32, #tpu.memory_space<vmem>>) offsets(%dma_start3A_658 : memref<128xi32, #tpu.memory_space<vmem>>) semaphore(%arg12 : memref<!tpu.dma_semaphore, #tpu.memory_space<semaphore_mem>>)
    } else {
    }
    %gt3A_216 = arith.constant 9 : i32
    %gt3A_217 = arith.cmpi sgt, %shift_right_logical3A_11, %gt3A_216 : i32
    %convert_element_type3A_218 = arith.extui %gt3A_217 : i1 to i32
    %cond3A_219 = arith.constant 9 : i32
    %cond3A_220 = arith.constant 1 : i32
    %cond3A_221 = arith.constant 1 : i32
    %cond3A_222 = arith.constant 9 : i32
    %cond3A_223 = arith.constant 0 : i32
    %cond3A_224 = arith.cmpi ne, %convert_element_type3A_218, %cond3A_223 : i32
    scf.if %cond3A_224 {
      %dma_wait3A = arith.constant 0 : i32
      %dma_wait3A_653 = arith.constant 0 : i32
      %dma_wait3A_654 = tpu.memref_slice %arg11[%cond3A_220, %dma_wait3A, %dma_wait3A_653] : memref<4x128x128xf32, #tpu.memory_space<vmem>> -> memref<1x128x128xf32, #tpu.memory_space<vmem>>
      %dma_wait3A_655 = tpu.memref_squeeze %dma_wait3A_654 : memref<1x128x128xf32, #tpu.memory_space<vmem>> -> memref<128x128xf32, #tpu.memory_space<vmem>>
      %dma_wait3A_656 = arith.constant 0 : i32
      %dma_wait3A_657 = tpu.memref_slice %arg9[%cond3A_219, %dma_wait3A_656] : memref<28x128xi32, #tpu.memory_space<vmem>> -> memref<1x128xi32, #tpu.memory_space<vmem>>
      %dma_wait3A_658 = tpu.memref_squeeze %dma_wait3A_657 : memref<1x128xi32, #tpu.memory_space<vmem>> -> memref<128xi32, #tpu.memory_space<vmem>>
      %dma_wait3A_659 = arith.constant 0 : i32
      %dma_wait3A_660 = arith.constant 0 : i32
      %dma_wait3A_661 = tpu.memref_slice %arg5[%dma_wait3A_659, %dma_wait3A_660] : memref<16384x128xf32, #tpu.memory_space<hbm>> -> memref<16384x128xf32, #tpu.memory_space<hbm>>
      tpu.wait_indirect_dma semaphore(%arg12 : memref<!tpu.dma_semaphore, #tpu.memory_space<semaphore_mem>>) src(%dma_wait3A_661 : memref<16384x128xf32, #tpu.memory_space<hbm>>) dst(%dma_wait3A_655 : memref<128x128xf32, #tpu.memory_space<vmem>>)
      %dma_start3A = arith.constant 0 : i32
      %dma_start3A_662 = arith.constant 0 : i32
      %dma_start3A_663 = tpu.memref_slice %arg11[%cond3A_221, %dma_start3A, %dma_start3A_662] : memref<4x128x128xf32, #tpu.memory_space<vmem>> -> memref<1x128x128xf32, #tpu.memory_space<vmem>>
      %dma_start3A_664 = tpu.memref_squeeze %dma_start3A_663 : memref<1x128x128xf32, #tpu.memory_space<vmem>> -> memref<128x128xf32, #tpu.memory_space<vmem>>
      %dma_start3A_665 = arith.constant 0 : i32
      %dma_start3A_666 = tpu.memref_slice %arg8[%cond3A_222, %dma_start3A_665] : memref<28x128xi32, #tpu.memory_space<vmem>> -> memref<1x128xi32, #tpu.memory_space<vmem>>
      %dma_start3A_667 = tpu.memref_squeeze %dma_start3A_666 : memref<1x128xi32, #tpu.memory_space<vmem>> -> memref<128xi32, #tpu.memory_space<vmem>>
      %dma_start3A_668 = arith.constant 0 : i32
      %dma_start3A_669 = arith.constant 0 : i32
      %dma_start3A_670 = tpu.memref_slice %arg6[%dma_start3A_668, %dma_start3A_669] : memref<100000x128xf32, #tpu.memory_space<hbm>> -> memref<100000x128xf32, #tpu.memory_space<hbm>>
      tpu.enqueue_indirect_dma source(%dma_start3A_664 : memref<128x128xf32, #tpu.memory_space<vmem>>) target(%dma_start3A_670 : memref<100000x128xf32, #tpu.memory_space<hbm>>) offsets(%dma_start3A_667 : memref<128xi32, #tpu.memory_space<vmem>>) semaphore(%arg13 : memref<!tpu.dma_semaphore, #tpu.memory_space<semaphore_mem>>)
    } else {
    }
    %gt3A_225 = arith.constant 7 : i32
    %gt3A_226 = arith.cmpi sgt, %shift_right_logical3A_11, %gt3A_225 : i32
    %convert_element_type3A_227 = arith.extui %gt3A_226 : i1 to i32
    %cond3A_228 = arith.constant 3 : i32
    %cond3A_229 = arith.constant 7 : i32
    %cond3A_230 = arith.constant 0 : i32
    %cond3A_231 = arith.cmpi ne, %convert_element_type3A_227, %cond3A_230 : i32
    scf.if %cond3A_231 {
      %dma_wait3A = arith.constant 0 : i32
      %dma_wait3A_653 = arith.constant 0 : i32
      %dma_wait3A_654 = tpu.memref_slice %arg11[%cond3A_228, %dma_wait3A, %dma_wait3A_653] : memref<4x128x128xf32, #tpu.memory_space<vmem>> -> memref<1x128x128xf32, #tpu.memory_space<vmem>>
      %dma_wait3A_655 = tpu.memref_squeeze %dma_wait3A_654 : memref<1x128x128xf32, #tpu.memory_space<vmem>> -> memref<128x128xf32, #tpu.memory_space<vmem>>
      %dma_wait3A_656 = arith.constant 0 : i32
      %dma_wait3A_657 = tpu.memref_slice %arg8[%cond3A_229, %dma_wait3A_656] : memref<28x128xi32, #tpu.memory_space<vmem>> -> memref<1x128xi32, #tpu.memory_space<vmem>>
      %dma_wait3A_658 = tpu.memref_squeeze %dma_wait3A_657 : memref<1x128xi32, #tpu.memory_space<vmem>> -> memref<128xi32, #tpu.memory_space<vmem>>
      %dma_wait3A_659 = arith.constant 0 : i32
      %dma_wait3A_660 = arith.constant 0 : i32
      %dma_wait3A_661 = tpu.memref_slice %arg6[%dma_wait3A_659, %dma_wait3A_660] : memref<100000x128xf32, #tpu.memory_space<hbm>> -> memref<100000x128xf32, #tpu.memory_space<hbm>>
      tpu.wait_indirect_dma semaphore(%arg13 : memref<!tpu.dma_semaphore, #tpu.memory_space<semaphore_mem>>) src(%dma_wait3A_655 : memref<128x128xf32, #tpu.memory_space<vmem>>) dst(%dma_wait3A_661 : memref<100000x128xf32, #tpu.memory_space<hbm>>)
    } else {
    }
    %gt3A_232 = arith.constant 11 : i32
    %gt3A_233 = arith.cmpi sgt, %shift_right_logical3A_11, %gt3A_232 : i32
    %convert_element_type3A_234 = arith.extui %gt3A_233 : i1 to i32
    %cond3A_235 = arith.constant 11 : i32
    %cond3A_236 = arith.constant 3 : i32
    %cond3A_237 = arith.constant 0 : i32
    %cond3A_238 = arith.cmpi ne, %convert_element_type3A_234, %cond3A_237 : i32
    scf.if %cond3A_238 {
      %dma_start3A = arith.constant 0 : i32
      %dma_start3A_653 = arith.constant 0 : i32
      %dma_start3A_654 = tpu.memref_slice %arg11[%cond3A_236, %dma_start3A, %dma_start3A_653] : memref<4x128x128xf32, #tpu.memory_space<vmem>> -> memref<1x128x128xf32, #tpu.memory_space<vmem>>
      %dma_start3A_655 = tpu.memref_squeeze %dma_start3A_654 : memref<1x128x128xf32, #tpu.memory_space<vmem>> -> memref<128x128xf32, #tpu.memory_space<vmem>>
      %dma_start3A_656 = arith.constant 0 : i32
      %dma_start3A_657 = tpu.memref_slice %arg9[%cond3A_235, %dma_start3A_656] : memref<28x128xi32, #tpu.memory_space<vmem>> -> memref<1x128xi32, #tpu.memory_space<vmem>>
      %dma_start3A_658 = tpu.memref_squeeze %dma_start3A_657 : memref<1x128xi32, #tpu.memory_space<vmem>> -> memref<128xi32, #tpu.memory_space<vmem>>
      %dma_start3A_659 = arith.constant 0 : i32
      %dma_start3A_660 = arith.constant 0 : i32
      %dma_start3A_661 = tpu.memref_slice %arg5[%dma_start3A_659, %dma_start3A_660] : memref<16384x128xf32, #tpu.memory_space<hbm>> -> memref<16384x128xf32, #tpu.memory_space<hbm>>
      tpu.enqueue_indirect_dma source(%dma_start3A_661 : memref<16384x128xf32, #tpu.memory_space<hbm>>) target(%dma_start3A_655 : memref<128x128xf32, #tpu.memory_space<vmem>>) offsets(%dma_start3A_658 : memref<128xi32, #tpu.memory_space<vmem>>) semaphore(%arg12 : memref<!tpu.dma_semaphore, #tpu.memory_space<semaphore_mem>>)
    } else {
    }
    %gt3A_239 = arith.constant 10 : i32
    %gt3A_240 = arith.cmpi sgt, %shift_right_logical3A_11, %gt3A_239 : i32
    %convert_element_type3A_241 = arith.extui %gt3A_240 : i1 to i32
    %cond3A_242 = arith.constant 10 : i32
    %cond3A_243 = arith.constant 2 : i32
    %cond3A_244 = arith.constant 2 : i32
    %cond3A_245 = arith.constant 10 : i32
    %cond3A_246 = arith.constant 0 : i32
    %cond3A_247 = arith.cmpi ne, %convert_element_type3A_241, %cond3A_246 : i32
    scf.if %cond3A_247 {
      %dma_wait3A = arith.constant 0 : i32
      %dma_wait3A_653 = arith.constant 0 : i32
      %dma_wait3A_654 = tpu.memref_slice %arg11[%cond3A_243, %dma_wait3A, %dma_wait3A_653] : memref<4x128x128xf32, #tpu.memory_space<vmem>> -> memref<1x128x128xf32, #tpu.memory_space<vmem>>
      %dma_wait3A_655 = tpu.memref_squeeze %dma_wait3A_654 : memref<1x128x128xf32, #tpu.memory_space<vmem>> -> memref<128x128xf32, #tpu.memory_space<vmem>>
      %dma_wait3A_656 = arith.constant 0 : i32
      %dma_wait3A_657 = tpu.memref_slice %arg9[%cond3A_242, %dma_wait3A_656] : memref<28x128xi32, #tpu.memory_space<vmem>> -> memref<1x128xi32, #tpu.memory_space<vmem>>
      %dma_wait3A_658 = tpu.memref_squeeze %dma_wait3A_657 : memref<1x128xi32, #tpu.memory_space<vmem>> -> memref<128xi32, #tpu.memory_space<vmem>>
      %dma_wait3A_659 = arith.constant 0 : i32
      %dma_wait3A_660 = arith.constant 0 : i32
      %dma_wait3A_661 = tpu.memref_slice %arg5[%dma_wait3A_659, %dma_wait3A_660] : memref<16384x128xf32, #tpu.memory_space<hbm>> -> memref<16384x128xf32, #tpu.memory_space<hbm>>
      tpu.wait_indirect_dma semaphore(%arg12 : memref<!tpu.dma_semaphore, #tpu.memory_space<semaphore_mem>>) src(%dma_wait3A_661 : memref<16384x128xf32, #tpu.memory_space<hbm>>) dst(%dma_wait3A_655 : memref<128x128xf32, #tpu.memory_space<vmem>>)
      %dma_start3A = arith.constant 0 : i32
      %dma_start3A_662 = arith.constant 0 : i32
      %dma_start3A_663 = tpu.memref_slice %arg11[%cond3A_244, %dma_start3A, %dma_start3A_662] : memref<4x128x128xf32, #tpu.memory_space<vmem>> -> memref<1x128x128xf32, #tpu.memory_space<vmem>>
      %dma_start3A_664 = tpu.memref_squeeze %dma_start3A_663 : memref<1x128x128xf32, #tpu.memory_space<vmem>> -> memref<128x128xf32, #tpu.memory_space<vmem>>
      %dma_start3A_665 = arith.constant 0 : i32
      %dma_start3A_666 = tpu.memref_slice %arg8[%cond3A_245, %dma_start3A_665] : memref<28x128xi32, #tpu.memory_space<vmem>> -> memref<1x128xi32, #tpu.memory_space<vmem>>
      %dma_start3A_667 = tpu.memref_squeeze %dma_start3A_666 : memref<1x128xi32, #tpu.memory_space<vmem>> -> memref<128xi32, #tpu.memory_space<vmem>>
      %dma_start3A_668 = arith.constant 0 : i32
      %dma_start3A_669 = arith.constant 0 : i32
      %dma_start3A_670 = tpu.memref_slice %arg6[%dma_start3A_668, %dma_start3A_669] : memref<100000x128xf32, #tpu.memory_space<hbm>> -> memref<100000x128xf32, #tpu.memory_space<hbm>>
      tpu.enqueue_indirect_dma source(%dma_start3A_664 : memref<128x128xf32, #tpu.memory_space<vmem>>) target(%dma_start3A_670 : memref<100000x128xf32, #tpu.memory_space<hbm>>) offsets(%dma_start3A_667 : memref<128xi32, #tpu.memory_space<vmem>>) semaphore(%arg13 : memref<!tpu.dma_semaphore, #tpu.memory_space<semaphore_mem>>)
    } else {
    }
    %gt3A_248 = arith.constant 8 : i32
    %gt3A_249 = arith.cmpi sgt, %shift_right_logical3A_11, %gt3A_248 : i32
    %convert_element_type3A_250 = arith.extui %gt3A_249 : i1 to i32
    %cond3A_251 = arith.constant 0 : i32
    %cond3A_252 = arith.constant 8 : i32
    %cond3A_253 = arith.constant 0 : i32
    %cond3A_254 = arith.cmpi ne, %convert_element_type3A_250, %cond3A_253 : i32
    scf.if %cond3A_254 {
      %dma_wait3A = arith.constant 0 : i32
      %dma_wait3A_653 = arith.constant 0 : i32
      %dma_wait3A_654 = tpu.memref_slice %arg11[%cond3A_251, %dma_wait3A, %dma_wait3A_653] : memref<4x128x128xf32, #tpu.memory_space<vmem>> -> memref<1x128x128xf32, #tpu.memory_space<vmem>>
      %dma_wait3A_655 = tpu.memref_squeeze %dma_wait3A_654 : memref<1x128x128xf32, #tpu.memory_space<vmem>> -> memref<128x128xf32, #tpu.memory_space<vmem>>
      %dma_wait3A_656 = arith.constant 0 : i32
      %dma_wait3A_657 = tpu.memref_slice %arg8[%cond3A_252, %dma_wait3A_656] : memref<28x128xi32, #tpu.memory_space<vmem>> -> memref<1x128xi32, #tpu.memory_space<vmem>>
      %dma_wait3A_658 = tpu.memref_squeeze %dma_wait3A_657 : memref<1x128xi32, #tpu.memory_space<vmem>> -> memref<128xi32, #tpu.memory_space<vmem>>
      %dma_wait3A_659 = arith.constant 0 : i32
      %dma_wait3A_660 = arith.constant 0 : i32
      %dma_wait3A_661 = tpu.memref_slice %arg6[%dma_wait3A_659, %dma_wait3A_660] : memref<100000x128xf32, #tpu.memory_space<hbm>> -> memref<100000x128xf32, #tpu.memory_space<hbm>>
      tpu.wait_indirect_dma semaphore(%arg13 : memref<!tpu.dma_semaphore, #tpu.memory_space<semaphore_mem>>) src(%dma_wait3A_655 : memref<128x128xf32, #tpu.memory_space<vmem>>) dst(%dma_wait3A_661 : memref<100000x128xf32, #tpu.memory_space<hbm>>)
    } else {
    }
    %gt3A_255 = arith.constant 12 : i32
    %gt3A_256 = arith.cmpi sgt, %shift_right_logical3A_11, %gt3A_255 : i32
    %convert_element_type3A_257 = arith.extui %gt3A_256 : i1 to i32
    %cond3A_258 = arith.constant 12 : i32
    %cond3A_259 = arith.constant 0 : i32
    %cond3A_260 = arith.constant 0 : i32
    %cond3A_261 = arith.cmpi ne, %convert_element_type3A_257, %cond3A_260 : i32
    scf.if %cond3A_261 {
      %dma_start3A = arith.constant 0 : i32
      %dma_start3A_653 = arith.constant 0 : i32
      %dma_start3A_654 = tpu.memref_slice %arg11[%cond3A_259, %dma_start3A, %dma_start3A_653] : memref<4x128x128xf32, #tpu.memory_space<vmem>> -> memref<1x128x128xf32, #tpu.memory_space<vmem>>
      %dma_start3A_655 = tpu.memref_squeeze %dma_start3A_654 : memref<1x128x128xf32, #tpu.memory_space<vmem>> -> memref<128x128xf32, #tpu.memory_space<vmem>>
      %dma_start3A_656 = arith.constant 0 : i32
      %dma_start3A_657 = tpu.memref_slice %arg9[%cond3A_258, %dma_start3A_656] : memref<28x128xi32, #tpu.memory_space<vmem>> -> memref<1x128xi32, #tpu.memory_space<vmem>>
      %dma_start3A_658 = tpu.memref_squeeze %dma_start3A_657 : memref<1x128xi32, #tpu.memory_space<vmem>> -> memref<128xi32, #tpu.memory_space<vmem>>
      %dma_start3A_659 = arith.constant 0 : i32
      %dma_start3A_660 = arith.constant 0 : i32
      %dma_start3A_661 = tpu.memref_slice %arg5[%dma_start3A_659, %dma_start3A_660] : memref<16384x128xf32, #tpu.memory_space<hbm>> -> memref<16384x128xf32, #tpu.memory_space<hbm>>
      tpu.enqueue_indirect_dma source(%dma_start3A_661 : memref<16384x128xf32, #tpu.memory_space<hbm>>) target(%dma_start3A_655 : memref<128x128xf32, #tpu.memory_space<vmem>>) offsets(%dma_start3A_658 : memref<128xi32, #tpu.memory_space<vmem>>) semaphore(%arg12 : memref<!tpu.dma_semaphore, #tpu.memory_space<semaphore_mem>>)
    } else {
    }
    %gt3A_262 = arith.constant 11 : i32
    %gt3A_263 = arith.cmpi sgt, %shift_right_logical3A_11, %gt3A_262 : i32
    %convert_element_type3A_264 = arith.extui %gt3A_263 : i1 to i32
    %cond3A_265 = arith.constant 11 : i32
    %cond3A_266 = arith.constant 3 : i32
    %cond3A_267 = arith.constant 3 : i32
    %cond3A_268 = arith.constant 11 : i32
    %cond3A_269 = arith.constant 0 : i32
    %cond3A_270 = arith.cmpi ne, %convert_element_type3A_264, %cond3A_269 : i32
    scf.if %cond3A_270 {
      %dma_wait3A = arith.constant 0 : i32
      %dma_wait3A_653 = arith.constant 0 : i32
      %dma_wait3A_654 = tpu.memref_slice %arg11[%cond3A_266, %dma_wait3A, %dma_wait3A_653] : memref<4x128x128xf32, #tpu.memory_space<vmem>> -> memref<1x128x128xf32, #tpu.memory_space<vmem>>
      %dma_wait3A_655 = tpu.memref_squeeze %dma_wait3A_654 : memref<1x128x128xf32, #tpu.memory_space<vmem>> -> memref<128x128xf32, #tpu.memory_space<vmem>>
      %dma_wait3A_656 = arith.constant 0 : i32
      %dma_wait3A_657 = tpu.memref_slice %arg9[%cond3A_265, %dma_wait3A_656] : memref<28x128xi32, #tpu.memory_space<vmem>> -> memref<1x128xi32, #tpu.memory_space<vmem>>
      %dma_wait3A_658 = tpu.memref_squeeze %dma_wait3A_657 : memref<1x128xi32, #tpu.memory_space<vmem>> -> memref<128xi32, #tpu.memory_space<vmem>>
      %dma_wait3A_659 = arith.constant 0 : i32
      %dma_wait3A_660 = arith.constant 0 : i32
      %dma_wait3A_661 = tpu.memref_slice %arg5[%dma_wait3A_659, %dma_wait3A_660] : memref<16384x128xf32, #tpu.memory_space<hbm>> -> memref<16384x128xf32, #tpu.memory_space<hbm>>
      tpu.wait_indirect_dma semaphore(%arg12 : memref<!tpu.dma_semaphore, #tpu.memory_space<semaphore_mem>>) src(%dma_wait3A_661 : memref<16384x128xf32, #tpu.memory_space<hbm>>) dst(%dma_wait3A_655 : memref<128x128xf32, #tpu.memory_space<vmem>>)
      %dma_start3A = arith.constant 0 : i32
      %dma_start3A_662 = arith.constant 0 : i32
      %dma_start3A_663 = tpu.memref_slice %arg11[%cond3A_267, %dma_start3A, %dma_start3A_662] : memref<4x128x128xf32, #tpu.memory_space<vmem>> -> memref<1x128x128xf32, #tpu.memory_space<vmem>>
      %dma_start3A_664 = tpu.memref_squeeze %dma_start3A_663 : memref<1x128x128xf32, #tpu.memory_space<vmem>> -> memref<128x128xf32, #tpu.memory_space<vmem>>
      %dma_start3A_665 = arith.constant 0 : i32
      %dma_start3A_666 = tpu.memref_slice %arg8[%cond3A_268, %dma_start3A_665] : memref<28x128xi32, #tpu.memory_space<vmem>> -> memref<1x128xi32, #tpu.memory_space<vmem>>
      %dma_start3A_667 = tpu.memref_squeeze %dma_start3A_666 : memref<1x128xi32, #tpu.memory_space<vmem>> -> memref<128xi32, #tpu.memory_space<vmem>>
      %dma_start3A_668 = arith.constant 0 : i32
      %dma_start3A_669 = arith.constant 0 : i32
      %dma_start3A_670 = tpu.memref_slice %arg6[%dma_start3A_668, %dma_start3A_669] : memref<100000x128xf32, #tpu.memory_space<hbm>> -> memref<100000x128xf32, #tpu.memory_space<hbm>>
      tpu.enqueue_indirect_dma source(%dma_start3A_664 : memref<128x128xf32, #tpu.memory_space<vmem>>) target(%dma_start3A_670 : memref<100000x128xf32, #tpu.memory_space<hbm>>) offsets(%dma_start3A_667 : memref<128xi32, #tpu.memory_space<vmem>>) semaphore(%arg13 : memref<!tpu.dma_semaphore, #tpu.memory_space<semaphore_mem>>)
    } else {
    }
    %gt3A_271 = arith.constant 9 : i32
    %gt3A_272 = arith.cmpi sgt, %shift_right_logical3A_11, %gt3A_271 : i32
    %convert_element_type3A_273 = arith.extui %gt3A_272 : i1 to i32
    %cond3A_274 = arith.constant 1 : i32
    %cond3A_275 = arith.constant 9 : i32
    %cond3A_276 = arith.constant 0 : i32
    %cond3A_277 = arith.cmpi ne, %convert_element_type3A_273, %cond3A_276 : i32
    scf.if %cond3A_277 {
      %dma_wait3A = arith.constant 0 : i32
      %dma_wait3A_653 = arith.constant 0 : i32
      %dma_wait3A_654 = tpu.memref_slice %arg11[%cond3A_274, %dma_wait3A, %dma_wait3A_653] : memref<4x128x128xf32, #tpu.memory_space<vmem>> -> memref<1x128x128xf32, #tpu.memory_space<vmem>>
      %dma_wait3A_655 = tpu.memref_squeeze %dma_wait3A_654 : memref<1x128x128xf32, #tpu.memory_space<vmem>> -> memref<128x128xf32, #tpu.memory_space<vmem>>
      %dma_wait3A_656 = arith.constant 0 : i32
      %dma_wait3A_657 = tpu.memref_slice %arg8[%cond3A_275, %dma_wait3A_656] : memref<28x128xi32, #tpu.memory_space<vmem>> -> memref<1x128xi32, #tpu.memory_space<vmem>>
      %dma_wait3A_658 = tpu.memref_squeeze %dma_wait3A_657 : memref<1x128xi32, #tpu.memory_space<vmem>> -> memref<128xi32, #tpu.memory_space<vmem>>
      %dma_wait3A_659 = arith.constant 0 : i32
      %dma_wait3A_660 = arith.constant 0 : i32
      %dma_wait3A_661 = tpu.memref_slice %arg6[%dma_wait3A_659, %dma_wait3A_660] : memref<100000x128xf32, #tpu.memory_space<hbm>> -> memref<100000x128xf32, #tpu.memory_space<hbm>>
      tpu.wait_indirect_dma semaphore(%arg13 : memref<!tpu.dma_semaphore, #tpu.memory_space<semaphore_mem>>) src(%dma_wait3A_655 : memref<128x128xf32, #tpu.memory_space<vmem>>) dst(%dma_wait3A_661 : memref<100000x128xf32, #tpu.memory_space<hbm>>)
    } else {
    }
    %gt3A_278 = arith.constant 13 : i32
    %gt3A_279 = arith.cmpi sgt, %shift_right_logical3A_11, %gt3A_278 : i32
    %convert_element_type3A_280 = arith.extui %gt3A_279 : i1 to i32
    %cond3A_281 = arith.constant 13 : i32
    %cond3A_282 = arith.constant 1 : i32
    %cond3A_283 = arith.constant 0 : i32
    %cond3A_284 = arith.cmpi ne, %convert_element_type3A_280, %cond3A_283 : i32
    scf.if %cond3A_284 {
      %dma_start3A = arith.constant 0 : i32
      %dma_start3A_653 = arith.constant 0 : i32
      %dma_start3A_654 = tpu.memref_slice %arg11[%cond3A_282, %dma_start3A, %dma_start3A_653] : memref<4x128x128xf32, #tpu.memory_space<vmem>> -> memref<1x128x128xf32, #tpu.memory_space<vmem>>
      %dma_start3A_655 = tpu.memref_squeeze %dma_start3A_654 : memref<1x128x128xf32, #tpu.memory_space<vmem>> -> memref<128x128xf32, #tpu.memory_space<vmem>>
      %dma_start3A_656 = arith.constant 0 : i32
      %dma_start3A_657 = tpu.memref_slice %arg9[%cond3A_281, %dma_start3A_656] : memref<28x128xi32, #tpu.memory_space<vmem>> -> memref<1x128xi32, #tpu.memory_space<vmem>>
      %dma_start3A_658 = tpu.memref_squeeze %dma_start3A_657 : memref<1x128xi32, #tpu.memory_space<vmem>> -> memref<128xi32, #tpu.memory_space<vmem>>
      %dma_start3A_659 = arith.constant 0 : i32
      %dma_start3A_660 = arith.constant 0 : i32
      %dma_start3A_661 = tpu.memref_slice %arg5[%dma_start3A_659, %dma_start3A_660] : memref<16384x128xf32, #tpu.memory_space<hbm>> -> memref<16384x128xf32, #tpu.memory_space<hbm>>
      tpu.enqueue_indirect_dma source(%dma_start3A_661 : memref<16384x128xf32, #tpu.memory_space<hbm>>) target(%dma_start3A_655 : memref<128x128xf32, #tpu.memory_space<vmem>>) offsets(%dma_start3A_658 : memref<128xi32, #tpu.memory_space<vmem>>) semaphore(%arg12 : memref<!tpu.dma_semaphore, #tpu.memory_space<semaphore_mem>>)
    } else {
    }
    %gt3A_285 = arith.constant 12 : i32
    %gt3A_286 = arith.cmpi sgt, %shift_right_logical3A_11, %gt3A_285 : i32
    %convert_element_type3A_287 = arith.extui %gt3A_286 : i1 to i32
    %cond3A_288 = arith.constant 12 : i32
    %cond3A_289 = arith.constant 0 : i32
    %cond3A_290 = arith.constant 0 : i32
    %cond3A_291 = arith.constant 12 : i32
    %cond3A_292 = arith.constant 0 : i32
    %cond3A_293 = arith.cmpi ne, %convert_element_type3A_287, %cond3A_292 : i32
    scf.if %cond3A_293 {
      %dma_wait3A = arith.constant 0 : i32
      %dma_wait3A_653 = arith.constant 0 : i32
      %dma_wait3A_654 = tpu.memref_slice %arg11[%cond3A_289, %dma_wait3A, %dma_wait3A_653] : memref<4x128x128xf32, #tpu.memory_space<vmem>> -> memref<1x128x128xf32, #tpu.memory_space<vmem>>
      %dma_wait3A_655 = tpu.memref_squeeze %dma_wait3A_654 : memref<1x128x128xf32, #tpu.memory_space<vmem>> -> memref<128x128xf32, #tpu.memory_space<vmem>>
      %dma_wait3A_656 = arith.constant 0 : i32
      %dma_wait3A_657 = tpu.memref_slice %arg9[%cond3A_288, %dma_wait3A_656] : memref<28x128xi32, #tpu.memory_space<vmem>> -> memref<1x128xi32, #tpu.memory_space<vmem>>
      %dma_wait3A_658 = tpu.memref_squeeze %dma_wait3A_657 : memref<1x128xi32, #tpu.memory_space<vmem>> -> memref<128xi32, #tpu.memory_space<vmem>>
      %dma_wait3A_659 = arith.constant 0 : i32
      %dma_wait3A_660 = arith.constant 0 : i32
      %dma_wait3A_661 = tpu.memref_slice %arg5[%dma_wait3A_659, %dma_wait3A_660] : memref<16384x128xf32, #tpu.memory_space<hbm>> -> memref<16384x128xf32, #tpu.memory_space<hbm>>
      tpu.wait_indirect_dma semaphore(%arg12 : memref<!tpu.dma_semaphore, #tpu.memory_space<semaphore_mem>>) src(%dma_wait3A_661 : memref<16384x128xf32, #tpu.memory_space<hbm>>) dst(%dma_wait3A_655 : memref<128x128xf32, #tpu.memory_space<vmem>>)
      %dma_start3A = arith.constant 0 : i32
      %dma_start3A_662 = arith.constant 0 : i32
      %dma_start3A_663 = tpu.memref_slice %arg11[%cond3A_290, %dma_start3A, %dma_start3A_662] : memref<4x128x128xf32, #tpu.memory_space<vmem>> -> memref<1x128x128xf32, #tpu.memory_space<vmem>>
      %dma_start3A_664 = tpu.memref_squeeze %dma_start3A_663 : memref<1x128x128xf32, #tpu.memory_space<vmem>> -> memref<128x128xf32, #tpu.memory_space<vmem>>
      %dma_start3A_665 = arith.constant 0 : i32
      %dma_start3A_666 = tpu.memref_slice %arg8[%cond3A_291, %dma_start3A_665] : memref<28x128xi32, #tpu.memory_space<vmem>> -> memref<1x128xi32, #tpu.memory_space<vmem>>
      %dma_start3A_667 = tpu.memref_squeeze %dma_start3A_666 : memref<1x128xi32, #tpu.memory_space<vmem>> -> memref<128xi32, #tpu.memory_space<vmem>>
      %dma_start3A_668 = arith.constant 0 : i32
      %dma_start3A_669 = arith.constant 0 : i32
      %dma_start3A_670 = tpu.memref_slice %arg6[%dma_start3A_668, %dma_start3A_669] : memref<100000x128xf32, #tpu.memory_space<hbm>> -> memref<100000x128xf32, #tpu.memory_space<hbm>>
      tpu.enqueue_indirect_dma source(%dma_start3A_664 : memref<128x128xf32, #tpu.memory_space<vmem>>) target(%dma_start3A_670 : memref<100000x128xf32, #tpu.memory_space<hbm>>) offsets(%dma_start3A_667 : memref<128xi32, #tpu.memory_space<vmem>>) semaphore(%arg13 : memref<!tpu.dma_semaphore, #tpu.memory_space<semaphore_mem>>)
    } else {
    }
    %gt3A_294 = arith.constant 10 : i32
    %gt3A_295 = arith.cmpi sgt, %shift_right_logical3A_11, %gt3A_294 : i32
    %convert_element_type3A_296 = arith.extui %gt3A_295 : i1 to i32
    %cond3A_297 = arith.constant 2 : i32
    %cond3A_298 = arith.constant 10 : i32
    %cond3A_299 = arith.constant 0 : i32
    %cond3A_300 = arith.cmpi ne, %convert_element_type3A_296, %cond3A_299 : i32
    scf.if %cond3A_300 {
      %dma_wait3A = arith.constant 0 : i32
      %dma_wait3A_653 = arith.constant 0 : i32
      %dma_wait3A_654 = tpu.memref_slice %arg11[%cond3A_297, %dma_wait3A, %dma_wait3A_653] : memref<4x128x128xf32, #tpu.memory_space<vmem>> -> memref<1x128x128xf32, #tpu.memory_space<vmem>>
      %dma_wait3A_655 = tpu.memref_squeeze %dma_wait3A_654 : memref<1x128x128xf32, #tpu.memory_space<vmem>> -> memref<128x128xf32, #tpu.memory_space<vmem>>
      %dma_wait3A_656 = arith.constant 0 : i32
      %dma_wait3A_657 = tpu.memref_slice %arg8[%cond3A_298, %dma_wait3A_656] : memref<28x128xi32, #tpu.memory_space<vmem>> -> memref<1x128xi32, #tpu.memory_space<vmem>>
      %dma_wait3A_658 = tpu.memref_squeeze %dma_wait3A_657 : memref<1x128xi32, #tpu.memory_space<vmem>> -> memref<128xi32, #tpu.memory_space<vmem>>
      %dma_wait3A_659 = arith.constant 0 : i32
      %dma_wait3A_660 = arith.constant 0 : i32
      %dma_wait3A_661 = tpu.memref_slice %arg6[%dma_wait3A_659, %dma_wait3A_660] : memref<100000x128xf32, #tpu.memory_space<hbm>> -> memref<100000x128xf32, #tpu.memory_space<hbm>>
      tpu.wait_indirect_dma semaphore(%arg13 : memref<!tpu.dma_semaphore, #tpu.memory_space<semaphore_mem>>) src(%dma_wait3A_655 : memref<128x128xf32, #tpu.memory_space<vmem>>) dst(%dma_wait3A_661 : memref<100000x128xf32, #tpu.memory_space<hbm>>)
    } else {
    }
    %gt3A_301 = arith.constant 14 : i32
    %gt3A_302 = arith.cmpi sgt, %shift_right_logical3A_11, %gt3A_301 : i32
    %convert_element_type3A_303 = arith.extui %gt3A_302 : i1 to i32
    %cond3A_304 = arith.constant 14 : i32
    %cond3A_305 = arith.constant 2 : i32
    %cond3A_306 = arith.constant 0 : i32
    %cond3A_307 = arith.cmpi ne, %convert_element_type3A_303, %cond3A_306 : i32
    scf.if %cond3A_307 {
      %dma_start3A = arith.constant 0 : i32
      %dma_start3A_653 = arith.constant 0 : i32
      %dma_start3A_654 = tpu.memref_slice %arg11[%cond3A_305, %dma_start3A, %dma_start3A_653] : memref<4x128x128xf32, #tpu.memory_space<vmem>> -> memref<1x128x128xf32, #tpu.memory_space<vmem>>
      %dma_start3A_655 = tpu.memref_squeeze %dma_start3A_654 : memref<1x128x128xf32, #tpu.memory_space<vmem>> -> memref<128x128xf32, #tpu.memory_space<vmem>>
      %dma_start3A_656 = arith.constant 0 : i32
      %dma_start3A_657 = tpu.memref_slice %arg9[%cond3A_304, %dma_start3A_656] : memref<28x128xi32, #tpu.memory_space<vmem>> -> memref<1x128xi32, #tpu.memory_space<vmem>>
      %dma_start3A_658 = tpu.memref_squeeze %dma_start3A_657 : memref<1x128xi32, #tpu.memory_space<vmem>> -> memref<128xi32, #tpu.memory_space<vmem>>
      %dma_start3A_659 = arith.constant 0 : i32
      %dma_start3A_660 = arith.constant 0 : i32
      %dma_start3A_661 = tpu.memref_slice %arg5[%dma_start3A_659, %dma_start3A_660] : memref<16384x128xf32, #tpu.memory_space<hbm>> -> memref<16384x128xf32, #tpu.memory_space<hbm>>
      tpu.enqueue_indirect_dma source(%dma_start3A_661 : memref<16384x128xf32, #tpu.memory_space<hbm>>) target(%dma_start3A_655 : memref<128x128xf32, #tpu.memory_space<vmem>>) offsets(%dma_start3A_658 : memref<128xi32, #tpu.memory_space<vmem>>) semaphore(%arg12 : memref<!tpu.dma_semaphore, #tpu.memory_space<semaphore_mem>>)
    } else {
    }
    %gt3A_308 = arith.constant 13 : i32
    %gt3A_309 = arith.cmpi sgt, %shift_right_logical3A_11, %gt3A_308 : i32
    %convert_element_type3A_310 = arith.extui %gt3A_309 : i1 to i32
    %cond3A_311 = arith.constant 13 : i32
    %cond3A_312 = arith.constant 1 : i32
    %cond3A_313 = arith.constant 1 : i32
    %cond3A_314 = arith.constant 13 : i32
    %cond3A_315 = arith.constant 0 : i32
    %cond3A_316 = arith.cmpi ne, %convert_element_type3A_310, %cond3A_315 : i32
    scf.if %cond3A_316 {
      %dma_wait3A = arith.constant 0 : i32
      %dma_wait3A_653 = arith.constant 0 : i32
      %dma_wait3A_654 = tpu.memref_slice %arg11[%cond3A_312, %dma_wait3A, %dma_wait3A_653] : memref<4x128x128xf32, #tpu.memory_space<vmem>> -> memref<1x128x128xf32, #tpu.memory_space<vmem>>
      %dma_wait3A_655 = tpu.memref_squeeze %dma_wait3A_654 : memref<1x128x128xf32, #tpu.memory_space<vmem>> -> memref<128x128xf32, #tpu.memory_space<vmem>>
      %dma_wait3A_656 = arith.constant 0 : i32
      %dma_wait3A_657 = tpu.memref_slice %arg9[%cond3A_311, %dma_wait3A_656] : memref<28x128xi32, #tpu.memory_space<vmem>> -> memref<1x128xi32, #tpu.memory_space<vmem>>
      %dma_wait3A_658 = tpu.memref_squeeze %dma_wait3A_657 : memref<1x128xi32, #tpu.memory_space<vmem>> -> memref<128xi32, #tpu.memory_space<vmem>>
      %dma_wait3A_659 = arith.constant 0 : i32
      %dma_wait3A_660 = arith.constant 0 : i32
      %dma_wait3A_661 = tpu.memref_slice %arg5[%dma_wait3A_659, %dma_wait3A_660] : memref<16384x128xf32, #tpu.memory_space<hbm>> -> memref<16384x128xf32, #tpu.memory_space<hbm>>
      tpu.wait_indirect_dma semaphore(%arg12 : memref<!tpu.dma_semaphore, #tpu.memory_space<semaphore_mem>>) src(%dma_wait3A_661 : memref<16384x128xf32, #tpu.memory_space<hbm>>) dst(%dma_wait3A_655 : memref<128x128xf32, #tpu.memory_space<vmem>>)
      %dma_start3A = arith.constant 0 : i32
      %dma_start3A_662 = arith.constant 0 : i32
      %dma_start3A_663 = tpu.memref_slice %arg11[%cond3A_313, %dma_start3A, %dma_start3A_662] : memref<4x128x128xf32, #tpu.memory_space<vmem>> -> memref<1x128x128xf32, #tpu.memory_space<vmem>>
      %dma_start3A_664 = tpu.memref_squeeze %dma_start3A_663 : memref<1x128x128xf32, #tpu.memory_space<vmem>> -> memref<128x128xf32, #tpu.memory_space<vmem>>
      %dma_start3A_665 = arith.constant 0 : i32
      %dma_start3A_666 = tpu.memref_slice %arg8[%cond3A_314, %dma_start3A_665] : memref<28x128xi32, #tpu.memory_space<vmem>> -> memref<1x128xi32, #tpu.memory_space<vmem>>
      %dma_start3A_667 = tpu.memref_squeeze %dma_start3A_666 : memref<1x128xi32, #tpu.memory_space<vmem>> -> memref<128xi32, #tpu.memory_space<vmem>>
      %dma_start3A_668 = arith.constant 0 : i32
      %dma_start3A_669 = arith.constant 0 : i32
      %dma_start3A_670 = tpu.memref_slice %arg6[%dma_start3A_668, %dma_start3A_669] : memref<100000x128xf32, #tpu.memory_space<hbm>> -> memref<100000x128xf32, #tpu.memory_space<hbm>>
      tpu.enqueue_indirect_dma source(%dma_start3A_664 : memref<128x128xf32, #tpu.memory_space<vmem>>) target(%dma_start3A_670 : memref<100000x128xf32, #tpu.memory_space<hbm>>) offsets(%dma_start3A_667 : memref<128xi32, #tpu.memory_space<vmem>>) semaphore(%arg13 : memref<!tpu.dma_semaphore, #tpu.memory_space<semaphore_mem>>)
    } else {
    }
    %gt3A_317 = arith.constant 11 : i32
    %gt3A_318 = arith.cmpi sgt, %shift_right_logical3A_11, %gt3A_317 : i32
    %convert_element_type3A_319 = arith.extui %gt3A_318 : i1 to i32
    %cond3A_320 = arith.constant 3 : i32
    %cond3A_321 = arith.constant 11 : i32
    %cond3A_322 = arith.constant 0 : i32
    %cond3A_323 = arith.cmpi ne, %convert_element_type3A_319, %cond3A_322 : i32
    scf.if %cond3A_323 {
      %dma_wait3A = arith.constant 0 : i32
      %dma_wait3A_653 = arith.constant 0 : i32
      %dma_wait3A_654 = tpu.memref_slice %arg11[%cond3A_320, %dma_wait3A, %dma_wait3A_653] : memref<4x128x128xf32, #tpu.memory_space<vmem>> -> memref<1x128x128xf32, #tpu.memory_space<vmem>>
      %dma_wait3A_655 = tpu.memref_squeeze %dma_wait3A_654 : memref<1x128x128xf32, #tpu.memory_space<vmem>> -> memref<128x128xf32, #tpu.memory_space<vmem>>
      %dma_wait3A_656 = arith.constant 0 : i32
      %dma_wait3A_657 = tpu.memref_slice %arg8[%cond3A_321, %dma_wait3A_656] : memref<28x128xi32, #tpu.memory_space<vmem>> -> memref<1x128xi32, #tpu.memory_space<vmem>>
      %dma_wait3A_658 = tpu.memref_squeeze %dma_wait3A_657 : memref<1x128xi32, #tpu.memory_space<vmem>> -> memref<128xi32, #tpu.memory_space<vmem>>
      %dma_wait3A_659 = arith.constant 0 : i32
      %dma_wait3A_660 = arith.constant 0 : i32
      %dma_wait3A_661 = tpu.memref_slice %arg6[%dma_wait3A_659, %dma_wait3A_660] : memref<100000x128xf32, #tpu.memory_space<hbm>> -> memref<100000x128xf32, #tpu.memory_space<hbm>>
      tpu.wait_indirect_dma semaphore(%arg13 : memref<!tpu.dma_semaphore, #tpu.memory_space<semaphore_mem>>) src(%dma_wait3A_655 : memref<128x128xf32, #tpu.memory_space<vmem>>) dst(%dma_wait3A_661 : memref<100000x128xf32, #tpu.memory_space<hbm>>)
    } else {
    }
    %gt3A_324 = arith.constant 15 : i32
    %gt3A_325 = arith.cmpi sgt, %shift_right_logical3A_11, %gt3A_324 : i32
    %convert_element_type3A_326 = arith.extui %gt3A_325 : i1 to i32
    %cond3A_327 = arith.constant 15 : i32
    %cond3A_328 = arith.constant 3 : i32
    %cond3A_329 = arith.constant 0 : i32
    %cond3A_330 = arith.cmpi ne, %convert_element_type3A_326, %cond3A_329 : i32
    scf.if %cond3A_330 {
      %dma_start3A = arith.constant 0 : i32
      %dma_start3A_653 = arith.constant 0 : i32
      %dma_start3A_654 = tpu.memref_slice %arg11[%cond3A_328, %dma_start3A, %dma_start3A_653] : memref<4x128x128xf32, #tpu.memory_space<vmem>> -> memref<1x128x128xf32, #tpu.memory_space<vmem>>
      %dma_start3A_655 = tpu.memref_squeeze %dma_start3A_654 : memref<1x128x128xf32, #tpu.memory_space<vmem>> -> memref<128x128xf32, #tpu.memory_space<vmem>>
      %dma_start3A_656 = arith.constant 0 : i32
      %dma_start3A_657 = tpu.memref_slice %arg9[%cond3A_327, %dma_start3A_656] : memref<28x128xi32, #tpu.memory_space<vmem>> -> memref<1x128xi32, #tpu.memory_space<vmem>>
      %dma_start3A_658 = tpu.memref_squeeze %dma_start3A_657 : memref<1x128xi32, #tpu.memory_space<vmem>> -> memref<128xi32, #tpu.memory_space<vmem>>
      %dma_start3A_659 = arith.constant 0 : i32
      %dma_start3A_660 = arith.constant 0 : i32
      %dma_start3A_661 = tpu.memref_slice %arg5[%dma_start3A_659, %dma_start3A_660] : memref<16384x128xf32, #tpu.memory_space<hbm>> -> memref<16384x128xf32, #tpu.memory_space<hbm>>
      tpu.enqueue_indirect_dma source(%dma_start3A_661 : memref<16384x128xf32, #tpu.memory_space<hbm>>) target(%dma_start3A_655 : memref<128x128xf32, #tpu.memory_space<vmem>>) offsets(%dma_start3A_658 : memref<128xi32, #tpu.memory_space<vmem>>) semaphore(%arg12 : memref<!tpu.dma_semaphore, #tpu.memory_space<semaphore_mem>>)
    } else {
    }
    %gt3A_331 = arith.constant 14 : i32
    %gt3A_332 = arith.cmpi sgt, %shift_right_logical3A_11, %gt3A_331 : i32
    %convert_element_type3A_333 = arith.extui %gt3A_332 : i1 to i32
    %cond3A_334 = arith.constant 14 : i32
    %cond3A_335 = arith.constant 2 : i32
    %cond3A_336 = arith.constant 2 : i32
    %cond3A_337 = arith.constant 14 : i32
    %cond3A_338 = arith.constant 0 : i32
    %cond3A_339 = arith.cmpi ne, %convert_element_type3A_333, %cond3A_338 : i32
    scf.if %cond3A_339 {
      %dma_wait3A = arith.constant 0 : i32
      %dma_wait3A_653 = arith.constant 0 : i32
      %dma_wait3A_654 = tpu.memref_slice %arg11[%cond3A_335, %dma_wait3A, %dma_wait3A_653] : memref<4x128x128xf32, #tpu.memory_space<vmem>> -> memref<1x128x128xf32, #tpu.memory_space<vmem>>
      %dma_wait3A_655 = tpu.memref_squeeze %dma_wait3A_654 : memref<1x128x128xf32, #tpu.memory_space<vmem>> -> memref<128x128xf32, #tpu.memory_space<vmem>>
      %dma_wait3A_656 = arith.constant 0 : i32
      %dma_wait3A_657 = tpu.memref_slice %arg9[%cond3A_334, %dma_wait3A_656] : memref<28x128xi32, #tpu.memory_space<vmem>> -> memref<1x128xi32, #tpu.memory_space<vmem>>
      %dma_wait3A_658 = tpu.memref_squeeze %dma_wait3A_657 : memref<1x128xi32, #tpu.memory_space<vmem>> -> memref<128xi32, #tpu.memory_space<vmem>>
      %dma_wait3A_659 = arith.constant 0 : i32
      %dma_wait3A_660 = arith.constant 0 : i32
      %dma_wait3A_661 = tpu.memref_slice %arg5[%dma_wait3A_659, %dma_wait3A_660] : memref<16384x128xf32, #tpu.memory_space<hbm>> -> memref<16384x128xf32, #tpu.memory_space<hbm>>
      tpu.wait_indirect_dma semaphore(%arg12 : memref<!tpu.dma_semaphore, #tpu.memory_space<semaphore_mem>>) src(%dma_wait3A_661 : memref<16384x128xf32, #tpu.memory_space<hbm>>) dst(%dma_wait3A_655 : memref<128x128xf32, #tpu.memory_space<vmem>>)
      %dma_start3A = arith.constant 0 : i32
      %dma_start3A_662 = arith.constant 0 : i32
      %dma_start3A_663 = tpu.memref_slice %arg11[%cond3A_336, %dma_start3A, %dma_start3A_662] : memref<4x128x128xf32, #tpu.memory_space<vmem>> -> memref<1x128x128xf32, #tpu.memory_space<vmem>>
      %dma_start3A_664 = tpu.memref_squeeze %dma_start3A_663 : memref<1x128x128xf32, #tpu.memory_space<vmem>> -> memref<128x128xf32, #tpu.memory_space<vmem>>
      %dma_start3A_665 = arith.constant 0 : i32
      %dma_start3A_666 = tpu.memref_slice %arg8[%cond3A_337, %dma_start3A_665] : memref<28x128xi32, #tpu.memory_space<vmem>> -> memref<1x128xi32, #tpu.memory_space<vmem>>
      %dma_start3A_667 = tpu.memref_squeeze %dma_start3A_666 : memref<1x128xi32, #tpu.memory_space<vmem>> -> memref<128xi32, #tpu.memory_space<vmem>>
      %dma_start3A_668 = arith.constant 0 : i32
      %dma_start3A_669 = arith.constant 0 : i32
      %dma_start3A_670 = tpu.memref_slice %arg6[%dma_start3A_668, %dma_start3A_669] : memref<100000x128xf32, #tpu.memory_space<hbm>> -> memref<100000x128xf32, #tpu.memory_space<hbm>>
      tpu.enqueue_indirect_dma source(%dma_start3A_664 : memref<128x128xf32, #tpu.memory_space<vmem>>) target(%dma_start3A_670 : memref<100000x128xf32, #tpu.memory_space<hbm>>) offsets(%dma_start3A_667 : memref<128xi32, #tpu.memory_space<vmem>>) semaphore(%arg13 : memref<!tpu.dma_semaphore, #tpu.memory_space<semaphore_mem>>)
    } else {
    }
    %gt3A_340 = arith.constant 12 : i32
    %gt3A_341 = arith.cmpi sgt, %shift_right_logical3A_11, %gt3A_340 : i32
    %convert_element_type3A_342 = arith.extui %gt3A_341 : i1 to i32
    %cond3A_343 = arith.constant 0 : i32
    %cond3A_344 = arith.constant 12 : i32
    %cond3A_345 = arith.constant 0 : i32
    %cond3A_346 = arith.cmpi ne, %convert_element_type3A_342, %cond3A_345 : i32
    scf.if %cond3A_346 {
      %dma_wait3A = arith.constant 0 : i32
      %dma_wait3A_653 = arith.constant 0 : i32
      %dma_wait3A_654 = tpu.memref_slice %arg11[%cond3A_343, %dma_wait3A, %dma_wait3A_653] : memref<4x128x128xf32, #tpu.memory_space<vmem>> -> memref<1x128x128xf32, #tpu.memory_space<vmem>>
      %dma_wait3A_655 = tpu.memref_squeeze %dma_wait3A_654 : memref<1x128x128xf32, #tpu.memory_space<vmem>> -> memref<128x128xf32, #tpu.memory_space<vmem>>
      %dma_wait3A_656 = arith.constant 0 : i32
      %dma_wait3A_657 = tpu.memref_slice %arg8[%cond3A_344, %dma_wait3A_656] : memref<28x128xi32, #tpu.memory_space<vmem>> -> memref<1x128xi32, #tpu.memory_space<vmem>>
      %dma_wait3A_658 = tpu.memref_squeeze %dma_wait3A_657 : memref<1x128xi32, #tpu.memory_space<vmem>> -> memref<128xi32, #tpu.memory_space<vmem>>
      %dma_wait3A_659 = arith.constant 0 : i32
      %dma_wait3A_660 = arith.constant 0 : i32
      %dma_wait3A_661 = tpu.memref_slice %arg6[%dma_wait3A_659, %dma_wait3A_660] : memref<100000x128xf32, #tpu.memory_space<hbm>> -> memref<100000x128xf32, #tpu.memory_space<hbm>>
      tpu.wait_indirect_dma semaphore(%arg13 : memref<!tpu.dma_semaphore, #tpu.memory_space<semaphore_mem>>) src(%dma_wait3A_655 : memref<128x128xf32, #tpu.memory_space<vmem>>) dst(%dma_wait3A_661 : memref<100000x128xf32, #tpu.memory_space<hbm>>)
    } else {
    }
    %gt3A_347 = arith.constant 16 : i32
    %gt3A_348 = arith.cmpi sgt, %shift_right_logical3A_11, %gt3A_347 : i32
    %convert_element_type3A_349 = arith.extui %gt3A_348 : i1 to i32
    %cond3A_350 = arith.constant 16 : i32
    %cond3A_351 = arith.constant 0 : i32
    %cond3A_352 = arith.constant 0 : i32
    %cond3A_353 = arith.cmpi ne, %convert_element_type3A_349, %cond3A_352 : i32
    scf.if %cond3A_353 {
      %dma_start3A = arith.constant 0 : i32
      %dma_start3A_653 = arith.constant 0 : i32
      %dma_start3A_654 = tpu.memref_slice %arg11[%cond3A_351, %dma_start3A, %dma_start3A_653] : memref<4x128x128xf32, #tpu.memory_space<vmem>> -> memref<1x128x128xf32, #tpu.memory_space<vmem>>
      %dma_start3A_655 = tpu.memref_squeeze %dma_start3A_654 : memref<1x128x128xf32, #tpu.memory_space<vmem>> -> memref<128x128xf32, #tpu.memory_space<vmem>>
      %dma_start3A_656 = arith.constant 0 : i32
      %dma_start3A_657 = tpu.memref_slice %arg9[%cond3A_350, %dma_start3A_656] : memref<28x128xi32, #tpu.memory_space<vmem>> -> memref<1x128xi32, #tpu.memory_space<vmem>>
      %dma_start3A_658 = tpu.memref_squeeze %dma_start3A_657 : memref<1x128xi32, #tpu.memory_space<vmem>> -> memref<128xi32, #tpu.memory_space<vmem>>
      %dma_start3A_659 = arith.constant 0 : i32
      %dma_start3A_660 = arith.constant 0 : i32
      %dma_start3A_661 = tpu.memref_slice %arg5[%dma_start3A_659, %dma_start3A_660] : memref<16384x128xf32, #tpu.memory_space<hbm>> -> memref<16384x128xf32, #tpu.memory_space<hbm>>
      tpu.enqueue_indirect_dma source(%dma_start3A_661 : memref<16384x128xf32, #tpu.memory_space<hbm>>) target(%dma_start3A_655 : memref<128x128xf32, #tpu.memory_space<vmem>>) offsets(%dma_start3A_658 : memref<128xi32, #tpu.memory_space<vmem>>) semaphore(%arg12 : memref<!tpu.dma_semaphore, #tpu.memory_space<semaphore_mem>>)
    } else {
    }
    %gt3A_354 = arith.constant 15 : i32
    %gt3A_355 = arith.cmpi sgt, %shift_right_logical3A_11, %gt3A_354 : i32
    %convert_element_type3A_356 = arith.extui %gt3A_355 : i1 to i32
    %cond3A_357 = arith.constant 15 : i32
    %cond3A_358 = arith.constant 3 : i32
    %cond3A_359 = arith.constant 3 : i32
    %cond3A_360 = arith.constant 15 : i32
    %cond3A_361 = arith.constant 0 : i32
    %cond3A_362 = arith.cmpi ne, %convert_element_type3A_356, %cond3A_361 : i32
    scf.if %cond3A_362 {
      %dma_wait3A = arith.constant 0 : i32
      %dma_wait3A_653 = arith.constant 0 : i32
      %dma_wait3A_654 = tpu.memref_slice %arg11[%cond3A_358, %dma_wait3A, %dma_wait3A_653] : memref<4x128x128xf32, #tpu.memory_space<vmem>> -> memref<1x128x128xf32, #tpu.memory_space<vmem>>
      %dma_wait3A_655 = tpu.memref_squeeze %dma_wait3A_654 : memref<1x128x128xf32, #tpu.memory_space<vmem>> -> memref<128x128xf32, #tpu.memory_space<vmem>>
      %dma_wait3A_656 = arith.constant 0 : i32
      %dma_wait3A_657 = tpu.memref_slice %arg9[%cond3A_357, %dma_wait3A_656] : memref<28x128xi32, #tpu.memory_space<vmem>> -> memref<1x128xi32, #tpu.memory_space<vmem>>
      %dma_wait3A_658 = tpu.memref_squeeze %dma_wait3A_657 : memref<1x128xi32, #tpu.memory_space<vmem>> -> memref<128xi32, #tpu.memory_space<vmem>>
      %dma_wait3A_659 = arith.constant 0 : i32
      %dma_wait3A_660 = arith.constant 0 : i32
      %dma_wait3A_661 = tpu.memref_slice %arg5[%dma_wait3A_659, %dma_wait3A_660] : memref<16384x128xf32, #tpu.memory_space<hbm>> -> memref<16384x128xf32, #tpu.memory_space<hbm>>
      tpu.wait_indirect_dma semaphore(%arg12 : memref<!tpu.dma_semaphore, #tpu.memory_space<semaphore_mem>>) src(%dma_wait3A_661 : memref<16384x128xf32, #tpu.memory_space<hbm>>) dst(%dma_wait3A_655 : memref<128x128xf32, #tpu.memory_space<vmem>>)
      %dma_start3A = arith.constant 0 : i32
      %dma_start3A_662 = arith.constant 0 : i32
      %dma_start3A_663 = tpu.memref_slice %arg11[%cond3A_359, %dma_start3A, %dma_start3A_662] : memref<4x128x128xf32, #tpu.memory_space<vmem>> -> memref<1x128x128xf32, #tpu.memory_space<vmem>>
      %dma_start3A_664 = tpu.memref_squeeze %dma_start3A_663 : memref<1x128x128xf32, #tpu.memory_space<vmem>> -> memref<128x128xf32, #tpu.memory_space<vmem>>
      %dma_start3A_665 = arith.constant 0 : i32
      %dma_start3A_666 = tpu.memref_slice %arg8[%cond3A_360, %dma_start3A_665] : memref<28x128xi32, #tpu.memory_space<vmem>> -> memref<1x128xi32, #tpu.memory_space<vmem>>
      %dma_start3A_667 = tpu.memref_squeeze %dma_start3A_666 : memref<1x128xi32, #tpu.memory_space<vmem>> -> memref<128xi32, #tpu.memory_space<vmem>>
      %dma_start3A_668 = arith.constant 0 : i32
      %dma_start3A_669 = arith.constant 0 : i32
      %dma_start3A_670 = tpu.memref_slice %arg6[%dma_start3A_668, %dma_start3A_669] : memref<100000x128xf32, #tpu.memory_space<hbm>> -> memref<100000x128xf32, #tpu.memory_space<hbm>>
      tpu.enqueue_indirect_dma source(%dma_start3A_664 : memref<128x128xf32, #tpu.memory_space<vmem>>) target(%dma_start3A_670 : memref<100000x128xf32, #tpu.memory_space<hbm>>) offsets(%dma_start3A_667 : memref<128xi32, #tpu.memory_space<vmem>>) semaphore(%arg13 : memref<!tpu.dma_semaphore, #tpu.memory_space<semaphore_mem>>)
    } else {
    }
    %gt3A_363 = arith.constant 13 : i32
    %gt3A_364 = arith.cmpi sgt, %shift_right_logical3A_11, %gt3A_363 : i32
    %convert_element_type3A_365 = arith.extui %gt3A_364 : i1 to i32
    %cond3A_366 = arith.constant 1 : i32
    %cond3A_367 = arith.constant 13 : i32
    %cond3A_368 = arith.constant 0 : i32
    %cond3A_369 = arith.cmpi ne, %convert_element_type3A_365, %cond3A_368 : i32
    scf.if %cond3A_369 {
      %dma_wait3A = arith.constant 0 : i32
      %dma_wait3A_653 = arith.constant 0 : i32
      %dma_wait3A_654 = tpu.memref_slice %arg11[%cond3A_366, %dma_wait3A, %dma_wait3A_653] : memref<4x128x128xf32, #tpu.memory_space<vmem>> -> memref<1x128x128xf32, #tpu.memory_space<vmem>>
      %dma_wait3A_655 = tpu.memref_squeeze %dma_wait3A_654 : memref<1x128x128xf32, #tpu.memory_space<vmem>> -> memref<128x128xf32, #tpu.memory_space<vmem>>
      %dma_wait3A_656 = arith.constant 0 : i32
      %dma_wait3A_657 = tpu.memref_slice %arg8[%cond3A_367, %dma_wait3A_656] : memref<28x128xi32, #tpu.memory_space<vmem>> -> memref<1x128xi32, #tpu.memory_space<vmem>>
      %dma_wait3A_658 = tpu.memref_squeeze %dma_wait3A_657 : memref<1x128xi32, #tpu.memory_space<vmem>> -> memref<128xi32, #tpu.memory_space<vmem>>
      %dma_wait3A_659 = arith.constant 0 : i32
      %dma_wait3A_660 = arith.constant 0 : i32
      %dma_wait3A_661 = tpu.memref_slice %arg6[%dma_wait3A_659, %dma_wait3A_660] : memref<100000x128xf32, #tpu.memory_space<hbm>> -> memref<100000x128xf32, #tpu.memory_space<hbm>>
      tpu.wait_indirect_dma semaphore(%arg13 : memref<!tpu.dma_semaphore, #tpu.memory_space<semaphore_mem>>) src(%dma_wait3A_655 : memref<128x128xf32, #tpu.memory_space<vmem>>) dst(%dma_wait3A_661 : memref<100000x128xf32, #tpu.memory_space<hbm>>)
    } else {
    }
    %gt3A_370 = arith.constant 17 : i32
    %gt3A_371 = arith.cmpi sgt, %shift_right_logical3A_11, %gt3A_370 : i32
    %convert_element_type3A_372 = arith.extui %gt3A_371 : i1 to i32
    %cond3A_373 = arith.constant 17 : i32
    %cond3A_374 = arith.constant 1 : i32
    %cond3A_375 = arith.constant 0 : i32
    %cond3A_376 = arith.cmpi ne, %convert_element_type3A_372, %cond3A_375 : i32
    scf.if %cond3A_376 {
      %dma_start3A = arith.constant 0 : i32
      %dma_start3A_653 = arith.constant 0 : i32
      %dma_start3A_654 = tpu.memref_slice %arg11[%cond3A_374, %dma_start3A, %dma_start3A_653] : memref<4x128x128xf32, #tpu.memory_space<vmem>> -> memref<1x128x128xf32, #tpu.memory_space<vmem>>
      %dma_start3A_655 = tpu.memref_squeeze %dma_start3A_654 : memref<1x128x128xf32, #tpu.memory_space<vmem>> -> memref<128x128xf32, #tpu.memory_space<vmem>>
      %dma_start3A_656 = arith.constant 0 : i32
      %dma_start3A_657 = tpu.memref_slice %arg9[%cond3A_373, %dma_start3A_656] : memref<28x128xi32, #tpu.memory_space<vmem>> -> memref<1x128xi32, #tpu.memory_space<vmem>>
      %dma_start3A_658 = tpu.memref_squeeze %dma_start3A_657 : memref<1x128xi32, #tpu.memory_space<vmem>> -> memref<128xi32, #tpu.memory_space<vmem>>
      %dma_start3A_659 = arith.constant 0 : i32
      %dma_start3A_660 = arith.constant 0 : i32
      %dma_start3A_661 = tpu.memref_slice %arg5[%dma_start3A_659, %dma_start3A_660] : memref<16384x128xf32, #tpu.memory_space<hbm>> -> memref<16384x128xf32, #tpu.memory_space<hbm>>
      tpu.enqueue_indirect_dma source(%dma_start3A_661 : memref<16384x128xf32, #tpu.memory_space<hbm>>) target(%dma_start3A_655 : memref<128x128xf32, #tpu.memory_space<vmem>>) offsets(%dma_start3A_658 : memref<128xi32, #tpu.memory_space<vmem>>) semaphore(%arg12 : memref<!tpu.dma_semaphore, #tpu.memory_space<semaphore_mem>>)
    } else {
    }
    %gt3A_377 = arith.constant 16 : i32
    %gt3A_378 = arith.cmpi sgt, %shift_right_logical3A_11, %gt3A_377 : i32
    %convert_element_type3A_379 = arith.extui %gt3A_378 : i1 to i32
    %cond3A_380 = arith.constant 16 : i32
    %cond3A_381 = arith.constant 0 : i32
    %cond3A_382 = arith.constant 0 : i32
    %cond3A_383 = arith.constant 16 : i32
    %cond3A_384 = arith.constant 0 : i32
    %cond3A_385 = arith.cmpi ne, %convert_element_type3A_379, %cond3A_384 : i32
    scf.if %cond3A_385 {
      %dma_wait3A = arith.constant 0 : i32
      %dma_wait3A_653 = arith.constant 0 : i32
      %dma_wait3A_654 = tpu.memref_slice %arg11[%cond3A_381, %dma_wait3A, %dma_wait3A_653] : memref<4x128x128xf32, #tpu.memory_space<vmem>> -> memref<1x128x128xf32, #tpu.memory_space<vmem>>
      %dma_wait3A_655 = tpu.memref_squeeze %dma_wait3A_654 : memref<1x128x128xf32, #tpu.memory_space<vmem>> -> memref<128x128xf32, #tpu.memory_space<vmem>>
      %dma_wait3A_656 = arith.constant 0 : i32
      %dma_wait3A_657 = tpu.memref_slice %arg9[%cond3A_380, %dma_wait3A_656] : memref<28x128xi32, #tpu.memory_space<vmem>> -> memref<1x128xi32, #tpu.memory_space<vmem>>
      %dma_wait3A_658 = tpu.memref_squeeze %dma_wait3A_657 : memref<1x128xi32, #tpu.memory_space<vmem>> -> memref<128xi32, #tpu.memory_space<vmem>>
      %dma_wait3A_659 = arith.constant 0 : i32
      %dma_wait3A_660 = arith.constant 0 : i32
      %dma_wait3A_661 = tpu.memref_slice %arg5[%dma_wait3A_659, %dma_wait3A_660] : memref<16384x128xf32, #tpu.memory_space<hbm>> -> memref<16384x128xf32, #tpu.memory_space<hbm>>
      tpu.wait_indirect_dma semaphore(%arg12 : memref<!tpu.dma_semaphore, #tpu.memory_space<semaphore_mem>>) src(%dma_wait3A_661 : memref<16384x128xf32, #tpu.memory_space<hbm>>) dst(%dma_wait3A_655 : memref<128x128xf32, #tpu.memory_space<vmem>>)
      %dma_start3A = arith.constant 0 : i32
      %dma_start3A_662 = arith.constant 0 : i32
      %dma_start3A_663 = tpu.memref_slice %arg11[%cond3A_382, %dma_start3A, %dma_start3A_662] : memref<4x128x128xf32, #tpu.memory_space<vmem>> -> memref<1x128x128xf32, #tpu.memory_space<vmem>>
      %dma_start3A_664 = tpu.memref_squeeze %dma_start3A_663 : memref<1x128x128xf32, #tpu.memory_space<vmem>> -> memref<128x128xf32, #tpu.memory_space<vmem>>
      %dma_start3A_665 = arith.constant 0 : i32
      %dma_start3A_666 = tpu.memref_slice %arg8[%cond3A_383, %dma_start3A_665] : memref<28x128xi32, #tpu.memory_space<vmem>> -> memref<1x128xi32, #tpu.memory_space<vmem>>
      %dma_start3A_667 = tpu.memref_squeeze %dma_start3A_666 : memref<1x128xi32, #tpu.memory_space<vmem>> -> memref<128xi32, #tpu.memory_space<vmem>>
      %dma_start3A_668 = arith.constant 0 : i32
      %dma_start3A_669 = arith.constant 0 : i32
      %dma_start3A_670 = tpu.memref_slice %arg6[%dma_start3A_668, %dma_start3A_669] : memref<100000x128xf32, #tpu.memory_space<hbm>> -> memref<100000x128xf32, #tpu.memory_space<hbm>>
      tpu.enqueue_indirect_dma source(%dma_start3A_664 : memref<128x128xf32, #tpu.memory_space<vmem>>) target(%dma_start3A_670 : memref<100000x128xf32, #tpu.memory_space<hbm>>) offsets(%dma_start3A_667 : memref<128xi32, #tpu.memory_space<vmem>>) semaphore(%arg13 : memref<!tpu.dma_semaphore, #tpu.memory_space<semaphore_mem>>)
    } else {
    }
    %gt3A_386 = arith.constant 14 : i32
    %gt3A_387 = arith.cmpi sgt, %shift_right_logical3A_11, %gt3A_386 : i32
    %convert_element_type3A_388 = arith.extui %gt3A_387 : i1 to i32
    %cond3A_389 = arith.constant 2 : i32
    %cond3A_390 = arith.constant 14 : i32
    %cond3A_391 = arith.constant 0 : i32
    %cond3A_392 = arith.cmpi ne, %convert_element_type3A_388, %cond3A_391 : i32
    scf.if %cond3A_392 {
      %dma_wait3A = arith.constant 0 : i32
      %dma_wait3A_653 = arith.constant 0 : i32
      %dma_wait3A_654 = tpu.memref_slice %arg11[%cond3A_389, %dma_wait3A, %dma_wait3A_653] : memref<4x128x128xf32, #tpu.memory_space<vmem>> -> memref<1x128x128xf32, #tpu.memory_space<vmem>>
      %dma_wait3A_655 = tpu.memref_squeeze %dma_wait3A_654 : memref<1x128x128xf32, #tpu.memory_space<vmem>> -> memref<128x128xf32, #tpu.memory_space<vmem>>
      %dma_wait3A_656 = arith.constant 0 : i32
      %dma_wait3A_657 = tpu.memref_slice %arg8[%cond3A_390, %dma_wait3A_656] : memref<28x128xi32, #tpu.memory_space<vmem>> -> memref<1x128xi32, #tpu.memory_space<vmem>>
      %dma_wait3A_658 = tpu.memref_squeeze %dma_wait3A_657 : memref<1x128xi32, #tpu.memory_space<vmem>> -> memref<128xi32, #tpu.memory_space<vmem>>
      %dma_wait3A_659 = arith.constant 0 : i32
      %dma_wait3A_660 = arith.constant 0 : i32
      %dma_wait3A_661 = tpu.memref_slice %arg6[%dma_wait3A_659, %dma_wait3A_660] : memref<100000x128xf32, #tpu.memory_space<hbm>> -> memref<100000x128xf32, #tpu.memory_space<hbm>>
      tpu.wait_indirect_dma semaphore(%arg13 : memref<!tpu.dma_semaphore, #tpu.memory_space<semaphore_mem>>) src(%dma_wait3A_655 : memref<128x128xf32, #tpu.memory_space<vmem>>) dst(%dma_wait3A_661 : memref<100000x128xf32, #tpu.memory_space<hbm>>)
    } else {
    }
    %gt3A_393 = arith.constant 18 : i32
    %gt3A_394 = arith.cmpi sgt, %shift_right_logical3A_11, %gt3A_393 : i32
    %convert_element_type3A_395 = arith.extui %gt3A_394 : i1 to i32
    %cond3A_396 = arith.constant 18 : i32
    %cond3A_397 = arith.constant 2 : i32
    %cond3A_398 = arith.constant 0 : i32
    %cond3A_399 = arith.cmpi ne, %convert_element_type3A_395, %cond3A_398 : i32
    scf.if %cond3A_399 {
      %dma_start3A = arith.constant 0 : i32
      %dma_start3A_653 = arith.constant 0 : i32
      %dma_start3A_654 = tpu.memref_slice %arg11[%cond3A_397, %dma_start3A, %dma_start3A_653] : memref<4x128x128xf32, #tpu.memory_space<vmem>> -> memref<1x128x128xf32, #tpu.memory_space<vmem>>
      %dma_start3A_655 = tpu.memref_squeeze %dma_start3A_654 : memref<1x128x128xf32, #tpu.memory_space<vmem>> -> memref<128x128xf32, #tpu.memory_space<vmem>>
      %dma_start3A_656 = arith.constant 0 : i32
      %dma_start3A_657 = tpu.memref_slice %arg9[%cond3A_396, %dma_start3A_656] : memref<28x128xi32, #tpu.memory_space<vmem>> -> memref<1x128xi32, #tpu.memory_space<vmem>>
      %dma_start3A_658 = tpu.memref_squeeze %dma_start3A_657 : memref<1x128xi32, #tpu.memory_space<vmem>> -> memref<128xi32, #tpu.memory_space<vmem>>
      %dma_start3A_659 = arith.constant 0 : i32
      %dma_start3A_660 = arith.constant 0 : i32
      %dma_start3A_661 = tpu.memref_slice %arg5[%dma_start3A_659, %dma_start3A_660] : memref<16384x128xf32, #tpu.memory_space<hbm>> -> memref<16384x128xf32, #tpu.memory_space<hbm>>
      tpu.enqueue_indirect_dma source(%dma_start3A_661 : memref<16384x128xf32, #tpu.memory_space<hbm>>) target(%dma_start3A_655 : memref<128x128xf32, #tpu.memory_space<vmem>>) offsets(%dma_start3A_658 : memref<128xi32, #tpu.memory_space<vmem>>) semaphore(%arg12 : memref<!tpu.dma_semaphore, #tpu.memory_space<semaphore_mem>>)
    } else {
    }
    %gt3A_400 = arith.constant 17 : i32
    %gt3A_401 = arith.cmpi sgt, %shift_right_logical3A_11, %gt3A_400 : i32
    %convert_element_type3A_402 = arith.extui %gt3A_401 : i1 to i32
    %cond3A_403 = arith.constant 17 : i32
    %cond3A_404 = arith.constant 1 : i32
    %cond3A_405 = arith.constant 1 : i32
    %cond3A_406 = arith.constant 17 : i32
    %cond3A_407 = arith.constant 0 : i32
    %cond3A_408 = arith.cmpi ne, %convert_element_type3A_402, %cond3A_407 : i32
    scf.if %cond3A_408 {
      %dma_wait3A = arith.constant 0 : i32
      %dma_wait3A_653 = arith.constant 0 : i32
      %dma_wait3A_654 = tpu.memref_slice %arg11[%cond3A_404, %dma_wait3A, %dma_wait3A_653] : memref<4x128x128xf32, #tpu.memory_space<vmem>> -> memref<1x128x128xf32, #tpu.memory_space<vmem>>
      %dma_wait3A_655 = tpu.memref_squeeze %dma_wait3A_654 : memref<1x128x128xf32, #tpu.memory_space<vmem>> -> memref<128x128xf32, #tpu.memory_space<vmem>>
      %dma_wait3A_656 = arith.constant 0 : i32
      %dma_wait3A_657 = tpu.memref_slice %arg9[%cond3A_403, %dma_wait3A_656] : memref<28x128xi32, #tpu.memory_space<vmem>> -> memref<1x128xi32, #tpu.memory_space<vmem>>
      %dma_wait3A_658 = tpu.memref_squeeze %dma_wait3A_657 : memref<1x128xi32, #tpu.memory_space<vmem>> -> memref<128xi32, #tpu.memory_space<vmem>>
      %dma_wait3A_659 = arith.constant 0 : i32
      %dma_wait3A_660 = arith.constant 0 : i32
      %dma_wait3A_661 = tpu.memref_slice %arg5[%dma_wait3A_659, %dma_wait3A_660] : memref<16384x128xf32, #tpu.memory_space<hbm>> -> memref<16384x128xf32, #tpu.memory_space<hbm>>
      tpu.wait_indirect_dma semaphore(%arg12 : memref<!tpu.dma_semaphore, #tpu.memory_space<semaphore_mem>>) src(%dma_wait3A_661 : memref<16384x128xf32, #tpu.memory_space<hbm>>) dst(%dma_wait3A_655 : memref<128x128xf32, #tpu.memory_space<vmem>>)
      %dma_start3A = arith.constant 0 : i32
      %dma_start3A_662 = arith.constant 0 : i32
      %dma_start3A_663 = tpu.memref_slice %arg11[%cond3A_405, %dma_start3A, %dma_start3A_662] : memref<4x128x128xf32, #tpu.memory_space<vmem>> -> memref<1x128x128xf32, #tpu.memory_space<vmem>>
      %dma_start3A_664 = tpu.memref_squeeze %dma_start3A_663 : memref<1x128x128xf32, #tpu.memory_space<vmem>> -> memref<128x128xf32, #tpu.memory_space<vmem>>
      %dma_start3A_665 = arith.constant 0 : i32
      %dma_start3A_666 = tpu.memref_slice %arg8[%cond3A_406, %dma_start3A_665] : memref<28x128xi32, #tpu.memory_space<vmem>> -> memref<1x128xi32, #tpu.memory_space<vmem>>
      %dma_start3A_667 = tpu.memref_squeeze %dma_start3A_666 : memref<1x128xi32, #tpu.memory_space<vmem>> -> memref<128xi32, #tpu.memory_space<vmem>>
      %dma_start3A_668 = arith.constant 0 : i32
      %dma_start3A_669 = arith.constant 0 : i32
      %dma_start3A_670 = tpu.memref_slice %arg6[%dma_start3A_668, %dma_start3A_669] : memref<100000x128xf32, #tpu.memory_space<hbm>> -> memref<100000x128xf32, #tpu.memory_space<hbm>>
      tpu.enqueue_indirect_dma source(%dma_start3A_664 : memref<128x128xf32, #tpu.memory_space<vmem>>) target(%dma_start3A_670 : memref<100000x128xf32, #tpu.memory_space<hbm>>) offsets(%dma_start3A_667 : memref<128xi32, #tpu.memory_space<vmem>>) semaphore(%arg13 : memref<!tpu.dma_semaphore, #tpu.memory_space<semaphore_mem>>)
    } else {
    }
    %gt3A_409 = arith.constant 15 : i32
    %gt3A_410 = arith.cmpi sgt, %shift_right_logical3A_11, %gt3A_409 : i32
    %convert_element_type3A_411 = arith.extui %gt3A_410 : i1 to i32
    %cond3A_412 = arith.constant 3 : i32
    %cond3A_413 = arith.constant 15 : i32
    %cond3A_414 = arith.constant 0 : i32
    %cond3A_415 = arith.cmpi ne, %convert_element_type3A_411, %cond3A_414 : i32
    scf.if %cond3A_415 {
      %dma_wait3A = arith.constant 0 : i32
      %dma_wait3A_653 = arith.constant 0 : i32
      %dma_wait3A_654 = tpu.memref_slice %arg11[%cond3A_412, %dma_wait3A, %dma_wait3A_653] : memref<4x128x128xf32, #tpu.memory_space<vmem>> -> memref<1x128x128xf32, #tpu.memory_space<vmem>>
      %dma_wait3A_655 = tpu.memref_squeeze %dma_wait3A_654 : memref<1x128x128xf32, #tpu.memory_space<vmem>> -> memref<128x128xf32, #tpu.memory_space<vmem>>
      %dma_wait3A_656 = arith.constant 0 : i32
      %dma_wait3A_657 = tpu.memref_slice %arg8[%cond3A_413, %dma_wait3A_656] : memref<28x128xi32, #tpu.memory_space<vmem>> -> memref<1x128xi32, #tpu.memory_space<vmem>>
      %dma_wait3A_658 = tpu.memref_squeeze %dma_wait3A_657 : memref<1x128xi32, #tpu.memory_space<vmem>> -> memref<128xi32, #tpu.memory_space<vmem>>
      %dma_wait3A_659 = arith.constant 0 : i32
      %dma_wait3A_660 = arith.constant 0 : i32
      %dma_wait3A_661 = tpu.memref_slice %arg6[%dma_wait3A_659, %dma_wait3A_660] : memref<100000x128xf32, #tpu.memory_space<hbm>> -> memref<100000x128xf32, #tpu.memory_space<hbm>>
      tpu.wait_indirect_dma semaphore(%arg13 : memref<!tpu.dma_semaphore, #tpu.memory_space<semaphore_mem>>) src(%dma_wait3A_655 : memref<128x128xf32, #tpu.memory_space<vmem>>) dst(%dma_wait3A_661 : memref<100000x128xf32, #tpu.memory_space<hbm>>)
    } else {
    }
    %gt3A_416 = arith.constant 19 : i32
    %gt3A_417 = arith.cmpi sgt, %shift_right_logical3A_11, %gt3A_416 : i32
    %convert_element_type3A_418 = arith.extui %gt3A_417 : i1 to i32
    %cond3A_419 = arith.constant 19 : i32
    %cond3A_420 = arith.constant 3 : i32
    %cond3A_421 = arith.constant 0 : i32
    %cond3A_422 = arith.cmpi ne, %convert_element_type3A_418, %cond3A_421 : i32
    scf.if %cond3A_422 {
      %dma_start3A = arith.constant 0 : i32
      %dma_start3A_653 = arith.constant 0 : i32
      %dma_start3A_654 = tpu.memref_slice %arg11[%cond3A_420, %dma_start3A, %dma_start3A_653] : memref<4x128x128xf32, #tpu.memory_space<vmem>> -> memref<1x128x128xf32, #tpu.memory_space<vmem>>
      %dma_start3A_655 = tpu.memref_squeeze %dma_start3A_654 : memref<1x128x128xf32, #tpu.memory_space<vmem>> -> memref<128x128xf32, #tpu.memory_space<vmem>>
      %dma_start3A_656 = arith.constant 0 : i32
      %dma_start3A_657 = tpu.memref_slice %arg9[%cond3A_419, %dma_start3A_656] : memref<28x128xi32, #tpu.memory_space<vmem>> -> memref<1x128xi32, #tpu.memory_space<vmem>>
      %dma_start3A_658 = tpu.memref_squeeze %dma_start3A_657 : memref<1x128xi32, #tpu.memory_space<vmem>> -> memref<128xi32, #tpu.memory_space<vmem>>
      %dma_start3A_659 = arith.constant 0 : i32
      %dma_start3A_660 = arith.constant 0 : i32
      %dma_start3A_661 = tpu.memref_slice %arg5[%dma_start3A_659, %dma_start3A_660] : memref<16384x128xf32, #tpu.memory_space<hbm>> -> memref<16384x128xf32, #tpu.memory_space<hbm>>
      tpu.enqueue_indirect_dma source(%dma_start3A_661 : memref<16384x128xf32, #tpu.memory_space<hbm>>) target(%dma_start3A_655 : memref<128x128xf32, #tpu.memory_space<vmem>>) offsets(%dma_start3A_658 : memref<128xi32, #tpu.memory_space<vmem>>) semaphore(%arg12 : memref<!tpu.dma_semaphore, #tpu.memory_space<semaphore_mem>>)
    } else {
    }
    %gt3A_423 = arith.constant 18 : i32
    %gt3A_424 = arith.cmpi sgt, %shift_right_logical3A_11, %gt3A_423 : i32
    %convert_element_type3A_425 = arith.extui %gt3A_424 : i1 to i32
    %cond3A_426 = arith.constant 18 : i32
    %cond3A_427 = arith.constant 2 : i32
    %cond3A_428 = arith.constant 2 : i32
    %cond3A_429 = arith.constant 18 : i32
    %cond3A_430 = arith.constant 0 : i32
    %cond3A_431 = arith.cmpi ne, %convert_element_type3A_425, %cond3A_430 : i32
    scf.if %cond3A_431 {
      %dma_wait3A = arith.constant 0 : i32
      %dma_wait3A_653 = arith.constant 0 : i32
      %dma_wait3A_654 = tpu.memref_slice %arg11[%cond3A_427, %dma_wait3A, %dma_wait3A_653] : memref<4x128x128xf32, #tpu.memory_space<vmem>> -> memref<1x128x128xf32, #tpu.memory_space<vmem>>
      %dma_wait3A_655 = tpu.memref_squeeze %dma_wait3A_654 : memref<1x128x128xf32, #tpu.memory_space<vmem>> -> memref<128x128xf32, #tpu.memory_space<vmem>>
      %dma_wait3A_656 = arith.constant 0 : i32
      %dma_wait3A_657 = tpu.memref_slice %arg9[%cond3A_426, %dma_wait3A_656] : memref<28x128xi32, #tpu.memory_space<vmem>> -> memref<1x128xi32, #tpu.memory_space<vmem>>
      %dma_wait3A_658 = tpu.memref_squeeze %dma_wait3A_657 : memref<1x128xi32, #tpu.memory_space<vmem>> -> memref<128xi32, #tpu.memory_space<vmem>>
      %dma_wait3A_659 = arith.constant 0 : i32
      %dma_wait3A_660 = arith.constant 0 : i32
      %dma_wait3A_661 = tpu.memref_slice %arg5[%dma_wait3A_659, %dma_wait3A_660] : memref<16384x128xf32, #tpu.memory_space<hbm>> -> memref<16384x128xf32, #tpu.memory_space<hbm>>
      tpu.wait_indirect_dma semaphore(%arg12 : memref<!tpu.dma_semaphore, #tpu.memory_space<semaphore_mem>>) src(%dma_wait3A_661 : memref<16384x128xf32, #tpu.memory_space<hbm>>) dst(%dma_wait3A_655 : memref<128x128xf32, #tpu.memory_space<vmem>>)
      %dma_start3A = arith.constant 0 : i32
      %dma_start3A_662 = arith.constant 0 : i32
      %dma_start3A_663 = tpu.memref_slice %arg11[%cond3A_428, %dma_start3A, %dma_start3A_662] : memref<4x128x128xf32, #tpu.memory_space<vmem>> -> memref<1x128x128xf32, #tpu.memory_space<vmem>>
      %dma_start3A_664 = tpu.memref_squeeze %dma_start3A_663 : memref<1x128x128xf32, #tpu.memory_space<vmem>> -> memref<128x128xf32, #tpu.memory_space<vmem>>
      %dma_start3A_665 = arith.constant 0 : i32
      %dma_start3A_666 = tpu.memref_slice %arg8[%cond3A_429, %dma_start3A_665] : memref<28x128xi32, #tpu.memory_space<vmem>> -> memref<1x128xi32, #tpu.memory_space<vmem>>
      %dma_start3A_667 = tpu.memref_squeeze %dma_start3A_666 : memref<1x128xi32, #tpu.memory_space<vmem>> -> memref<128xi32, #tpu.memory_space<vmem>>
      %dma_start3A_668 = arith.constant 0 : i32
      %dma_start3A_669 = arith.constant 0 : i32
      %dma_start3A_670 = tpu.memref_slice %arg6[%dma_start3A_668, %dma_start3A_669] : memref<100000x128xf32, #tpu.memory_space<hbm>> -> memref<100000x128xf32, #tpu.memory_space<hbm>>
      tpu.enqueue_indirect_dma source(%dma_start3A_664 : memref<128x128xf32, #tpu.memory_space<vmem>>) target(%dma_start3A_670 : memref<100000x128xf32, #tpu.memory_space<hbm>>) offsets(%dma_start3A_667 : memref<128xi32, #tpu.memory_space<vmem>>) semaphore(%arg13 : memref<!tpu.dma_semaphore, #tpu.memory_space<semaphore_mem>>)
    } else {
    }
    %gt3A_432 = arith.constant 16 : i32
    %gt3A_433 = arith.cmpi sgt, %shift_right_logical3A_11, %gt3A_432 : i32
    %convert_element_type3A_434 = arith.extui %gt3A_433 : i1 to i32
    %cond3A_435 = arith.constant 0 : i32
    %cond3A_436 = arith.constant 16 : i32
    %cond3A_437 = arith.constant 0 : i32
    %cond3A_438 = arith.cmpi ne, %convert_element_type3A_434, %cond3A_437 : i32
    scf.if %cond3A_438 {
      %dma_wait3A = arith.constant 0 : i32
      %dma_wait3A_653 = arith.constant 0 : i32
      %dma_wait3A_654 = tpu.memref_slice %arg11[%cond3A_435, %dma_wait3A, %dma_wait3A_653] : memref<4x128x128xf32, #tpu.memory_space<vmem>> -> memref<1x128x128xf32, #tpu.memory_space<vmem>>
      %dma_wait3A_655 = tpu.memref_squeeze %dma_wait3A_654 : memref<1x128x128xf32, #tpu.memory_space<vmem>> -> memref<128x128xf32, #tpu.memory_space<vmem>>
      %dma_wait3A_656 = arith.constant 0 : i32
      %dma_wait3A_657 = tpu.memref_slice %arg8[%cond3A_436, %dma_wait3A_656] : memref<28x128xi32, #tpu.memory_space<vmem>> -> memref<1x128xi32, #tpu.memory_space<vmem>>
      %dma_wait3A_658 = tpu.memref_squeeze %dma_wait3A_657 : memref<1x128xi32, #tpu.memory_space<vmem>> -> memref<128xi32, #tpu.memory_space<vmem>>
      %dma_wait3A_659 = arith.constant 0 : i32
      %dma_wait3A_660 = arith.constant 0 : i32
      %dma_wait3A_661 = tpu.memref_slice %arg6[%dma_wait3A_659, %dma_wait3A_660] : memref<100000x128xf32, #tpu.memory_space<hbm>> -> memref<100000x128xf32, #tpu.memory_space<hbm>>
      tpu.wait_indirect_dma semaphore(%arg13 : memref<!tpu.dma_semaphore, #tpu.memory_space<semaphore_mem>>) src(%dma_wait3A_655 : memref<128x128xf32, #tpu.memory_space<vmem>>) dst(%dma_wait3A_661 : memref<100000x128xf32, #tpu.memory_space<hbm>>)
    } else {
    }
    %gt3A_439 = arith.constant 20 : i32
    %gt3A_440 = arith.cmpi sgt, %shift_right_logical3A_11, %gt3A_439 : i32
    %convert_element_type3A_441 = arith.extui %gt3A_440 : i1 to i32
    %cond3A_442 = arith.constant 20 : i32
    %cond3A_443 = arith.constant 0 : i32
    %cond3A_444 = arith.constant 0 : i32
    %cond3A_445 = arith.cmpi ne, %convert_element_type3A_441, %cond3A_444 : i32
    scf.if %cond3A_445 {
      %dma_start3A = arith.constant 0 : i32
      %dma_start3A_653 = arith.constant 0 : i32
      %dma_start3A_654 = tpu.memref_slice %arg11[%cond3A_443, %dma_start3A, %dma_start3A_653] : memref<4x128x128xf32, #tpu.memory_space<vmem>> -> memref<1x128x128xf32, #tpu.memory_space<vmem>>
      %dma_start3A_655 = tpu.memref_squeeze %dma_start3A_654 : memref<1x128x128xf32, #tpu.memory_space<vmem>> -> memref<128x128xf32, #tpu.memory_space<vmem>>
      %dma_start3A_656 = arith.constant 0 : i32
      %dma_start3A_657 = tpu.memref_slice %arg9[%cond3A_442, %dma_start3A_656] : memref<28x128xi32, #tpu.memory_space<vmem>> -> memref<1x128xi32, #tpu.memory_space<vmem>>
      %dma_start3A_658 = tpu.memref_squeeze %dma_start3A_657 : memref<1x128xi32, #tpu.memory_space<vmem>> -> memref<128xi32, #tpu.memory_space<vmem>>
      %dma_start3A_659 = arith.constant 0 : i32
      %dma_start3A_660 = arith.constant 0 : i32
      %dma_start3A_661 = tpu.memref_slice %arg5[%dma_start3A_659, %dma_start3A_660] : memref<16384x128xf32, #tpu.memory_space<hbm>> -> memref<16384x128xf32, #tpu.memory_space<hbm>>
      tpu.enqueue_indirect_dma source(%dma_start3A_661 : memref<16384x128xf32, #tpu.memory_space<hbm>>) target(%dma_start3A_655 : memref<128x128xf32, #tpu.memory_space<vmem>>) offsets(%dma_start3A_658 : memref<128xi32, #tpu.memory_space<vmem>>) semaphore(%arg12 : memref<!tpu.dma_semaphore, #tpu.memory_space<semaphore_mem>>)
    } else {
    }
    %gt3A_446 = arith.constant 19 : i32
    %gt3A_447 = arith.cmpi sgt, %shift_right_logical3A_11, %gt3A_446 : i32
    %convert_element_type3A_448 = arith.extui %gt3A_447 : i1 to i32
    %cond3A_449 = arith.constant 19 : i32
    %cond3A_450 = arith.constant 3 : i32
    %cond3A_451 = arith.constant 3 : i32
    %cond3A_452 = arith.constant 19 : i32
    %cond3A_453 = arith.constant 0 : i32
    %cond3A_454 = arith.cmpi ne, %convert_element_type3A_448, %cond3A_453 : i32
    scf.if %cond3A_454 {
      %dma_wait3A = arith.constant 0 : i32
      %dma_wait3A_653 = arith.constant 0 : i32
      %dma_wait3A_654 = tpu.memref_slice %arg11[%cond3A_450, %dma_wait3A, %dma_wait3A_653] : memref<4x128x128xf32, #tpu.memory_space<vmem>> -> memref<1x128x128xf32, #tpu.memory_space<vmem>>
      %dma_wait3A_655 = tpu.memref_squeeze %dma_wait3A_654 : memref<1x128x128xf32, #tpu.memory_space<vmem>> -> memref<128x128xf32, #tpu.memory_space<vmem>>
      %dma_wait3A_656 = arith.constant 0 : i32
      %dma_wait3A_657 = tpu.memref_slice %arg9[%cond3A_449, %dma_wait3A_656] : memref<28x128xi32, #tpu.memory_space<vmem>> -> memref<1x128xi32, #tpu.memory_space<vmem>>
      %dma_wait3A_658 = tpu.memref_squeeze %dma_wait3A_657 : memref<1x128xi32, #tpu.memory_space<vmem>> -> memref<128xi32, #tpu.memory_space<vmem>>
      %dma_wait3A_659 = arith.constant 0 : i32
      %dma_wait3A_660 = arith.constant 0 : i32
      %dma_wait3A_661 = tpu.memref_slice %arg5[%dma_wait3A_659, %dma_wait3A_660] : memref<16384x128xf32, #tpu.memory_space<hbm>> -> memref<16384x128xf32, #tpu.memory_space<hbm>>
      tpu.wait_indirect_dma semaphore(%arg12 : memref<!tpu.dma_semaphore, #tpu.memory_space<semaphore_mem>>) src(%dma_wait3A_661 : memref<16384x128xf32, #tpu.memory_space<hbm>>) dst(%dma_wait3A_655 : memref<128x128xf32, #tpu.memory_space<vmem>>)
      %dma_start3A = arith.constant 0 : i32
      %dma_start3A_662 = arith.constant 0 : i32
      %dma_start3A_663 = tpu.memref_slice %arg11[%cond3A_451, %dma_start3A, %dma_start3A_662] : memref<4x128x128xf32, #tpu.memory_space<vmem>> -> memref<1x128x128xf32, #tpu.memory_space<vmem>>
      %dma_start3A_664 = tpu.memref_squeeze %dma_start3A_663 : memref<1x128x128xf32, #tpu.memory_space<vmem>> -> memref<128x128xf32, #tpu.memory_space<vmem>>
      %dma_start3A_665 = arith.constant 0 : i32
      %dma_start3A_666 = tpu.memref_slice %arg8[%cond3A_452, %dma_start3A_665] : memref<28x128xi32, #tpu.memory_space<vmem>> -> memref<1x128xi32, #tpu.memory_space<vmem>>
      %dma_start3A_667 = tpu.memref_squeeze %dma_start3A_666 : memref<1x128xi32, #tpu.memory_space<vmem>> -> memref<128xi32, #tpu.memory_space<vmem>>
      %dma_start3A_668 = arith.constant 0 : i32
      %dma_start3A_669 = arith.constant 0 : i32
      %dma_start3A_670 = tpu.memref_slice %arg6[%dma_start3A_668, %dma_start3A_669] : memref<100000x128xf32, #tpu.memory_space<hbm>> -> memref<100000x128xf32, #tpu.memory_space<hbm>>
      tpu.enqueue_indirect_dma source(%dma_start3A_664 : memref<128x128xf32, #tpu.memory_space<vmem>>) target(%dma_start3A_670 : memref<100000x128xf32, #tpu.memory_space<hbm>>) offsets(%dma_start3A_667 : memref<128xi32, #tpu.memory_space<vmem>>) semaphore(%arg13 : memref<!tpu.dma_semaphore, #tpu.memory_space<semaphore_mem>>)
    } else {
    }
    %gt3A_455 = arith.constant 17 : i32
    %gt3A_456 = arith.cmpi sgt, %shift_right_logical3A_11, %gt3A_455 : i32
    %convert_element_type3A_457 = arith.extui %gt3A_456 : i1 to i32
    %cond3A_458 = arith.constant 1 : i32
    %cond3A_459 = arith.constant 17 : i32
    %cond3A_460 = arith.constant 0 : i32
    %cond3A_461 = arith.cmpi ne, %convert_element_type3A_457, %cond3A_460 : i32
    scf.if %cond3A_461 {
      %dma_wait3A = arith.constant 0 : i32
      %dma_wait3A_653 = arith.constant 0 : i32
      %dma_wait3A_654 = tpu.memref_slice %arg11[%cond3A_458, %dma_wait3A, %dma_wait3A_653] : memref<4x128x128xf32, #tpu.memory_space<vmem>> -> memref<1x128x128xf32, #tpu.memory_space<vmem>>
      %dma_wait3A_655 = tpu.memref_squeeze %dma_wait3A_654 : memref<1x128x128xf32, #tpu.memory_space<vmem>> -> memref<128x128xf32, #tpu.memory_space<vmem>>
      %dma_wait3A_656 = arith.constant 0 : i32
      %dma_wait3A_657 = tpu.memref_slice %arg8[%cond3A_459, %dma_wait3A_656] : memref<28x128xi32, #tpu.memory_space<vmem>> -> memref<1x128xi32, #tpu.memory_space<vmem>>
      %dma_wait3A_658 = tpu.memref_squeeze %dma_wait3A_657 : memref<1x128xi32, #tpu.memory_space<vmem>> -> memref<128xi32, #tpu.memory_space<vmem>>
      %dma_wait3A_659 = arith.constant 0 : i32
      %dma_wait3A_660 = arith.constant 0 : i32
      %dma_wait3A_661 = tpu.memref_slice %arg6[%dma_wait3A_659, %dma_wait3A_660] : memref<100000x128xf32, #tpu.memory_space<hbm>> -> memref<100000x128xf32, #tpu.memory_space<hbm>>
      tpu.wait_indirect_dma semaphore(%arg13 : memref<!tpu.dma_semaphore, #tpu.memory_space<semaphore_mem>>) src(%dma_wait3A_655 : memref<128x128xf32, #tpu.memory_space<vmem>>) dst(%dma_wait3A_661 : memref<100000x128xf32, #tpu.memory_space<hbm>>)
    } else {
    }
    %gt3A_462 = arith.constant 21 : i32
    %gt3A_463 = arith.cmpi sgt, %shift_right_logical3A_11, %gt3A_462 : i32
    %convert_element_type3A_464 = arith.extui %gt3A_463 : i1 to i32
    %cond3A_465 = arith.constant 21 : i32
    %cond3A_466 = arith.constant 1 : i32
    %cond3A_467 = arith.constant 0 : i32
    %cond3A_468 = arith.cmpi ne, %convert_element_type3A_464, %cond3A_467 : i32
    scf.if %cond3A_468 {
      %dma_start3A = arith.constant 0 : i32
      %dma_start3A_653 = arith.constant 0 : i32
      %dma_start3A_654 = tpu.memref_slice %arg11[%cond3A_466, %dma_start3A, %dma_start3A_653] : memref<4x128x128xf32, #tpu.memory_space<vmem>> -> memref<1x128x128xf32, #tpu.memory_space<vmem>>
      %dma_start3A_655 = tpu.memref_squeeze %dma_start3A_654 : memref<1x128x128xf32, #tpu.memory_space<vmem>> -> memref<128x128xf32, #tpu.memory_space<vmem>>
      %dma_start3A_656 = arith.constant 0 : i32
      %dma_start3A_657 = tpu.memref_slice %arg9[%cond3A_465, %dma_start3A_656] : memref<28x128xi32, #tpu.memory_space<vmem>> -> memref<1x128xi32, #tpu.memory_space<vmem>>
      %dma_start3A_658 = tpu.memref_squeeze %dma_start3A_657 : memref<1x128xi32, #tpu.memory_space<vmem>> -> memref<128xi32, #tpu.memory_space<vmem>>
      %dma_start3A_659 = arith.constant 0 : i32
      %dma_start3A_660 = arith.constant 0 : i32
      %dma_start3A_661 = tpu.memref_slice %arg5[%dma_start3A_659, %dma_start3A_660] : memref<16384x128xf32, #tpu.memory_space<hbm>> -> memref<16384x128xf32, #tpu.memory_space<hbm>>
      tpu.enqueue_indirect_dma source(%dma_start3A_661 : memref<16384x128xf32, #tpu.memory_space<hbm>>) target(%dma_start3A_655 : memref<128x128xf32, #tpu.memory_space<vmem>>) offsets(%dma_start3A_658 : memref<128xi32, #tpu.memory_space<vmem>>) semaphore(%arg12 : memref<!tpu.dma_semaphore, #tpu.memory_space<semaphore_mem>>)
    } else {
    }
    %gt3A_469 = arith.constant 20 : i32
    %gt3A_470 = arith.cmpi sgt, %shift_right_logical3A_11, %gt3A_469 : i32
    %convert_element_type3A_471 = arith.extui %gt3A_470 : i1 to i32
    %cond3A_472 = arith.constant 20 : i32
    %cond3A_473 = arith.constant 0 : i32
    %cond3A_474 = arith.constant 0 : i32
    %cond3A_475 = arith.constant 20 : i32
    %cond3A_476 = arith.constant 0 : i32
    %cond3A_477 = arith.cmpi ne, %convert_element_type3A_471, %cond3A_476 : i32
    scf.if %cond3A_477 {
      %dma_wait3A = arith.constant 0 : i32
      %dma_wait3A_653 = arith.constant 0 : i32
      %dma_wait3A_654 = tpu.memref_slice %arg11[%cond3A_473, %dma_wait3A, %dma_wait3A_653] : memref<4x128x128xf32, #tpu.memory_space<vmem>> -> memref<1x128x128xf32, #tpu.memory_space<vmem>>
      %dma_wait3A_655 = tpu.memref_squeeze %dma_wait3A_654 : memref<1x128x128xf32, #tpu.memory_space<vmem>> -> memref<128x128xf32, #tpu.memory_space<vmem>>
      %dma_wait3A_656 = arith.constant 0 : i32
      %dma_wait3A_657 = tpu.memref_slice %arg9[%cond3A_472, %dma_wait3A_656] : memref<28x128xi32, #tpu.memory_space<vmem>> -> memref<1x128xi32, #tpu.memory_space<vmem>>
      %dma_wait3A_658 = tpu.memref_squeeze %dma_wait3A_657 : memref<1x128xi32, #tpu.memory_space<vmem>> -> memref<128xi32, #tpu.memory_space<vmem>>
      %dma_wait3A_659 = arith.constant 0 : i32
      %dma_wait3A_660 = arith.constant 0 : i32
      %dma_wait3A_661 = tpu.memref_slice %arg5[%dma_wait3A_659, %dma_wait3A_660] : memref<16384x128xf32, #tpu.memory_space<hbm>> -> memref<16384x128xf32, #tpu.memory_space<hbm>>
      tpu.wait_indirect_dma semaphore(%arg12 : memref<!tpu.dma_semaphore, #tpu.memory_space<semaphore_mem>>) src(%dma_wait3A_661 : memref<16384x128xf32, #tpu.memory_space<hbm>>) dst(%dma_wait3A_655 : memref<128x128xf32, #tpu.memory_space<vmem>>)
      %dma_start3A = arith.constant 0 : i32
      %dma_start3A_662 = arith.constant 0 : i32
      %dma_start3A_663 = tpu.memref_slice %arg11[%cond3A_474, %dma_start3A, %dma_start3A_662] : memref<4x128x128xf32, #tpu.memory_space<vmem>> -> memref<1x128x128xf32, #tpu.memory_space<vmem>>
      %dma_start3A_664 = tpu.memref_squeeze %dma_start3A_663 : memref<1x128x128xf32, #tpu.memory_space<vmem>> -> memref<128x128xf32, #tpu.memory_space<vmem>>
      %dma_start3A_665 = arith.constant 0 : i32
      %dma_start3A_666 = tpu.memref_slice %arg8[%cond3A_475, %dma_start3A_665] : memref<28x128xi32, #tpu.memory_space<vmem>> -> memref<1x128xi32, #tpu.memory_space<vmem>>
      %dma_start3A_667 = tpu.memref_squeeze %dma_start3A_666 : memref<1x128xi32, #tpu.memory_space<vmem>> -> memref<128xi32, #tpu.memory_space<vmem>>
      %dma_start3A_668 = arith.constant 0 : i32
      %dma_start3A_669 = arith.constant 0 : i32
      %dma_start3A_670 = tpu.memref_slice %arg6[%dma_start3A_668, %dma_start3A_669] : memref<100000x128xf32, #tpu.memory_space<hbm>> -> memref<100000x128xf32, #tpu.memory_space<hbm>>
      tpu.enqueue_indirect_dma source(%dma_start3A_664 : memref<128x128xf32, #tpu.memory_space<vmem>>) target(%dma_start3A_670 : memref<100000x128xf32, #tpu.memory_space<hbm>>) offsets(%dma_start3A_667 : memref<128xi32, #tpu.memory_space<vmem>>) semaphore(%arg13 : memref<!tpu.dma_semaphore, #tpu.memory_space<semaphore_mem>>)
    } else {
    }
    %gt3A_478 = arith.constant 18 : i32
    %gt3A_479 = arith.cmpi sgt, %shift_right_logical3A_11, %gt3A_478 : i32
    %convert_element_type3A_480 = arith.extui %gt3A_479 : i1 to i32
    %cond3A_481 = arith.constant 2 : i32
    %cond3A_482 = arith.constant 18 : i32
    %cond3A_483 = arith.constant 0 : i32
    %cond3A_484 = arith.cmpi ne, %convert_element_type3A_480, %cond3A_483 : i32
    scf.if %cond3A_484 {
      %dma_wait3A = arith.constant 0 : i32
      %dma_wait3A_653 = arith.constant 0 : i32
      %dma_wait3A_654 = tpu.memref_slice %arg11[%cond3A_481, %dma_wait3A, %dma_wait3A_653] : memref<4x128x128xf32, #tpu.memory_space<vmem>> -> memref<1x128x128xf32, #tpu.memory_space<vmem>>
      %dma_wait3A_655 = tpu.memref_squeeze %dma_wait3A_654 : memref<1x128x128xf32, #tpu.memory_space<vmem>> -> memref<128x128xf32, #tpu.memory_space<vmem>>
      %dma_wait3A_656 = arith.constant 0 : i32
      %dma_wait3A_657 = tpu.memref_slice %arg8[%cond3A_482, %dma_wait3A_656] : memref<28x128xi32, #tpu.memory_space<vmem>> -> memref<1x128xi32, #tpu.memory_space<vmem>>
      %dma_wait3A_658 = tpu.memref_squeeze %dma_wait3A_657 : memref<1x128xi32, #tpu.memory_space<vmem>> -> memref<128xi32, #tpu.memory_space<vmem>>
      %dma_wait3A_659 = arith.constant 0 : i32
      %dma_wait3A_660 = arith.constant 0 : i32
      %dma_wait3A_661 = tpu.memref_slice %arg6[%dma_wait3A_659, %dma_wait3A_660] : memref<100000x128xf32, #tpu.memory_space<hbm>> -> memref<100000x128xf32, #tpu.memory_space<hbm>>
      tpu.wait_indirect_dma semaphore(%arg13 : memref<!tpu.dma_semaphore, #tpu.memory_space<semaphore_mem>>) src(%dma_wait3A_655 : memref<128x128xf32, #tpu.memory_space<vmem>>) dst(%dma_wait3A_661 : memref<100000x128xf32, #tpu.memory_space<hbm>>)
    } else {
    }
    %gt3A_485 = arith.constant 22 : i32
    %gt3A_486 = arith.cmpi sgt, %shift_right_logical3A_11, %gt3A_485 : i32
    %convert_element_type3A_487 = arith.extui %gt3A_486 : i1 to i32
    %cond3A_488 = arith.constant 22 : i32
    %cond3A_489 = arith.constant 2 : i32
    %cond3A_490 = arith.constant 0 : i32
    %cond3A_491 = arith.cmpi ne, %convert_element_type3A_487, %cond3A_490 : i32
    scf.if %cond3A_491 {
      %dma_start3A = arith.constant 0 : i32
      %dma_start3A_653 = arith.constant 0 : i32
      %dma_start3A_654 = tpu.memref_slice %arg11[%cond3A_489, %dma_start3A, %dma_start3A_653] : memref<4x128x128xf32, #tpu.memory_space<vmem>> -> memref<1x128x128xf32, #tpu.memory_space<vmem>>
      %dma_start3A_655 = tpu.memref_squeeze %dma_start3A_654 : memref<1x128x128xf32, #tpu.memory_space<vmem>> -> memref<128x128xf32, #tpu.memory_space<vmem>>
      %dma_start3A_656 = arith.constant 0 : i32
      %dma_start3A_657 = tpu.memref_slice %arg9[%cond3A_488, %dma_start3A_656] : memref<28x128xi32, #tpu.memory_space<vmem>> -> memref<1x128xi32, #tpu.memory_space<vmem>>
      %dma_start3A_658 = tpu.memref_squeeze %dma_start3A_657 : memref<1x128xi32, #tpu.memory_space<vmem>> -> memref<128xi32, #tpu.memory_space<vmem>>
      %dma_start3A_659 = arith.constant 0 : i32
      %dma_start3A_660 = arith.constant 0 : i32
      %dma_start3A_661 = tpu.memref_slice %arg5[%dma_start3A_659, %dma_start3A_660] : memref<16384x128xf32, #tpu.memory_space<hbm>> -> memref<16384x128xf32, #tpu.memory_space<hbm>>
      tpu.enqueue_indirect_dma source(%dma_start3A_661 : memref<16384x128xf32, #tpu.memory_space<hbm>>) target(%dma_start3A_655 : memref<128x128xf32, #tpu.memory_space<vmem>>) offsets(%dma_start3A_658 : memref<128xi32, #tpu.memory_space<vmem>>) semaphore(%arg12 : memref<!tpu.dma_semaphore, #tpu.memory_space<semaphore_mem>>)
    } else {
    }
    %gt3A_492 = arith.constant 21 : i32
    %gt3A_493 = arith.cmpi sgt, %shift_right_logical3A_11, %gt3A_492 : i32
    %convert_element_type3A_494 = arith.extui %gt3A_493 : i1 to i32
    %cond3A_495 = arith.constant 21 : i32
    %cond3A_496 = arith.constant 1 : i32
    %cond3A_497 = arith.constant 1 : i32
    %cond3A_498 = arith.constant 21 : i32
    %cond3A_499 = arith.constant 0 : i32
    %cond3A_500 = arith.cmpi ne, %convert_element_type3A_494, %cond3A_499 : i32
    scf.if %cond3A_500 {
      %dma_wait3A = arith.constant 0 : i32
      %dma_wait3A_653 = arith.constant 0 : i32
      %dma_wait3A_654 = tpu.memref_slice %arg11[%cond3A_496, %dma_wait3A, %dma_wait3A_653] : memref<4x128x128xf32, #tpu.memory_space<vmem>> -> memref<1x128x128xf32, #tpu.memory_space<vmem>>
      %dma_wait3A_655 = tpu.memref_squeeze %dma_wait3A_654 : memref<1x128x128xf32, #tpu.memory_space<vmem>> -> memref<128x128xf32, #tpu.memory_space<vmem>>
      %dma_wait3A_656 = arith.constant 0 : i32
      %dma_wait3A_657 = tpu.memref_slice %arg9[%cond3A_495, %dma_wait3A_656] : memref<28x128xi32, #tpu.memory_space<vmem>> -> memref<1x128xi32, #tpu.memory_space<vmem>>
      %dma_wait3A_658 = tpu.memref_squeeze %dma_wait3A_657 : memref<1x128xi32, #tpu.memory_space<vmem>> -> memref<128xi32, #tpu.memory_space<vmem>>
      %dma_wait3A_659 = arith.constant 0 : i32
      %dma_wait3A_660 = arith.constant 0 : i32
      %dma_wait3A_661 = tpu.memref_slice %arg5[%dma_wait3A_659, %dma_wait3A_660] : memref<16384x128xf32, #tpu.memory_space<hbm>> -> memref<16384x128xf32, #tpu.memory_space<hbm>>
      tpu.wait_indirect_dma semaphore(%arg12 : memref<!tpu.dma_semaphore, #tpu.memory_space<semaphore_mem>>) src(%dma_wait3A_661 : memref<16384x128xf32, #tpu.memory_space<hbm>>) dst(%dma_wait3A_655 : memref<128x128xf32, #tpu.memory_space<vmem>>)
      %dma_start3A = arith.constant 0 : i32
      %dma_start3A_662 = arith.constant 0 : i32
      %dma_start3A_663 = tpu.memref_slice %arg11[%cond3A_497, %dma_start3A, %dma_start3A_662] : memref<4x128x128xf32, #tpu.memory_space<vmem>> -> memref<1x128x128xf32, #tpu.memory_space<vmem>>
      %dma_start3A_664 = tpu.memref_squeeze %dma_start3A_663 : memref<1x128x128xf32, #tpu.memory_space<vmem>> -> memref<128x128xf32, #tpu.memory_space<vmem>>
      %dma_start3A_665 = arith.constant 0 : i32
      %dma_start3A_666 = tpu.memref_slice %arg8[%cond3A_498, %dma_start3A_665] : memref<28x128xi32, #tpu.memory_space<vmem>> -> memref<1x128xi32, #tpu.memory_space<vmem>>
      %dma_start3A_667 = tpu.memref_squeeze %dma_start3A_666 : memref<1x128xi32, #tpu.memory_space<vmem>> -> memref<128xi32, #tpu.memory_space<vmem>>
      %dma_start3A_668 = arith.constant 0 : i32
      %dma_start3A_669 = arith.constant 0 : i32
      %dma_start3A_670 = tpu.memref_slice %arg6[%dma_start3A_668, %dma_start3A_669] : memref<100000x128xf32, #tpu.memory_space<hbm>> -> memref<100000x128xf32, #tpu.memory_space<hbm>>
      tpu.enqueue_indirect_dma source(%dma_start3A_664 : memref<128x128xf32, #tpu.memory_space<vmem>>) target(%dma_start3A_670 : memref<100000x128xf32, #tpu.memory_space<hbm>>) offsets(%dma_start3A_667 : memref<128xi32, #tpu.memory_space<vmem>>) semaphore(%arg13 : memref<!tpu.dma_semaphore, #tpu.memory_space<semaphore_mem>>)
    } else {
    }
    %gt3A_501 = arith.constant 19 : i32
    %gt3A_502 = arith.cmpi sgt, %shift_right_logical3A_11, %gt3A_501 : i32
    %convert_element_type3A_503 = arith.extui %gt3A_502 : i1 to i32
    %cond3A_504 = arith.constant 3 : i32
    %cond3A_505 = arith.constant 19 : i32
    %cond3A_506 = arith.constant 0 : i32
    %cond3A_507 = arith.cmpi ne, %convert_element_type3A_503, %cond3A_506 : i32
    scf.if %cond3A_507 {
      %dma_wait3A = arith.constant 0 : i32
      %dma_wait3A_653 = arith.constant 0 : i32
      %dma_wait3A_654 = tpu.memref_slice %arg11[%cond3A_504, %dma_wait3A, %dma_wait3A_653] : memref<4x128x128xf32, #tpu.memory_space<vmem>> -> memref<1x128x128xf32, #tpu.memory_space<vmem>>
      %dma_wait3A_655 = tpu.memref_squeeze %dma_wait3A_654 : memref<1x128x128xf32, #tpu.memory_space<vmem>> -> memref<128x128xf32, #tpu.memory_space<vmem>>
      %dma_wait3A_656 = arith.constant 0 : i32
      %dma_wait3A_657 = tpu.memref_slice %arg8[%cond3A_505, %dma_wait3A_656] : memref<28x128xi32, #tpu.memory_space<vmem>> -> memref<1x128xi32, #tpu.memory_space<vmem>>
      %dma_wait3A_658 = tpu.memref_squeeze %dma_wait3A_657 : memref<1x128xi32, #tpu.memory_space<vmem>> -> memref<128xi32, #tpu.memory_space<vmem>>
      %dma_wait3A_659 = arith.constant 0 : i32
      %dma_wait3A_660 = arith.constant 0 : i32
      %dma_wait3A_661 = tpu.memref_slice %arg6[%dma_wait3A_659, %dma_wait3A_660] : memref<100000x128xf32, #tpu.memory_space<hbm>> -> memref<100000x128xf32, #tpu.memory_space<hbm>>
      tpu.wait_indirect_dma semaphore(%arg13 : memref<!tpu.dma_semaphore, #tpu.memory_space<semaphore_mem>>) src(%dma_wait3A_655 : memref<128x128xf32, #tpu.memory_space<vmem>>) dst(%dma_wait3A_661 : memref<100000x128xf32, #tpu.memory_space<hbm>>)
    } else {
    }
    %gt3A_508 = arith.constant 23 : i32
    %gt3A_509 = arith.cmpi sgt, %shift_right_logical3A_11, %gt3A_508 : i32
    %convert_element_type3A_510 = arith.extui %gt3A_509 : i1 to i32
    %cond3A_511 = arith.constant 23 : i32
    %cond3A_512 = arith.constant 3 : i32
    %cond3A_513 = arith.constant 0 : i32
    %cond3A_514 = arith.cmpi ne, %convert_element_type3A_510, %cond3A_513 : i32
    scf.if %cond3A_514 {
      %dma_start3A = arith.constant 0 : i32
      %dma_start3A_653 = arith.constant 0 : i32
      %dma_start3A_654 = tpu.memref_slice %arg11[%cond3A_512, %dma_start3A, %dma_start3A_653] : memref<4x128x128xf32, #tpu.memory_space<vmem>> -> memref<1x128x128xf32, #tpu.memory_space<vmem>>
      %dma_start3A_655 = tpu.memref_squeeze %dma_start3A_654 : memref<1x128x128xf32, #tpu.memory_space<vmem>> -> memref<128x128xf32, #tpu.memory_space<vmem>>
      %dma_start3A_656 = arith.constant 0 : i32
      %dma_start3A_657 = tpu.memref_slice %arg9[%cond3A_511, %dma_start3A_656] : memref<28x128xi32, #tpu.memory_space<vmem>> -> memref<1x128xi32, #tpu.memory_space<vmem>>
      %dma_start3A_658 = tpu.memref_squeeze %dma_start3A_657 : memref<1x128xi32, #tpu.memory_space<vmem>> -> memref<128xi32, #tpu.memory_space<vmem>>
      %dma_start3A_659 = arith.constant 0 : i32
      %dma_start3A_660 = arith.constant 0 : i32
      %dma_start3A_661 = tpu.memref_slice %arg5[%dma_start3A_659, %dma_start3A_660] : memref<16384x128xf32, #tpu.memory_space<hbm>> -> memref<16384x128xf32, #tpu.memory_space<hbm>>
      tpu.enqueue_indirect_dma source(%dma_start3A_661 : memref<16384x128xf32, #tpu.memory_space<hbm>>) target(%dma_start3A_655 : memref<128x128xf32, #tpu.memory_space<vmem>>) offsets(%dma_start3A_658 : memref<128xi32, #tpu.memory_space<vmem>>) semaphore(%arg12 : memref<!tpu.dma_semaphore, #tpu.memory_space<semaphore_mem>>)
    } else {
    }
    %gt3A_515 = arith.constant 22 : i32
    %gt3A_516 = arith.cmpi sgt, %shift_right_logical3A_11, %gt3A_515 : i32
    %convert_element_type3A_517 = arith.extui %gt3A_516 : i1 to i32
    %cond3A_518 = arith.constant 22 : i32
    %cond3A_519 = arith.constant 2 : i32
    %cond3A_520 = arith.constant 2 : i32
    %cond3A_521 = arith.constant 22 : i32
    %cond3A_522 = arith.constant 0 : i32
    %cond3A_523 = arith.cmpi ne, %convert_element_type3A_517, %cond3A_522 : i32
    scf.if %cond3A_523 {
      %dma_wait3A = arith.constant 0 : i32
      %dma_wait3A_653 = arith.constant 0 : i32
      %dma_wait3A_654 = tpu.memref_slice %arg11[%cond3A_519, %dma_wait3A, %dma_wait3A_653] : memref<4x128x128xf32, #tpu.memory_space<vmem>> -> memref<1x128x128xf32, #tpu.memory_space<vmem>>
      %dma_wait3A_655 = tpu.memref_squeeze %dma_wait3A_654 : memref<1x128x128xf32, #tpu.memory_space<vmem>> -> memref<128x128xf32, #tpu.memory_space<vmem>>
      %dma_wait3A_656 = arith.constant 0 : i32
      %dma_wait3A_657 = tpu.memref_slice %arg9[%cond3A_518, %dma_wait3A_656] : memref<28x128xi32, #tpu.memory_space<vmem>> -> memref<1x128xi32, #tpu.memory_space<vmem>>
      %dma_wait3A_658 = tpu.memref_squeeze %dma_wait3A_657 : memref<1x128xi32, #tpu.memory_space<vmem>> -> memref<128xi32, #tpu.memory_space<vmem>>
      %dma_wait3A_659 = arith.constant 0 : i32
      %dma_wait3A_660 = arith.constant 0 : i32
      %dma_wait3A_661 = tpu.memref_slice %arg5[%dma_wait3A_659, %dma_wait3A_660] : memref<16384x128xf32, #tpu.memory_space<hbm>> -> memref<16384x128xf32, #tpu.memory_space<hbm>>
      tpu.wait_indirect_dma semaphore(%arg12 : memref<!tpu.dma_semaphore, #tpu.memory_space<semaphore_mem>>) src(%dma_wait3A_661 : memref<16384x128xf32, #tpu.memory_space<hbm>>) dst(%dma_wait3A_655 : memref<128x128xf32, #tpu.memory_space<vmem>>)
      %dma_start3A = arith.constant 0 : i32
      %dma_start3A_662 = arith.constant 0 : i32
      %dma_start3A_663 = tpu.memref_slice %arg11[%cond3A_520, %dma_start3A, %dma_start3A_662] : memref<4x128x128xf32, #tpu.memory_space<vmem>> -> memref<1x128x128xf32, #tpu.memory_space<vmem>>
      %dma_start3A_664 = tpu.memref_squeeze %dma_start3A_663 : memref<1x128x128xf32, #tpu.memory_space<vmem>> -> memref<128x128xf32, #tpu.memory_space<vmem>>
      %dma_start3A_665 = arith.constant 0 : i32
      %dma_start3A_666 = tpu.memref_slice %arg8[%cond3A_521, %dma_start3A_665] : memref<28x128xi32, #tpu.memory_space<vmem>> -> memref<1x128xi32, #tpu.memory_space<vmem>>
      %dma_start3A_667 = tpu.memref_squeeze %dma_start3A_666 : memref<1x128xi32, #tpu.memory_space<vmem>> -> memref<128xi32, #tpu.memory_space<vmem>>
      %dma_start3A_668 = arith.constant 0 : i32
      %dma_start3A_669 = arith.constant 0 : i32
      %dma_start3A_670 = tpu.memref_slice %arg6[%dma_start3A_668, %dma_start3A_669] : memref<100000x128xf32, #tpu.memory_space<hbm>> -> memref<100000x128xf32, #tpu.memory_space<hbm>>
      tpu.enqueue_indirect_dma source(%dma_start3A_664 : memref<128x128xf32, #tpu.memory_space<vmem>>) target(%dma_start3A_670 : memref<100000x128xf32, #tpu.memory_space<hbm>>) offsets(%dma_start3A_667 : memref<128xi32, #tpu.memory_space<vmem>>) semaphore(%arg13 : memref<!tpu.dma_semaphore, #tpu.memory_space<semaphore_mem>>)
    } else {
    }
    %gt3A_524 = arith.constant 20 : i32
    %gt3A_525 = arith.cmpi sgt, %shift_right_logical3A_11, %gt3A_524 : i32
    %convert_element_type3A_526 = arith.extui %gt3A_525 : i1 to i32
    %cond3A_527 = arith.constant 0 : i32
    %cond3A_528 = arith.constant 20 : i32
    %cond3A_529 = arith.constant 0 : i32
    %cond3A_530 = arith.cmpi ne, %convert_element_type3A_526, %cond3A_529 : i32
    scf.if %cond3A_530 {
      %dma_wait3A = arith.constant 0 : i32
      %dma_wait3A_653 = arith.constant 0 : i32
      %dma_wait3A_654 = tpu.memref_slice %arg11[%cond3A_527, %dma_wait3A, %dma_wait3A_653] : memref<4x128x128xf32, #tpu.memory_space<vmem>> -> memref<1x128x128xf32, #tpu.memory_space<vmem>>
      %dma_wait3A_655 = tpu.memref_squeeze %dma_wait3A_654 : memref<1x128x128xf32, #tpu.memory_space<vmem>> -> memref<128x128xf32, #tpu.memory_space<vmem>>
      %dma_wait3A_656 = arith.constant 0 : i32
      %dma_wait3A_657 = tpu.memref_slice %arg8[%cond3A_528, %dma_wait3A_656] : memref<28x128xi32, #tpu.memory_space<vmem>> -> memref<1x128xi32, #tpu.memory_space<vmem>>
      %dma_wait3A_658 = tpu.memref_squeeze %dma_wait3A_657 : memref<1x128xi32, #tpu.memory_space<vmem>> -> memref<128xi32, #tpu.memory_space<vmem>>
      %dma_wait3A_659 = arith.constant 0 : i32
      %dma_wait3A_660 = arith.constant 0 : i32
      %dma_wait3A_661 = tpu.memref_slice %arg6[%dma_wait3A_659, %dma_wait3A_660] : memref<100000x128xf32, #tpu.memory_space<hbm>> -> memref<100000x128xf32, #tpu.memory_space<hbm>>
      tpu.wait_indirect_dma semaphore(%arg13 : memref<!tpu.dma_semaphore, #tpu.memory_space<semaphore_mem>>) src(%dma_wait3A_655 : memref<128x128xf32, #tpu.memory_space<vmem>>) dst(%dma_wait3A_661 : memref<100000x128xf32, #tpu.memory_space<hbm>>)
    } else {
    }
    %gt3A_531 = arith.constant 24 : i32
    %gt3A_532 = arith.cmpi sgt, %shift_right_logical3A_11, %gt3A_531 : i32
    %convert_element_type3A_533 = arith.extui %gt3A_532 : i1 to i32
    %cond3A_534 = arith.constant 24 : i32
    %cond3A_535 = arith.constant 0 : i32
    %cond3A_536 = arith.constant 0 : i32
    %cond3A_537 = arith.cmpi ne, %convert_element_type3A_533, %cond3A_536 : i32
    scf.if %cond3A_537 {
      %dma_start3A = arith.constant 0 : i32
      %dma_start3A_653 = arith.constant 0 : i32
      %dma_start3A_654 = tpu.memref_slice %arg11[%cond3A_535, %dma_start3A, %dma_start3A_653] : memref<4x128x128xf32, #tpu.memory_space<vmem>> -> memref<1x128x128xf32, #tpu.memory_space<vmem>>
      %dma_start3A_655 = tpu.memref_squeeze %dma_start3A_654 : memref<1x128x128xf32, #tpu.memory_space<vmem>> -> memref<128x128xf32, #tpu.memory_space<vmem>>
      %dma_start3A_656 = arith.constant 0 : i32
      %dma_start3A_657 = tpu.memref_slice %arg9[%cond3A_534, %dma_start3A_656] : memref<28x128xi32, #tpu.memory_space<vmem>> -> memref<1x128xi32, #tpu.memory_space<vmem>>
      %dma_start3A_658 = tpu.memref_squeeze %dma_start3A_657 : memref<1x128xi32, #tpu.memory_space<vmem>> -> memref<128xi32, #tpu.memory_space<vmem>>
      %dma_start3A_659 = arith.constant 0 : i32
      %dma_start3A_660 = arith.constant 0 : i32
      %dma_start3A_661 = tpu.memref_slice %arg5[%dma_start3A_659, %dma_start3A_660] : memref<16384x128xf32, #tpu.memory_space<hbm>> -> memref<16384x128xf32, #tpu.memory_space<hbm>>
      tpu.enqueue_indirect_dma source(%dma_start3A_661 : memref<16384x128xf32, #tpu.memory_space<hbm>>) target(%dma_start3A_655 : memref<128x128xf32, #tpu.memory_space<vmem>>) offsets(%dma_start3A_658 : memref<128xi32, #tpu.memory_space<vmem>>) semaphore(%arg12 : memref<!tpu.dma_semaphore, #tpu.memory_space<semaphore_mem>>)
    } else {
    }
    %gt3A_538 = arith.constant 23 : i32
    %gt3A_539 = arith.cmpi sgt, %shift_right_logical3A_11, %gt3A_538 : i32
    %convert_element_type3A_540 = arith.extui %gt3A_539 : i1 to i32
    %cond3A_541 = arith.constant 23 : i32
    %cond3A_542 = arith.constant 3 : i32
    %cond3A_543 = arith.constant 3 : i32
    %cond3A_544 = arith.constant 23 : i32
    %cond3A_545 = arith.constant 0 : i32
    %cond3A_546 = arith.cmpi ne, %convert_element_type3A_540, %cond3A_545 : i32
    scf.if %cond3A_546 {
      %dma_wait3A = arith.constant 0 : i32
      %dma_wait3A_653 = arith.constant 0 : i32
      %dma_wait3A_654 = tpu.memref_slice %arg11[%cond3A_542, %dma_wait3A, %dma_wait3A_653] : memref<4x128x128xf32, #tpu.memory_space<vmem>> -> memref<1x128x128xf32, #tpu.memory_space<vmem>>
      %dma_wait3A_655 = tpu.memref_squeeze %dma_wait3A_654 : memref<1x128x128xf32, #tpu.memory_space<vmem>> -> memref<128x128xf32, #tpu.memory_space<vmem>>
      %dma_wait3A_656 = arith.constant 0 : i32
      %dma_wait3A_657 = tpu.memref_slice %arg9[%cond3A_541, %dma_wait3A_656] : memref<28x128xi32, #tpu.memory_space<vmem>> -> memref<1x128xi32, #tpu.memory_space<vmem>>
      %dma_wait3A_658 = tpu.memref_squeeze %dma_wait3A_657 : memref<1x128xi32, #tpu.memory_space<vmem>> -> memref<128xi32, #tpu.memory_space<vmem>>
      %dma_wait3A_659 = arith.constant 0 : i32
      %dma_wait3A_660 = arith.constant 0 : i32
      %dma_wait3A_661 = tpu.memref_slice %arg5[%dma_wait3A_659, %dma_wait3A_660] : memref<16384x128xf32, #tpu.memory_space<hbm>> -> memref<16384x128xf32, #tpu.memory_space<hbm>>
      tpu.wait_indirect_dma semaphore(%arg12 : memref<!tpu.dma_semaphore, #tpu.memory_space<semaphore_mem>>) src(%dma_wait3A_661 : memref<16384x128xf32, #tpu.memory_space<hbm>>) dst(%dma_wait3A_655 : memref<128x128xf32, #tpu.memory_space<vmem>>)
      %dma_start3A = arith.constant 0 : i32
      %dma_start3A_662 = arith.constant 0 : i32
      %dma_start3A_663 = tpu.memref_slice %arg11[%cond3A_543, %dma_start3A, %dma_start3A_662] : memref<4x128x128xf32, #tpu.memory_space<vmem>> -> memref<1x128x128xf32, #tpu.memory_space<vmem>>
      %dma_start3A_664 = tpu.memref_squeeze %dma_start3A_663 : memref<1x128x128xf32, #tpu.memory_space<vmem>> -> memref<128x128xf32, #tpu.memory_space<vmem>>
      %dma_start3A_665 = arith.constant 0 : i32
      %dma_start3A_666 = tpu.memref_slice %arg8[%cond3A_544, %dma_start3A_665] : memref<28x128xi32, #tpu.memory_space<vmem>> -> memref<1x128xi32, #tpu.memory_space<vmem>>
      %dma_start3A_667 = tpu.memref_squeeze %dma_start3A_666 : memref<1x128xi32, #tpu.memory_space<vmem>> -> memref<128xi32, #tpu.memory_space<vmem>>
      %dma_start3A_668 = arith.constant 0 : i32
      %dma_start3A_669 = arith.constant 0 : i32
      %dma_start3A_670 = tpu.memref_slice %arg6[%dma_start3A_668, %dma_start3A_669] : memref<100000x128xf32, #tpu.memory_space<hbm>> -> memref<100000x128xf32, #tpu.memory_space<hbm>>
      tpu.enqueue_indirect_dma source(%dma_start3A_664 : memref<128x128xf32, #tpu.memory_space<vmem>>) target(%dma_start3A_670 : memref<100000x128xf32, #tpu.memory_space<hbm>>) offsets(%dma_start3A_667 : memref<128xi32, #tpu.memory_space<vmem>>) semaphore(%arg13 : memref<!tpu.dma_semaphore, #tpu.memory_space<semaphore_mem>>)
    } else {
    }
    %gt3A_547 = arith.constant 21 : i32
    %gt3A_548 = arith.cmpi sgt, %shift_right_logical3A_11, %gt3A_547 : i32
    %convert_element_type3A_549 = arith.extui %gt3A_548 : i1 to i32
    %cond3A_550 = arith.constant 1 : i32
    %cond3A_551 = arith.constant 21 : i32
    %cond3A_552 = arith.constant 0 : i32
    %cond3A_553 = arith.cmpi ne, %convert_element_type3A_549, %cond3A_552 : i32
    scf.if %cond3A_553 {
      %dma_wait3A = arith.constant 0 : i32
      %dma_wait3A_653 = arith.constant 0 : i32
      %dma_wait3A_654 = tpu.memref_slice %arg11[%cond3A_550, %dma_wait3A, %dma_wait3A_653] : memref<4x128x128xf32, #tpu.memory_space<vmem>> -> memref<1x128x128xf32, #tpu.memory_space<vmem>>
      %dma_wait3A_655 = tpu.memref_squeeze %dma_wait3A_654 : memref<1x128x128xf32, #tpu.memory_space<vmem>> -> memref<128x128xf32, #tpu.memory_space<vmem>>
      %dma_wait3A_656 = arith.constant 0 : i32
      %dma_wait3A_657 = tpu.memref_slice %arg8[%cond3A_551, %dma_wait3A_656] : memref<28x128xi32, #tpu.memory_space<vmem>> -> memref<1x128xi32, #tpu.memory_space<vmem>>
      %dma_wait3A_658 = tpu.memref_squeeze %dma_wait3A_657 : memref<1x128xi32, #tpu.memory_space<vmem>> -> memref<128xi32, #tpu.memory_space<vmem>>
      %dma_wait3A_659 = arith.constant 0 : i32
      %dma_wait3A_660 = arith.constant 0 : i32
      %dma_wait3A_661 = tpu.memref_slice %arg6[%dma_wait3A_659, %dma_wait3A_660] : memref<100000x128xf32, #tpu.memory_space<hbm>> -> memref<100000x128xf32, #tpu.memory_space<hbm>>
      tpu.wait_indirect_dma semaphore(%arg13 : memref<!tpu.dma_semaphore, #tpu.memory_space<semaphore_mem>>) src(%dma_wait3A_655 : memref<128x128xf32, #tpu.memory_space<vmem>>) dst(%dma_wait3A_661 : memref<100000x128xf32, #tpu.memory_space<hbm>>)
    } else {
    }
    %gt3A_554 = arith.constant 25 : i32
    %gt3A_555 = arith.cmpi sgt, %shift_right_logical3A_11, %gt3A_554 : i32
    %convert_element_type3A_556 = arith.extui %gt3A_555 : i1 to i32
    %cond3A_557 = arith.constant 25 : i32
    %cond3A_558 = arith.constant 1 : i32
    %cond3A_559 = arith.constant 0 : i32
    %cond3A_560 = arith.cmpi ne, %convert_element_type3A_556, %cond3A_559 : i32
    scf.if %cond3A_560 {
      %dma_start3A = arith.constant 0 : i32
      %dma_start3A_653 = arith.constant 0 : i32
      %dma_start3A_654 = tpu.memref_slice %arg11[%cond3A_558, %dma_start3A, %dma_start3A_653] : memref<4x128x128xf32, #tpu.memory_space<vmem>> -> memref<1x128x128xf32, #tpu.memory_space<vmem>>
      %dma_start3A_655 = tpu.memref_squeeze %dma_start3A_654 : memref<1x128x128xf32, #tpu.memory_space<vmem>> -> memref<128x128xf32, #tpu.memory_space<vmem>>
      %dma_start3A_656 = arith.constant 0 : i32
      %dma_start3A_657 = tpu.memref_slice %arg9[%cond3A_557, %dma_start3A_656] : memref<28x128xi32, #tpu.memory_space<vmem>> -> memref<1x128xi32, #tpu.memory_space<vmem>>
      %dma_start3A_658 = tpu.memref_squeeze %dma_start3A_657 : memref<1x128xi32, #tpu.memory_space<vmem>> -> memref<128xi32, #tpu.memory_space<vmem>>
      %dma_start3A_659 = arith.constant 0 : i32
      %dma_start3A_660 = arith.constant 0 : i32
      %dma_start3A_661 = tpu.memref_slice %arg5[%dma_start3A_659, %dma_start3A_660] : memref<16384x128xf32, #tpu.memory_space<hbm>> -> memref<16384x128xf32, #tpu.memory_space<hbm>>
      tpu.enqueue_indirect_dma source(%dma_start3A_661 : memref<16384x128xf32, #tpu.memory_space<hbm>>) target(%dma_start3A_655 : memref<128x128xf32, #tpu.memory_space<vmem>>) offsets(%dma_start3A_658 : memref<128xi32, #tpu.memory_space<vmem>>) semaphore(%arg12 : memref<!tpu.dma_semaphore, #tpu.memory_space<semaphore_mem>>)
    } else {
    }
    %gt3A_561 = arith.constant 24 : i32
    %gt3A_562 = arith.cmpi sgt, %shift_right_logical3A_11, %gt3A_561 : i32
    %convert_element_type3A_563 = arith.extui %gt3A_562 : i1 to i32
    %cond3A_564 = arith.constant 24 : i32
    %cond3A_565 = arith.constant 0 : i32
    %cond3A_566 = arith.constant 0 : i32
    %cond3A_567 = arith.constant 24 : i32
    %cond3A_568 = arith.constant 0 : i32
    %cond3A_569 = arith.cmpi ne, %convert_element_type3A_563, %cond3A_568 : i32
    scf.if %cond3A_569 {
      %dma_wait3A = arith.constant 0 : i32
      %dma_wait3A_653 = arith.constant 0 : i32
      %dma_wait3A_654 = tpu.memref_slice %arg11[%cond3A_565, %dma_wait3A, %dma_wait3A_653] : memref<4x128x128xf32, #tpu.memory_space<vmem>> -> memref<1x128x128xf32, #tpu.memory_space<vmem>>
      %dma_wait3A_655 = tpu.memref_squeeze %dma_wait3A_654 : memref<1x128x128xf32, #tpu.memory_space<vmem>> -> memref<128x128xf32, #tpu.memory_space<vmem>>
      %dma_wait3A_656 = arith.constant 0 : i32
      %dma_wait3A_657 = tpu.memref_slice %arg9[%cond3A_564, %dma_wait3A_656] : memref<28x128xi32, #tpu.memory_space<vmem>> -> memref<1x128xi32, #tpu.memory_space<vmem>>
      %dma_wait3A_658 = tpu.memref_squeeze %dma_wait3A_657 : memref<1x128xi32, #tpu.memory_space<vmem>> -> memref<128xi32, #tpu.memory_space<vmem>>
      %dma_wait3A_659 = arith.constant 0 : i32
      %dma_wait3A_660 = arith.constant 0 : i32
      %dma_wait3A_661 = tpu.memref_slice %arg5[%dma_wait3A_659, %dma_wait3A_660] : memref<16384x128xf32, #tpu.memory_space<hbm>> -> memref<16384x128xf32, #tpu.memory_space<hbm>>
      tpu.wait_indirect_dma semaphore(%arg12 : memref<!tpu.dma_semaphore, #tpu.memory_space<semaphore_mem>>) src(%dma_wait3A_661 : memref<16384x128xf32, #tpu.memory_space<hbm>>) dst(%dma_wait3A_655 : memref<128x128xf32, #tpu.memory_space<vmem>>)
      %dma_start3A = arith.constant 0 : i32
      %dma_start3A_662 = arith.constant 0 : i32
      %dma_start3A_663 = tpu.memref_slice %arg11[%cond3A_566, %dma_start3A, %dma_start3A_662] : memref<4x128x128xf32, #tpu.memory_space<vmem>> -> memref<1x128x128xf32, #tpu.memory_space<vmem>>
      %dma_start3A_664 = tpu.memref_squeeze %dma_start3A_663 : memref<1x128x128xf32, #tpu.memory_space<vmem>> -> memref<128x128xf32, #tpu.memory_space<vmem>>
      %dma_start3A_665 = arith.constant 0 : i32
      %dma_start3A_666 = tpu.memref_slice %arg8[%cond3A_567, %dma_start3A_665] : memref<28x128xi32, #tpu.memory_space<vmem>> -> memref<1x128xi32, #tpu.memory_space<vmem>>
      %dma_start3A_667 = tpu.memref_squeeze %dma_start3A_666 : memref<1x128xi32, #tpu.memory_space<vmem>> -> memref<128xi32, #tpu.memory_space<vmem>>
      %dma_start3A_668 = arith.constant 0 : i32
      %dma_start3A_669 = arith.constant 0 : i32
      %dma_start3A_670 = tpu.memref_slice %arg6[%dma_start3A_668, %dma_start3A_669] : memref<100000x128xf32, #tpu.memory_space<hbm>> -> memref<100000x128xf32, #tpu.memory_space<hbm>>
      tpu.enqueue_indirect_dma source(%dma_start3A_664 : memref<128x128xf32, #tpu.memory_space<vmem>>) target(%dma_start3A_670 : memref<100000x128xf32, #tpu.memory_space<hbm>>) offsets(%dma_start3A_667 : memref<128xi32, #tpu.memory_space<vmem>>) semaphore(%arg13 : memref<!tpu.dma_semaphore, #tpu.memory_space<semaphore_mem>>)
    } else {
    }
    %gt3A_570 = arith.constant 22 : i32
    %gt3A_571 = arith.cmpi sgt, %shift_right_logical3A_11, %gt3A_570 : i32
    %convert_element_type3A_572 = arith.extui %gt3A_571 : i1 to i32
    %cond3A_573 = arith.constant 2 : i32
    %cond3A_574 = arith.constant 22 : i32
    %cond3A_575 = arith.constant 0 : i32
    %cond3A_576 = arith.cmpi ne, %convert_element_type3A_572, %cond3A_575 : i32
    scf.if %cond3A_576 {
      %dma_wait3A = arith.constant 0 : i32
      %dma_wait3A_653 = arith.constant 0 : i32
      %dma_wait3A_654 = tpu.memref_slice %arg11[%cond3A_573, %dma_wait3A, %dma_wait3A_653] : memref<4x128x128xf32, #tpu.memory_space<vmem>> -> memref<1x128x128xf32, #tpu.memory_space<vmem>>
      %dma_wait3A_655 = tpu.memref_squeeze %dma_wait3A_654 : memref<1x128x128xf32, #tpu.memory_space<vmem>> -> memref<128x128xf32, #tpu.memory_space<vmem>>
      %dma_wait3A_656 = arith.constant 0 : i32
      %dma_wait3A_657 = tpu.memref_slice %arg8[%cond3A_574, %dma_wait3A_656] : memref<28x128xi32, #tpu.memory_space<vmem>> -> memref<1x128xi32, #tpu.memory_space<vmem>>
      %dma_wait3A_658 = tpu.memref_squeeze %dma_wait3A_657 : memref<1x128xi32, #tpu.memory_space<vmem>> -> memref<128xi32, #tpu.memory_space<vmem>>
      %dma_wait3A_659 = arith.constant 0 : i32
      %dma_wait3A_660 = arith.constant 0 : i32
      %dma_wait3A_661 = tpu.memref_slice %arg6[%dma_wait3A_659, %dma_wait3A_660] : memref<100000x128xf32, #tpu.memory_space<hbm>> -> memref<100000x128xf32, #tpu.memory_space<hbm>>
      tpu.wait_indirect_dma semaphore(%arg13 : memref<!tpu.dma_semaphore, #tpu.memory_space<semaphore_mem>>) src(%dma_wait3A_655 : memref<128x128xf32, #tpu.memory_space<vmem>>) dst(%dma_wait3A_661 : memref<100000x128xf32, #tpu.memory_space<hbm>>)
    } else {
    }
    %gt3A_577 = arith.constant 26 : i32
    %gt3A_578 = arith.cmpi sgt, %shift_right_logical3A_11, %gt3A_577 : i32
    %convert_element_type3A_579 = arith.extui %gt3A_578 : i1 to i32
    %cond3A_580 = arith.constant 26 : i32
    %cond3A_581 = arith.constant 2 : i32
    %cond3A_582 = arith.constant 0 : i32
    %cond3A_583 = arith.cmpi ne, %convert_element_type3A_579, %cond3A_582 : i32
    scf.if %cond3A_583 {
      %dma_start3A = arith.constant 0 : i32
      %dma_start3A_653 = arith.constant 0 : i32
      %dma_start3A_654 = tpu.memref_slice %arg11[%cond3A_581, %dma_start3A, %dma_start3A_653] : memref<4x128x128xf32, #tpu.memory_space<vmem>> -> memref<1x128x128xf32, #tpu.memory_space<vmem>>
      %dma_start3A_655 = tpu.memref_squeeze %dma_start3A_654 : memref<1x128x128xf32, #tpu.memory_space<vmem>> -> memref<128x128xf32, #tpu.memory_space<vmem>>
      %dma_start3A_656 = arith.constant 0 : i32
      %dma_start3A_657 = tpu.memref_slice %arg9[%cond3A_580, %dma_start3A_656] : memref<28x128xi32, #tpu.memory_space<vmem>> -> memref<1x128xi32, #tpu.memory_space<vmem>>
      %dma_start3A_658 = tpu.memref_squeeze %dma_start3A_657 : memref<1x128xi32, #tpu.memory_space<vmem>> -> memref<128xi32, #tpu.memory_space<vmem>>
      %dma_start3A_659 = arith.constant 0 : i32
      %dma_start3A_660 = arith.constant 0 : i32
      %dma_start3A_661 = tpu.memref_slice %arg5[%dma_start3A_659, %dma_start3A_660] : memref<16384x128xf32, #tpu.memory_space<hbm>> -> memref<16384x128xf32, #tpu.memory_space<hbm>>
      tpu.enqueue_indirect_dma source(%dma_start3A_661 : memref<16384x128xf32, #tpu.memory_space<hbm>>) target(%dma_start3A_655 : memref<128x128xf32, #tpu.memory_space<vmem>>) offsets(%dma_start3A_658 : memref<128xi32, #tpu.memory_space<vmem>>) semaphore(%arg12 : memref<!tpu.dma_semaphore, #tpu.memory_space<semaphore_mem>>)
    } else {
    }
    %gt3A_584 = arith.constant 25 : i32
    %gt3A_585 = arith.cmpi sgt, %shift_right_logical3A_11, %gt3A_584 : i32
    %convert_element_type3A_586 = arith.extui %gt3A_585 : i1 to i32
    %cond3A_587 = arith.constant 25 : i32
    %cond3A_588 = arith.constant 1 : i32
    %cond3A_589 = arith.constant 1 : i32
    %cond3A_590 = arith.constant 25 : i32
    %cond3A_591 = arith.constant 0 : i32
    %cond3A_592 = arith.cmpi ne, %convert_element_type3A_586, %cond3A_591 : i32
    scf.if %cond3A_592 {
      %dma_wait3A = arith.constant 0 : i32
      %dma_wait3A_653 = arith.constant 0 : i32
      %dma_wait3A_654 = tpu.memref_slice %arg11[%cond3A_588, %dma_wait3A, %dma_wait3A_653] : memref<4x128x128xf32, #tpu.memory_space<vmem>> -> memref<1x128x128xf32, #tpu.memory_space<vmem>>
      %dma_wait3A_655 = tpu.memref_squeeze %dma_wait3A_654 : memref<1x128x128xf32, #tpu.memory_space<vmem>> -> memref<128x128xf32, #tpu.memory_space<vmem>>
      %dma_wait3A_656 = arith.constant 0 : i32
      %dma_wait3A_657 = tpu.memref_slice %arg9[%cond3A_587, %dma_wait3A_656] : memref<28x128xi32, #tpu.memory_space<vmem>> -> memref<1x128xi32, #tpu.memory_space<vmem>>
      %dma_wait3A_658 = tpu.memref_squeeze %dma_wait3A_657 : memref<1x128xi32, #tpu.memory_space<vmem>> -> memref<128xi32, #tpu.memory_space<vmem>>
      %dma_wait3A_659 = arith.constant 0 : i32
      %dma_wait3A_660 = arith.constant 0 : i32
      %dma_wait3A_661 = tpu.memref_slice %arg5[%dma_wait3A_659, %dma_wait3A_660] : memref<16384x128xf32, #tpu.memory_space<hbm>> -> memref<16384x128xf32, #tpu.memory_space<hbm>>
      tpu.wait_indirect_dma semaphore(%arg12 : memref<!tpu.dma_semaphore, #tpu.memory_space<semaphore_mem>>) src(%dma_wait3A_661 : memref<16384x128xf32, #tpu.memory_space<hbm>>) dst(%dma_wait3A_655 : memref<128x128xf32, #tpu.memory_space<vmem>>)
      %dma_start3A = arith.constant 0 : i32
      %dma_start3A_662 = arith.constant 0 : i32
      %dma_start3A_663 = tpu.memref_slice %arg11[%cond3A_589, %dma_start3A, %dma_start3A_662] : memref<4x128x128xf32, #tpu.memory_space<vmem>> -> memref<1x128x128xf32, #tpu.memory_space<vmem>>
      %dma_start3A_664 = tpu.memref_squeeze %dma_start3A_663 : memref<1x128x128xf32, #tpu.memory_space<vmem>> -> memref<128x128xf32, #tpu.memory_space<vmem>>
      %dma_start3A_665 = arith.constant 0 : i32
      %dma_start3A_666 = tpu.memref_slice %arg8[%cond3A_590, %dma_start3A_665] : memref<28x128xi32, #tpu.memory_space<vmem>> -> memref<1x128xi32, #tpu.memory_space<vmem>>
      %dma_start3A_667 = tpu.memref_squeeze %dma_start3A_666 : memref<1x128xi32, #tpu.memory_space<vmem>> -> memref<128xi32, #tpu.memory_space<vmem>>
      %dma_start3A_668 = arith.constant 0 : i32
      %dma_start3A_669 = arith.constant 0 : i32
      %dma_start3A_670 = tpu.memref_slice %arg6[%dma_start3A_668, %dma_start3A_669] : memref<100000x128xf32, #tpu.memory_space<hbm>> -> memref<100000x128xf32, #tpu.memory_space<hbm>>
      tpu.enqueue_indirect_dma source(%dma_start3A_664 : memref<128x128xf32, #tpu.memory_space<vmem>>) target(%dma_start3A_670 : memref<100000x128xf32, #tpu.memory_space<hbm>>) offsets(%dma_start3A_667 : memref<128xi32, #tpu.memory_space<vmem>>) semaphore(%arg13 : memref<!tpu.dma_semaphore, #tpu.memory_space<semaphore_mem>>)
    } else {
    }
    %gt3A_593 = arith.constant 23 : i32
    %gt3A_594 = arith.cmpi sgt, %shift_right_logical3A_11, %gt3A_593 : i32
    %convert_element_type3A_595 = arith.extui %gt3A_594 : i1 to i32
    %cond3A_596 = arith.constant 3 : i32
    %cond3A_597 = arith.constant 23 : i32
    %cond3A_598 = arith.constant 0 : i32
    %cond3A_599 = arith.cmpi ne, %convert_element_type3A_595, %cond3A_598 : i32
    scf.if %cond3A_599 {
      %dma_wait3A = arith.constant 0 : i32
      %dma_wait3A_653 = arith.constant 0 : i32
      %dma_wait3A_654 = tpu.memref_slice %arg11[%cond3A_596, %dma_wait3A, %dma_wait3A_653] : memref<4x128x128xf32, #tpu.memory_space<vmem>> -> memref<1x128x128xf32, #tpu.memory_space<vmem>>
      %dma_wait3A_655 = tpu.memref_squeeze %dma_wait3A_654 : memref<1x128x128xf32, #tpu.memory_space<vmem>> -> memref<128x128xf32, #tpu.memory_space<vmem>>
      %dma_wait3A_656 = arith.constant 0 : i32
      %dma_wait3A_657 = tpu.memref_slice %arg8[%cond3A_597, %dma_wait3A_656] : memref<28x128xi32, #tpu.memory_space<vmem>> -> memref<1x128xi32, #tpu.memory_space<vmem>>
      %dma_wait3A_658 = tpu.memref_squeeze %dma_wait3A_657 : memref<1x128xi32, #tpu.memory_space<vmem>> -> memref<128xi32, #tpu.memory_space<vmem>>
      %dma_wait3A_659 = arith.constant 0 : i32
      %dma_wait3A_660 = arith.constant 0 : i32
      %dma_wait3A_661 = tpu.memref_slice %arg6[%dma_wait3A_659, %dma_wait3A_660] : memref<100000x128xf32, #tpu.memory_space<hbm>> -> memref<100000x128xf32, #tpu.memory_space<hbm>>
      tpu.wait_indirect_dma semaphore(%arg13 : memref<!tpu.dma_semaphore, #tpu.memory_space<semaphore_mem>>) src(%dma_wait3A_655 : memref<128x128xf32, #tpu.memory_space<vmem>>) dst(%dma_wait3A_661 : memref<100000x128xf32, #tpu.memory_space<hbm>>)
    } else {
    }
    %gt3A_600 = arith.constant 27 : i32
    %gt3A_601 = arith.cmpi sgt, %shift_right_logical3A_11, %gt3A_600 : i32
    %convert_element_type3A_602 = arith.extui %gt3A_601 : i1 to i32
    %cond3A_603 = arith.constant 27 : i32
    %cond3A_604 = arith.constant 3 : i32
    %cond3A_605 = arith.constant 0 : i32
    %cond3A_606 = arith.cmpi ne, %convert_element_type3A_602, %cond3A_605 : i32
    scf.if %cond3A_606 {
      %dma_start3A = arith.constant 0 : i32
      %dma_start3A_653 = arith.constant 0 : i32
      %dma_start3A_654 = tpu.memref_slice %arg11[%cond3A_604, %dma_start3A, %dma_start3A_653] : memref<4x128x128xf32, #tpu.memory_space<vmem>> -> memref<1x128x128xf32, #tpu.memory_space<vmem>>
      %dma_start3A_655 = tpu.memref_squeeze %dma_start3A_654 : memref<1x128x128xf32, #tpu.memory_space<vmem>> -> memref<128x128xf32, #tpu.memory_space<vmem>>
      %dma_start3A_656 = arith.constant 0 : i32
      %dma_start3A_657 = tpu.memref_slice %arg9[%cond3A_603, %dma_start3A_656] : memref<28x128xi32, #tpu.memory_space<vmem>> -> memref<1x128xi32, #tpu.memory_space<vmem>>
      %dma_start3A_658 = tpu.memref_squeeze %dma_start3A_657 : memref<1x128xi32, #tpu.memory_space<vmem>> -> memref<128xi32, #tpu.memory_space<vmem>>
      %dma_start3A_659 = arith.constant 0 : i32
      %dma_start3A_660 = arith.constant 0 : i32
      %dma_start3A_661 = tpu.memref_slice %arg5[%dma_start3A_659, %dma_start3A_660] : memref<16384x128xf32, #tpu.memory_space<hbm>> -> memref<16384x128xf32, #tpu.memory_space<hbm>>
      tpu.enqueue_indirect_dma source(%dma_start3A_661 : memref<16384x128xf32, #tpu.memory_space<hbm>>) target(%dma_start3A_655 : memref<128x128xf32, #tpu.memory_space<vmem>>) offsets(%dma_start3A_658 : memref<128xi32, #tpu.memory_space<vmem>>) semaphore(%arg12 : memref<!tpu.dma_semaphore, #tpu.memory_space<semaphore_mem>>)
    } else {
    }
    %gt3A_607 = arith.constant 26 : i32
    %gt3A_608 = arith.cmpi sgt, %shift_right_logical3A_11, %gt3A_607 : i32
    %convert_element_type3A_609 = arith.extui %gt3A_608 : i1 to i32
    %cond3A_610 = arith.constant 26 : i32
    %cond3A_611 = arith.constant 2 : i32
    %cond3A_612 = arith.constant 2 : i32
    %cond3A_613 = arith.constant 26 : i32
    %cond3A_614 = arith.constant 0 : i32
    %cond3A_615 = arith.cmpi ne, %convert_element_type3A_609, %cond3A_614 : i32
    scf.if %cond3A_615 {
      %dma_wait3A = arith.constant 0 : i32
      %dma_wait3A_653 = arith.constant 0 : i32
      %dma_wait3A_654 = tpu.memref_slice %arg11[%cond3A_611, %dma_wait3A, %dma_wait3A_653] : memref<4x128x128xf32, #tpu.memory_space<vmem>> -> memref<1x128x128xf32, #tpu.memory_space<vmem>>
      %dma_wait3A_655 = tpu.memref_squeeze %dma_wait3A_654 : memref<1x128x128xf32, #tpu.memory_space<vmem>> -> memref<128x128xf32, #tpu.memory_space<vmem>>
      %dma_wait3A_656 = arith.constant 0 : i32
      %dma_wait3A_657 = tpu.memref_slice %arg9[%cond3A_610, %dma_wait3A_656] : memref<28x128xi32, #tpu.memory_space<vmem>> -> memref<1x128xi32, #tpu.memory_space<vmem>>
      %dma_wait3A_658 = tpu.memref_squeeze %dma_wait3A_657 : memref<1x128xi32, #tpu.memory_space<vmem>> -> memref<128xi32, #tpu.memory_space<vmem>>
      %dma_wait3A_659 = arith.constant 0 : i32
      %dma_wait3A_660 = arith.constant 0 : i32
      %dma_wait3A_661 = tpu.memref_slice %arg5[%dma_wait3A_659, %dma_wait3A_660] : memref<16384x128xf32, #tpu.memory_space<hbm>> -> memref<16384x128xf32, #tpu.memory_space<hbm>>
      tpu.wait_indirect_dma semaphore(%arg12 : memref<!tpu.dma_semaphore, #tpu.memory_space<semaphore_mem>>) src(%dma_wait3A_661 : memref<16384x128xf32, #tpu.memory_space<hbm>>) dst(%dma_wait3A_655 : memref<128x128xf32, #tpu.memory_space<vmem>>)
      %dma_start3A = arith.constant 0 : i32
      %dma_start3A_662 = arith.constant 0 : i32
      %dma_start3A_663 = tpu.memref_slice %arg11[%cond3A_612, %dma_start3A, %dma_start3A_662] : memref<4x128x128xf32, #tpu.memory_space<vmem>> -> memref<1x128x128xf32, #tpu.memory_space<vmem>>
      %dma_start3A_664 = tpu.memref_squeeze %dma_start3A_663 : memref<1x128x128xf32, #tpu.memory_space<vmem>> -> memref<128x128xf32, #tpu.memory_space<vmem>>
      %dma_start3A_665 = arith.constant 0 : i32
      %dma_start3A_666 = tpu.memref_slice %arg8[%cond3A_613, %dma_start3A_665] : memref<28x128xi32, #tpu.memory_space<vmem>> -> memref<1x128xi32, #tpu.memory_space<vmem>>
      %dma_start3A_667 = tpu.memref_squeeze %dma_start3A_666 : memref<1x128xi32, #tpu.memory_space<vmem>> -> memref<128xi32, #tpu.memory_space<vmem>>
      %dma_start3A_668 = arith.constant 0 : i32
      %dma_start3A_669 = arith.constant 0 : i32
      %dma_start3A_670 = tpu.memref_slice %arg6[%dma_start3A_668, %dma_start3A_669] : memref<100000x128xf32, #tpu.memory_space<hbm>> -> memref<100000x128xf32, #tpu.memory_space<hbm>>
      tpu.enqueue_indirect_dma source(%dma_start3A_664 : memref<128x128xf32, #tpu.memory_space<vmem>>) target(%dma_start3A_670 : memref<100000x128xf32, #tpu.memory_space<hbm>>) offsets(%dma_start3A_667 : memref<128xi32, #tpu.memory_space<vmem>>) semaphore(%arg13 : memref<!tpu.dma_semaphore, #tpu.memory_space<semaphore_mem>>)
    } else {
    }
    %gt3A_616 = arith.constant 24 : i32
    %gt3A_617 = arith.cmpi sgt, %shift_right_logical3A_11, %gt3A_616 : i32
    %convert_element_type3A_618 = arith.extui %gt3A_617 : i1 to i32
    %cond3A_619 = arith.constant 0 : i32
    %cond3A_620 = arith.constant 24 : i32
    %cond3A_621 = arith.constant 0 : i32
    %cond3A_622 = arith.cmpi ne, %convert_element_type3A_618, %cond3A_621 : i32
    scf.if %cond3A_622 {
      %dma_wait3A = arith.constant 0 : i32
      %dma_wait3A_653 = arith.constant 0 : i32
      %dma_wait3A_654 = tpu.memref_slice %arg11[%cond3A_619, %dma_wait3A, %dma_wait3A_653] : memref<4x128x128xf32, #tpu.memory_space<vmem>> -> memref<1x128x128xf32, #tpu.memory_space<vmem>>
      %dma_wait3A_655 = tpu.memref_squeeze %dma_wait3A_654 : memref<1x128x128xf32, #tpu.memory_space<vmem>> -> memref<128x128xf32, #tpu.memory_space<vmem>>
      %dma_wait3A_656 = arith.constant 0 : i32
      %dma_wait3A_657 = tpu.memref_slice %arg8[%cond3A_620, %dma_wait3A_656] : memref<28x128xi32, #tpu.memory_space<vmem>> -> memref<1x128xi32, #tpu.memory_space<vmem>>
      %dma_wait3A_658 = tpu.memref_squeeze %dma_wait3A_657 : memref<1x128xi32, #tpu.memory_space<vmem>> -> memref<128xi32, #tpu.memory_space<vmem>>
      %dma_wait3A_659 = arith.constant 0 : i32
      %dma_wait3A_660 = arith.constant 0 : i32
      %dma_wait3A_661 = tpu.memref_slice %arg6[%dma_wait3A_659, %dma_wait3A_660] : memref<100000x128xf32, #tpu.memory_space<hbm>> -> memref<100000x128xf32, #tpu.memory_space<hbm>>
      tpu.wait_indirect_dma semaphore(%arg13 : memref<!tpu.dma_semaphore, #tpu.memory_space<semaphore_mem>>) src(%dma_wait3A_655 : memref<128x128xf32, #tpu.memory_space<vmem>>) dst(%dma_wait3A_661 : memref<100000x128xf32, #tpu.memory_space<hbm>>)
    } else {
    }
    %gt3A_623 = arith.constant 27 : i32
    %gt3A_624 = arith.cmpi sgt, %shift_right_logical3A_11, %gt3A_623 : i32
    %convert_element_type3A_625 = arith.extui %gt3A_624 : i1 to i32
    %cond3A_626 = arith.constant 27 : i32
    %cond3A_627 = arith.constant 3 : i32
    %cond3A_628 = arith.constant 3 : i32
    %cond3A_629 = arith.constant 27 : i32
    %cond3A_630 = arith.constant 0 : i32
    %cond3A_631 = arith.cmpi ne, %convert_element_type3A_625, %cond3A_630 : i32
    scf.if %cond3A_631 {
      %dma_wait3A = arith.constant 0 : i32
      %dma_wait3A_653 = arith.constant 0 : i32
      %dma_wait3A_654 = tpu.memref_slice %arg11[%cond3A_627, %dma_wait3A, %dma_wait3A_653] : memref<4x128x128xf32, #tpu.memory_space<vmem>> -> memref<1x128x128xf32, #tpu.memory_space<vmem>>
      %dma_wait3A_655 = tpu.memref_squeeze %dma_wait3A_654 : memref<1x128x128xf32, #tpu.memory_space<vmem>> -> memref<128x128xf32, #tpu.memory_space<vmem>>
      %dma_wait3A_656 = arith.constant 0 : i32
      %dma_wait3A_657 = tpu.memref_slice %arg9[%cond3A_626, %dma_wait3A_656] : memref<28x128xi32, #tpu.memory_space<vmem>> -> memref<1x128xi32, #tpu.memory_space<vmem>>
      %dma_wait3A_658 = tpu.memref_squeeze %dma_wait3A_657 : memref<1x128xi32, #tpu.memory_space<vmem>> -> memref<128xi32, #tpu.memory_space<vmem>>
      %dma_wait3A_659 = arith.constant 0 : i32
      %dma_wait3A_660 = arith.constant 0 : i32
      %dma_wait3A_661 = tpu.memref_slice %arg5[%dma_wait3A_659, %dma_wait3A_660] : memref<16384x128xf32, #tpu.memory_space<hbm>> -> memref<16384x128xf32, #tpu.memory_space<hbm>>
      tpu.wait_indirect_dma semaphore(%arg12 : memref<!tpu.dma_semaphore, #tpu.memory_space<semaphore_mem>>) src(%dma_wait3A_661 : memref<16384x128xf32, #tpu.memory_space<hbm>>) dst(%dma_wait3A_655 : memref<128x128xf32, #tpu.memory_space<vmem>>)
      %dma_start3A = arith.constant 0 : i32
      %dma_start3A_662 = arith.constant 0 : i32
      %dma_start3A_663 = tpu.memref_slice %arg11[%cond3A_628, %dma_start3A, %dma_start3A_662] : memref<4x128x128xf32, #tpu.memory_space<vmem>> -> memref<1x128x128xf32, #tpu.memory_space<vmem>>
      %dma_start3A_664 = tpu.memref_squeeze %dma_start3A_663 : memref<1x128x128xf32, #tpu.memory_space<vmem>> -> memref<128x128xf32, #tpu.memory_space<vmem>>
      %dma_start3A_665 = arith.constant 0 : i32
      %dma_start3A_666 = tpu.memref_slice %arg8[%cond3A_629, %dma_start3A_665] : memref<28x128xi32, #tpu.memory_space<vmem>> -> memref<1x128xi32, #tpu.memory_space<vmem>>
      %dma_start3A_667 = tpu.memref_squeeze %dma_start3A_666 : memref<1x128xi32, #tpu.memory_space<vmem>> -> memref<128xi32, #tpu.memory_space<vmem>>
      %dma_start3A_668 = arith.constant 0 : i32
      %dma_start3A_669 = arith.constant 0 : i32
      %dma_start3A_670 = tpu.memref_slice %arg6[%dma_start3A_668, %dma_start3A_669] : memref<100000x128xf32, #tpu.memory_space<hbm>> -> memref<100000x128xf32, #tpu.memory_space<hbm>>
      tpu.enqueue_indirect_dma source(%dma_start3A_664 : memref<128x128xf32, #tpu.memory_space<vmem>>) target(%dma_start3A_670 : memref<100000x128xf32, #tpu.memory_space<hbm>>) offsets(%dma_start3A_667 : memref<128xi32, #tpu.memory_space<vmem>>) semaphore(%arg13 : memref<!tpu.dma_semaphore, #tpu.memory_space<semaphore_mem>>)
    } else {
    }
    %gt3A_632 = arith.constant 25 : i32
    %gt3A_633 = arith.cmpi sgt, %shift_right_logical3A_11, %gt3A_632 : i32
    %convert_element_type3A_634 = arith.extui %gt3A_633 : i1 to i32
    %cond3A_635 = arith.constant 1 : i32
    %cond3A_636 = arith.constant 25 : i32
    %cond3A_637 = arith.constant 0 : i32
    %cond3A_638 = arith.cmpi ne, %convert_element_type3A_634, %cond3A_637 : i32
    scf.if %cond3A_638 {
      %dma_wait3A = arith.constant 0 : i32
      %dma_wait3A_653 = arith.constant 0 : i32
      %dma_wait3A_654 = tpu.memref_slice %arg11[%cond3A_635, %dma_wait3A, %dma_wait3A_653] : memref<4x128x128xf32, #tpu.memory_space<vmem>> -> memref<1x128x128xf32, #tpu.memory_space<vmem>>
      %dma_wait3A_655 = tpu.memref_squeeze %dma_wait3A_654 : memref<1x128x128xf32, #tpu.memory_space<vmem>> -> memref<128x128xf32, #tpu.memory_space<vmem>>
      %dma_wait3A_656 = arith.constant 0 : i32
      %dma_wait3A_657 = tpu.memref_slice %arg8[%cond3A_636, %dma_wait3A_656] : memref<28x128xi32, #tpu.memory_space<vmem>> -> memref<1x128xi32, #tpu.memory_space<vmem>>
      %dma_wait3A_658 = tpu.memref_squeeze %dma_wait3A_657 : memref<1x128xi32, #tpu.memory_space<vmem>> -> memref<128xi32, #tpu.memory_space<vmem>>
      %dma_wait3A_659 = arith.constant 0 : i32
      %dma_wait3A_660 = arith.constant 0 : i32
      %dma_wait3A_661 = tpu.memref_slice %arg6[%dma_wait3A_659, %dma_wait3A_660] : memref<100000x128xf32, #tpu.memory_space<hbm>> -> memref<100000x128xf32, #tpu.memory_space<hbm>>
      tpu.wait_indirect_dma semaphore(%arg13 : memref<!tpu.dma_semaphore, #tpu.memory_space<semaphore_mem>>) src(%dma_wait3A_655 : memref<128x128xf32, #tpu.memory_space<vmem>>) dst(%dma_wait3A_661 : memref<100000x128xf32, #tpu.memory_space<hbm>>)
    } else {
    }
    %gt3A_639 = arith.constant 26 : i32
    %gt3A_640 = arith.cmpi sgt, %shift_right_logical3A_11, %gt3A_639 : i32
    %convert_element_type3A_641 = arith.extui %gt3A_640 : i1 to i32
    %cond3A_642 = arith.constant 2 : i32
    %cond3A_643 = arith.constant 26 : i32
    %cond3A_644 = arith.constant 0 : i32
    %cond3A_645 = arith.cmpi ne, %convert_element_type3A_641, %cond3A_644 : i32
    scf.if %cond3A_645 {
      %dma_wait3A = arith.constant 0 : i32
      %dma_wait3A_653 = arith.constant 0 : i32
      %dma_wait3A_654 = tpu.memref_slice %arg11[%cond3A_642, %dma_wait3A, %dma_wait3A_653] : memref<4x128x128xf32, #tpu.memory_space<vmem>> -> memref<1x128x128xf32, #tpu.memory_space<vmem>>
      %dma_wait3A_655 = tpu.memref_squeeze %dma_wait3A_654 : memref<1x128x128xf32, #tpu.memory_space<vmem>> -> memref<128x128xf32, #tpu.memory_space<vmem>>
      %dma_wait3A_656 = arith.constant 0 : i32
      %dma_wait3A_657 = tpu.memref_slice %arg8[%cond3A_643, %dma_wait3A_656] : memref<28x128xi32, #tpu.memory_space<vmem>> -> memref<1x128xi32, #tpu.memory_space<vmem>>
      %dma_wait3A_658 = tpu.memref_squeeze %dma_wait3A_657 : memref<1x128xi32, #tpu.memory_space<vmem>> -> memref<128xi32, #tpu.memory_space<vmem>>
      %dma_wait3A_659 = arith.constant 0 : i32
      %dma_wait3A_660 = arith.constant 0 : i32
      %dma_wait3A_661 = tpu.memref_slice %arg6[%dma_wait3A_659, %dma_wait3A_660] : memref<100000x128xf32, #tpu.memory_space<hbm>> -> memref<100000x128xf32, #tpu.memory_space<hbm>>
      tpu.wait_indirect_dma semaphore(%arg13 : memref<!tpu.dma_semaphore, #tpu.memory_space<semaphore_mem>>) src(%dma_wait3A_655 : memref<128x128xf32, #tpu.memory_space<vmem>>) dst(%dma_wait3A_661 : memref<100000x128xf32, #tpu.memory_space<hbm>>)
    } else {
    }
    %gt3A_646 = arith.constant 27 : i32
    %gt3A_647 = arith.cmpi sgt, %shift_right_logical3A_11, %gt3A_646 : i32
    %convert_element_type3A_648 = arith.extui %gt3A_647 : i1 to i32
    %cond3A_649 = arith.constant 3 : i32
    %cond3A_650 = arith.constant 27 : i32
    %cond3A_651 = arith.constant 0 : i32
    %cond3A_652 = arith.cmpi ne, %convert_element_type3A_648, %cond3A_651 : i32
    scf.if %cond3A_652 {
      %dma_wait3A = arith.constant 0 : i32
      %dma_wait3A_653 = arith.constant 0 : i32
      %dma_wait3A_654 = tpu.memref_slice %arg11[%cond3A_649, %dma_wait3A, %dma_wait3A_653] : memref<4x128x128xf32, #tpu.memory_space<vmem>> -> memref<1x128x128xf32, #tpu.memory_space<vmem>>
      %dma_wait3A_655 = tpu.memref_squeeze %dma_wait3A_654 : memref<1x128x128xf32, #tpu.memory_space<vmem>> -> memref<128x128xf32, #tpu.memory_space<vmem>>
      %dma_wait3A_656 = arith.constant 0 : i32
      %dma_wait3A_657 = tpu.memref_slice %arg8[%cond3A_650, %dma_wait3A_656] : memref<28x128xi32, #tpu.memory_space<vmem>> -> memref<1x128xi32, #tpu.memory_space<vmem>>
      %dma_wait3A_658 = tpu.memref_squeeze %dma_wait3A_657 : memref<1x128xi32, #tpu.memory_space<vmem>> -> memref<128xi32, #tpu.memory_space<vmem>>
      %dma_wait3A_659 = arith.constant 0 : i32
      %dma_wait3A_660 = arith.constant 0 : i32
      %dma_wait3A_661 = tpu.memref_slice %arg6[%dma_wait3A_659, %dma_wait3A_660] : memref<100000x128xf32, #tpu.memory_space<hbm>> -> memref<100000x128xf32, #tpu.memory_space<hbm>>
      tpu.wait_indirect_dma semaphore(%arg13 : memref<!tpu.dma_semaphore, #tpu.memory_space<semaphore_mem>>) src(%dma_wait3A_655 : memref<128x128xf32, #tpu.memory_space<vmem>>) dst(%dma_wait3A_661 : memref<100000x128xf32, #tpu.memory_space<hbm>>)
    } else {
    }
    return
  }
}

module attributes {stable_mosaic.version = 14 : i64} {
  func.func @_dense_body(%arg0: i32, %arg1: memref<2048x128xf32, #tpu.memory_space<vmem>>, %arg2: memref<2048x128xf32, #tpu.memory_space<vmem>>, %arg3: memref<128x128xf32, #tpu.memory_space<vmem>>, %arg4: memref<1x128xf32, #tpu.memory_space<vmem>>, %arg5: memref<128x128xf32, #tpu.memory_space<vmem>>, %arg6: memref<1x128xf32, #tpu.memory_space<vmem>>, %arg7: memref<2048x128xf32, #tpu.memory_space<vmem>>) attributes {dimension_semantics = [#tpu.dimension_semantics<arbitrary>], iteration_bounds = array<i64: 8>, scalar_prefetch = 0 : i64, scratch_operands = 0 : i64, tpu.core_type = #tpu.core_type<tc>, window_params = [{transform_indices = @transform_0, window_bounds = array<i64: 2048, 128>}, {transform_indices = @transform_1, window_bounds = array<i64: 2048, 128>}, {pipeline_mode = #tpu.pipeline_mode<synchronous>, transform_indices = @transform_2, window_bounds = array<i64: 128, 128>}, {pipeline_mode = #tpu.pipeline_mode<synchronous>, transform_indices = @transform_3, window_bounds = array<i64: 1, 128>}, {pipeline_mode = #tpu.pipeline_mode<synchronous>, transform_indices = @transform_4, window_bounds = array<i64: 128, 128>}, {pipeline_mode = #tpu.pipeline_mode<synchronous>, transform_indices = @transform_5, window_bounds = array<i64: 1, 128>}, {transform_indices = @transform_6, window_bounds = array<i64: 2048, 128>}]} {
    %get3A = arith.constant 0 : index
    %get3A_0 = arith.constant 0 : index
    %get3A_1 = vector.load %arg1[%get3A, %get3A_0] : memref<2048x128xf32, #tpu.memory_space<vmem>>, vector<2048x128xf32>
    %get3A_2 = arith.constant 0 : index
    %get3A_3 = arith.constant 0 : index
    %get3A_4 = vector.load %arg2[%get3A_2, %get3A_3] : memref<2048x128xf32, #tpu.memory_space<vmem>>, vector<2048x128xf32>
    %get3A_5 = arith.constant 0 : index
    %get3A_6 = arith.constant 0 : index
    %get3A_7 = vector.load %arg3[%get3A_5, %get3A_6] : memref<128x128xf32, #tpu.memory_space<vmem>>, vector<128x128xf32>
    %dot_general3A = arith.constant dense<0.000000e+00> : vector<2048x128xf32>
    %dot_general3A_8 = tpu.matmul %get3A_1, %get3A_7, %dot_general3A {dimension_numbers = #tpu.dot_dimension_numbers<[1], [1], [0], [0], [0, 0, 1, 0], [], []>, transpose_lhs_hint = false} : vector<2048x128xf32>, vector<128x128xf32>, vector<2048x128xf32> -> vector<2048x128xf32>
    %get3A_9 = arith.constant 0 : index
    %get3A_10 = arith.constant 0 : index
    %get3A_11 = vector.load %arg4[%get3A_9, %get3A_10] : memref<1x128xf32, #tpu.memory_space<vmem>>, vector<1x128xf32>
    %add3A = vector.broadcast %get3A_11 : vector<1x128xf32> to vector<2048x128xf32>
    %add3A_12 = arith.addf %dot_general3A_8, %add3A : vector<2048x128xf32>
    %neg3A = arith.constant 0.000000e+00 : f32
    %neg3A_13 = vector.broadcast %neg3A : f32 to vector<2048x128xf32>
    %neg3A_14 = arith.subf %neg3A_13, %add3A_12 : vector<2048x128xf32>
    %exp3A = math.exp %neg3A_14 : vector<2048x128xf32>
    %add3A_15 = arith.constant 1.000000e+00 : f32
    %add3A_16 = vector.broadcast %add3A_15 : f32 to vector<2048x128xf32>
    %add3A_17 = arith.addf %add3A_16, %exp3A : vector<2048x128xf32>
    %div3A = arith.constant 1.000000e+00 : f32
    %div3A_18 = vector.broadcast %div3A : f32 to vector<2048x128xf32>
    %div3A_19 = arith.divf %div3A_18, %add3A_17 : vector<2048x128xf32>
    %get3A_20 = arith.constant 0 : index
    %get3A_21 = arith.constant 0 : index
    %get3A_22 = vector.load %arg5[%get3A_20, %get3A_21] : memref<128x128xf32, #tpu.memory_space<vmem>>, vector<128x128xf32>
    %dot_general3A_23 = arith.constant dense<0.000000e+00> : vector<2048x128xf32>
    %dot_general3A_24 = tpu.matmul %get3A_4, %get3A_22, %dot_general3A_23 {dimension_numbers = #tpu.dot_dimension_numbers<[1], [1], [0], [0], [0, 0, 1, 0], [], []>, transpose_lhs_hint = false} : vector<2048x128xf32>, vector<128x128xf32>, vector<2048x128xf32> -> vector<2048x128xf32>
    %get3A_25 = arith.constant 0 : index
    %get3A_26 = arith.constant 0 : index
    %get3A_27 = vector.load %arg6[%get3A_25, %get3A_26] : memref<1x128xf32, #tpu.memory_space<vmem>>, vector<1x128xf32>
    %add3A_28 = vector.broadcast %get3A_27 : vector<1x128xf32> to vector<2048x128xf32>
    %add3A_29 = arith.addf %dot_general3A_24, %add3A_28 : vector<2048x128xf32>
    %mul3A = arith.mulf %add3A_29, %div3A_19 : vector<2048x128xf32>
    %neg3A_30 = arith.constant 0.000000e+00 : f32
    %neg3A_31 = vector.broadcast %neg3A_30 : f32 to vector<2048x128xf32>
    %neg3A_32 = arith.subf %neg3A_31, %mul3A : vector<2048x128xf32>
    %exp3A_33 = math.exp %neg3A_32 : vector<2048x128xf32>
    %add3A_34 = arith.constant 1.000000e+00 : f32
    %add3A_35 = vector.broadcast %add3A_34 : f32 to vector<2048x128xf32>
    %add3A_36 = arith.addf %add3A_35, %exp3A_33 : vector<2048x128xf32>
    %div3A_37 = arith.constant 1.000000e+00 : f32
    %div3A_38 = vector.broadcast %div3A_37 : f32 to vector<2048x128xf32>
    %div3A_39 = arith.divf %div3A_38, %add3A_36 : vector<2048x128xf32>
    %mul3A_40 = arith.mulf %div3A_39, %get3A_4 : vector<2048x128xf32>
    %sub3A = arith.constant 1.000000e+00 : f32
    %sub3A_41 = vector.broadcast %sub3A : f32 to vector<2048x128xf32>
    %sub3A_42 = arith.subf %sub3A_41, %div3A_39 : vector<2048x128xf32>
    %mul3A_43 = arith.mulf %sub3A_42, %div3A_19 : vector<2048x128xf32>
    %add3A_44 = arith.addf %mul3A_40, %mul3A_43 : vector<2048x128xf32>
    %mul3A_45 = arith.mulf %add3A_44, %add3A_44 : vector<2048x128xf32>
    %reduce_sum3A = arith.constant dense<0.000000e+00> : vector<2048xf32>
    %reduce_sum3A_46 = vector.multi_reduction <add>, %mul3A_45, %reduce_sum3A [1] : vector<2048x128xf32> to vector<2048xf32>
    %broadcast_in_dim3A = vector.shape_cast %reduce_sum3A_46 : vector<2048xf32> to vector<2048x1xf32>
    %sqrt3A = math.sqrt %broadcast_in_dim3A : vector<2048x1xf32>
    %max3A = arith.constant 9.99999996E-13 : f32
    %max3A_47 = vector.broadcast %max3A : f32 to vector<2048x1xf32>
    %max3A_48 = arith.maximumf %sqrt3A, %max3A_47 : vector<2048x1xf32>
    %div3A_49 = vector.broadcast %max3A_48 : vector<2048x1xf32> to vector<2048x128xf32>
    %div3A_50 = arith.divf %add3A_44, %div3A_49 : vector<2048x128xf32>
    %swap3A = arith.constant 0 : index
    %swap3A_51 = arith.constant 0 : index
    %swap3A_52 = vector.load %arg7[%swap3A, %swap3A_51] : memref<2048x128xf32, #tpu.memory_space<vmem>>, vector<2048x128xf32>
    tpu.vector_store %arg7[%swap3A, %swap3A_51], %div3A_50 {strides = array<i32>} : memref<2048x128xf32, #tpu.memory_space<vmem>>, vector<2048x128xf32>,
    return
  }
  func.func @transform_0(%arg0: i32) -> (i32, i32) {
    %c0_i32 = arith.constant 0 : i32
    %c0_i32_0 = arith.constant 0 : i32
    return %arg0, %c0_i32 : i32, i32
  }
  func.func @transform_1(%arg0: i32) -> (i32, i32) {
    %c0_i32 = arith.constant 0 : i32
    %c0_i32_0 = arith.constant 0 : i32
    return %arg0, %c0_i32 : i32, i32
  }
  func.func @transform_2(%arg0: i32) -> (i32, i32) {
    %c0_i32 = arith.constant 0 : i32
    %c0_i32_0 = arith.constant 0 : i32
    %c0_i32_1 = arith.constant 0 : i32
    return %c0_i32, %c0_i32_0 : i32, i32
  }
  func.func @transform_3(%arg0: i32) -> (i32, i32) {
    %c0_i32 = arith.constant 0 : i32
    %c0_i32_0 = arith.constant 0 : i32
    %c0_i32_1 = arith.constant 0 : i32
    return %c0_i32, %c0_i32_0 : i32, i32
  }
  func.func @transform_4(%arg0: i32) -> (i32, i32) {
    %c0_i32 = arith.constant 0 : i32
    %c0_i32_0 = arith.constant 0 : i32
    %c0_i32_1 = arith.constant 0 : i32
    return %c0_i32, %c0_i32_0 : i32, i32
  }
  func.func @transform_5(%arg0: i32) -> (i32, i32) {
    %c0_i32 = arith.constant 0 : i32
    %c0_i32_0 = arith.constant 0 : i32
    %c0_i32_1 = arith.constant 0 : i32
    return %c0_i32, %c0_i32_0 : i32, i32
  }
  func.func @transform_6(%arg0: i32) -> (i32, i32) {
    %c0_i32 = arith.constant 0 : i32
    %c0_i32_0 = arith.constant 0 : i32
    return %arg0, %c0_i32 : i32, i32
  }
}

</mosaic_0001>

<sc_bundles>
// kernel: gather_offload_async_start
scs
__scs_entry_jumppad:
0x0: {  	(pc) =	sbr.rel $0x88, $3  }
0x1: {  	(tag) =	ssettag $0x0;
	lr =	simm.s32 $0x1  }
0x2: {  	[smem:$0x3F9A] =	sst lr;
	_ =	strace $0xD0000000  }
0x3: {  	_ = 	snop  }
0x4: {  	_ = 	snop  }
0x5: {  	_ = 	snop  }
0x6: {  	_ = 	snop  }
0x7: {  	_ = 	snop  }
__scs_overlays_trampoline_lowered:
0x8: {  	[smem:$0x3FA9] =	sst s0  }
0x9: {  	[smem:$0x3FAA] =	sst s1  }
0xa: {  	[smem:$0x3FAB] =	sst s2  }
0xb: {  	[smem:$0x3FAC] =	sst s3  }
0xc: {  	[smem:$0x3FAD] =	sst s4  }
0xd: {  	[smem:$0x3FAE] =	sst s5  }
0xe: {  	[smem:$0x3FAF] =	sst s6  }
0xf: {  	[smem:$0x3FB0] =	sst s7  }
0x10: {  	[smem:$0x3FB1] =	sst s8  }
0x11: {  	[smem:$0x3FB2] =	sst s9;
	s0 =	simm.s32 @!p0 $0x0  }
0x12: {  	s1 =	sld [smem:$0x3F98];
	s0 =	simm.s32 @p0 $0x1  }
0x13: {  	[smem:$0x3FB3] =	sst s0;
	s0 =	simm.s32 @!p1 $0x0  }
0x14: {  	s2 =	sld [smem:$0x3F97];
	s0 =	simm.s32 @p1 $0x1  }
0x15: {  	[smem:$0x3FB4] =	sst s0;
	s0 =	simm.s32 @!p2 $0x0  }
0x16: {  	s3 =	sld [smem:$0x3FDB];
	s0 =	simm.s32 @p2 $0x1  }
0x17: {  	s4 =	simm.s32 $0x1BF5;
	[smem:$0x3FB6] =	sst s0  }
0x18: {  	s0 =	sld [smem:$0x3F99];
	_ =	swait.ge [sflag:s4], $0x0  }
0x19: {  	s7 =	sld [smem:$0x3F9A]  }
0x1a: {  	s8 =	sadd.s32 $0xFFFFE003, lr  }
0x1b: {  	s9 =	sadd.s32 $0xFFFFFEF7, lr;
	s5 =	simm.s32 $0xFFFFFFFF;
	p2 =	slt.u32 s8, $0xFFFFF086  }
0x1c: {  	p1 =	slt.u32 s9, $0xF7A;
	s5 =	simm.s32 @!p2 $0x0  }
0x1d: {  	s5 =	simm.s32 @p1 $0x1;
	p0 =	seq.s32 s7, s2  }
0x1e: {  	s7 =	smul.u32 @!p0 $0xF7A, s2;
	p2 =	seq.s32 @!p0 s5, $0x0  }
0x1f: {  	s9 =	smul.u32 $0xF7A, s1;
	s8 =	simm.s32 @!p0 $0x1BF5;
	p2 =	por !p2, p0  }
0x20: {  	[sflag:s8] =	ssyncset.s32 @!p0 $0xFFFFF086;
	s6 =	sadd.s32 @!p0 s3, s7;
	s7 =	simm.s32 @!p0 $0x108  }
0x21: {  	s3 =	sadd.s32 s3, s9;
	s6 =	sadd.s32 @!p0 $0x88, s6;
	s7 =	simm.s32 @p2 $0x1082  }
0x22: {  	[simem:s7], [sflag:s8] =	dma.local @!p0 [hbm:s6], $0xF7A  }
0x23: {  	s9 =	sor.u32 $0xD0000000, s2;
	s6 =	simm.s32 $0x108;
	_ =	swait.ge @!p0 [sflag:s8], $0x0  }
0x24: {  	s3 =	sadd.s32 $0x88, s3;
	s6 =	simm.s32 @!p1 $0x1082;
	[sflag:s4] =	ssyncset.s32 $0xFFFFF086  }
0x25: {  	[simem:s6], [sflag:s4] =	dma.local [hbm:s3], $0xF7A  }
0x26: {  	[smem:$0x3F9A] =	sst s1;
	(tag) =	ssettag s2;
	_ =	strace s9  }
0x27: {  	s1 =	sld [smem:$0x3FAA]  }
0x28: {  	s2 =	sld [smem:$0x3FAB]  }
0x29: {  	s4 =	sld [smem:$0x3FAD]  }
0x2a: {  	p0 =	seq.s32 s5, $0x0;
	s5 =	sld [smem:$0x3FAE]  }
0x2b: {  	s6 =	sld [smem:$0x3FAF]  }
0x2c: {  	s7 =	sld [smem:$0x3FB0]  }
0x2d: {  	s3 =	simm.s32 $0x108;
	s8 =	sld [smem:$0x3FB1]  }
0x2e: {  	s3 =	simm.s32 @!p0 $0x1082;
	s9 =	sld [smem:$0x3FB2]  }
0x2f: {  	lr =	sadd.s32 s0, s3;
	s0 =	sld [smem:$0x3FA9]  }
0x30: {  	s3 =	sld [smem:$0x3FAC]  }
0x31: {  	[smem:$0x3FB5] =	sst s10  }
0x32: {  	s10 =	sld [smem:$0x3FB3];
	_ =	sdelay $0x3  }
0x33: {  	p0 =	seq.s32 s10, $0x1;
	s10 =	sld [smem:$0x3FB5];
	_ =	sdelay $0x3  }
0x34: {  	[smem:$0x3FB5] =	sst s10  }
0x35: {  	s10 =	sld [smem:$0x3FB4];
	_ =	sdelay $0x3  }
0x36: {  	p1 =	seq.s32 s10, $0x1;
	s10 =	sld [smem:$0x3FB5];
	_ =	sdelay $0x3  }
0x37: {  	[smem:$0x3FB5] =	sst s10  }
0x38: {  	s10 =	sld [smem:$0x3FB6]  }
0x39: {  	_ = 	snop;
	(pc) =	sbr.ind lr, $3  }
0x3a: {  	_ = 	snop  }
0x3b: {  	_ = 	snop  }
0x3c: {  	p2 =	seq.s32 s10, $0x1;
	s10 =	sld [smem:$0x3FB5]  }
0x3d: {  	_ =	shalt  }
0x3e: {  	_ =	shalt  }
0x3f: {  	_ =	shalt  }
0x40: {  	_ =	shalt  }
0x41: {  	_ =	shalt  }
0x42: {  	_ =	shalt  }
0x43: {  	_ =	shalt  }
0x44: {  	_ =	shalt  }
0x45: {  	_ =	shalt  }
0x46: {  	_ =	shalt  }
0x47: {  	_ =	shalt  }
0x48: {  	_ =	shalt  }
0x49: {  	_ =	shalt  }
0x4a: {  	_ =	shalt  }
0x4b: {  	_ =	shalt  }
0x4c: {  	_ =	shalt  }
0x4d: {  	_ =	shalt  }
0x4e: {  	_ =	shalt  }
0x4f: {  	_ =	shalt  }
0x50: {  	_ =	shalt  }
0x51: {  	_ =	shalt  }
0x52: {  	_ =	shalt  }
0x53: {  	_ =	shalt  }
0x54: {  	_ =	shalt  }
0x55: {  	_ =	shalt  }
0x56: {  	_ =	shalt  }
0x57: {  	_ =	shalt  }
0x58: {  	_ =	shalt  }
0x59: {  	_ =	shalt  }
0x5a: {  	_ =	shalt  }
0x5b: {  	_ =	shalt  }
0x5c: {  	_ =	shalt  }
0x5d: {  	_ =	shalt  }
0x5e: {  	_ =	shalt  }
0x5f: {  	_ =	shalt  }
0x60: {  	_ =	shalt  }
0x61: {  	_ =	shalt  }
0x62: {  	_ =	shalt  }
0x63: {  	_ =	shalt  }
0x64: {  	_ =	shalt  }
0x65: {  	_ =	shalt  }
0x66: {  	_ =	shalt  }
0x67: {  	_ =	shalt  }
0x68: {  	_ =	shalt  }
0x69: {  	_ =	shalt  }
0x6a: {  	_ =	shalt  }
0x6b: {  	_ =	shalt  }
0x6c: {  	_ =	shalt  }
0x6d: {  	_ =	shalt  }
0x6e: {  	_ =	shalt  }
0x6f: {  	_ =	shalt  }
0x70: {  	_ =	shalt  }
0x71: {  	_ =	shalt  }
0x72: {  	_ =	shalt  }
0x73: {  	_ =	shalt  }
0x74: {  	_ =	shalt  }
0x75: {  	_ =	shalt  }
0x76: {  	_ =	shalt  }
0x77: {  	_ =	shalt  }
0x78: {  	_ =	shalt  }
0x79: {  	_ =	shalt  }
0x7a: {  	_ =	shalt  }
0x7b: {  	_ =	shalt  }
0x7c: {  	_ =	shalt  }
0x7d: {  	_ =	shalt  }
0x7e: {  	_ =	shalt  }
0x7f: {  	_ =	shalt  }
0x80: {  	_ =	shalt  }
0x81: {  	_ =	shalt  }
0x82: {  	_ =	shalt  }
0x83: {  	_ =	shalt  }
0x84: {  	_ =	shalt  }
0x85: {  	_ =	shalt  }
0x86: {  	_ =	shalt  }
0x87: {  	_ =	shalt  }
.Lfunc_end0:
.L_simem_size_0:
called_computation_lowered:
.L_overlay_start_0:
0x88: {  	s2 =	sld [smem:$0x3FD9]  }
0x89: {  	s3 =	sld [smem:$0x3FFE];
	_ =	sdelay $0x1  }
0x8a: {  	s1 =	srdreg.scid  }
0x8b: {  	s0 =	sand.u32 $0x1, s1  }
0x8c: {  	s14 =	sshll.u32 s0, $0xA;
	s2 =	sadd.s32 s3, s2  }
0x8d: {  	s2 =	sadd.s32 s2, s14  }
0x8e: {  	[smem:$0x3FC1] =	sst s2  }
0x8f: {  	_ = 	snop  }
0x90: {  	s2 =	sld [smem:$0x3FD0];
	_ =	sdelay $0x2  }
0x91: {  	s15 =	simm.s32 $0xB;
	s4 =	simm.s32 $0x10  }
0x92: {  	[smem:s4], [sflag:s15] =	dma.local [hbm:s2], $0x1  }
0x93: {  	_ =	swait.eq [sflag:s15], $0x1  }
0x94: {  	[sflag:s15] =	ssyncset.done $0x0  }
0x95: {  	s16 =	sld [smem:$0x10];
	[sflag:s15] =	ssyncadd.s32 $0xFFFFFFFF  }
0x96: {  	s17 =	sld [smem:$0x11];
	(tm) =	ssettm $0x1  }
0x97: {  	s18 =	sld [smem:$0x3FFB];
	_ =	sdelay $0x3  }
0x98: {  	_ =	strace s18  }
0x99: {  	s4 =	sld [smem:$0x3FFC];
	_ =	sdelay $0x3  }
0x9a: {  	_ =	strace s4  }
0x9b: {  	s4 =	sld [smem:$0x3FFD];
	_ =	sdelay $0x3  }
0x9c: {  	_ =	strace s4  }
0x9d: {  	_ =	strace $0x8FFFFFFF  }
0x9e: {  	s19 =	sld [smem:$0x3FDB];
	_ =	sdelay $0x1  }
0x9f: {  	s5 =	simm.s32 $_scs_section_size  }
0xa0: {  	s6 =	simm.s32 $_size__tile_overlayer_lowered;
	s7 =	simm.s32 $_tile_overlayer_lowered  }
0xa1: {  	s22 =	simm.s32 $0x1BFF;
	s21 =	sshll.u32 s7, $0x1;
	s4 =	sadd.s32 s5, s19  }
0xa2: {  	s8 =	simm.s32 $0x0;
	s20 =	sshll.u32 s6, $0x1;
	s6 =	sadd.s32 s21, s4  }
0xa3: {  	[timem:s8], [sflag:s22] =	dma.local [hbm:s6], s20  }
0xa4: {  	_ =	swait.ge [sflag:s22], s20  }
0xa5: {  	s5 =	ssub.s32 $0x0, s20;
	[sflag:s22] =	ssyncset.done $0x0  }
0xa6: {  	[sflag:s22] =	ssyncadd.s32 s5;
	_ =	sdelay $0x1  }
0xa7: {  	s23 =	simm.s32 $0x1B8B  }
0xa8: {  	_ =	swait.ge [sflag:s23], $0x1  }
0xa9: {  	[sflag:s23] =	ssyncset.done $0x0  }
0xaa: {  	s25 =	simm.s32 $0x1B8E;
	s24 =	sld [smem:$0x3FFE];
	[sflag:s23] =	ssyncadd.s32 $0xFFFFFFFF  }
0xab: {  	s26 =	simm.s32 $execute0_lowered;
	[smem:$0x3FD2] =	sst s25  }
0xac: {  	s6 =	sshll.u32 s26, $0x1;
	_ =	strace $0x80000046;
	[dreg:$0x1] =	wrdreg $0xFFFFFFFF  }
0xad: {  	s28 =	simm.s32 $_size_execute0_lowered;
	s4 =	sadd.s32 s4, s6;
	[dreg:$0x0] =	wrdreg $0x0  }
0xae: {  	s6 =	sshll.u32 s28, $0x1;
	[dreg:$0x2] =	wrdreg s4  }
0xaf: {  	[dreg:$0x3] =	wrdreg s6  }
0xb0: {  	[dreg:$0x4] =	wrdreg $0xC0  }
0xb1: {  	_ =	task [dreg:s8], $0x5FFFF  }
0xb2: {  	[dreg:$0x1] =	wrdreg $0xFFFFFFFF  }
0xb3: {  	[dreg:$0x0] =	wrdreg $0x60  }
0xb4: {  	[dreg:$0x2] =	wrdreg s17  }
0xb5: {  	[dreg:$0x3] =	wrdreg s24  }
0xb6: {  	[dreg:$0x4] =	wrdreg s16  }
0xb7: {  	[dreg:$0x5] =	wrdreg $0x9  }
0xb8: {  	_ =	task.clear_ibuf [dreg:s8], $0x6FFFF;
	_ =	strace $0x90000046  }
0xb9: {  	s29 =	simm.s32 $0x9;
	_ =	strace $0x80000048  }
0xba: {  	_ =	swait.ge [sflag:s29], $0x1  }
0xbb: {  	[sflag:s29] =	ssyncadd.s32 $0xFFFFFFFF  }
0xbc: {  	_ =	strace $0x90000048  }
0xbd: {  	_ =	sfence  }
0xbe: {  	s30 =	sld [smem:$0x0];
	_ =	sdelay $0x2  }
0xbf: {  	s31 =	sshll.u32 s1, $0xD;
	s1 =	sshrl.u32 s1, $0x2  }
0xc0: {  	s3 =	sand.u32 $0x4000, s31;
	s1 =	sadd.s32 s1, s30  }
0xc1: {  	s0 =	sor.u32 s3, s0;
	s1 =	sshll.u32 s1, $0x11  }
0xc2: {  	s0 =	sor.u32 s1, s0  }
0xc3: {  	s0 =	sadd.s32 $0x8F2B, s0  }
0xc4: {  	[sflag:s0] =	ssyncadd.remote.s32 $0x1  }
0xc5: {  	_ =	sfence.sel $0xFFFF  }
0xc6: {  	[dreg:$0x0] =	wrdreg $0xFFFFFFFF;
	(pc) =	sbr.abs _section_cstart, $3  }
0xc7: {  	[dreg:$0x1] =	wrdreg $0xFFFFFFFF  }
0xc8: {  	_ =	task.clear_ibuf [dreg:s8], $0x2FFFF;
	_ =	strace $0x9FFFFFFF  }
0xc9: {  	(tm) =	ssettm $0x7FFFFFFF  }
tec
execute0_lowered:
.L_overlay_start_1:
0x0: {  	(tag) =	ssettag $0x1  }
0x1: {  	s2 =	rddreg [dreg:$0x0]  }
0x2: {  	s7 =	rddreg [dreg:$0x1]  }
0x3: {  	s3 =	rddreg [dreg:$0x2]  }
0x4: {  	s0 =	rddreg [dreg:$0x3];
	s1 =	srdreg.scid;
	_ =	strace $0x80000047  }
0x5: {  	s4 =	simm.s32 $0x1;
	s9 =	simm.s32 $0x3;
	s5 =	sshll.u32 s1, $0x4  }
.Ltmp0:
0x6: {  	s1 =	stileid.u32;
	s5 =	sand.u32 $0x10, s5;
	(pc) =	sbr.rel .LBB2_1-.Ltmp0, $4  }
0x7: {  	s11 =	simm.s32 $0x0;
	p0 =	por $0x0, $0x0;
	s6 =	sor.u32 s1, s5  }
0x8: {  	[sflag:s4] =	ssyncpa.u1 $0x0;
	s5 =	simm.s32 $0x2;
	s6 =	sshll.u32 s6, $0x9  }
0x9: {  	s7 =	sadd.s32 $0x2400, s7;
	[sflag:s5] =	ssyncpa.u1 $0x0;
	s8 =	sadd.s32 $0x200, s6  }
0xa: {  	vm0 =	vmmov $0xff;
	vm1 =	vcmask $0x3F20;
	[sflag:s9] =	ssyncpa.u1 $0x0;
	s10 =	smov.u32 s6;
	s9 =	simm.s32 $0x0  }
.LBB2_7:
0xb: {  	p1 =	slt.u32 s9, $0x2;
	s11 =	sadd.s32 $0x100, s10  }
0xc: {  	s13 =	smov.u32 s6;
	s9 =	sadd.s32 $0x1, s9;
	p2 =	slt.s32 s11, s8  }
0xd: {  	s13 =	smov.u32 @p2 s11;
	p2 =	sne.s32 s9, $0x4  }
.Ltmp1:
0xe: {  	_ = 	snop;
	(pc) =	sbr.rel @!p2 .LBB2_8-.Ltmp1, $4  }
0xf: {  	s12 =	simm.s32 @!p1 $0x3  }
0x10: {  	_ =	swait.ge @!p1 [sflag:s12], $0x8000  }
0x11: {  	p0 =	por !p0, !p0;
	[sflag:s12] =	ssyncset.done @!p1 $0x0  }
0x12: {  	s11 =	smov.u32 s10;
	s10 =	smov.u32 s13;
	[sflag:s12] =	ssyncadd.s32 @!p1 $0xFFFF8000  }
.LBB2_1:
0x13: {  	p1 =	sgt.u32 s9, $0x1  }
0x14: {  	s12 =	sshll.u32 @!p1 s9, $0x8;
	s13 =	sshrl.u32 @!p1 s10, $0x3  }
0x15: {  	s14 =	sand.u32 @!p1 $0x7, s10;
	s12 =	sxor.u32 @!p1 $0x100, s12;
	s13 =	sadd.s32 @!p1 s7, s13  }
0x16: {  	[tilespmem:s12], [sflag:$0x2] =	stream.linear.gather @!p1 [hbm4b:s13+s14], $0x100, $0x38;
	[tilespmem:$0x10200] =	vst v63  }
0x17: {  	p1 =	seq.s32 s9, $0x0  }
0x18: {  	p2 =	seq.s32 @!p1 s9, $0x3  }
0x19: {  	p1 =	por p1, p2  }
.Ltmp2:
0x1a: {  	_ = 	snop;
	(pc) =	sbr.rel @p1 .LBB2_7-.Ltmp2, $1  }
0x1b: {  	_ =	sdelay $0x3  }
0x1c: {  	s12 =	simm.s32 $0x1  }
0x1d: {  	_ =	swait.ge [sflag:s5], $0x100;
	s12 =	simm.s32 @!p0 $0x0  }
0x1e: {  	[sflag:s5] =	ssyncset.done $0x0;
	s14 =	sshll.u32 s12, $0x8  }
0x1f: {  	[sflag:s5] =	ssyncadd.s32 $0xFFFFFF00;
	s13 =	sadd.s32 $0x0, s14  }
0x20: {  	v0 =	vld.msk [tilespmem:s13+$0x0 ss:$0x1], $0xffff;
	_ =	sdelay $0x4  }
0x21: {  	vm2 =	vgt.s32 v0, $0x0  }
0x22: {  	v0 =	vnsel vm2, $0x0, v0  }
0x23: {  	v0 =	vmin.u32 v0, $0x1869F  }
0x24: {  	v0 =	vshll.u32 v0, $0x4;
	_ =	sdelay $0x2  }
0x25: {  	s12 =	sshll.u32 s12, $0xF  }
0x26: {  	s12 =	sor.u32 $0x200, s12  }
0x27: {  	[tilespmem:s12], [sflag:$0x1] =	stream.indirect_vreg.gather [hbm:s2], $0x80, v0, vm0, $0x38;
	[tilespmem:$0x10200] =	vst v63  }
0x28: {  	s15 =	sadd.s32 $0x10, s14;
	s13 =	sadd.s32 $0x400, s12  }
0x29: {  	[tilespmem:s13], [sflag:$0x1] =	stream.indirect_vreg.gather [hbm:s2], $0x80, v0, vm1, $0x38;
	[tilespmem:$0x10200] =	vst v63  }
0x2a: {  	s16 =	simm.s32 $0x80;
	v0 =	vld.msk [tilespmem:s15+$0x0 ss:$0x1], $0xffff;
	s15 =	smov.u32 s12  }
.LBB2_3:
0x2b: {  	p1 =	sne.s32 s16, $0x3C0;
	_ =	sdelay $0x4  }
0x2c: {  	vm2 =	vgt.s32 v0, $0x0  }
0x2d: {  	v0 =	vnsel vm2, $0x0, v0  }
0x2e: {  	v0 =	vmin.u32 v0, $0x1869F  }
0x2f: {  	v0 =	vshll.u32 v0, $0x4;
	_ =	sdelay $0x3  }
.Ltmp3:
0x30: {  	s17 =	sshra.s32 s16, $0x2;
	s15 =	sadd.s32 $0x800, s15;
	(pc) =	sbr.rel @p1 .LBB2_3-.Ltmp3, $4  }
0x31: {  	[tilespmem:s15], [sflag:$0x1] =	stream.indirect_vreg.gather [hbm:s2], $0x80, v0, vm0, $0x38;
	[tilespmem:$0x10200] =	vst v63  }
0x32: {  	s17 =	sadd.s32 s17, s14;
	s18 =	sadd.s32 $0x400, s15  }
0x33: {  	[tilespmem:s18], [sflag:$0x1] =	stream.indirect_vreg.gather [hbm:s2], $0x80, v0, vm1, $0x38;
	[tilespmem:$0x10200] =	vst v63  }
0x34: {  	s16 =	sadd.s32 $0x40, s16;
	v0 =	vld.msk [tilespmem:s17+$0x0 ss:$0x1], $0xffff  }
0x35: {  	_ =	sdelay $0x3  }
0x36: {  	vm2 =	vgt.s32 v0, $0x0  }
0x37: {  	v0 =	vnsel vm2, $0x0, v0  }
0x38: {  	v0 =	vmin.u32 v0, $0x1869F  }
0x39: {  	v0 =	vshll.u32 v0, $0x4;
	_ =	sdelay $0x3  }
0x3a: {  	s14 =	sadd.s32 $0x800, s15  }
0x3b: {  	[tilespmem:s14], [sflag:$0x1] =	stream.indirect_vreg.gather [hbm:s2], $0x80, v0, vm0, $0x38;
	[tilespmem:$0x10200] =	vst v63  }
0x3c: {  	s14 =	sadd.s32 $0x400, s14  }
0x3d: {  	[tilespmem:s14], [sflag:$0x1] =	stream.indirect_vreg.gather [hbm:s2], $0x80, v0, vm1, $0x38;
	[tilespmem:$0x10200] =	vst v63  }
0x3e: {  	s11 =	sshll.u32 s11, $0x4;
	_ =	swait.ge [sflag:s4], $0x8000  }
0x3f: {  	s11 =	sadd.s32 s11, s3;
	[sflag:s4] =	ssyncset.done $0x0  }
0x40: {  	s15 =	sadd.s32 $0x0, s11;
	s14 =	simm.s32 $0x80;
	[sflag:s4] =	ssyncadd.s32 $0xFFFF8000  }
.LBB2_5:
0x41: {  	[hbm:s15] =	stream.linear.scatter [tilespmem:s12], [sflag:$0x3], $0x400, $0x38;
	[tilespmem:$0x10200] =	vst v63  }
0x42: {  	s15 =	smov.u32 s14;
	s12 =	smov.u32 s13;
	p1 =	sne.s32 s14, $0xF80  }
.Ltmp4:
0x43: {  	s14 =	sadd.s32 $0x80, s14;
	(pc) =	sbr.rel @p1 .LBB2_5-.Ltmp4, $2  }
0x44: {  	_ =	sdelay $0x2  }
0x45: {  	s13 =	sadd.s32 $0x400, s13;
	s15 =	sadd.s32 s15, s11  }
.Ltmp5:
0x46: {  	(pc) =	sbr.rel .LBB2_7-.Ltmp5, $2  }
0x47: {  	_ =	sdelay $0x2  }
0x48: {  	[hbm:s15] =	stream.linear.scatter [tilespmem:s12], [sflag:$0x3], $0x400, $0x38;
	[tilespmem:$0x10200] =	vst v63  }
.LBB2_8:
0x49: {  	_ =	sfence.sel $0x180000  }
0x4a: {  	s2 =	simm.s32 $0x2;
	[bflag:$0x0] =	sbarrier.arrive $0xFFFF  }
0x4b: {  	s30 =	simm.s32 $0x3;
	[sflag:s2] =	ssyncpa.u1 $0x1  }
0x4c: {  	s31 =	simm.s32 $0x1;
	[sflag:s30] =	ssyncpa.u1 $0x1  }
0x4d: {  	[sflag:s31] =	ssyncpa.u1 $0x1  }
0x4e: {  	p0 =	sne.s32 s1, $0x0;
	_ =	strace $0x90000047  }
0x4f: {  	s0 =	sadd.s32 @!p0 $0x100000, s0;
	[bflag:$0x2] =	sbarrier.arrive $0xFFFF  }
0x50: {  	[sflag:s0] =	ssyncadd.tile.s32 @!p0 $0x1;
	_ =	shalt  }
.Lfunc_end2:
_tile_overlayer_lowered:
.L_overlay_start_2:
0x51: {  	(tag) =	ssettag $0x2  }
0x52: {  	s0 =	rddreg [dreg:$0x0];
	s2 =	stileid.u32  }
0x53: {  	s1 =	rddreg [dreg:$0x1];
	p0 =	sne.s32 s2, $0x0  }
0x54: {  	s3 =	rddreg [dreg:$0x2];
	[bflag:$0x3] =	sbarrier.arrive $0xFFFF;
	s2 =	simm.s32 @!p0 $0x1C01  }
0x55: {  	[timem:s3], [sflag:s2] =	dma.local @!p0 [hbm:s0], s1  }
0x56: {  	s0 =	simm.s32 @!p0 $0x1  }
0x57: {  	_ =	swait.ge @!p0 [sflag:s0], s1  }
0x58: {  	s1 =	ssub.s32 @!p0 $0x0, s1;
	[sflag:s0] =	ssyncset.done @!p0 $0x0  }
0x59: {  	[sflag:s0] =	ssyncadd.s32 @!p0 s1  }
0x5a: {  	[bflag:$0x3] =	sbarrier.arrive $0xFFFF  }
0x5b: {  	_ =	shalt  }

// kernel: kernel.5.cloned.1.call-start
scs
__scs_entry_jumppad:
0x0: {  	(pc) =	sbr.rel $0x88, $3  }
0x1: {  	(tag) =	ssettag $0x0;
	lr =	simm.s32 $0x1  }
0x2: {  	[smem:$0x3F9A] =	sst lr;
	_ =	strace $0xD0000000  }
0x3: {  	_ = 	snop  }
0x4: {  	_ = 	snop  }
0x5: {  	_ = 	snop  }
0x6: {  	_ = 	snop  }
0x7: {  	_ = 	snop  }
__scs_overlays_trampoline_lowered:
0x8: {  	[smem:$0x3FA9] =	sst s0  }
0x9: {  	[smem:$0x3FAA] =	sst s1  }
0xa: {  	[smem:$0x3FAB] =	sst s2  }
0xb: {  	[smem:$0x3FAC] =	sst s3  }
0xc: {  	[smem:$0x3FAD] =	sst s4  }
0xd: {  	[smem:$0x3FAE] =	sst s5  }
0xe: {  	[smem:$0x3FAF] =	sst s6  }
0xf: {  	[smem:$0x3FB0] =	sst s7  }
0x10: {  	[smem:$0x3FB1] =	sst s8  }
0x11: {  	[smem:$0x3FB2] =	sst s9;
	s0 =	simm.s32 @!p0 $0x0  }
0x12: {  	s1 =	sld [smem:$0x3F98];
	s0 =	simm.s32 @p0 $0x1  }
0x13: {  	[smem:$0x3FB3] =	sst s0;
	s0 =	simm.s32 @!p1 $0x0  }
0x14: {  	s2 =	sld [smem:$0x3F97];
	s0 =	simm.s32 @p1 $0x1  }
0x15: {  	[smem:$0x3FB4] =	sst s0;
	s0 =	simm.s32 @!p2 $0x0  }
0x16: {  	s3 =	sld [smem:$0x3FDB];
	s0 =	simm.s32 @p2 $0x1  }
0x17: {  	s4 =	simm.s32 $0x1BF5;
	[smem:$0x3FB6] =	sst s0  }
0x18: {  	s0 =	sld [smem:$0x3F99];
	_ =	swait.ge [sflag:s4], $0x0  }
0x19: {  	s7 =	sld [smem:$0x3F9A]  }
0x1a: {  	s8 =	sadd.s32 $0xFFFFE003, lr  }
0x1b: {  	s9 =	sadd.s32 $0xFFFFFEF7, lr;
	s5 =	simm.s32 $0xFFFFFFFF;
	p2 =	slt.u32 s8, $0xFFFFF086  }
0x1c: {  	p1 =	slt.u32 s9, $0xF7A;
	s5 =	simm.s32 @!p2 $0x0  }
0x1d: {  	s5 =	simm.s32 @p1 $0x1;
	p0 =	seq.s32 s7, s2  }
0x1e: {  	s7 =	smul.u32 @!p0 $0xF7A, s2;
	p2 =	seq.s32 @!p0 s5, $0x0  }
0x1f: {  	s9 =	smul.u32 $0xF7A, s1;
	s8 =	simm.s32 @!p0 $0x1BF5;
	p2 =	por !p2, p0  }
0x20: {  	[sflag:s8] =	ssyncset.s32 @!p0 $0xFFFFF086;
	s6 =	sadd.s32 @!p0 s3, s7;
	s7 =	simm.s32 @!p0 $0x108  }
0x21: {  	s3 =	sadd.s32 s3, s9;
	s6 =	sadd.s32 @!p0 $0x88, s6;
	s7 =	simm.s32 @p2 $0x1082  }
0x22: {  	[simem:s7], [sflag:s8] =	dma.local @!p0 [hbm:s6], $0xF7A  }
0x23: {  	s9 =	sor.u32 $0xD0000000, s2;
	s6 =	simm.s32 $0x108;
	_ =	swait.ge @!p0 [sflag:s8], $0x0  }
0x24: {  	s3 =	sadd.s32 $0x88, s3;
	s6 =	simm.s32 @!p1 $0x1082;
	[sflag:s4] =	ssyncset.s32 $0xFFFFF086  }
0x25: {  	[simem:s6], [sflag:s4] =	dma.local [hbm:s3], $0xF7A  }
0x26: {  	[smem:$0x3F9A] =	sst s1;
	(tag) =	ssettag s2;
	_ =	strace s9  }
0x27: {  	s1 =	sld [smem:$0x3FAA]  }
0x28: {  	s2 =	sld [smem:$0x3FAB]  }
0x29: {  	s4 =	sld [smem:$0x3FAD]  }
0x2a: {  	p0 =	seq.s32 s5, $0x0;
	s5 =	sld [smem:$0x3FAE]  }
0x2b: {  	s6 =	sld [smem:$0x3FAF]  }
0x2c: {  	s7 =	sld [smem:$0x3FB0]  }
0x2d: {  	s3 =	simm.s32 $0x108;
	s8 =	sld [smem:$0x3FB1]  }
0x2e: {  	s3 =	simm.s32 @!p0 $0x1082;
	s9 =	sld [smem:$0x3FB2]  }
0x2f: {  	lr =	sadd.s32 s0, s3;
	s0 =	sld [smem:$0x3FA9]  }
0x30: {  	s3 =	sld [smem:$0x3FAC]  }
0x31: {  	[smem:$0x3FB5] =	sst s10  }
0x32: {  	s10 =	sld [smem:$0x3FB3];
	_ =	sdelay $0x3  }
0x33: {  	p0 =	seq.s32 s10, $0x1;
	s10 =	sld [smem:$0x3FB5];
	_ =	sdelay $0x3  }
0x34: {  	[smem:$0x3FB5] =	sst s10  }
0x35: {  	s10 =	sld [smem:$0x3FB4];
	_ =	sdelay $0x3  }
0x36: {  	p1 =	seq.s32 s10, $0x1;
	s10 =	sld [smem:$0x3FB5];
	_ =	sdelay $0x3  }
0x37: {  	[smem:$0x3FB5] =	sst s10  }
0x38: {  	s10 =	sld [smem:$0x3FB6]  }
0x39: {  	_ = 	snop;
	(pc) =	sbr.ind lr, $3  }
0x3a: {  	_ = 	snop  }
0x3b: {  	_ = 	snop  }
0x3c: {  	p2 =	seq.s32 s10, $0x1;
	s10 =	sld [smem:$0x3FB5]  }
0x3d: {  	_ =	shalt  }
0x3e: {  	_ =	shalt  }
0x3f: {  	_ =	shalt  }
0x40: {  	_ =	shalt  }
0x41: {  	_ =	shalt  }
0x42: {  	_ =	shalt  }
0x43: {  	_ =	shalt  }
0x44: {  	_ =	shalt  }
0x45: {  	_ =	shalt  }
0x46: {  	_ =	shalt  }
0x47: {  	_ =	shalt  }
0x48: {  	_ =	shalt  }
0x49: {  	_ =	shalt  }
0x4a: {  	_ =	shalt  }
0x4b: {  	_ =	shalt  }
0x4c: {  	_ =	shalt  }
0x4d: {  	_ =	shalt  }
0x4e: {  	_ =	shalt  }
0x4f: {  	_ =	shalt  }
0x50: {  	_ =	shalt  }
0x51: {  	_ =	shalt  }
0x52: {  	_ =	shalt  }
0x53: {  	_ =	shalt  }
0x54: {  	_ =	shalt  }
0x55: {  	_ =	shalt  }
0x56: {  	_ =	shalt  }
0x57: {  	_ =	shalt  }
0x58: {  	_ =	shalt  }
0x59: {  	_ =	shalt  }
0x5a: {  	_ =	shalt  }
0x5b: {  	_ =	shalt  }
0x5c: {  	_ =	shalt  }
0x5d: {  	_ =	shalt  }
0x5e: {  	_ =	shalt  }
0x5f: {  	_ =	shalt  }
0x60: {  	_ =	shalt  }
0x61: {  	_ =	shalt  }
0x62: {  	_ =	shalt  }
0x63: {  	_ =	shalt  }
0x64: {  	_ =	shalt  }
0x65: {  	_ =	shalt  }
0x66: {  	_ =	shalt  }
0x67: {  	_ =	shalt  }
0x68: {  	_ =	shalt  }
0x69: {  	_ =	shalt  }
0x6a: {  	_ =	shalt  }
0x6b: {  	_ =	shalt  }
0x6c: {  	_ =	shalt  }
0x6d: {  	_ =	shalt  }
0x6e: {  	_ =	shalt  }
0x6f: {  	_ =	shalt  }
0x70: {  	_ =	shalt  }
0x71: {  	_ =	shalt  }
0x72: {  	_ =	shalt  }
0x73: {  	_ =	shalt  }
0x74: {  	_ =	shalt  }
0x75: {  	_ =	shalt  }
0x76: {  	_ =	shalt  }
0x77: {  	_ =	shalt  }
0x78: {  	_ =	shalt  }
0x79: {  	_ =	shalt  }
0x7a: {  	_ =	shalt  }
0x7b: {  	_ =	shalt  }
0x7c: {  	_ =	shalt  }
0x7d: {  	_ =	shalt  }
0x7e: {  	_ =	shalt  }
0x7f: {  	_ =	shalt  }
0x80: {  	_ =	shalt  }
0x81: {  	_ =	shalt  }
0x82: {  	_ =	shalt  }
0x83: {  	_ =	shalt  }
0x84: {  	_ =	shalt  }
0x85: {  	_ =	shalt  }
0x86: {  	_ =	shalt  }
0x87: {  	_ =	shalt  }
.Lfunc_end0:
.L_simem_size_0:
called_computation.1_lowered:
.L_overlay_start_0:
0x88: {  	s2 =	sld [smem:$0x3FD9]  }
0x89: {  	s3 =	sld [smem:$0x3FFE];
	_ =	sdelay $0x1  }
0x8a: {  	s1 =	srdreg.scid  }
0x8b: {  	s0 =	sand.u32 $0x1, s1  }
0x8c: {  	s17 =	sshll.u32 s0, $0xA;
	s2 =	sadd.s32 s3, s2  }
0x8d: {  	s2 =	sadd.s32 s2, s17  }
0x8e: {  	[smem:$0x3FC1] =	sst s2  }
0x8f: {  	_ = 	snop  }
0x90: {  	s18 =	sld [smem:$0x3FC9];
	(tm) =	ssettm $0x1  }
0x91: {  	s19 =	sld [smem:$0x3FFB];
	_ =	sdelay $0x3  }
0x92: {  	_ =	strace s19  }
0x93: {  	s2 =	sld [smem:$0x3FFC];
	_ =	sdelay $0x3  }
0x94: {  	_ =	strace s2  }
0x95: {  	s2 =	sld [smem:$0x3FFD];
	_ =	sdelay $0x3  }
0x96: {  	_ =	strace s2  }
0x97: {  	_ =	strace $0x8FFFFFFF  }
0x98: {  	s20 =	sld [smem:$0x3FDB];
	_ =	sdelay $0x1  }
0x99: {  	s4 =	simm.s32 $_scs_section_size  }
0x9a: {  	s5 =	simm.s32 $_size__tile_overlayer_lowered;
	s6 =	simm.s32 $_tile_overlayer_lowered  }
0x9b: {  	s7 =	simm.s32 $0x1BFF;
	s21 =	sshll.u32 s6, $0x1;
	s4 =	sadd.s32 s4, s20  }
0x9c: {  	s22 =	simm.s32 $0x0;
	s5 =	sshll.u32 s5, $0x1;
	s6 =	sadd.s32 s21, s4  }
0x9d: {  	[timem:s22], [sflag:s7] =	dma.local [hbm:s6], s5  }
0x9e: {  	_ =	swait.ge [sflag:s7], s5  }
0x9f: {  	s5 =	ssub.s32 $0x0, s5;
	[sflag:s7] =	ssyncset.done $0x0  }
0xa0: {  	[sflag:s7] =	ssyncadd.s32 s5;
	_ =	sdelay $0x1  }
0xa1: {  	s23 =	simm.s32 $0x1B8B  }
0xa2: {  	_ =	swait.ge [sflag:s23], $0x1  }
0xa3: {  	[sflag:s23] =	ssyncset.done $0x0  }
0xa4: {  	[sflag:s23] =	ssyncadd.s32 $0xFFFFFFFF  }
0xa5: {  	s5 =	sld [smem:$0x0]  }
0xa6: {  	s6 =	sand.u32 $0xFFFFFFFE, s1  }
0xa7: {  	p0 =	sne.s32 s1, s6  }
0xa8: {  	s6 =	sshll.u32 @p0 s6, $0xE  }
0xa9: {  	s6 =	sadd.s32 @p0 $0x11B8D, s6;
	s7 =	sshll.u32 @p0 s5, $0x11  }
0xaa: {  	s6 =	sor.u32 @p0 s7, s6  }
0xab: {  	[sflag:s6] =	ssyncadd.remote.s32 @p0 $0x1;
	_ =	sdelay $0x1  }
0xac: {  	s6 =	simm.s32 @p0 $0x1B8D  }
0xad: {  	_ =	swait.eq @p0 [sflag:s6], $0x1  }
0xae: {  	[sflag:s6] =	ssyncadd.s32 @p0 $0xFFFFFFFF  }
0xaf: {  	s7 =	sshll.u32 @!p0 s1, $0xE  }
0xb0: {  	s7 =	sor.u32 @!p0 $0x4000, s7;
	s6 =	simm.s32 @!p0 $0x1B8D  }
0xb1: {  	s5 =	sshll.u32 @!p0 s5, $0x11;
	s7 =	sadd.s32 @!p0 $0x11B8D, s7;
	_ =	swait.eq @!p0 [sflag:s6], $0x1  }
0xb2: {  	s5 =	sor.u32 @!p0 s5, s7;
	[sflag:s6] =	ssyncadd.s32 @!p0 $0xFFFFFFFF  }
0xb3: {  	s25 =	simm.s32 $0x1B8E;
	s24 =	sld [smem:$0x3FFE];
	[sflag:s5] =	ssyncadd.remote.s32 @!p0 $0x1  }
0xb4: {  	s26 =	simm.s32 $execute0_lowered;
	[smem:$0x3FD2] =	sst s25  }
0xb5: {  	s6 =	sshll.u32 s26, $0x1;
	_ =	strace $0x80000049;
	[dreg:$0x1] =	wrdreg $0xFFFFFFFF  }
0xb6: {  	s28 =	simm.s32 $_size_execute0_lowered;
	s4 =	sadd.s32 s4, s6;
	[dreg:$0x0] =	wrdreg $0x0  }
0xb7: {  	s6 =	sshll.u32 s28, $0x1;
	[dreg:$0x2] =	wrdreg s4  }
0xb8: {  	[dreg:$0x3] =	wrdreg s6  }
0xb9: {  	[dreg:$0x4] =	wrdreg $0xC0  }
0xba: {  	_ =	task [dreg:s22], $0x5FFFF  }
0xbb: {  	[dreg:$0x1] =	wrdreg $0xFFFFFFFF  }
0xbc: {  	[dreg:$0x0] =	wrdreg $0x60  }
0xbd: {  	[dreg:$0x2] =	wrdreg s18  }
0xbe: {  	[dreg:$0x3] =	wrdreg s24  }
0xbf: {  	[dreg:$0x4] =	wrdreg $0xA  }
0xc0: {  	_ =	task.clear_ibuf [dreg:s22], $0x5FFFF;
	_ =	strace $0x90000049  }
0xc1: {  	s29 =	simm.s32 $0xA;
	_ =	strace $0x8000004B  }
0xc2: {  	_ =	swait.ge [sflag:s29], $0x1  }
0xc3: {  	[sflag:s29] =	ssyncadd.s32 $0xFFFFFFFF  }
0xc4: {  	_ =	strace $0x9000004B  }
0xc5: {  	_ =	sfence  }
0xc6: {  	s30 =	sld [smem:$0x0];
	_ =	sdelay $0x2  }
0xc7: {  	s31 =	sshll.u32 s1, $0xD;
	s1 =	sshrl.u32 s1, $0x2  }
0xc8: {  	s4 =	sand.u32 $0x4000, s31;
	s1 =	sadd.s32 s1, s30  }
0xc9: {  	s0 =	sor.u32 s4, s0;
	s1 =	sshll.u32 s1, $0x11  }
0xca: {  	s0 =	sor.u32 s1, s0  }
0xcb: {  	s0 =	sadd.s32 $0x8F2B, s0  }
0xcc: {  	[sflag:s0] =	ssyncadd.remote.s32 $0x1  }
0xcd: {  	_ =	sfence.sel $0xFFFF  }
0xce: {  	[dreg:$0x0] =	wrdreg $0xFFFFFFFF;
	(pc) =	sbr.abs _section_cstart, $3  }
0xcf: {  	[dreg:$0x1] =	wrdreg $0xFFFFFFFF  }
0xd0: {  	_ =	task.clear_ibuf [dreg:s22], $0x2FFFF;
	_ =	strace $0x9FFFFFFF  }
0xd1: {  	(tm) =	ssettm $0x7FFFFFFF  }
tec
execute0_lowered:
.L_overlay_start_1:
0x0: {  	(tag) =	ssettag $0x1  }
0x1: {  	s2 =	rddreg [dreg:$0x0]  }
0x2: {  	s4 =	rddreg [dreg:$0x1]  }
0x3: {  	s0 =	rddreg [dreg:$0x2]  }
0x4: {  	s5 =	srdreg.scid;
	s1 =	stileid.u32;
	s3 =	simm.s32 $0x0  }
0x5: {  	s13 =	simm.s32 $0x6C80;
	s14 =	simm.s32 $0x0;
	s5 =	sand.u32 $0x1, s5  }
0x6: {  	s6 =	sshll.u32 s1, $0x1;
	[smem:$0x7FF] =	sst s3;
	s11 =	smul.u32 $0x186A, s1  }
0x7: {  	s6 =	sor.u32 s5, s6;
	_ =	strace $0x8000004A;
	s31 =	smul.u32 $0xC35, s5  }
0x8: {  	s8 =	ssub.s32 $0x2, s5;
	s7 =	sshll.u32 s6, $0x9;
	s9 =	smul.u32 $0xC35, s6  }
0x9: {  	s6 =	sshll.u32 s6, $0x4;
	s10 =	sshrl.u32 s8, $0x1;
	s7 =	sadd.s32 s7, s4  }
0xa: {  	s6 =	sadd.s32 s6, s4;
	s8 =	ssub.s32 s8, s10;
	s10 =	simm.s32 $0x4000  }
0xb: {  	s12 =	sadd.s32 $0xC35, s9;
	s4 =	sadd.s32 $0x2C00, s7;
	s5 =	sadd.s32 $0x6C00, s7  }
0xc: {  	v1 =	vlaneseq.u32;
	v3 =	vimm.s32 $0x0;
	s6 =	sadd.s32 $0xAC00, s6;
	s7 =	smax.u32 s8, $0x1;
	s8 =	sadd.s32 s31, s11  }
0xd: {  	v4 =	vadd.s32 $0x1, v1;
	v0 =	vmov s9;
	s9 =	simm.s32 $0x1;
	s11 =	simm.s32 $0x4C80;
	v2 =	vmov s12;
	s12 =	simm.s32 $0x5C80  }
.LBB2_1:
0xe: {  	[tilespmem:s3], [sflag:$0x1] =	stream.linear.gather [hbm4b:s2+s3], $0x4000, $0x38;
	[tilespmem:$0x6D00] =	vst v63  }
0xf: {  	_ =	swait.ge [sflag:s9], $0x4000  }
0x10: {  	[sflag:s9] =	ssyncset.done $0x0  }
0x11: {  	s15 =	simm.s32 $0x0;
	[sflag:s9] =	ssyncadd.s32 $0xFFFFC000  }
.LBB2_2:
0x12: {  	p0 =	sne.s32 s15, $0x30C0  }
.Ltmp0:
0x13: {  	_ = 	snop;
	(pc) =	sbr.rel @p0 .LBB2_2-.Ltmp0, $3  }
0x14: {  	_ =	sdelay $0x1  }
0x15: {  	s16 =	sshra.s32 s15, $0x2  }
0x16: {  	s15 =	sadd.s32 $0x40, s15;
	[tilespmem:s16+$0x4000] =	vst v3  }
0x17: {  	s15 =	simm.s32 $0x0;
	s16 =	simm.s32 $0x20;
	s17 =	simm.s32 $0x0  }
.LBB2_4:
0x18: {  	v5 =	vld [tilespmem:s16+$0xFFFFFFE0];
	_ =	sdelay $0x4  }
0x19: {  	(xrf1) =	vunique.msk.u32 $0xffff, v5;
	_ =	sdelay $0xc  }
0x1a: {  	vm0 =	vge.s32 v5, v0;
	vm1 =	vlt.s32 v5, v2  }
0x1b: {  	vm0 =	vmand vm0, vm1;
	_, v6, vm2 =	vpop (xrf1)  }
0x1c: {  	v5 =	vsub.s32 v5, v0;
	vm0 =	vmand vm0, vm2  }
0x1d: {  	v5 =	vnsel vm0, $0xC35, v5;
	_ =	sdelay $0x3  }
0x1e: {  	v6 =	vor.u32 s17, v4  }
0x1f: {  	[tilespmem:v5+s10+$0x0] =	vst.idx.msk vm0, v6  }
0x20: {  	v5 =	vld [tilespmem:s16+$0xFFFFFFF0];
	_ =	sdelay $0x4  }
0x21: {  	(xrf1) =	vunique.msk.u32 $0xffff, v5;
	_ =	sdelay $0xc  }
0x22: {  	vm7 =	vge.s32 v5, v0;
	vm8 =	vlt.s32 v5, v2  }
0x23: {  	vm0 =	vmand vm7, vm8;
	_, v6, vm9 =	vpop (xrf1)  }
0x24: {  	v5 =	vsub.s32 v5, v0;
	vm0 =	vmand vm0, vm9  }
0x25: {  	v5 =	vnsel vm0, $0xC35, v5;
	_ =	sdelay $0x2  }
0x26: {  	s18 =	sadd.s32 $0x10, s17  }
0x27: {  	v6 =	vadd.s32 s18, v4  }
0x28: {  	[tilespmem:v5+s10+$0x0] =	vst.idx.msk vm0, v6  }
0x29: {  	v5 =	vld [tilespmem:s16+$0x0];
	_ =	sdelay $0x4  }
0x2a: {  	(xrf1) =	vunique.msk.u32 $0xffff, v5;
	_ =	sdelay $0xc  }
0x2b: {  	vm10 =	vge.s32 v5, v0;
	vm11 =	vlt.s32 v5, v2  }
0x2c: {  	vm0 =	vmand vm10, vm11;
	_, v6, vm12 =	vpop (xrf1)  }
0x2d: {  	v5 =	vsub.s32 v5, v0;
	vm0 =	vmand vm0, vm12  }
0x2e: {  	v5 =	vnsel vm0, $0xC35, v5;
	_ =	sdelay $0x2  }
0x2f: {  	s30 =	sadd.s32 $0x20, s17  }
0x30: {  	v6 =	vor.u32 s30, v4  }
0x31: {  	[tilespmem:v5+s10+$0x0] =	vst.idx.msk vm0, v6  }
0x32: {  	v5 =	vld [tilespmem:s16+$0x10];
	_ =	sdelay $0x4  }
0x33: {  	(xrf1) =	vunique.msk.u32 $0xffff, v5;
	_ =	sdelay $0xc  }
0x34: {  	vm13 =	vge.s32 v5, v0;
	vm14 =	vlt.s32 v5, v2  }
0x35: {  	vm0 =	vmand vm13, vm14;
	_, v6, vm15 =	vpop (xrf1)  }
0x36: {  	v5 =	vsub.s32 v5, v0;
	vm0 =	vmand vm0, vm15  }
0x37: {  	p0 =	sne.s32 s17, $0x3FC0;
	v5 =	vnsel vm0, $0xC35, v5  }
.Ltmp1:
0x38: {  	_ = 	snop;
	(pc) =	sbr.rel @p0 .LBB2_4-.Ltmp1, $4  }
0x39: {  	_ = 	snop  }
0x3a: {  	s31 =	sadd.s32 $0x30, s17  }
0x3b: {  	v6 =	vadd.s32 s31, v4  }
0x3c: {  	s17 =	sadd.s32 $0x40, s17;
	s16 =	sadd.s32 $0x40, s16;
	[tilespmem:v5+s10+$0x0] =	vst.idx.msk vm0, v6  }
0x3d: {  	s16 =	sshra.s32 s15, $0x2  }
0x3e: {  	v5 =	vld [tilespmem:s16+$0x4000];
	_ =	sdelay $0x4  }
0x3f: {  	vm0 =	vgt.s32 v5, $0x0  }
0x40: {  	v6 =	vsel vm0, $0x1, v3  }
0x41: {  	(xrf0) =	vadd.scan.msk.s32 $0xffff, v6;
	_ =	sdelay $0x2  }
0x42: {  	v6 =	vmov s15  }
0x43: {  	v6 =	vadd.s32 $0xFFFFFFFF, v6  }
0x44: {  	v6 =	vbroadcast v6, $0x0  }
0x45: {  	v7, _, _ =	vpop (xrf0)  }
0x46: {  	v6 =	vadd.s32 v7, v6;
	(v2sf) =	vpush v7, $0xF;
	_ =	sdelay $0x3  }
0x47: {  	v8 =	vadd.s32 s8, v1  }
0x48: {  	s31 =	sadd.s32 $0x40, s15;
	v5 =	vadd.s32 $0xFFFFFFFF, v5;
	[tilespmem:v6+s11+$0x0] =	vst.idx.msk vm0, v8  }
0x49: {  	s18 =	sshra.s32 s31, $0x2;
	s17 =	sadd.s32 $0x40, s31;
	s16 =	smov.u32 s8;
	[tilespmem:v6+s12+$0x0] =	vst.idx.msk vm0, v5  }
.LBB2_6:
0x4a: {  	p0 =	sne.s32 s17, $0x30C0;
	v5 =	vld [tilespmem:s18+$0x4000];
	_ =	sdelay $0x4  }
0x4b: {  	vm0 =	vgt.s32 v5, $0x0;
	v5 =	vadd.s32 $0xFFFFFFFF, v5  }
0x4c: {  	v6 =	vsel vm0, $0x1, v3  }
0x4d: {  	(xrf0) =	vadd.scan.msk.s32 $0xffff, v6  }
0x4e: {  	s18 =	spop (v2sf)  }
0x4f: {  	s15 =	sadd.s32 s15, s18  }
0x50: {  	v6 =	vmov s15  }
0x51: {  	v6 =	vadd.s32 $0xFFFFFFFF, v6  }
0x52: {  	v6 =	vbroadcast v6, $0x0  }
0x53: {  	v7, _, _ =	vpop (xrf0)  }
0x54: {  	v6 =	vadd.s32 v7, v6;
	(v2sf) =	vpush v7, $0xF;
	_ =	sdelay $0x1  }
.Ltmp2:
0x55: {  	(pc) =	sbr.rel @p0 .LBB2_6-.Ltmp2, $4  }
0x56: {  	s16 =	sadd.s32 $0x10, s16  }
0x57: {  	v7 =	vadd.s32 s16, v1  }
0x58: {  	[tilespmem:v6+s11+$0x0] =	vst.idx.msk vm0, v7  }
0x59: {  	s18 =	sshra.s32 s17, $0x2;
	s17 =	sadd.s32 $0x40, s17;
	[tilespmem:v6+s12+$0x0] =	vst.idx.msk vm0, v5  }
0x5a: {  	v5 =	vld [tilespmem:s18+$0x4000];
	_ =	sdelay $0x4  }
0x5b: {  	vm0 =	vgt.s32 v5, $0x0  }
0x5c: {  	v6 =	vsel vm0, $0x1, v3  }
0x5d: {  	(xrf0) =	vadd.scan.msk.s32 $0xffff, v6;
	_ =	sdelay $0x5  }
0x5e: {  	v6, _, _ =	vpop (xrf0)  }
0x5f: {  	(v2sf) =	vpush v6, $0xF;
	_ =	sdelay $0xb  }
0x60: {  	s17 =	spop (v2sf)  }
0x61: {  	s15 =	sadd.s32 s15, s17  }
0x62: {  	v7 =	vmov s15  }
0x63: {  	v7 =	vadd.s32 $0xFFFFFFFF, v7;
	s23 =	spop (v2sf)  }
0x64: {  	v7 =	vbroadcast v7, $0x0;
	s15 =	sadd.s32 s15, s23  }
0x65: {  	s17 =	sadd.s32 $0xFFFFFFFF, s15  }
0x66: {  	v6 =	vadd.s32 v6, v7;
	p0 =	sgt.s32 s17, $0x0  }
0x67: {  	s17 =	simm.s32 @!p0 $0x0  }
0x68: {  	v7 =	vmov s17  }
0x69: {  	s16 =	sadd.s32 $0x10, s16  }
0x6a: {  	v8 =	vadd.s32 s16, v1  }
0x6b: {  	v5 =	vadd.s32 $0xFFFFFFFF, v5;
	[tilespmem:v6+s11+$0x0] =	vst.idx.msk vm0, v8  }
0x6c: {  	[tilespmem:v6+s12+$0x0] =	vst.idx.msk vm0, v5  }
0x6d: {  	v6 =	vadd.s32 s15, v1;
	v5 =	vld.idx.msk [tilespmem:v7+s11+$0x0], $0xffff  }
0x6e: {  	s24 =	sadd.s32 $0x10, s15;
	v7 =	vld.idx.msk [tilespmem:v7+s12+$0x0], $0xffff  }
0x6f: {  	v60 =	vadd.s32 s24, v1  }
0x70: {  	s25 =	sadd.s32 $0x20, s15  }
0x71: {  	v9 =	vadd.s32 s25, v1  }
0x72: {  	s26 =	sadd.s32 $0x30, s15;
	[tilespmem:v6+s11+$0x0] =	vst.idx.msk $0xffff, v5  }
0x73: {  	[tilespmem:v6+s12+$0x0] =	vst.idx.msk $0xffff, v7;
	v6 =	vadd.s32 s26, v1  }
0x74: {  	s28 =	sadd.s32 $0x40, s15;
	[tilespmem:v60+s11+$0x0] =	vst.idx.msk $0xffff, v5  }
0x75: {  	v61 =	vadd.s32 s28, v1;
	[tilespmem:v60+s12+$0x0] =	vst.idx.msk $0xffff, v7  }
0x76: {  	s29 =	sadd.s32 $0x50, s15;
	[tilespmem:v9+s11+$0x0] =	vst.idx.msk $0xffff, v5  }
0x77: {  	v62 =	vadd.s32 s29, v1;
	[tilespmem:v9+s12+$0x0] =	vst.idx.msk $0xffff, v7  }
0x78: {  	s30 =	sadd.s32 $0x60, s15;
	[tilespmem:v6+s11+$0x0] =	vst.idx.msk $0xffff, v5  }
0x79: {  	[tilespmem:v6+s12+$0x0] =	vst.idx.msk $0xffff, v7;
	v6 =	vadd.s32 s30, v1  }
0x7a: {  	s31 =	sadd.s32 $0x70, s15;
	[tilespmem:v61+s11+$0x0] =	vst.idx.msk $0xffff, v5  }
0x7b: {  	v63 =	vadd.s32 s31, v1;
	[tilespmem:v61+s12+$0x0] =	vst.idx.msk $0xffff, v7  }
0x7c: {  	[tilespmem:v62+s11+$0x0] =	vst.idx.msk $0xffff, v5  }
0x7d: {  	[tilespmem:v62+s12+$0x0] =	vst.idx.msk $0xffff, v7  }
0x7e: {  	[tilespmem:v6+s11+$0x0] =	vst.idx.msk $0xffff, v5  }
0x7f: {  	[tilespmem:v6+s12+$0x0] =	vst.idx.msk $0xffff, v7  }
0x80: {  	[tilespmem:v63+s11+$0x0] =	vst.idx.msk $0xffff, v5  }
0x81: {  	v5 =	vmov s15;
	[tilespmem:v63+s12+$0x0] =	vst.idx.msk $0xffff, v7  }
0x82: {  	[tilespmem:$0x6C80] =	vst v5  }
0x83: {  	[hbm4b:s4+s3] =	stream.linear.scatter [tilespmem:s11], [sflag:$0x1], $0xE00, $0x38;
	[tilespmem:$0x6D00] =	vst v63  }
0x84: {  	_ =	swait.ge [sflag:s9], $0xE00  }
0x85: {  	[sflag:s9] =	ssyncset.done $0x0  }
0x86: {  	[sflag:s9] =	ssyncadd.s32 $0xFFFFF200  }
0x87: {  	[hbm4b:s5+s3] =	stream.linear.scatter [tilespmem:s12], [sflag:$0x1], $0xE00, $0x38;
	[tilespmem:$0x6D00] =	vst v63  }
0x88: {  	s14 =	sadd.s32 $0x1, s14;
	_ =	swait.ge [sflag:s9], $0xE00  }
0x89: {  	p0 =	sne.s32 s14, s7;
	[sflag:s9] =	ssyncset.done $0x0  }
.Ltmp3:
0x8a: {  	[sflag:s9] =	ssyncadd.s32 $0xFFFFF200;
	(pc) =	sbr.rel @p0 .LBB2_1-.Ltmp3, $4  }
0x8b: {  	[hbm4b:s6+s3] =	stream.linear.scatter [tilespmem:s13], [sflag:$0x1], $0x80, $0x38;
	[tilespmem:$0x6D00] =	vst v63  }
0x8c: {  	_ =	swait.ge [sflag:s9], $0x80  }
0x8d: {  	[sflag:s9] =	ssyncset.done $0x0  }
0x8e: {  	[sflag:s9] =	ssyncadd.s32 $0xFFFFFF80  }
0x8f: {  	_ =	sfence.sel $0x180000  }
0x90: {  	[bflag:$0x0] =	sbarrier.arrive $0xFFFF  }
0x91: {  	p0 =	sne.s32 s1, $0x0;
	_ =	strace $0x9000004A  }
0x92: {  	s0 =	sadd.s32 @!p0 $0x100000, s0;
	[bflag:$0x2] =	sbarrier.arrive $0xFFFF  }
0x93: {  	[sflag:s0] =	ssyncadd.tile.s32 @!p0 $0x1;
	_ =	shalt  }
.Lfunc_end2:
_tile_overlayer_lowered:
.L_overlay_start_2:
0x94: {  	(tag) =	ssettag $0x2  }
0x95: {  	s0 =	rddreg [dreg:$0x0];
	s2 =	stileid.u32  }
0x96: {  	s1 =	rddreg [dreg:$0x1];
	p0 =	sne.s32 s2, $0x0  }
0x97: {  	s3 =	rddreg [dreg:$0x2];
	[bflag:$0x3] =	sbarrier.arrive $0xFFFF;
	s2 =	simm.s32 @!p0 $0x1C01  }
0x98: {  	[timem:s3], [sflag:s2] =	dma.local @!p0 [hbm:s0], s1  }
0x99: {  	s0 =	simm.s32 @!p0 $0x1  }
0x9a: {  	_ =	swait.ge @!p0 [sflag:s0], s1  }
0x9b: {  	s1 =	ssub.s32 @!p0 $0x0, s1;
	[sflag:s0] =	ssyncset.done @!p0 $0x0  }
0x9c: {  	[sflag:s0] =	ssyncadd.s32 @!p0 s1  }
0x9d: {  	[bflag:$0x3] =	sbarrier.arrive $0xFFFF  }
0x9e: {  	_ =	shalt  }

// kernel: kernel.8.cloned.1.call-start
scs
__scs_entry_jumppad:
0x0: {  	(pc) =	sbr.rel $0x88, $3  }
0x1: {  	(tag) =	ssettag $0x0;
	lr =	simm.s32 $0x1  }
0x2: {  	[smem:$0x3F9A] =	sst lr;
	_ =	strace $0xD0000000  }
0x3: {  	_ = 	snop  }
0x4: {  	_ = 	snop  }
0x5: {  	_ = 	snop  }
0x6: {  	_ = 	snop  }
0x7: {  	_ = 	snop  }
__scs_overlays_trampoline_lowered:
0x8: {  	[smem:$0x3FA9] =	sst s0  }
0x9: {  	[smem:$0x3FAA] =	sst s1  }
0xa: {  	[smem:$0x3FAB] =	sst s2  }
0xb: {  	[smem:$0x3FAC] =	sst s3  }
0xc: {  	[smem:$0x3FAD] =	sst s4  }
0xd: {  	[smem:$0x3FAE] =	sst s5  }
0xe: {  	[smem:$0x3FAF] =	sst s6  }
0xf: {  	[smem:$0x3FB0] =	sst s7  }
0x10: {  	[smem:$0x3FB1] =	sst s8  }
0x11: {  	[smem:$0x3FB2] =	sst s9;
	s0 =	simm.s32 @!p0 $0x0  }
0x12: {  	s1 =	sld [smem:$0x3F98];
	s0 =	simm.s32 @p0 $0x1  }
0x13: {  	[smem:$0x3FB3] =	sst s0;
	s0 =	simm.s32 @!p1 $0x0  }
0x14: {  	s2 =	sld [smem:$0x3F97];
	s0 =	simm.s32 @p1 $0x1  }
0x15: {  	[smem:$0x3FB4] =	sst s0;
	s0 =	simm.s32 @!p2 $0x0  }
0x16: {  	s3 =	sld [smem:$0x3FDB];
	s0 =	simm.s32 @p2 $0x1  }
0x17: {  	s4 =	simm.s32 $0x1BF5;
	[smem:$0x3FB6] =	sst s0  }
0x18: {  	s0 =	sld [smem:$0x3F99];
	_ =	swait.ge [sflag:s4], $0x0  }
0x19: {  	s7 =	sld [smem:$0x3F9A]  }
0x1a: {  	s8 =	sadd.s32 $0xFFFFE003, lr  }
0x1b: {  	s9 =	sadd.s32 $0xFFFFFEF7, lr;
	s5 =	simm.s32 $0xFFFFFFFF;
	p2 =	slt.u32 s8, $0xFFFFF086  }
0x1c: {  	p1 =	slt.u32 s9, $0xF7A;
	s5 =	simm.s32 @!p2 $0x0  }
0x1d: {  	s5 =	simm.s32 @p1 $0x1;
	p0 =	seq.s32 s7, s2  }
0x1e: {  	s7 =	smul.u32 @!p0 $0xF7A, s2;
	p2 =	seq.s32 @!p0 s5, $0x0  }
0x1f: {  	s9 =	smul.u32 $0xF7A, s1;
	s8 =	simm.s32 @!p0 $0x1BF5;
	p2 =	por !p2, p0  }
0x20: {  	[sflag:s8] =	ssyncset.s32 @!p0 $0xFFFFF086;
	s6 =	sadd.s32 @!p0 s3, s7;
	s7 =	simm.s32 @!p0 $0x108  }
0x21: {  	s3 =	sadd.s32 s3, s9;
	s6 =	sadd.s32 @!p0 $0x88, s6;
	s7 =	simm.s32 @p2 $0x1082  }
0x22: {  	[simem:s7], [sflag:s8] =	dma.local @!p0 [hbm:s6], $0xF7A  }
0x23: {  	s9 =	sor.u32 $0xD0000000, s2;
	s6 =	simm.s32 $0x108;
	_ =	swait.ge @!p0 [sflag:s8], $0x0  }
0x24: {  	s3 =	sadd.s32 $0x88, s3;
	s6 =	simm.s32 @!p1 $0x1082;
	[sflag:s4] =	ssyncset.s32 $0xFFFFF086  }
0x25: {  	[simem:s6], [sflag:s4] =	dma.local [hbm:s3], $0xF7A  }
0x26: {  	[smem:$0x3F9A] =	sst s1;
	(tag) =	ssettag s2;
	_ =	strace s9  }
0x27: {  	s1 =	sld [smem:$0x3FAA]  }
0x28: {  	s2 =	sld [smem:$0x3FAB]  }
0x29: {  	s4 =	sld [smem:$0x3FAD]  }
0x2a: {  	p0 =	seq.s32 s5, $0x0;
	s5 =	sld [smem:$0x3FAE]  }
0x2b: {  	s6 =	sld [smem:$0x3FAF]  }
0x2c: {  	s7 =	sld [smem:$0x3FB0]  }
0x2d: {  	s3 =	simm.s32 $0x108;
	s8 =	sld [smem:$0x3FB1]  }
0x2e: {  	s3 =	simm.s32 @!p0 $0x1082;
	s9 =	sld [smem:$0x3FB2]  }
0x2f: {  	lr =	sadd.s32 s0, s3;
	s0 =	sld [smem:$0x3FA9]  }
0x30: {  	s3 =	sld [smem:$0x3FAC]  }
0x31: {  	[smem:$0x3FB5] =	sst s10  }
0x32: {  	s10 =	sld [smem:$0x3FB3];
	_ =	sdelay $0x3  }
0x33: {  	p0 =	seq.s32 s10, $0x1;
	s10 =	sld [smem:$0x3FB5];
	_ =	sdelay $0x3  }
0x34: {  	[smem:$0x3FB5] =	sst s10  }
0x35: {  	s10 =	sld [smem:$0x3FB4];
	_ =	sdelay $0x3  }
0x36: {  	p1 =	seq.s32 s10, $0x1;
	s10 =	sld [smem:$0x3FB5];
	_ =	sdelay $0x3  }
0x37: {  	[smem:$0x3FB5] =	sst s10  }
0x38: {  	s10 =	sld [smem:$0x3FB6]  }
0x39: {  	_ = 	snop;
	(pc) =	sbr.ind lr, $3  }
0x3a: {  	_ = 	snop  }
0x3b: {  	_ = 	snop  }
0x3c: {  	p2 =	seq.s32 s10, $0x1;
	s10 =	sld [smem:$0x3FB5]  }
0x3d: {  	_ =	shalt  }
0x3e: {  	_ =	shalt  }
0x3f: {  	_ =	shalt  }
0x40: {  	_ =	shalt  }
0x41: {  	_ =	shalt  }
0x42: {  	_ =	shalt  }
0x43: {  	_ =	shalt  }
0x44: {  	_ =	shalt  }
0x45: {  	_ =	shalt  }
0x46: {  	_ =	shalt  }
0x47: {  	_ =	shalt  }
0x48: {  	_ =	shalt  }
0x49: {  	_ =	shalt  }
0x4a: {  	_ =	shalt  }
0x4b: {  	_ =	shalt  }
0x4c: {  	_ =	shalt  }
0x4d: {  	_ =	shalt  }
0x4e: {  	_ =	shalt  }
0x4f: {  	_ =	shalt  }
0x50: {  	_ =	shalt  }
0x51: {  	_ =	shalt  }
0x52: {  	_ =	shalt  }
0x53: {  	_ =	shalt  }
0x54: {  	_ =	shalt  }
0x55: {  	_ =	shalt  }
0x56: {  	_ =	shalt  }
0x57: {  	_ =	shalt  }
0x58: {  	_ =	shalt  }
0x59: {  	_ =	shalt  }
0x5a: {  	_ =	shalt  }
0x5b: {  	_ =	shalt  }
0x5c: {  	_ =	shalt  }
0x5d: {  	_ =	shalt  }
0x5e: {  	_ =	shalt  }
0x5f: {  	_ =	shalt  }
0x60: {  	_ =	shalt  }
0x61: {  	_ =	shalt  }
0x62: {  	_ =	shalt  }
0x63: {  	_ =	shalt  }
0x64: {  	_ =	shalt  }
0x65: {  	_ =	shalt  }
0x66: {  	_ =	shalt  }
0x67: {  	_ =	shalt  }
0x68: {  	_ =	shalt  }
0x69: {  	_ =	shalt  }
0x6a: {  	_ =	shalt  }
0x6b: {  	_ =	shalt  }
0x6c: {  	_ =	shalt  }
0x6d: {  	_ =	shalt  }
0x6e: {  	_ =	shalt  }
0x6f: {  	_ =	shalt  }
0x70: {  	_ =	shalt  }
0x71: {  	_ =	shalt  }
0x72: {  	_ =	shalt  }
0x73: {  	_ =	shalt  }
0x74: {  	_ =	shalt  }
0x75: {  	_ =	shalt  }
0x76: {  	_ =	shalt  }
0x77: {  	_ =	shalt  }
0x78: {  	_ =	shalt  }
0x79: {  	_ =	shalt  }
0x7a: {  	_ =	shalt  }
0x7b: {  	_ =	shalt  }
0x7c: {  	_ =	shalt  }
0x7d: {  	_ =	shalt  }
0x7e: {  	_ =	shalt  }
0x7f: {  	_ =	shalt  }
0x80: {  	_ =	shalt  }
0x81: {  	_ =	shalt  }
0x82: {  	_ =	shalt  }
0x83: {  	_ =	shalt  }
0x84: {  	_ =	shalt  }
0x85: {  	_ =	shalt  }
0x86: {  	_ =	shalt  }
0x87: {  	_ =	shalt  }
.Lfunc_end0:
.L_simem_size_0:
called_computation.2_lowered:
.L_overlay_start_0:
0x88: {  	s2 =	sld [smem:$0x3FD9]  }
0x89: {  	s3 =	sld [smem:$0x3FFE];
	_ =	sdelay $0x1  }
0x8a: {  	s1 =	srdreg.scid  }
0x8b: {  	s0 =	sand.u32 $0x1, s1  }
0x8c: {  	s14 =	sshll.u32 s0, $0xA;
	s2 =	sadd.s32 s3, s2  }
0x8d: {  	s2 =	sadd.s32 s2, s14  }
0x8e: {  	[smem:$0x3FC1] =	sst s2  }
0x8f: {  	_ = 	snop  }
0x90: {  	s2 =	sld [smem:$0x3FD0];
	_ =	sdelay $0x2  }
0x91: {  	s15 =	simm.s32 $0xB;
	s4 =	simm.s32 $0x10  }
0x92: {  	[smem:s4], [sflag:s15] =	dma.local [hbm:s2], $0x1  }
0x93: {  	_ =	swait.eq [sflag:s15], $0x1  }
0x94: {  	[sflag:s15] =	ssyncset.done $0x0  }
0x95: {  	s16 =	sld [smem:$0x10];
	[sflag:s15] =	ssyncadd.s32 $0xFFFFFFFF  }
0x96: {  	s17 =	sld [smem:$0x11];
	(tm) =	ssettm $0x1  }
0x97: {  	s18 =	sld [smem:$0x3FFB];
	_ =	sdelay $0x3  }
0x98: {  	_ =	strace s18  }
0x99: {  	s4 =	sld [smem:$0x3FFC];
	_ =	sdelay $0x3  }
0x9a: {  	_ =	strace s4  }
0x9b: {  	s4 =	sld [smem:$0x3FFD];
	_ =	sdelay $0x3  }
0x9c: {  	_ =	strace s4  }
0x9d: {  	_ =	strace $0x8FFFFFFF  }
0x9e: {  	s19 =	sld [smem:$0x3FDB];
	_ =	sdelay $0x1  }
0x9f: {  	s5 =	simm.s32 $_scs_section_size  }
0xa0: {  	s6 =	simm.s32 $_size__tile_overlayer_lowered;
	s7 =	simm.s32 $_tile_overlayer_lowered  }
0xa1: {  	s22 =	simm.s32 $0x1BFF;
	s21 =	sshll.u32 s7, $0x1;
	s4 =	sadd.s32 s5, s19  }
0xa2: {  	s8 =	simm.s32 $0x0;
	s20 =	sshll.u32 s6, $0x1;
	s6 =	sadd.s32 s21, s4  }
0xa3: {  	[timem:s8], [sflag:s22] =	dma.local [hbm:s6], s20  }
0xa4: {  	_ =	swait.ge [sflag:s22], s20  }
0xa5: {  	s5 =	ssub.s32 $0x0, s20;
	[sflag:s22] =	ssyncset.done $0x0  }
0xa6: {  	[sflag:s22] =	ssyncadd.s32 s5;
	_ =	sdelay $0x1  }
0xa7: {  	s23 =	simm.s32 $0x1B8B  }
0xa8: {  	_ =	swait.ge [sflag:s23], $0x1  }
0xa9: {  	[sflag:s23] =	ssyncset.done $0x0  }
0xaa: {  	s25 =	simm.s32 $0x1B8E;
	s24 =	sld [smem:$0x3FFE];
	[sflag:s23] =	ssyncadd.s32 $0xFFFFFFFF  }
0xab: {  	s26 =	simm.s32 $execute0_lowered;
	[smem:$0x3FD2] =	sst s25  }
0xac: {  	s6 =	sshll.u32 s26, $0x1;
	_ =	strace $0x8000004C;
	[dreg:$0x1] =	wrdreg $0xFFFFFFFF  }
0xad: {  	s28 =	simm.s32 $_size_execute0_lowered;
	s4 =	sadd.s32 s4, s6;
	[dreg:$0x0] =	wrdreg $0x0  }
0xae: {  	s6 =	sshll.u32 s28, $0x1;
	[dreg:$0x2] =	wrdreg s4  }
0xaf: {  	[dreg:$0x3] =	wrdreg s6  }
0xb0: {  	[dreg:$0x4] =	wrdreg $0xC0  }
0xb1: {  	_ =	task [dreg:s8], $0x5FFFF  }
0xb2: {  	[dreg:$0x1] =	wrdreg $0xFFFFFFFF  }
0xb3: {  	[dreg:$0x0] =	wrdreg $0x60  }
0xb4: {  	[dreg:$0x2] =	wrdreg s24  }
0xb5: {  	[dreg:$0x3] =	wrdreg s16  }
0xb6: {  	[dreg:$0x4] =	wrdreg s17  }
0xb7: {  	[dreg:$0x5] =	wrdreg $0x9  }
0xb8: {  	_ =	task.clear_ibuf [dreg:s8], $0x6FFFF;
	_ =	strace $0x9000004C  }
0xb9: {  	s29 =	simm.s32 $0x9;
	_ =	strace $0x8000004E  }
0xba: {  	_ =	swait.ge [sflag:s29], $0x1  }
0xbb: {  	[sflag:s29] =	ssyncadd.s32 $0xFFFFFFFF  }
0xbc: {  	_ =	strace $0x9000004E  }
0xbd: {  	_ =	sfence  }
0xbe: {  	s30 =	sld [smem:$0x0];
	_ =	sdelay $0x2  }
0xbf: {  	s31 =	sshll.u32 s1, $0xD;
	s1 =	sshrl.u32 s1, $0x2  }
0xc0: {  	s3 =	sand.u32 $0x4000, s31;
	s1 =	sadd.s32 s1, s30  }
0xc1: {  	s0 =	sor.u32 s3, s0;
	s1 =	sshll.u32 s1, $0x11  }
0xc2: {  	s0 =	sor.u32 s1, s0  }
0xc3: {  	s0 =	sadd.s32 $0x8F2B, s0  }
0xc4: {  	[sflag:s0] =	ssyncadd.remote.s32 $0x1  }
0xc5: {  	_ =	sfence.sel $0xFFFF  }
0xc6: {  	[dreg:$0x0] =	wrdreg $0xFFFFFFFF;
	(pc) =	sbr.abs _section_cstart, $3  }
0xc7: {  	[dreg:$0x1] =	wrdreg $0xFFFFFFFF  }
0xc8: {  	_ =	task.clear_ibuf [dreg:s8], $0x2FFFF;
	_ =	strace $0x9FFFFFFF  }
0xc9: {  	(tm) =	ssettm $0x7FFFFFFF  }
tec
execute0_lowered:
.L_overlay_start_1:
0x0: {  	(tag) =	ssettag $0x1  }
0x1: {  	s0 =	rddreg [dreg:$0x0]  }
0x2: {  	s1 =	rddreg [dreg:$0x1]  }
0x3: {  	s3 =	rddreg [dreg:$0x2];
	s4 =	simm.s32 $0x0  }
0x4: {  	s2 =	srdreg.scid;
	s5 =	stileid.u32;
	s9 =	simm.s32 $0x3  }
0x5: {  	s10 =	simm.s32 $0x1000;
	s11 =	simm.s32 $0x2000;
	s12 =	simm.s32 $0x80  }
0x6: {  	s13 =	simm.s32 $0x2080;
	s14 =	simm.s32 $0x1;
	s16 =	simm.s32 $0xA080  }
0x7: {  	s17 =	simm.s32 $0x6080;
	s19 =	simm.s32 $0xE080;
	s21 =	simm.s32 $0x2  }
0x8: {  	s25 =	simm.s32 $0x200;
	s28 =	simm.s32 $0x280;
	s30 =	simm.s32 $0x300  }
0x9: {  	s31 =	simm.s32 $0xA00;
	s29 =	simm.s32 $0xA80;
	s26 =	simm.s32 $0xB00  }
0xa: {  	s15 =	simm.s32 $0xC00;
	s22 =	simm.s32 $0xC80;
	s23 =	simm.s32 $0xD00  }
0xb: {  	[smem:$0x7FF] =	sst s4;
	s2 =	sand.u32 $0x1, s2;
	s5 =	sshll.u32 s5, $0x1  }
.Ltmp0:
0xc: {  	_ =	strace $0x8000004D;
	s5 =	sor.u32 s2, s5;
	(pc) =	sbr.rel .LBB2_1-.Ltmp0, $4  }
0xd: {  	s2 =	ssub.s32 $0x2, s2;
	s6 =	sshll.u32 s5, $0x9;
	s5 =	sshll.u32 s5, $0x4  }
0xe: {  	s7 =	sshrl.u32 s2, $0x1;
	s6 =	sadd.s32 s6, s0;
	s0 =	sadd.s32 s5, s0  }
0xf: {  	s2 =	ssub.s32 s2, s7;
	s5 =	sadd.s32 $0x2C00, s6;
	s6 =	sadd.s32 $0x6C00, s6  }
0x10: {  	s7 =	sadd.s32 $0xAC00, s0;
	s8 =	smax.u32 s2, $0x1;
	s0 =	simm.s32 $0xB80  }
.LBB2_160:
0x11: {  	_ =	swait.ge [sflag:s21], $0x4000  }
0x12: {  	[sflag:s21] =	ssyncset.done $0x0  }
0x13: {  	[sflag:s21] =	ssyncadd.s32 $0xFFFFC000  }
.LBB2_161:
0x14: {  	s8 =	sadd.s32 $0xFFFFFFFF, s8  }
0x15: {  	p0 =	sne.s32 s8, $0x0  }
.Ltmp1:
0x16: {  	_ = 	snop;
	(pc) =	sbr.rel @!p0 .LBB2_162-.Ltmp1, $1  }
0x17: {  	_ =	sdelay $0x3  }
.LBB2_1:
0x18: {  	[tilespmem:s4], [sflag:$0x3] =	stream.linear.gather [hbm4b:s5+s4], $0xE00, $0x38;
	[tilespmem:$0x12080] =	vst v63  }
0x19: {  	_ =	swait.ge [sflag:s9], $0xE00  }
0x1a: {  	[sflag:s9] =	ssyncset.done $0x0  }
0x1b: {  	[sflag:s9] =	ssyncadd.s32 $0xFFFFF200  }
0x1c: {  	[tilespmem:s10], [sflag:$0x3] =	stream.linear.gather [hbm4b:s6+s4], $0xE00, $0x38;
	[tilespmem:$0x12080] =	vst v63  }
0x1d: {  	_ =	swait.ge [sflag:s9], $0xE00  }
0x1e: {  	[sflag:s9] =	ssyncset.done $0x0  }
0x1f: {  	[sflag:s9] =	ssyncadd.s32 $0xFFFFF200  }
0x20: {  	[tilespmem:s11], [sflag:$0x3] =	stream.linear.gather [hbm4b:s7+s4], $0x80, $0x38;
	[tilespmem:$0x12080] =	vst v63  }
0x21: {  	_ =	swait.ge [sflag:s9], $0x80  }
0x22: {  	[sflag:s9] =	ssyncset.done $0x0  }
0x23: {  	[sflag:s9] =	ssyncadd.s32 $0xFFFFFF80  }
0x24: {  	v0 =	vld.msk [tilespmem:s11+$0x0], $0xffff;
	_ =	sdelay $0x4  }
0x25: {  	v0 =	vxor.u32 $0x80000000, v0  }
0x26: {  	(xrf0) =	vmax.scan.msk.u32 $0xffff, v0;
	_ =	sdelay $0x5  }
0x27: {  	v0, _, _ =	vpop (xrf0)  }
0x28: {  	(v2sf) =	vpush v0, $0xF;
	_ =	sdelay $0xe  }
0x29: {  	s24 =	spop (v2sf)  }
0x2a: {  	s24 =	sadd.s32 $0x8000007F, s24  }
0x2b: {  	p0 =	slt.u32 s24, $0x80  }
.Ltmp2:
0x2c: {  	_ = 	snop;
	(pc) =	sbr.rel @p0 .LBB2_161-.Ltmp2, $1  }
0x2d: {  	_ =	sdelay $0x3  }
0x2e: {  	[tilespmem:s13], [sflag:$0x1] =	stream.indirect.gather [hbm4b:s1+s12], $0x80, s10, s12, $0xb8;
	[tilespmem:$0x12080] =	vst v63  }
0x2f: {  	p0 =	slt.u32 s24, $0x100;
	p2 =	slt.u32 s24, $0x180  }
0x30: {  	s20 =	simm.s32 @!p0 $0x80;
	s2 =	simm.s32 @!p0 $0x1080;
	s18 =	simm.s32 @!p0 $0x6080  }
0x31: {  	[tilespmem:s18], [sflag:$0x1] =	stream.indirect.gather @!p0 [hbm4b:s1+s20], $0x80, s2, s20, $0xb8;
	[tilespmem:$0x12080] =	vst v63  }
.Ltmp3:
0x32: {  	_ = 	snop;
	(pc) =	sbr.rel @p2 .LBB2_4-.Ltmp3, $4  }
0x33: {  	_ =	swait.ge [sflag:s14], $0x4000  }
0x34: {  	[sflag:s14] =	ssyncset.done $0x0  }
0x35: {  	[sflag:s14] =	ssyncadd.s32 $0xFFFFC000  }
0x36: {  	[hbm4b:s3+s12] =	stream.indirect.scatter [tilespmem:s13], [sflag:$0x2], $0x80, s4, s12, $0xb8;
	[tilespmem:$0x12080] =	vst v63  }
.Ltmp4:
0x37: {  	(pc) =	sbr.rel .LBB2_5-.Ltmp4, $3  }
0x38: {  	_ =	sdelay $0x1  }
0x39: {  	s2 =	simm.s32 $0x1100  }
0x3a: {  	[tilespmem:s16], [sflag:$0x1] =	stream.indirect.gather [hbm4b:s1+s12], $0x80, s2, s12, $0xb8;
	[tilespmem:$0x12080] =	vst v63  }
.LBB2_4:
.Ltmp5:
0x3b: {  	(pc) =	sbr.rel @p0 .LBB2_9-.Ltmp5, $2  }
0x3c: {  	_ =	sdelay $0x2  }
0x3d: {  	p4 =	por $0x0, $0x0;
	p1 =	por $0x0, $0x0  }
.LBB2_5:
0x3e: {  	p1 =	slt.u32 s24, $0x200  }
.Ltmp6:
0x3f: {  	_ = 	snop;
	(pc) =	sbr.rel @p1 .LBB2_7-.Ltmp6, $4  }
0x40: {  	_ =	swait.ge [sflag:s14], $0x4000  }
0x41: {  	[sflag:s14] =	ssyncset.done $0x0  }
0x42: {  	[sflag:s14] =	ssyncadd.s32 $0xFFFFC000  }
0x43: {  	[hbm4b:s3+s12] =	stream.indirect.scatter [tilespmem:s17], [sflag:$0x2], $0x80, s12, s12, $0xb8;
	[tilespmem:$0x12080] =	vst v63  }
.Ltmp7:
0x44: {  	(pc) =	sbr.rel .LBB2_8-.Ltmp7, $3  }
0x45: {  	_ =	sdelay $0x1  }
0x46: {  	s2 =	simm.s32 $0x1180  }
0x47: {  	[tilespmem:s19], [sflag:$0x1] =	stream.indirect.gather [hbm4b:s1+s12], $0x80, s2, s12, $0xb8;
	[tilespmem:$0x12080] =	vst v63  }
.LBB2_7:
.Ltmp8:
0x48: {  	(pc) =	sbr.rel @p2 .LBB2_9-.Ltmp8, $2  }
0x49: {  	_ =	sdelay $0x2  }
0x4a: {  	p4 =	por $0x0, $0x0;
	p1 =	por $0x0, $0x0  }
.LBB2_8:
0x4b: {  	_ =	swait.ge [sflag:s14], $0x4000  }
0x4c: {  	s2 =	simm.s32 $0x100;
	[sflag:s14] =	ssyncset.done $0x0  }
0x4d: {  	p4 =	sgt.u32 s24, $0x1FF;
	p1 =	por $0x1, $0x1;
	[sflag:s14] =	ssyncadd.s32 $0xFFFFC000  }
0x4e: {  	[hbm4b:s3+s12] =	stream.indirect.scatter [tilespmem:s16], [sflag:$0x2], $0x80, s2, s12, $0xb8;
	[tilespmem:$0x12080] =	vst v63  }
.LBB2_9:
0x4f: {  	p3 =	slt.u32 s24, $0x280  }
.Ltmp9:
0x50: {  	_ = 	snop;
	(pc) =	sbr.rel @p3 .LBB2_12-.Ltmp9, $4  }
0x51: {  	_ = 	snop  }
0x52: {  	_ =	swait.ge [sflag:s21], $0x4000  }
0x53: {  	[sflag:s21] =	ssyncset.done $0x0  }
0x54: {  	[sflag:s21] =	ssyncadd.s32 $0xFFFFC000  }
.Ltmp10:
0x55: {  	(pc) =	sbr.rel @p4 .LBB2_13-.Ltmp10, $3  }
0x56: {  	_ =	sdelay $0x1  }
0x57: {  	s2 =	simm.s32 $0x1200  }
0x58: {  	[tilespmem:s13], [sflag:$0x1] =	stream.indirect.gather [hbm4b:s1+s12], $0x80, s2, s12, $0xb8;
	[tilespmem:$0x12080] =	vst v63  }
.LBB2_11:
.Ltmp11:
0x59: {  	(pc) =	sbr.rel @p0 .LBB2_15-.Ltmp11, $2  }
0x5a: {  	_ =	sdelay $0x2  }
0x5b: {  	p2 =	por $0x0, $0x0  }
.LBB2_14:
0x5c: {  	_ =	swait.ge [sflag:s21], $0x4000  }
0x5d: {  	[sflag:s21] =	ssyncset.done $0x0  }
0x5e: {  	[sflag:s21] =	ssyncadd.s32 $0xFFFFC000  }
.LBB2_15:
0x5f: {  	p4 =	slt.u32 s24, $0x300  }
.Ltmp12:
0x60: {  	_ = 	snop;
	(pc) =	sbr.rel @p4 .LBB2_17-.Ltmp12, $1  }
0x61: {  	_ =	sdelay $0x3  }
.Ltmp13:
0x62: {  	(pc) =	sbr.rel .LBB2_18-.Ltmp13, $3  }
0x63: {  	_ =	sdelay $0x1  }
0x64: {  	s2 =	simm.s32 $0x1280  }
0x65: {  	[tilespmem:s17], [sflag:$0x1] =	stream.indirect.gather [hbm4b:s1+s12], $0x80, s2, s12, $0xb8;
	[tilespmem:$0x12080] =	vst v63  }
.LBB2_12:
.Ltmp14:
0x66: {  	(pc) =	sbr.rel @!p4 .LBB2_11-.Ltmp14, $1  }
0x67: {  	_ =	sdelay $0x3  }
.LBB2_13:
0x68: {  	p0 =	sgt.u32 s24, $0xFF  }
.Ltmp15:
0x69: {  	_ = 	snop;
	(pc) =	sbr.rel @!p0 .LBB2_15-.Ltmp15, $4  }
.Ltmp16:
0x6a: {  	_ =	swait.ge [sflag:s14], $0x4000;
	(pc) =	sbr.rel @p0 .LBB2_14-.Ltmp16, $4  }
0x6b: {  	[sflag:s14] =	ssyncset.done $0x0  }
0x6c: {  	s2 =	simm.s32 $0x180;
	p2 =	por $0x1, $0x1;
	[sflag:s14] =	ssyncadd.s32 $0xFFFFC000  }
0x6d: {  	[hbm4b:s3+s12] =	stream.indirect.scatter [tilespmem:s19], [sflag:$0x2], $0x80, s2, s12, $0xb8;
	[tilespmem:$0x12080] =	vst v63  }
0x6e: {  	_ = 	snop  }
.LBB2_17:
.Ltmp17:
0x6f: {  	(pc) =	sbr.rel @p3 .LBB2_19-.Ltmp17, $1  }
0x70: {  	_ =	sdelay $0x3  }
.LBB2_18:
.Ltmp18:
0x71: {  	(pc) =	sbr.rel @p1 .LBB2_20-.Ltmp18, $4  }
.Ltmp19:
0x72: {  	_ =	swait.ge [sflag:s14], $0x4000;
	(pc) =	sbr.rel @!p1 .LBB2_21-.Ltmp19, $4  }
0x73: {  	[sflag:s14] =	ssyncset.done $0x0  }
0x74: {  	p0 =	por $0x1, $0x1;
	[sflag:s14] =	ssyncadd.s32 $0xFFFFC000  }
0x75: {  	[hbm4b:s3+s12] =	stream.indirect.scatter [tilespmem:s13], [sflag:$0x2], $0x80, s25, s12, $0xb8;
	[tilespmem:$0x12080] =	vst v63  }
0x76: {  	_ = 	snop  }
.LBB2_19:
.Ltmp20:
0x77: {  	(pc) =	sbr.rel @!p1 .LBB2_25-.Ltmp20, $2  }
0x78: {  	_ =	sdelay $0x2  }
0x79: {  	p0 =	por $0x0, $0x0  }
.LBB2_20:
0x7a: {  	_ =	swait.ge [sflag:s21], $0x4000  }
0x7b: {  	[sflag:s21] =	ssyncset.done $0x0  }
0x7c: {  	[sflag:s21] =	ssyncadd.s32 $0xFFFFC000  }
.LBB2_21:
0x7d: {  	p1 =	slt.u32 s24, $0x380  }
.Ltmp21:
0x7e: {  	_ = 	snop;
	(pc) =	sbr.rel @p1 .LBB2_23-.Ltmp21, $1  }
0x7f: {  	_ =	sdelay $0x3  }
.Ltmp22:
0x80: {  	(pc) =	sbr.rel .LBB2_24-.Ltmp22, $3  }
0x81: {  	_ =	sdelay $0x1  }
0x82: {  	s2 =	simm.s32 $0x1300  }
0x83: {  	[tilespmem:s16], [sflag:$0x1] =	stream.indirect.gather [hbm4b:s1+s12], $0x80, s2, s12, $0xb8;
	[tilespmem:$0x12080] =	vst v63  }
.LBB2_23:
.Ltmp23:
0x84: {  	(pc) =	sbr.rel @p4 .LBB2_25-.Ltmp23, $1  }
0x85: {  	_ =	sdelay $0x3  }
.LBB2_24:
.Ltmp24:
0x86: {  	(pc) =	sbr.rel @p2 .LBB2_26-.Ltmp24, $4  }
.Ltmp25:
0x87: {  	_ =	swait.ge [sflag:s14], $0x4000;
	(pc) =	sbr.rel @!p2 .LBB2_27-.Ltmp25, $4  }
0x88: {  	[sflag:s14] =	ssyncset.done $0x0  }
0x89: {  	p3 =	sgt.u32 s24, $0x37F;
	p1 =	por $0x1, $0x1;
	[sflag:s14] =	ssyncadd.s32 $0xFFFFC000  }
0x8a: {  	[hbm4b:s3+s12] =	stream.indirect.scatter [tilespmem:s17], [sflag:$0x2], $0x80, s28, s12, $0xb8;
	[tilespmem:$0x12080] =	vst v63  }
0x8b: {  	_ = 	snop  }
.LBB2_25:
.Ltmp26:
0x8c: {  	(pc) =	sbr.rel @!p2 .LBB2_31-.Ltmp26, $2  }
0x8d: {  	_ =	sdelay $0x2  }
0x8e: {  	p3 =	por $0x0, $0x0;
	p1 =	por $0x0, $0x0  }
.LBB2_26:
0x8f: {  	_ =	swait.ge [sflag:s21], $0x4000  }
0x90: {  	[sflag:s21] =	ssyncset.done $0x0  }
0x91: {  	[sflag:s21] =	ssyncadd.s32 $0xFFFFC000  }
.LBB2_27:
0x92: {  	p2 =	slt.u32 s24, $0x400  }
.Ltmp27:
0x93: {  	_ = 	snop;
	(pc) =	sbr.rel @p2 .LBB2_29-.Ltmp27, $1  }
0x94: {  	_ =	sdelay $0x3  }
.Ltmp28:
0x95: {  	(pc) =	sbr.rel .LBB2_30-.Ltmp28, $3  }
0x96: {  	_ =	sdelay $0x1  }
0x97: {  	s2 =	simm.s32 $0x1380  }
0x98: {  	[tilespmem:s19], [sflag:$0x1] =	stream.indirect.gather [hbm4b:s1+s12], $0x80, s2, s12, $0xb8;
	[tilespmem:$0x12080] =	vst v63  }
.LBB2_29:
.Ltmp29:
0x99: {  	(pc) =	sbr.rel @!p3 .LBB2_31-.Ltmp29, $1  }
0x9a: {  	_ =	sdelay $0x3  }
.LBB2_30:
.Ltmp30:
0x9b: {  	(pc) =	sbr.rel @p0 .LBB2_32-.Ltmp30, $4  }
.Ltmp31:
0x9c: {  	_ =	swait.ge [sflag:s14], $0x4000;
	(pc) =	sbr.rel @!p0 .LBB2_33-.Ltmp31, $4  }
0x9d: {  	[sflag:s14] =	ssyncset.done $0x0  }
0x9e: {  	p3 =	sgt.u32 s24, $0x3FF;
	p2 =	por $0x1, $0x1;
	[sflag:s14] =	ssyncadd.s32 $0xFFFFC000  }
0x9f: {  	[hbm4b:s3+s12] =	stream.indirect.scatter [tilespmem:s16], [sflag:$0x2], $0x80, s30, s12, $0xb8;
	[tilespmem:$0x12080] =	vst v63  }
0xa0: {  	_ = 	snop  }
.LBB2_31:
.Ltmp32:
0xa1: {  	(pc) =	sbr.rel @!p0 .LBB2_37-.Ltmp32, $2  }
0xa2: {  	_ =	sdelay $0x2  }
0xa3: {  	p3 =	por $0x0, $0x0;
	p2 =	por $0x0, $0x0  }
.LBB2_32:
0xa4: {  	_ =	swait.ge [sflag:s21], $0x4000  }
0xa5: {  	[sflag:s21] =	ssyncset.done $0x0  }
0xa6: {  	[sflag:s21] =	ssyncadd.s32 $0xFFFFC000  }
.LBB2_33:
0xa7: {  	p0 =	slt.u32 s24, $0x480  }
.Ltmp33:
0xa8: {  	_ = 	snop;
	(pc) =	sbr.rel @p0 .LBB2_35-.Ltmp33, $1  }
0xa9: {  	_ =	sdelay $0x3  }
.Ltmp34:
0xaa: {  	(pc) =	sbr.rel .LBB2_36-.Ltmp34, $3  }
0xab: {  	_ =	sdelay $0x1  }
0xac: {  	s2 =	simm.s32 $0x1400  }
0xad: {  	[tilespmem:s13], [sflag:$0x1] =	stream.indirect.gather [hbm4b:s1+s12], $0x80, s2, s12, $0xb8;
	[tilespmem:$0x12080] =	vst v63  }
.LBB2_35:
.Ltmp35:
0xae: {  	(pc) =	sbr.rel @!p3 .LBB2_37-.Ltmp35, $1  }
0xaf: {  	_ =	sdelay $0x3  }
.LBB2_36:
.Ltmp36:
0xb0: {  	(pc) =	sbr.rel @p1 .LBB2_38-.Ltmp36, $4  }
.Ltmp37:
0xb1: {  	_ =	swait.ge [sflag:s14], $0x4000;
	(pc) =	sbr.rel @!p1 .LBB2_39-.Ltmp37, $4  }
0xb2: {  	s2 =	simm.s32 $0x380;
	[sflag:s14] =	ssyncset.done $0x0  }
0xb3: {  	p3 =	sgt.u32 s24, $0x47F;
	p0 =	por $0x1, $0x1;
	[sflag:s14] =	ssyncadd.s32 $0xFFFFC000  }
0xb4: {  	[hbm4b:s3+s12] =	stream.indirect.scatter [tilespmem:s19], [sflag:$0x2], $0x80, s2, s12, $0xb8;
	[tilespmem:$0x12080] =	vst v63  }
0xb5: {  	_ = 	snop  }
.LBB2_37:
.Ltmp38:
0xb6: {  	(pc) =	sbr.rel @!p1 .LBB2_43-.Ltmp38, $2  }
0xb7: {  	_ =	sdelay $0x2  }
0xb8: {  	p3 =	por $0x0, $0x0;
	p0 =	por $0x0, $0x0  }
.LBB2_38:
0xb9: {  	_ =	swait.ge [sflag:s21], $0x4000  }
0xba: {  	[sflag:s21] =	ssyncset.done $0x0  }
0xbb: {  	[sflag:s21] =	ssyncadd.s32 $0xFFFFC000  }
.LBB2_39:
0xbc: {  	p1 =	slt.u32 s24, $0x500  }
.Ltmp39:
0xbd: {  	_ = 	snop;
	(pc) =	sbr.rel @p1 .LBB2_41-.Ltmp39, $1  }
0xbe: {  	_ =	sdelay $0x3  }
.Ltmp40:
0xbf: {  	(pc) =	sbr.rel .LBB2_42-.Ltmp40, $3  }
0xc0: {  	_ =	sdelay $0x1  }
0xc1: {  	s2 =	simm.s32 $0x1480  }
0xc2: {  	[tilespmem:s17], [sflag:$0x1] =	stream.indirect.gather [hbm4b:s1+s12], $0x80, s2, s12, $0xb8;
	[tilespmem:$0x12080] =	vst v63  }
.LBB2_41:
.Ltmp41:
0xc3: {  	(pc) =	sbr.rel @!p3 .LBB2_43-.Ltmp41, $1  }
0xc4: {  	_ =	sdelay $0x3  }
.LBB2_42:
.Ltmp42:
0xc5: {  	(pc) =	sbr.rel @p2 .LBB2_44-.Ltmp42, $4  }
.Ltmp43:
0xc6: {  	_ =	swait.ge [sflag:s14], $0x4000;
	(pc) =	sbr.rel @!p2 .LBB2_45-.Ltmp43, $4  }
0xc7: {  	s2 =	simm.s32 $0x400;
	[sflag:s14] =	ssyncset.done $0x0  }
0xc8: {  	p3 =	sgt.u32 s24, $0x4FF;
	p1 =	por $0x1, $0x1;
	[sflag:s14] =	ssyncadd.s32 $0xFFFFC000  }
0xc9: {  	[hbm4b:s3+s12] =	stream.indirect.scatter [tilespmem:s13], [sflag:$0x2], $0x80, s2, s12, $0xb8;
	[tilespmem:$0x12080] =	vst v63  }
0xca: {  	_ = 	snop  }
.LBB2_43:
.Ltmp44:
0xcb: {  	(pc) =	sbr.rel @!p2 .LBB2_49-.Ltmp44, $2  }
0xcc: {  	_ =	sdelay $0x2  }
0xcd: {  	p3 =	por $0x0, $0x0;
	p1 =	por $0x0, $0x0  }
.LBB2_44:
0xce: {  	_ =	swait.ge [sflag:s21], $0x4000  }
0xcf: {  	[sflag:s21] =	ssyncset.done $0x0  }
0xd0: {  	[sflag:s21] =	ssyncadd.s32 $0xFFFFC000  }
.LBB2_45:
0xd1: {  	p2 =	slt.u32 s24, $0x580  }
.Ltmp45:
0xd2: {  	_ = 	snop;
	(pc) =	sbr.rel @p2 .LBB2_47-.Ltmp45, $1  }
0xd3: {  	_ =	sdelay $0x3  }
.Ltmp46:
0xd4: {  	(pc) =	sbr.rel .LBB2_48-.Ltmp46, $3  }
0xd5: {  	_ =	sdelay $0x1  }
0xd6: {  	s2 =	simm.s32 $0x1500  }
0xd7: {  	[tilespmem:s16], [sflag:$0x1] =	stream.indirect.gather [hbm4b:s1+s12], $0x80, s2, s12, $0xb8;
	[tilespmem:$0x12080] =	vst v63  }
.LBB2_47:
.Ltmp47:
0xd8: {  	(pc) =	sbr.rel @!p3 .LBB2_49-.Ltmp47, $1  }
0xd9: {  	_ =	sdelay $0x3  }
.LBB2_48:
.Ltmp48:
0xda: {  	(pc) =	sbr.rel @p0 .LBB2_50-.Ltmp48, $4  }
.Ltmp49:
0xdb: {  	_ =	swait.ge [sflag:s14], $0x4000;
	(pc) =	sbr.rel @!p0 .LBB2_51-.Ltmp49, $4  }
0xdc: {  	s2 =	simm.s32 $0x480;
	[sflag:s14] =	ssyncset.done $0x0  }
0xdd: {  	p3 =	sgt.u32 s24, $0x57F;
	p2 =	por $0x1, $0x1;
	[sflag:s14] =	ssyncadd.s32 $0xFFFFC000  }
0xde: {  	[hbm4b:s3+s12] =	stream.indirect.scatter [tilespmem:s17], [sflag:$0x2], $0x80, s2, s12, $0xb8;
	[tilespmem:$0x12080] =	vst v63  }
0xdf: {  	_ = 	snop  }
.LBB2_49:
.Ltmp50:
0xe0: {  	(pc) =	sbr.rel @!p0 .LBB2_55-.Ltmp50, $2  }
0xe1: {  	_ =	sdelay $0x2  }
0xe2: {  	p3 =	por $0x0, $0x0;
	p2 =	por $0x0, $0x0  }
.LBB2_50:
0xe3: {  	_ =	swait.ge [sflag:s21], $0x4000  }
0xe4: {  	[sflag:s21] =	ssyncset.done $0x0  }
0xe5: {  	[sflag:s21] =	ssyncadd.s32 $0xFFFFC000  }
.LBB2_51:
0xe6: {  	p0 =	slt.u32 s24, $0x600  }
.Ltmp51:
0xe7: {  	_ = 	snop;
	(pc) =	sbr.rel @p0 .LBB2_53-.Ltmp51, $1  }
0xe8: {  	_ =	sdelay $0x3  }
.Ltmp52:
0xe9: {  	(pc) =	sbr.rel .LBB2_54-.Ltmp52, $3  }
0xea: {  	_ =	sdelay $0x1  }
0xeb: {  	s2 =	simm.s32 $0x1580  }
0xec: {  	[tilespmem:s19], [sflag:$0x1] =	stream.indirect.gather [hbm4b:s1+s12], $0x80, s2, s12, $0xb8;
	[tilespmem:$0x12080] =	vst v63  }
.LBB2_53:
.Ltmp53:
0xed: {  	(pc) =	sbr.rel @!p3 .LBB2_55-.Ltmp53, $1  }
0xee: {  	_ =	sdelay $0x3  }
.LBB2_54:
.Ltmp54:
0xef: {  	(pc) =	sbr.rel @p1 .LBB2_56-.Ltmp54, $4  }
.Ltmp55:
0xf0: {  	_ =	swait.ge [sflag:s14], $0x4000;
	(pc) =	sbr.rel @!p1 .LBB2_57-.Ltmp55, $4  }
0xf1: {  	s2 =	simm.s32 $0x500;
	[sflag:s14] =	ssyncset.done $0x0  }
0xf2: {  	p3 =	sgt.u32 s24, $0x5FF;
	p0 =	por $0x1, $0x1;
	[sflag:s14] =	ssyncadd.s32 $0xFFFFC000  }
0xf3: {  	[hbm4b:s3+s12] =	stream.indirect.scatter [tilespmem:s16], [sflag:$0x2], $0x80, s2, s12, $0xb8;
	[tilespmem:$0x12080] =	vst v63  }
0xf4: {  	_ = 	snop  }
.LBB2_55:
.Ltmp56:
0xf5: {  	(pc) =	sbr.rel @!p1 .LBB2_61-.Ltmp56, $2  }
0xf6: {  	_ =	sdelay $0x2  }
0xf7: {  	p3 =	por $0x0, $0x0;
	p0 =	por $0x0, $0x0  }
.LBB2_56:
0xf8: {  	_ =	swait.ge [sflag:s21], $0x4000  }
0xf9: {  	[sflag:s21] =	ssyncset.done $0x0  }
0xfa: {  	[sflag:s21] =	ssyncadd.s32 $0xFFFFC000  }
.LBB2_57:
0xfb: {  	p1 =	slt.u32 s24, $0x680  }
.Ltmp57:
0xfc: {  	_ = 	snop;
	(pc) =	sbr.rel @p1 .LBB2_59-.Ltmp57, $1  }
0xfd: {  	_ =	sdelay $0x3  }
.Ltmp58:
0xfe: {  	(pc) =	sbr.rel .LBB2_60-.Ltmp58, $3  }
0xff: {  	_ =	sdelay $0x1  }
0x100: {  	s2 =	simm.s32 $0x1600  }
0x101: {  	[tilespmem:s13], [sflag:$0x1] =	stream.indirect.gather [hbm4b:s1+s12], $0x80, s2, s12, $0xb8;
	[tilespmem:$0x12080] =	vst v63  }
.LBB2_59:
.Ltmp59:
0x102: {  	(pc) =	sbr.rel @!p3 .LBB2_61-.Ltmp59, $1  }
0x103: {  	_ =	sdelay $0x3  }
.LBB2_60:
.Ltmp60:
0x104: {  	(pc) =	sbr.rel @p2 .LBB2_62-.Ltmp60, $4  }
.Ltmp61:
0x105: {  	_ =	swait.ge [sflag:s14], $0x4000;
	(pc) =	sbr.rel @!p2 .LBB2_63-.Ltmp61, $4  }
0x106: {  	s2 =	simm.s32 $0x580;
	[sflag:s14] =	ssyncset.done $0x0  }
0x107: {  	p3 =	sgt.u32 s24, $0x67F;
	p1 =	por $0x1, $0x1;
	[sflag:s14] =	ssyncadd.s32 $0xFFFFC000  }
0x108: {  	[hbm4b:s3+s12] =	stream.indirect.scatter [tilespmem:s19], [sflag:$0x2], $0x80, s2, s12, $0xb8;
	[tilespmem:$0x12080] =	vst v63  }
0x109: {  	_ = 	snop  }
.LBB2_61:
.Ltmp62:
0x10a: {  	(pc) =	sbr.rel @!p2 .LBB2_67-.Ltmp62, $2  }
0x10b: {  	_ =	sdelay $0x2  }
0x10c: {  	p3 =	por $0x0, $0x0;
	p1 =	por $0x0, $0x0  }
.LBB2_62:
0x10d: {  	_ =	swait.ge [sflag:s21], $0x4000  }
0x10e: {  	[sflag:s21] =	ssyncset.done $0x0  }
0x10f: {  	[sflag:s21] =	ssyncadd.s32 $0xFFFFC000  }
.LBB2_63:
0x110: {  	p2 =	slt.u32 s24, $0x700  }
.Ltmp63:
0x111: {  	_ = 	snop;
	(pc) =	sbr.rel @p2 .LBB2_65-.Ltmp63, $1  }
0x112: {  	_ =	sdelay $0x3  }
.Ltmp64:
0x113: {  	(pc) =	sbr.rel .LBB2_66-.Ltmp64, $3  }
0x114: {  	_ =	sdelay $0x1  }
0x115: {  	s2 =	simm.s32 $0x1680  }
0x116: {  	[tilespmem:s17], [sflag:$0x1] =	stream.indirect.gather [hbm4b:s1+s12], $0x80, s2, s12, $0xb8;
	[tilespmem:$0x12080] =	vst v63  }
.LBB2_65:
.Ltmp65:
0x117: {  	(pc) =	sbr.rel @!p3 .LBB2_67-.Ltmp65, $1  }
0x118: {  	_ =	sdelay $0x3  }
.LBB2_66:
.Ltmp66:
0x119: {  	(pc) =	sbr.rel @p0 .LBB2_68-.Ltmp66, $4  }
.Ltmp67:
0x11a: {  	_ =	swait.ge [sflag:s14], $0x4000;
	(pc) =	sbr.rel @!p0 .LBB2_69-.Ltmp67, $4  }
0x11b: {  	s2 =	simm.s32 $0x600;
	[sflag:s14] =	ssyncset.done $0x0  }
0x11c: {  	p3 =	sgt.u32 s24, $0x6FF;
	p2 =	por $0x1, $0x1;
	[sflag:s14] =	ssyncadd.s32 $0xFFFFC000  }
0x11d: {  	[hbm4b:s3+s12] =	stream.indirect.scatter [tilespmem:s13], [sflag:$0x2], $0x80, s2, s12, $0xb8;
	[tilespmem:$0x12080] =	vst v63  }
0x11e: {  	_ = 	snop  }
.LBB2_67:
.Ltmp68:
0x11f: {  	(pc) =	sbr.rel @!p0 .LBB2_73-.Ltmp68, $2  }
0x120: {  	_ =	sdelay $0x2  }
0x121: {  	p3 =	por $0x0, $0x0;
	p2 =	por $0x0, $0x0  }
.LBB2_68:
0x122: {  	_ =	swait.ge [sflag:s21], $0x4000  }
0x123: {  	[sflag:s21] =	ssyncset.done $0x0  }
0x124: {  	[sflag:s21] =	ssyncadd.s32 $0xFFFFC000  }
.LBB2_69:
0x125: {  	p0 =	slt.u32 s24, $0x780  }
.Ltmp69:
0x126: {  	_ = 	snop;
	(pc) =	sbr.rel @p0 .LBB2_71-.Ltmp69, $1  }
0x127: {  	_ =	sdelay $0x3  }
.Ltmp70:
0x128: {  	(pc) =	sbr.rel .LBB2_72-.Ltmp70, $3  }
0x129: {  	_ =	sdelay $0x1  }
0x12a: {  	s2 =	simm.s32 $0x1700  }
0x12b: {  	[tilespmem:s16], [sflag:$0x1] =	stream.indirect.gather [hbm4b:s1+s12], $0x80, s2, s12, $0xb8;
	[tilespmem:$0x12080] =	vst v63  }
.LBB2_71:
.Ltmp71:
0x12c: {  	(pc) =	sbr.rel @!p3 .LBB2_73-.Ltmp71, $1  }
0x12d: {  	_ =	sdelay $0x3  }
.LBB2_72:
.Ltmp72:
0x12e: {  	(pc) =	sbr.rel @p1 .LBB2_74-.Ltmp72, $4  }
.Ltmp73:
0x12f: {  	_ =	swait.ge [sflag:s14], $0x4000;
	(pc) =	sbr.rel @!p1 .LBB2_75-.Ltmp73, $4  }
0x130: {  	s2 =	simm.s32 $0x680;
	[sflag:s14] =	ssyncset.done $0x0  }
0x131: {  	p3 =	sgt.u32 s24, $0x77F;
	p0 =	por $0x1, $0x1;
	[sflag:s14] =	ssyncadd.s32 $0xFFFFC000  }
0x132: {  	[hbm4b:s3+s12] =	stream.indirect.scatter [tilespmem:s17], [sflag:$0x2], $0x80, s2, s12, $0xb8;
	[tilespmem:$0x12080] =	vst v63  }
0x133: {  	_ = 	snop  }
.LBB2_73:
.Ltmp74:
0x134: {  	(pc) =	sbr.rel @!p1 .LBB2_79-.Ltmp74, $2  }
0x135: {  	_ =	sdelay $0x2  }
0x136: {  	p3 =	por $0x0, $0x0;
	p0 =	por $0x0, $0x0  }
.LBB2_74:
0x137: {  	_ =	swait.ge [sflag:s21], $0x4000  }
0x138: {  	[sflag:s21] =	ssyncset.done $0x0  }
0x139: {  	[sflag:s21] =	ssyncadd.s32 $0xFFFFC000  }
.LBB2_75:
0x13a: {  	p1 =	slt.u32 s24, $0x800  }
.Ltmp75:
0x13b: {  	_ = 	snop;
	(pc) =	sbr.rel @p1 .LBB2_77-.Ltmp75, $1  }
0x13c: {  	_ =	sdelay $0x3  }
.Ltmp76:
0x13d: {  	(pc) =	sbr.rel .LBB2_78-.Ltmp76, $3  }
0x13e: {  	_ =	sdelay $0x1  }
0x13f: {  	s2 =	simm.s32 $0x1780  }
0x140: {  	[tilespmem:s19], [sflag:$0x1] =	stream.indirect.gather [hbm4b:s1+s12], $0x80, s2, s12, $0xb8;
	[tilespmem:$0x12080] =	vst v63  }
.LBB2_77:
.Ltmp77:
0x141: {  	(pc) =	sbr.rel @!p3 .LBB2_79-.Ltmp77, $1  }
0x142: {  	_ =	sdelay $0x3  }
.LBB2_78:
.Ltmp78:
0x143: {  	(pc) =	sbr.rel @p2 .LBB2_80-.Ltmp78, $4  }
.Ltmp79:
0x144: {  	_ =	swait.ge [sflag:s14], $0x4000;
	(pc) =	sbr.rel @!p2 .LBB2_81-.Ltmp79, $4  }
0x145: {  	s2 =	simm.s32 $0x700;
	[sflag:s14] =	ssyncset.done $0x0  }
0x146: {  	p3 =	sgt.u32 s24, $0x7FF;
	p1 =	por $0x1, $0x1;
	[sflag:s14] =	ssyncadd.s32 $0xFFFFC000  }
0x147: {  	[hbm4b:s3+s12] =	stream.indirect.scatter [tilespmem:s16], [sflag:$0x2], $0x80, s2, s12, $0xb8;
	[tilespmem:$0x12080] =	vst v63  }
0x148: {  	_ = 	snop  }
.LBB2_79:
.Ltmp80:
0x149: {  	(pc) =	sbr.rel @!p2 .LBB2_85-.Ltmp80, $2  }
0x14a: {  	_ =	sdelay $0x2  }
0x14b: {  	p3 =	por $0x0, $0x0;
	p1 =	por $0x0, $0x0  }
.LBB2_80:
0x14c: {  	_ =	swait.ge [sflag:s21], $0x4000  }
0x14d: {  	[sflag:s21] =	ssyncset.done $0x0  }
0x14e: {  	[sflag:s21] =	ssyncadd.s32 $0xFFFFC000  }
.LBB2_81:
0x14f: {  	p2 =	slt.u32 s24, $0x880  }
.Ltmp81:
0x150: {  	_ = 	snop;
	(pc) =	sbr.rel @p2 .LBB2_83-.Ltmp81, $1  }
0x151: {  	_ =	sdelay $0x3  }
.Ltmp82:
0x152: {  	(pc) =	sbr.rel .LBB2_84-.Ltmp82, $3  }
0x153: {  	_ =	sdelay $0x1  }
0x154: {  	s2 =	simm.s32 $0x1800  }
0x155: {  	[tilespmem:s13], [sflag:$0x1] =	stream.indirect.gather [hbm4b:s1+s12], $0x80, s2, s12, $0xb8;
	[tilespmem:$0x12080] =	vst v63  }
.LBB2_83:
.Ltmp83:
0x156: {  	(pc) =	sbr.rel @!p3 .LBB2_85-.Ltmp83, $1  }
0x157: {  	_ =	sdelay $0x3  }
.LBB2_84:
.Ltmp84:
0x158: {  	(pc) =	sbr.rel @p0 .LBB2_86-.Ltmp84, $4  }
.Ltmp85:
0x159: {  	_ =	swait.ge [sflag:s14], $0x4000;
	(pc) =	sbr.rel @!p0 .LBB2_87-.Ltmp85, $4  }
0x15a: {  	s2 =	simm.s32 $0x780;
	[sflag:s14] =	ssyncset.done $0x0  }
0x15b: {  	p3 =	sgt.u32 s24, $0x87F;
	p2 =	por $0x1, $0x1;
	[sflag:s14] =	ssyncadd.s32 $0xFFFFC000  }
0x15c: {  	[hbm4b:s3+s12] =	stream.indirect.scatter [tilespmem:s19], [sflag:$0x2], $0x80, s2, s12, $0xb8;
	[tilespmem:$0x12080] =	vst v63  }
0x15d: {  	_ = 	snop  }
.LBB2_85:
.Ltmp86:
0x15e: {  	(pc) =	sbr.rel @!p0 .LBB2_91-.Ltmp86, $2  }
0x15f: {  	_ =	sdelay $0x2  }
0x160: {  	p3 =	por $0x0, $0x0;
	p2 =	por $0x0, $0x0  }
.LBB2_86:
0x161: {  	_ =	swait.ge [sflag:s21], $0x4000  }
0x162: {  	[sflag:s21] =	ssyncset.done $0x0  }
0x163: {  	[sflag:s21] =	ssyncadd.s32 $0xFFFFC000  }
.LBB2_87:
0x164: {  	p0 =	slt.u32 s24, $0x900  }
.Ltmp87:
0x165: {  	_ = 	snop;
	(pc) =	sbr.rel @p0 .LBB2_89-.Ltmp87, $1  }
0x166: {  	_ =	sdelay $0x3  }
.Ltmp88:
0x167: {  	(pc) =	sbr.rel .LBB2_90-.Ltmp88, $3  }
0x168: {  	_ =	sdelay $0x1  }
0x169: {  	s2 =	simm.s32 $0x1880  }
0x16a: {  	[tilespmem:s17], [sflag:$0x1] =	stream.indirect.gather [hbm4b:s1+s12], $0x80, s2, s12, $0xb8;
	[tilespmem:$0x12080] =	vst v63  }
.LBB2_89:
.Ltmp89:
0x16b: {  	(pc) =	sbr.rel @!p3 .LBB2_91-.Ltmp89, $1  }
0x16c: {  	_ =	sdelay $0x3  }
.LBB2_90:
.Ltmp90:
0x16d: {  	(pc) =	sbr.rel @p1 .LBB2_92-.Ltmp90, $4  }
.Ltmp91:
0x16e: {  	_ =	swait.ge [sflag:s14], $0x4000;
	(pc) =	sbr.rel @!p1 .LBB2_93-.Ltmp91, $4  }
0x16f: {  	s2 =	simm.s32 $0x800;
	[sflag:s14] =	ssyncset.done $0x0  }
0x170: {  	p3 =	sgt.u32 s24, $0x8FF;
	p0 =	por $0x1, $0x1;
	[sflag:s14] =	ssyncadd.s32 $0xFFFFC000  }
0x171: {  	[hbm4b:s3+s12] =	stream.indirect.scatter [tilespmem:s13], [sflag:$0x2], $0x80, s2, s12, $0xb8;
	[tilespmem:$0x12080] =	vst v63  }
0x172: {  	_ = 	snop  }
.LBB2_91:
.Ltmp92:
0x173: {  	(pc) =	sbr.rel @!p1 .LBB2_97-.Ltmp92, $2  }
0x174: {  	_ =	sdelay $0x2  }
0x175: {  	p3 =	por $0x0, $0x0;
	p0 =	por $0x0, $0x0  }
.LBB2_92:
0x176: {  	_ =	swait.ge [sflag:s21], $0x4000  }
0x177: {  	[sflag:s21] =	ssyncset.done $0x0  }
0x178: {  	[sflag:s21] =	ssyncadd.s32 $0xFFFFC000  }
.LBB2_93:
0x179: {  	p1 =	slt.u32 s24, $0x980  }
.Ltmp93:
0x17a: {  	_ = 	snop;
	(pc) =	sbr.rel @p1 .LBB2_95-.Ltmp93, $1  }
0x17b: {  	_ =	sdelay $0x3  }
.Ltmp94:
0x17c: {  	(pc) =	sbr.rel .LBB2_96-.Ltmp94, $3  }
0x17d: {  	_ =	sdelay $0x1  }
0x17e: {  	s2 =	simm.s32 $0x1900  }
0x17f: {  	[tilespmem:s16], [sflag:$0x1] =	stream.indirect.gather [hbm4b:s1+s12], $0x80, s2, s12, $0xb8;
	[tilespmem:$0x12080] =	vst v63  }
.LBB2_95:
.Ltmp95:
0x180: {  	(pc) =	sbr.rel @!p3 .LBB2_97-.Ltmp95, $1  }
0x181: {  	_ =	sdelay $0x3  }
.LBB2_96:
.Ltmp96:
0x182: {  	(pc) =	sbr.rel @p2 .LBB2_98-.Ltmp96, $4  }
.Ltmp97:
0x183: {  	_ =	swait.ge [sflag:s14], $0x4000;
	(pc) =	sbr.rel @!p2 .LBB2_99-.Ltmp97, $4  }
0x184: {  	s2 =	simm.s32 $0x880;
	[sflag:s14] =	ssyncset.done $0x0  }
0x185: {  	p3 =	sgt.u32 s24, $0x97F;
	p1 =	por $0x1, $0x1;
	[sflag:s14] =	ssyncadd.s32 $0xFFFFC000  }
0x186: {  	[hbm4b:s3+s12] =	stream.indirect.scatter [tilespmem:s17], [sflag:$0x2], $0x80, s2, s12, $0xb8;
	[tilespmem:$0x12080] =	vst v63  }
0x187: {  	_ = 	snop  }
.LBB2_97:
.Ltmp98:
0x188: {  	(pc) =	sbr.rel @!p2 .LBB2_103-.Ltmp98, $2  }
0x189: {  	_ =	sdelay $0x2  }
0x18a: {  	p3 =	por $0x0, $0x0;
	p1 =	por $0x0, $0x0  }
.LBB2_98:
0x18b: {  	_ =	swait.ge [sflag:s21], $0x4000  }
0x18c: {  	[sflag:s21] =	ssyncset.done $0x0  }
0x18d: {  	[sflag:s21] =	ssyncadd.s32 $0xFFFFC000  }
.LBB2_99:
0x18e: {  	p2 =	slt.u32 s24, $0xA00  }
.Ltmp99:
0x18f: {  	_ = 	snop;
	(pc) =	sbr.rel @p2 .LBB2_101-.Ltmp99, $1  }
0x190: {  	_ =	sdelay $0x3  }
.Ltmp100:
0x191: {  	(pc) =	sbr.rel .LBB2_102-.Ltmp100, $3  }
0x192: {  	_ =	sdelay $0x1  }
0x193: {  	s2 =	simm.s32 $0x1980  }
0x194: {  	[tilespmem:s19], [sflag:$0x1] =	stream.indirect.gather [hbm4b:s1+s12], $0x80, s2, s12, $0xb8;
	[tilespmem:$0x12080] =	vst v63  }
.LBB2_101:
.Ltmp101:
0x195: {  	(pc) =	sbr.rel @!p3 .LBB2_103-.Ltmp101, $1  }
0x196: {  	_ =	sdelay $0x3  }
.LBB2_102:
.Ltmp102:
0x197: {  	(pc) =	sbr.rel @p0 .LBB2_104-.Ltmp102, $4  }
.Ltmp103:
0x198: {  	_ =	swait.ge [sflag:s14], $0x4000;
	(pc) =	sbr.rel @!p0 .LBB2_105-.Ltmp103, $4  }
0x199: {  	s2 =	simm.s32 $0x900;
	[sflag:s14] =	ssyncset.done $0x0  }
0x19a: {  	p3 =	sgt.u32 s24, $0x9FF;
	p2 =	por $0x1, $0x1;
	[sflag:s14] =	ssyncadd.s32 $0xFFFFC000  }
0x19b: {  	[hbm4b:s3+s12] =	stream.indirect.scatter [tilespmem:s16], [sflag:$0x2], $0x80, s2, s12, $0xb8;
	[tilespmem:$0x12080] =	vst v63  }
0x19c: {  	_ = 	snop  }
.LBB2_103:
.Ltmp104:
0x19d: {  	(pc) =	sbr.rel @!p0 .LBB2_109-.Ltmp104, $2  }
0x19e: {  	_ =	sdelay $0x2  }
0x19f: {  	p3 =	por $0x0, $0x0;
	p2 =	por $0x0, $0x0  }
.LBB2_104:
0x1a0: {  	_ =	swait.ge [sflag:s21], $0x4000  }
0x1a1: {  	[sflag:s21] =	ssyncset.done $0x0  }
0x1a2: {  	[sflag:s21] =	ssyncadd.s32 $0xFFFFC000  }
.LBB2_105:
0x1a3: {  	p0 =	slt.u32 s24, $0xA80  }
.Ltmp105:
0x1a4: {  	_ = 	snop;
	(pc) =	sbr.rel @p0 .LBB2_107-.Ltmp105, $1  }
0x1a5: {  	_ =	sdelay $0x3  }
.Ltmp106:
0x1a6: {  	(pc) =	sbr.rel .LBB2_108-.Ltmp106, $3  }
0x1a7: {  	_ =	sdelay $0x1  }
0x1a8: {  	s2 =	simm.s32 $0x1A00  }
0x1a9: {  	[tilespmem:s13], [sflag:$0x1] =	stream.indirect.gather [hbm4b:s1+s12], $0x80, s2, s12, $0xb8;
	[tilespmem:$0x12080] =	vst v63  }
.LBB2_107:
.Ltmp107:
0x1aa: {  	(pc) =	sbr.rel @!p3 .LBB2_109-.Ltmp107, $1  }
0x1ab: {  	_ =	sdelay $0x3  }
.LBB2_108:
.Ltmp108:
0x1ac: {  	(pc) =	sbr.rel @p1 .LBB2_110-.Ltmp108, $4  }
.Ltmp109:
0x1ad: {  	_ =	swait.ge [sflag:s14], $0x4000;
	(pc) =	sbr.rel @!p1 .LBB2_111-.Ltmp109, $4  }
0x1ae: {  	s2 =	simm.s32 $0x980;
	[sflag:s14] =	ssyncset.done $0x0  }
0x1af: {  	p3 =	sgt.u32 s24, $0xA7F;
	p0 =	por $0x1, $0x1;
	[sflag:s14] =	ssyncadd.s32 $0xFFFFC000  }
0x1b0: {  	[hbm4b:s3+s12] =	stream.indirect.scatter [tilespmem:s19], [sflag:$0x2], $0x80, s2, s12, $0xb8;
	[tilespmem:$0x12080] =	vst v63  }
0x1b1: {  	_ = 	snop  }
.LBB2_109:
.Ltmp110:
0x1b2: {  	(pc) =	sbr.rel @!p1 .LBB2_115-.Ltmp110, $2  }
0x1b3: {  	_ =	sdelay $0x2  }
0x1b4: {  	p3 =	por $0x0, $0x0;
	p0 =	por $0x0, $0x0  }
.LBB2_110:
0x1b5: {  	_ =	swait.ge [sflag:s21], $0x4000  }
0x1b6: {  	[sflag:s21] =	ssyncset.done $0x0  }
0x1b7: {  	[sflag:s21] =	ssyncadd.s32 $0xFFFFC000  }
.LBB2_111:
0x1b8: {  	p1 =	slt.u32 s24, $0xB00  }
.Ltmp111:
0x1b9: {  	_ = 	snop;
	(pc) =	sbr.rel @p1 .LBB2_113-.Ltmp111, $1  }
0x1ba: {  	_ =	sdelay $0x3  }
.Ltmp112:
0x1bb: {  	(pc) =	sbr.rel .LBB2_114-.Ltmp112, $3  }
0x1bc: {  	_ =	sdelay $0x1  }
0x1bd: {  	s2 =	simm.s32 $0x1A80  }
0x1be: {  	[tilespmem:s17], [sflag:$0x1] =	stream.indirect.gather [hbm4b:s1+s12], $0x80, s2, s12, $0xb8;
	[tilespmem:$0x12080] =	vst v63  }
.LBB2_113:
.Ltmp113:
0x1bf: {  	(pc) =	sbr.rel @!p3 .LBB2_115-.Ltmp113, $1  }
0x1c0: {  	_ =	sdelay $0x3  }
.LBB2_114:
.Ltmp114:
0x1c1: {  	(pc) =	sbr.rel @p2 .LBB2_116-.Ltmp114, $4  }
.Ltmp115:
0x1c2: {  	_ =	swait.ge [sflag:s14], $0x4000;
	(pc) =	sbr.rel @!p2 .LBB2_117-.Ltmp115, $4  }
0x1c3: {  	[sflag:s14] =	ssyncset.done $0x0  }
0x1c4: {  	p3 =	sgt.u32 s24, $0xAFF;
	p1 =	por $0x1, $0x1;
	[sflag:s14] =	ssyncadd.s32 $0xFFFFC000  }
0x1c5: {  	[hbm4b:s3+s12] =	stream.indirect.scatter [tilespmem:s13], [sflag:$0x2], $0x80, s31, s12, $0xb8;
	[tilespmem:$0x12080] =	vst v63  }
0x1c6: {  	_ = 	snop  }
.LBB2_115:
.Ltmp116:
0x1c7: {  	(pc) =	sbr.rel @!p2 .LBB2_121-.Ltmp116, $2  }
0x1c8: {  	_ =	sdelay $0x2  }
0x1c9: {  	p3 =	por $0x0, $0x0;
	p1 =	por $0x0, $0x0  }
.LBB2_116:
0x1ca: {  	_ =	swait.ge [sflag:s21], $0x4000  }
0x1cb: {  	[sflag:s21] =	ssyncset.done $0x0  }
0x1cc: {  	[sflag:s21] =	ssyncadd.s32 $0xFFFFC000  }
.LBB2_117:
0x1cd: {  	p2 =	slt.u32 s24, $0xB80  }
.Ltmp117:
0x1ce: {  	_ = 	snop;
	(pc) =	sbr.rel @p2 .LBB2_119-.Ltmp117, $1  }
0x1cf: {  	_ =	sdelay $0x3  }
.Ltmp118:
0x1d0: {  	(pc) =	sbr.rel .LBB2_120-.Ltmp118, $3  }
0x1d1: {  	_ =	sdelay $0x1  }
0x1d2: {  	s2 =	simm.s32 $0x1B00  }
0x1d3: {  	[tilespmem:s16], [sflag:$0x1] =	stream.indirect.gather [hbm4b:s1+s12], $0x80, s2, s12, $0xb8;
	[tilespmem:$0x12080] =	vst v63  }
.LBB2_119:
.Ltmp119:
0x1d4: {  	(pc) =	sbr.rel @!p3 .LBB2_121-.Ltmp119, $1  }
0x1d5: {  	_ =	sdelay $0x3  }
.LBB2_120:
.Ltmp120:
0x1d6: {  	(pc) =	sbr.rel @p0 .LBB2_122-.Ltmp120, $4  }
.Ltmp121:
0x1d7: {  	_ =	swait.ge [sflag:s14], $0x4000;
	(pc) =	sbr.rel @!p0 .LBB2_123-.Ltmp121, $4  }
0x1d8: {  	[sflag:s14] =	ssyncset.done $0x0  }
0x1d9: {  	p3 =	sgt.u32 s24, $0xB7F;
	p2 =	por $0x1, $0x1;
	[sflag:s14] =	ssyncadd.s32 $0xFFFFC000  }
0x1da: {  	[hbm4b:s3+s12] =	stream.indirect.scatter [tilespmem:s17], [sflag:$0x2], $0x80, s29, s12, $0xb8;
	[tilespmem:$0x12080] =	vst v63  }
0x1db: {  	_ = 	snop  }
.LBB2_121:
.Ltmp122:
0x1dc: {  	(pc) =	sbr.rel @!p0 .LBB2_127-.Ltmp122, $2  }
0x1dd: {  	_ =	sdelay $0x2  }
0x1de: {  	p3 =	por $0x0, $0x0;
	p2 =	por $0x0, $0x0  }
.LBB2_122:
0x1df: {  	_ =	swait.ge [sflag:s21], $0x4000  }
0x1e0: {  	[sflag:s21] =	ssyncset.done $0x0  }
0x1e1: {  	[sflag:s21] =	ssyncadd.s32 $0xFFFFC000  }
.LBB2_123:
0x1e2: {  	p0 =	slt.u32 s24, $0xC00  }
.Ltmp123:
0x1e3: {  	_ = 	snop;
	(pc) =	sbr.rel @p0 .LBB2_125-.Ltmp123, $1  }
0x1e4: {  	_ =	sdelay $0x3  }
.Ltmp124:
0x1e5: {  	(pc) =	sbr.rel .LBB2_126-.Ltmp124, $3  }
0x1e6: {  	_ =	sdelay $0x1  }
0x1e7: {  	s2 =	simm.s32 $0x1B80  }
0x1e8: {  	[tilespmem:s19], [sflag:$0x1] =	stream.indirect.gather [hbm4b:s1+s12], $0x80, s2, s12, $0xb8;
	[tilespmem:$0x12080] =	vst v63  }
.LBB2_125:
.Ltmp125:
0x1e9: {  	(pc) =	sbr.rel @!p3 .LBB2_127-.Ltmp125, $1  }
0x1ea: {  	_ =	sdelay $0x3  }
.LBB2_126:
.Ltmp126:
0x1eb: {  	(pc) =	sbr.rel @p1 .LBB2_128-.Ltmp126, $4  }
.Ltmp127:
0x1ec: {  	_ =	swait.ge [sflag:s14], $0x4000;
	(pc) =	sbr.rel @!p1 .LBB2_129-.Ltmp127, $4  }
0x1ed: {  	[sflag:s14] =	ssyncset.done $0x0  }
0x1ee: {  	p3 =	sgt.u32 s24, $0xBFF;
	p0 =	por $0x1, $0x1;
	[sflag:s14] =	ssyncadd.s32 $0xFFFFC000  }
0x1ef: {  	[hbm4b:s3+s12] =	stream.indirect.scatter [tilespmem:s16], [sflag:$0x2], $0x80, s26, s12, $0xb8;
	[tilespmem:$0x12080] =	vst v63  }
0x1f0: {  	_ = 	snop  }
.LBB2_127:
.Ltmp128:
0x1f1: {  	(pc) =	sbr.rel @!p1 .LBB2_133-.Ltmp128, $2  }
0x1f2: {  	_ =	sdelay $0x2  }
0x1f3: {  	p3 =	por $0x0, $0x0;
	p0 =	por $0x0, $0x0  }
.LBB2_128:
0x1f4: {  	_ =	swait.ge [sflag:s21], $0x4000  }
0x1f5: {  	[sflag:s21] =	ssyncset.done $0x0  }
0x1f6: {  	[sflag:s21] =	ssyncadd.s32 $0xFFFFC000  }
.LBB2_129:
0x1f7: {  	p1 =	slt.u32 s24, $0xC80  }
.Ltmp129:
0x1f8: {  	_ = 	snop;
	(pc) =	sbr.rel @p1 .LBB2_131-.Ltmp129, $1  }
0x1f9: {  	_ =	sdelay $0x3  }
.Ltmp130:
0x1fa: {  	(pc) =	sbr.rel .LBB2_132-.Ltmp130, $3  }
0x1fb: {  	_ =	sdelay $0x1  }
0x1fc: {  	s2 =	simm.s32 $0x1C00  }
0x1fd: {  	[tilespmem:s13], [sflag:$0x1] =	stream.indirect.gather [hbm4b:s1+s12], $0x80, s2, s12, $0xb8;
	[tilespmem:$0x12080] =	vst v63  }
.LBB2_131:
.Ltmp131:
0x1fe: {  	(pc) =	sbr.rel @!p3 .LBB2_133-.Ltmp131, $1  }
0x1ff: {  	_ =	sdelay $0x3  }
.LBB2_132:
.Ltmp132:
0x200: {  	(pc) =	sbr.rel @p2 .LBB2_134-.Ltmp132, $4  }
.Ltmp133:
0x201: {  	_ =	swait.ge [sflag:s14], $0x4000;
	(pc) =	sbr.rel @!p2 .LBB2_135-.Ltmp133, $4  }
0x202: {  	[sflag:s14] =	ssyncset.done $0x0  }
0x203: {  	p3 =	sgt.u32 s24, $0xC7F;
	p1 =	por $0x1, $0x1;
	[sflag:s14] =	ssyncadd.s32 $0xFFFFC000  }
0x204: {  	[hbm4b:s3+s12] =	stream.indirect.scatter [tilespmem:s19], [sflag:$0x2], $0x80, s0, s12, $0xb8;
	[tilespmem:$0x12080] =	vst v63  }
0x205: {  	_ = 	snop  }
.LBB2_133:
.Ltmp134:
0x206: {  	(pc) =	sbr.rel @!p2 .LBB2_139-.Ltmp134, $2  }
0x207: {  	_ =	sdelay $0x2  }
0x208: {  	p3 =	por $0x0, $0x0;
	p1 =	por $0x0, $0x0  }
.LBB2_134:
0x209: {  	_ =	swait.ge [sflag:s21], $0x4000  }
0x20a: {  	[sflag:s21] =	ssyncset.done $0x0  }
0x20b: {  	[sflag:s21] =	ssyncadd.s32 $0xFFFFC000  }
.LBB2_135:
0x20c: {  	p2 =	slt.u32 s24, $0xD00  }
.Ltmp135:
0x20d: {  	_ = 	snop;
	(pc) =	sbr.rel @p2 .LBB2_137-.Ltmp135, $1  }
0x20e: {  	_ =	sdelay $0x3  }
.Ltmp136:
0x20f: {  	(pc) =	sbr.rel .LBB2_138-.Ltmp136, $3  }
0x210: {  	_ =	sdelay $0x1  }
0x211: {  	s2 =	simm.s32 $0x1C80  }
0x212: {  	[tilespmem:s17], [sflag:$0x1] =	stream.indirect.gather [hbm4b:s1+s12], $0x80, s2, s12, $0xb8;
	[tilespmem:$0x12080] =	vst v63  }
.LBB2_137:
.Ltmp137:
0x213: {  	(pc) =	sbr.rel @!p3 .LBB2_139-.Ltmp137, $1  }
0x214: {  	_ =	sdelay $0x3  }
.LBB2_138:
.Ltmp138:
0x215: {  	(pc) =	sbr.rel @p0 .LBB2_140-.Ltmp138, $4  }
.Ltmp139:
0x216: {  	_ =	swait.ge [sflag:s14], $0x4000;
	(pc) =	sbr.rel @!p0 .LBB2_141-.Ltmp139, $4  }
0x217: {  	[sflag:s14] =	ssyncset.done $0x0  }
0x218: {  	p3 =	sgt.u32 s24, $0xCFF;
	p2 =	por $0x1, $0x1;
	[sflag:s14] =	ssyncadd.s32 $0xFFFFC000  }
0x219: {  	[hbm4b:s3+s12] =	stream.indirect.scatter [tilespmem:s13], [sflag:$0x2], $0x80, s15, s12, $0xb8;
	[tilespmem:$0x12080] =	vst v63  }
0x21a: {  	_ = 	snop  }
.LBB2_139:
.Ltmp140:
0x21b: {  	(pc) =	sbr.rel @!p0 .LBB2_145-.Ltmp140, $2  }
0x21c: {  	_ =	sdelay $0x2  }
0x21d: {  	p3 =	por $0x0, $0x0;
	p2 =	por $0x0, $0x0  }
.LBB2_140:
0x21e: {  	_ =	swait.ge [sflag:s21], $0x4000  }
0x21f: {  	[sflag:s21] =	ssyncset.done $0x0  }
0x220: {  	[sflag:s21] =	ssyncadd.s32 $0xFFFFC000  }
.LBB2_141:
0x221: {  	p0 =	slt.u32 s24, $0xD80  }
.Ltmp141:
0x222: {  	_ = 	snop;
	(pc) =	sbr.rel @p0 .LBB2_143-.Ltmp141, $1  }
0x223: {  	_ =	sdelay $0x3  }
.Ltmp142:
0x224: {  	(pc) =	sbr.rel .LBB2_144-.Ltmp142, $3  }
0x225: {  	_ =	sdelay $0x1  }
0x226: {  	s2 =	simm.s32 $0x1D00  }
0x227: {  	[tilespmem:s16], [sflag:$0x1] =	stream.indirect.gather [hbm4b:s1+s12], $0x80, s2, s12, $0xb8;
	[tilespmem:$0x12080] =	vst v63  }
.LBB2_143:
.Ltmp143:
0x228: {  	(pc) =	sbr.rel @!p3 .LBB2_145-.Ltmp143, $1  }
0x229: {  	_ =	sdelay $0x3  }
.LBB2_144:
.Ltmp144:
0x22a: {  	(pc) =	sbr.rel @p1 .LBB2_146-.Ltmp144, $4  }
.Ltmp145:
0x22b: {  	_ =	swait.ge [sflag:s14], $0x4000;
	(pc) =	sbr.rel @!p1 .LBB2_147-.Ltmp145, $4  }
0x22c: {  	[sflag:s14] =	ssyncset.done $0x0  }
0x22d: {  	p3 =	sgt.u32 s24, $0xD7F;
	p0 =	por $0x1, $0x1;
	[sflag:s14] =	ssyncadd.s32 $0xFFFFC000  }
0x22e: {  	[hbm4b:s3+s12] =	stream.indirect.scatter [tilespmem:s17], [sflag:$0x2], $0x80, s22, s12, $0xb8;
	[tilespmem:$0x12080] =	vst v63  }
0x22f: {  	_ = 	snop  }
.LBB2_145:
.Ltmp146:
0x230: {  	(pc) =	sbr.rel @!p1 .LBB2_155-.Ltmp146, $2  }
0x231: {  	_ =	sdelay $0x2  }
0x232: {  	p3 =	por $0x0, $0x0;
	p0 =	por $0x0, $0x0  }
.LBB2_146:
0x233: {  	_ =	swait.ge [sflag:s21], $0x4000  }
0x234: {  	[sflag:s21] =	ssyncset.done $0x0  }
0x235: {  	[sflag:s21] =	ssyncadd.s32 $0xFFFFC000  }
.LBB2_147:
0x236: {  	p1 =	slt.u32 s24, $0xE00  }
.Ltmp147:
0x237: {  	_ = 	snop;
	(pc) =	sbr.rel @p1 .LBB2_149-.Ltmp147, $1  }
0x238: {  	_ =	sdelay $0x3  }
.Ltmp148:
0x239: {  	(pc) =	sbr.rel .LBB2_150-.Ltmp148, $3  }
0x23a: {  	_ =	sdelay $0x1  }
0x23b: {  	s2 =	simm.s32 $0x1D80  }
0x23c: {  	[tilespmem:s19], [sflag:$0x1] =	stream.indirect.gather [hbm4b:s1+s12], $0x80, s2, s12, $0xb8;
	[tilespmem:$0x12080] =	vst v63  }
.LBB2_149:
.Ltmp149:
0x23d: {  	(pc) =	sbr.rel @!p3 .LBB2_155-.Ltmp149, $1  }
0x23e: {  	_ =	sdelay $0x3  }
.LBB2_150:
.Ltmp150:
0x23f: {  	(pc) =	sbr.rel @!p2 .LBB2_151-.Ltmp150, $4  }
0x240: {  	_ =	swait.ge [sflag:s14], $0x4000  }
0x241: {  	[sflag:s14] =	ssyncset.done $0x0  }
0x242: {  	p3 =	sgt.u32 s24, $0xDFF;
	p1 =	por $0x1, $0x1;
	[sflag:s14] =	ssyncadd.s32 $0xFFFFC000  }
0x243: {  	[hbm4b:s3+s12] =	stream.indirect.scatter [tilespmem:s16], [sflag:$0x2], $0x80, s23, s12, $0xb8;
	[tilespmem:$0x12080] =	vst v63  }
.LBB2_156:
.Ltmp151:
0x244: {  	(pc) =	sbr.rel @p3 .LBB2_157-.Ltmp151, $4  }
0x245: {  	_ = 	snop  }
0x246: {  	_ =	swait.ge [sflag:s21], $0x4000  }
0x247: {  	[sflag:s21] =	ssyncset.done $0x0  }
0x248: {  	[sflag:s21] =	ssyncadd.s32 $0xFFFFC000  }
.LBB2_152:
.Ltmp152:
0x249: {  	(pc) =	sbr.rel @!p0 .LBB2_153-.Ltmp152, $2  }
0x24a: {  	_ =	sdelay $0x2  }
0x24b: {  	p2 =	por $0x0, $0x0  }
.LBB2_158:
.Ltmp153:
0x24c: {  	(pc) =	sbr.rel @p1 .LBB2_159-.Ltmp153, $4  }
0x24d: {  	_ = 	snop  }
0x24e: {  	_ =	swait.ge [sflag:s21], $0x4000  }
0x24f: {  	[sflag:s21] =	ssyncset.done $0x0  }
0x250: {  	[sflag:s21] =	ssyncadd.s32 $0xFFFFC000  }
.LBB2_154:
.Ltmp154:
0x251: {  	(pc) =	sbr.rel @!p2 .LBB2_161-.Ltmp154, $4  }
.Ltmp155:
0x252: {  	(pc) =	sbr.rel @p2 .LBB2_160-.Ltmp155, $4  }
0x253: {  	_ = 	snop  }
0x254: {  	_ = 	snop  }
0x255: {  	_ = 	snop  }
0x256: {  	_ = 	snop  }
.LBB2_155:
.Ltmp156:
0x257: {  	(pc) =	sbr.rel @p2 .LBB2_156-.Ltmp156, $2  }
0x258: {  	_ =	sdelay $0x2  }
0x259: {  	p3 =	por $0x0, $0x0;
	p1 =	por $0x0, $0x0  }
.LBB2_151:
.Ltmp157:
0x25a: {  	(pc) =	sbr.rel @!p3 .LBB2_152-.Ltmp157, $1  }
0x25b: {  	_ =	sdelay $0x3  }
.LBB2_157:
.Ltmp158:
0x25c: {  	(pc) =	sbr.rel @p0 .LBB2_158-.Ltmp158, $4  }
0x25d: {  	_ =	swait.ge [sflag:s14], $0x4000  }
0x25e: {  	[sflag:s14] =	ssyncset.done $0x0  }
0x25f: {  	s2 =	simm.s32 $0xD80;
	p2 =	por $0x1, $0x1;
	[sflag:s14] =	ssyncadd.s32 $0xFFFFC000  }
0x260: {  	[hbm4b:s3+s12] =	stream.indirect.scatter [tilespmem:s19], [sflag:$0x2], $0x80, s2, s12, $0xb8;
	[tilespmem:$0x12080] =	vst v63  }
.LBB2_153:
.Ltmp159:
0x261: {  	(pc) =	sbr.rel @!p1 .LBB2_154-.Ltmp159, $1  }
0x262: {  	_ =	sdelay $0x3  }
.LBB2_159:
.Ltmp160:
0x263: {  	(pc) =	sbr.rel @!p2 .LBB2_161-.Ltmp160, $4  }
.Ltmp161:
0x264: {  	(pc) =	sbr.rel @p2 .LBB2_160-.Ltmp161, $4  }
0x265: {  	_ =	swait.ge [sflag:s21], $0x4000  }
0x266: {  	[sflag:s21] =	ssyncset.done $0x0  }
0x267: {  	[sflag:s21] =	ssyncadd.s32 $0xFFFFC000  }
0x268: {  	_ = 	snop  }
.LBB2_162:
0x269: {  	_ =	sfence.sel $0x180000  }
0x26a: {  	[bflag:$0x0] =	sbarrier.arrive $0xFFFF  }
0x26b: {  	_ =	strace $0x9000004D  }
0x26c: {  	s0 =	stileid.u32;
	[bflag:$0x2] =	sbarrier.arrive $0xFFFF  }
0x26d: {  	p0 =	sne.s32 s0, $0x0;
	s0 =	rddreg [dreg:$0x3]  }
0x26e: {  	s0 =	sadd.s32 @!p0 $0x100000, s0  }
0x26f: {  	[sflag:s0] =	ssyncadd.tile.s32 @!p0 $0x1;
	_ =	shalt  }
.Lfunc_end2:
_tile_overlayer_lowered:
.L_overlay_start_2:
0x270: {  	(tag) =	ssettag $0x2  }
0x271: {  	s0 =	rddreg [dreg:$0x0];
	s2 =	stileid.u32  }
0x272: {  	s1 =	rddreg [dreg:$0x1];
	p0 =	sne.s32 s2, $0x0  }
0x273: {  	s3 =	rddreg [dreg:$0x2];
	[bflag:$0x3] =	sbarrier.arrive $0xFFFF;
	s2 =	simm.s32 @!p0 $0x1C03  }
0x274: {  	[timem:s3], [sflag:s2] =	dma.local @!p0 [hbm:s0], s1  }
0x275: {  	s0 =	simm.s32 @!p0 $0x3  }
0x276: {  	_ =	swait.ge @!p0 [sflag:s0], s1  }
0x277: {  	s1 =	ssub.s32 @!p0 $0x0, s1;
	[sflag:s0] =	ssyncset.done @!p0 $0x0  }
0x278: {  	[sflag:s0] =	ssyncadd.s32 @!p0 s1  }
0x279: {  	[bflag:$0x3] =	sbarrier.arrive $0xFFFF  }
0x27a: {  	_ =	shalt  }

</sc_bundles>
